<compile_context>
chip_gen: v7x
topology: tpu7x:2x2x1
jax: 0.10.2.dev20260603
libtpu: 0.0.44.dev20260713+nightly
codegen_flags: <defaults>
</compile_context>

<pallas_src>
import functools

import jax
import jax.numpy as jnp
from jax import lax
from jax.experimental import pallas as pl
from jax.experimental.pallas import tpu as pltpu
from jax.experimental.pallas import tpu_sc as plsc

N = 10000
D = 128
N_PAD = 10240
NW = 32
C_PER_W = 10368
E_PAD = NW * C_PER_W
RCHUNK = 64
SCHUNK = 64
ROWS_PT = N_PAD // 16
TAB = 10008
BLK = 256



def _tc1_body(x_ref, w_ref, asrc_ref, adst_ref, h_ref, es_ref, ed_ref):
    h = jnp.dot(x_ref[...], w_ref[...], preferred_element_type=jnp.float32,
                precision=jax.lax.Precision.HIGHEST)
    h_ref[...] = h
    es_ref[...] = jnp.sum(h * asrc_ref[...], axis=1, keepdims=True)
    ed_ref[...] = jnp.sum(h * adst_ref[...], axis=1, keepdims=True)


def _tc1(x, w, asrc, adst):
    return pl.pallas_call(
        _tc1_body,
        grid=(N_PAD // BLK,),
        in_specs=[
            pl.BlockSpec((BLK, D), lambda i: (i, 0)),
            pl.BlockSpec((D, D), lambda i: (0, 0)),
            pl.BlockSpec((1, D), lambda i: (0, 0)),
            pl.BlockSpec((1, D), lambda i: (0, 0)),
        ],
        out_specs=[
            pl.BlockSpec((BLK, D), lambda i: (i, 0)),
            pl.BlockSpec((BLK, 1), lambda i: (i, 0)),
            pl.BlockSpec((BLK, 1), lambda i: (i, 0)),
        ],
        out_shape=[
            jax.ShapeDtypeStruct((N_PAD, D), jnp.float32),
            jax.ShapeDtypeStruct((N_PAD, 1), jnp.float32),
            jax.ShapeDtypeStruct((N_PAD, 1), jnp.float32),
        ],
    )(x, w, asrc, adst)


def _tc2_body(na_ref, nb_ref, da_ref, db_ref, b_ref, w_ref, asrc_ref,
              adst_ref, h_ref, es_ref, ed_ref):
    den = da_ref[:, 0:1] + db_ref[:, 0:1]
    g = jax.nn.relu((na_ref[...] + nb_ref[...]) / den + b_ref[...])
    h = jnp.dot(g, w_ref[...], preferred_element_type=jnp.float32,
                precision=jax.lax.Precision.HIGHEST)
    h_ref[...] = h
    es_ref[...] = jnp.sum(h * asrc_ref[...], axis=1, keepdims=True)
    ed_ref[...] = jnp.sum(h * adst_ref[...], axis=1, keepdims=True)


def _tc2(na, nb, da, db, b, w, asrc, adst):
    return pl.pallas_call(
        _tc2_body,
        grid=(N_PAD // BLK,),
        in_specs=[
            pl.BlockSpec((BLK, D), lambda i: (i, 0)),
            pl.BlockSpec((BLK, D), lambda i: (i, 0)),
            pl.BlockSpec((BLK, 16), lambda i: (i, 0)),
            pl.BlockSpec((BLK, 16), lambda i: (i, 0)),
            pl.BlockSpec((1, D), lambda i: (0, 0)),
            pl.BlockSpec((D, D), lambda i: (0, 0)),
            pl.BlockSpec((1, D), lambda i: (0, 0)),
            pl.BlockSpec((1, D), lambda i: (0, 0)),
        ],
        out_specs=[
            pl.BlockSpec((BLK, D), lambda i: (i, 0)),
            pl.BlockSpec((BLK, 1), lambda i: (i, 0)),
            pl.BlockSpec((BLK, 1), lambda i: (i, 0)),
        ],
        out_shape=[
            jax.ShapeDtypeStruct((N_PAD, D), jnp.float32),
            jax.ShapeDtypeStruct((N_PAD, 1), jnp.float32),
            jax.ShapeDtypeStruct((N_PAD, 1), jnp.float32),
        ],
    )(na, nb, da, db, b, w, asrc, adst)


def _tc3_body(na_ref, nb_ref, da_ref, db_ref, b_ref, w3_ref, a3s_ref,
              a3d_ref, h_ref, es_ref, ed_ref):
    den = da_ref[:, 0:1] + db_ref[:, 0:1]
    g = jax.nn.relu((na_ref[...] + nb_ref[...]) / den + b_ref[...])
    h = jnp.sum(g * w3_ref[...], axis=1, keepdims=True)
    h_ref[...] = h
    es_ref[...] = h * a3s_ref[0, 0]
    ed_ref[...] = h * a3d_ref[0, 0]


def _tc3(na, nb, da, db, b, w3row, a3s, a3d):
    return pl.pallas_call(
        _tc3_body,
        grid=(N_PAD // BLK,),
        in_specs=[
            pl.BlockSpec((BLK, D), lambda i: (i, 0)),
            pl.BlockSpec((BLK, D), lambda i: (i, 0)),
            pl.BlockSpec((BLK, 16), lambda i: (i, 0)),
            pl.BlockSpec((BLK, 16), lambda i: (i, 0)),
            pl.BlockSpec((1, D), lambda i: (0, 0)),
            pl.BlockSpec((1, D), lambda i: (0, 0)),
            pl.BlockSpec((1, 1), lambda i: (0, 0)),
            pl.BlockSpec((1, 1), lambda i: (0, 0)),
        ],
        out_specs=[
            pl.BlockSpec((BLK, 1), lambda i: (i, 0)),
            pl.BlockSpec((BLK, 1), lambda i: (i, 0)),
            pl.BlockSpec((BLK, 1), lambda i: (i, 0)),
        ],
        out_shape=[
            jax.ShapeDtypeStruct((N_PAD, 1), jnp.float32),
            jax.ShapeDtypeStruct((N_PAD, 1), jnp.float32),
            jax.ShapeDtypeStruct((N_PAD, 1), jnp.float32),
        ],
    )(na, nb, da, db, b, w3row, a3s, a3d)


def _tc4_body(aa_ref, ab_ref, b3_ref, out_ref):
    num = aa_ref[:, 0:1] + ab_ref[:, 0:1]
    den = aa_ref[:, 1:2] + ab_ref[:, 1:2]
    out_ref[...] = num / den + b3_ref[0, 0]


def _tc4(aa, ab, b3):
    return pl.pallas_call(
        _tc4_body,
        grid=(N_PAD // BLK,),
        in_specs=[
            pl.BlockSpec((BLK, 16), lambda i: (i, 0)),
            pl.BlockSpec((BLK, 16), lambda i: (i, 0)),
            pl.BlockSpec((1, 1), lambda i: (0, 0)),
        ],
        out_specs=pl.BlockSpec((BLK, 1), lambda i: (i, 0)),
        out_shape=jax.ShapeDtypeStruct((N_PAD, 1), jnp.float32),
    )(aa, ab, b3)



def _mesh():
    return plsc.VectorSubcoreMesh(core_axis_name="c", subcore_axis_name="s",
                                  num_cores=2, num_subcores=16)


def _sc_row_body(src_ref, dst_ref, es_ref, ed_ref, h_ref,
                 num_out, den_out,
                 es_tab, ed_tab,
                 srcv0, dstv0, rowsv0, denbuf0,
                 srcv1, dstv1, rowsv1, denbuf1,
                 exv, num_s, den_s,
                 gsem0, gsem1, ssem0, ssem1):
    c = lax.axis_index("c")
    s = lax.axis_index("s")
    w = s * 2 + c
    pltpu.sync_copy(es_ref.at[pl.ds(0, TAB)], es_tab)
    pltpu.sync_copy(ed_ref.at[pl.ds(0, TAB)], ed_tab)

    zeros16 = jnp.zeros((16,), jnp.float32)

    @plsc.parallel_loop(0, RCHUNK, 1, unroll=4)
    def _zero_row(i):
        for r in range(8):
            rowsv0[i, pl.ds(r * 16, 16)] = zeros16
        denbuf0[i, :] = zeros16
        denbuf1[i, :] = zeros16

    def _zero_spm(k, carry):
        base = s * ROWS_PT + k * RCHUNK
        pltpu.sync_copy(rowsv0, num_s.at[pl.ds(base, RCHUNK)])
        pltpu.sync_copy(denbuf0, den_s.at[pl.ds(base, RCHUNK)])
        return carry

    lax.fori_loop(0, ROWS_PT // RCHUNK, _zero_spm, 0)
    plsc.subcore_barrier()

    iota16 = lax.iota(jnp.int32, 16)
    zidx16 = jnp.zeros((16,), jnp.int32)
    bufs = ((srcv0, dstv0, rowsv0, denbuf0, gsem0, ssem0),
            (srcv1, dstv1, rowsv1, denbuf1, gsem1, ssem1))

    def _drain(rowsv, denbuf, ssem):
        pltpu.make_async_copy(h_ref.at[pl.ds(0, RCHUNK)], rowsv, ssem).wait()
        pltpu.make_async_copy(den_out.at[0, pl.ds(0, RCHUNK)], denbuf,
                              ssem).wait()

    def _pair(p, carry):
        gds = []
        for half in range(2):
            srcv, dstv, rowsv, denbuf, gsem, ssem = bufs[half]
            off = w * C_PER_W + (p * 2 + half) * RCHUNK

            @pl.when(p > 0)
            def _():
                _drain(rowsv, denbuf, ssem)

            pltpu.sync_copy(src_ref.at[pl.ds(off, RCHUNK)], srcv)
            pltpu.sync_copy(dst_ref.at[pl.ds(off, RCHUNK)], dstv)
            gds.append(pltpu.async_copy(h_ref.at[srcv], rowsv, gsem))
        for half in range(2):
            srcv, dstv, rowsv, denbuf, gsem, ssem = bufs[half]
            for j in range(RCHUNK // 16):
                si = srcv[pl.ds(j * 16, 16)]
                di = dstv[pl.ds(j * 16, 16)]
                a = (plsc.load_gather(es_tab, [si])
                     + plsc.load_gather(ed_tab, [di]))
                a = jnp.where(a >= 0, a, a * jnp.float32(0.2))
                ex = jnp.exp(a)
                exv[pl.ds(j * 16, 16)] = ex
                plsc.store_scatter(denbuf, [iota16 + j * 16, zidx16], ex)
            gds[half].wait()

            @plsc.parallel_loop(0, RCHUNK, 1, unroll=4)
            def _scale(e):
                exb = plsc.load_gather(exv, [jnp.full((16,), e, jnp.int32)])
                for r in range(8):
                    rowsv[e, pl.ds(r * 16, 16)] = (
                        rowsv[e, pl.ds(r * 16, 16)] * exb)

            pltpu.async_copy(rowsv, num_s.at[dstv], ssem, add=True)
            pltpu.async_copy(denbuf, den_s.at[dstv], ssem, add=True)
        return carry

    lax.fori_loop(0, C_PER_W // RCHUNK // 2, _pair, 0)
    for half in range(2):
        srcv, dstv, rowsv, denbuf, gsem, ssem = bufs[half]
        _drain(rowsv, denbuf, ssem)
    plsc.subcore_barrier()

    def _copy_out(k, carry):
        base = s * ROWS_PT + k * RCHUNK
        pltpu.sync_copy(num_s.at[pl.ds(base, RCHUNK)], rowsv0)
        pltpu.sync_copy(rowsv0, num_out.at[c, pl.ds(base, RCHUNK)])
        pltpu.sync_copy(den_s.at[pl.ds(base, RCHUNK)], denbuf0)
        pltpu.sync_copy(denbuf0, den_out.at[c, pl.ds(base, RCHUNK)])
        return carry

    lax.fori_loop(0, ROWS_PT // RCHUNK, _copy_out, 0)


@functools.lru_cache(maxsize=1)
def _sc_row_kernel():
  return pl.kernel(
    _sc_row_body,
    out_type=(
        jax.ShapeDtypeStruct((2, N_PAD, D), jnp.float32),
        jax.ShapeDtypeStruct((2, N_PAD, 16), jnp.float32),
    ),
    mesh=_mesh(),
    compiler_params=pltpu.CompilerParams(needs_layout_passes=False, use_tc_tiling_on_sc=False),
    scratch_types=[
        pltpu.VMEM((TAB,), jnp.float32),
        pltpu.VMEM((TAB,), jnp.float32),
        pltpu.VMEM((RCHUNK,), jnp.int32),
        pltpu.VMEM((RCHUNK,), jnp.int32),
        pltpu.VMEM((RCHUNK, D), jnp.float32),
        pltpu.VMEM((RCHUNK, 16), jnp.float32),
        pltpu.VMEM((RCHUNK,), jnp.int32),
        pltpu.VMEM((RCHUNK,), jnp.int32),
        pltpu.VMEM((RCHUNK, D), jnp.float32),
        pltpu.VMEM((RCHUNK, 16), jnp.float32),
        pltpu.VMEM((RCHUNK,), jnp.float32),
        pltpu.VMEM_SHARED((N_PAD, D), jnp.float32),
        pltpu.VMEM_SHARED((N_PAD, 16), jnp.float32),
        pltpu.SemaphoreType.DMA,
        pltpu.SemaphoreType.DMA,
        pltpu.SemaphoreType.DMA,
        pltpu.SemaphoreType.DMA,
    ],
)


def _sc_scalar_body(src_ref, dst_ref, es_ref, ed_ref, h_ref,
                    acc_out,
                    es_tab, ed_tab, h_tab,
                    srcv0, dstv0, accbuf0, srcv1, dstv1, accbuf1,
                    acc_s, ssem0, ssem1):
    c = lax.axis_index("c")
    s = lax.axis_index("s")
    w = s * 2 + c
    pltpu.sync_copy(es_ref.at[pl.ds(0, TAB)], es_tab)
    pltpu.sync_copy(ed_ref.at[pl.ds(0, TAB)], ed_tab)
    pltpu.sync_copy(h_ref.at[pl.ds(0, TAB)], h_tab)

    zeros16 = jnp.zeros((16,), jnp.float32)

    @plsc.parallel_loop(0, SCHUNK, 1, unroll=4)
    def _zero_row(i):
        accbuf0[i, :] = zeros16
        accbuf1[i, :] = zeros16

    def _zero_spm(k, carry):
        base = s * ROWS_PT + k * SCHUNK
        pltpu.sync_copy(accbuf0, acc_s.at[pl.ds(base, SCHUNK)])
        return carry

    lax.fori_loop(0, ROWS_PT // SCHUNK, _zero_spm, 0)
    plsc.subcore_barrier()

    iota16 = lax.iota(jnp.int32, 16)
    zidx16 = jnp.zeros((16,), jnp.int32)
    oidx16 = jnp.ones((16,), jnp.int32)
    bufs = ((srcv0, dstv0, accbuf0, ssem0), (srcv1, dstv1, accbuf1, ssem1))

    def _pair(p, carry):
        for half in range(2):
            srcv, dstv, accbuf, ssem = bufs[half]
            off = w * C_PER_W + (p * 2 + half) * SCHUNK

            @pl.when(p > 0)
            def _():
                pltpu.make_async_copy(acc_out.at[0, pl.ds(0, SCHUNK)],
                                      accbuf, ssem).wait()

            pltpu.sync_copy(src_ref.at[pl.ds(off, SCHUNK)], srcv)
            pltpu.sync_copy(dst_ref.at[pl.ds(off, SCHUNK)], dstv)
            for j in range(SCHUNK // 16):
                si = srcv[pl.ds(j * 16, 16)]
                di = dstv[pl.ds(j * 16, 16)]
                a = (plsc.load_gather(es_tab, [si])
                     + plsc.load_gather(ed_tab, [di]))
                a = jnp.where(a >= 0, a, a * jnp.float32(0.2))
                ex = jnp.exp(a)
                hg = plsc.load_gather(h_tab, [si])
                plsc.store_scatter(accbuf, [iota16 + j * 16, zidx16], ex * hg)
                plsc.store_scatter(accbuf, [iota16 + j * 16, oidx16], ex)
            pltpu.async_copy(accbuf, acc_s.at[dstv], ssem, add=True)
        return carry

    lax.fori_loop(0, C_PER_W // SCHUNK // 2, _pair, 0)
    for half in range(2):
        srcv, dstv, accbuf, ssem = bufs[half]
        pltpu.make_async_copy(acc_out.at[0, pl.ds(0, SCHUNK)], accbuf,
                              ssem).wait()
    plsc.subcore_barrier()

    def _copy_out(k, carry):
        base = s * ROWS_PT + k * SCHUNK
        pltpu.sync_copy(acc_s.at[pl.ds(base, SCHUNK)], accbuf0)
        pltpu.sync_copy(accbuf0, acc_out.at[c, pl.ds(base, SCHUNK)])
        return carry

    lax.fori_loop(0, ROWS_PT // SCHUNK, _copy_out, 0)


@functools.lru_cache(maxsize=1)
def _sc_scalar_kernel():
  return pl.kernel(
    _sc_scalar_body,
    out_type=jax.ShapeDtypeStruct((2, N_PAD, 16), jnp.float32),
    mesh=_mesh(),
    compiler_params=pltpu.CompilerParams(needs_layout_passes=False, use_tc_tiling_on_sc=False),
    scratch_types=[
        pltpu.VMEM((TAB,), jnp.float32),
        pltpu.VMEM((TAB,), jnp.float32),
        pltpu.VMEM((TAB,), jnp.float32),
        pltpu.VMEM((SCHUNK,), jnp.int32),
        pltpu.VMEM((SCHUNK,), jnp.int32),
        pltpu.VMEM((SCHUNK, 16), jnp.float32),
        pltpu.VMEM((SCHUNK,), jnp.int32),
        pltpu.VMEM((SCHUNK,), jnp.int32),
        pltpu.VMEM((SCHUNK, 16), jnp.float32),
        pltpu.VMEM_SHARED((N_PAD, 16), jnp.float32),
        pltpu.SemaphoreType.DMA,
        pltpu.SemaphoreType.DMA,
    ],
)



def kernel(x, edge_index, W1, a1_src, a1_dst, b1,
           W2, a2_src, a2_dst, b2, W3, a3_src, a3_dst, b3):
    n = x.shape[0]
    loops = jnp.arange(n, dtype=edge_index.dtype)
    src = jnp.concatenate([edge_index[0], loops])
    dst = jnp.concatenate([edge_index[1], loops])
    pad_e = E_PAD - src.shape[0]
    src = jnp.concatenate([src, jnp.full((pad_e,), n, src.dtype)])
    dst = jnp.concatenate([dst, jnp.full((pad_e,), n, dst.dtype)])
    x_pad = jnp.zeros((N_PAD, D), jnp.float32).at[:n].set(x)

    _sc_row = _sc_row_kernel()
    _sc_scalar = _sc_scalar_kernel()
    r = lambda v: v.reshape(1, D)
    h1, es1, ed1 = _tc1(x_pad, W1, r(a1_src), r(a1_dst))
    num1, den1 = _sc_row(src, dst, es1.reshape(-1), ed1.reshape(-1), h1)
    h2, es2, ed2 = _tc2(num1[0], num1[1], den1[0], den1[1],
                        r(b1), W2, r(a2_src), r(a2_dst))
    num2, den2 = _sc_row(src, dst, es2.reshape(-1), ed2.reshape(-1), h2)
    h3, es3, ed3 = _tc3(num2[0], num2[1], den2[0], den2[1],
                        r(b2), W3[:, 0].reshape(1, D),
                        a3_src.reshape(1, 1), a3_dst.reshape(1, 1))
    acc = _sc_scalar(src, dst, es3.reshape(-1), ed3.reshape(-1),
                     h3.reshape(-1))
    out = _tc4(acc[0], acc[1], b3.reshape(1, 1))
    return out[:n]

# --- scband reference (transcript-rebuilt; emitter-appended) ---
"""Pipeline reference for scband-gatnet-36515811950909 (READ-ONLY COPY).

The authoritative reference and input builder live on the scoring server;
editing this copy changes nothing except your own understanding.
"""

import jax, jax.numpy as jnp
import numpy as np

N = 10000
E = 320000
D = 128
H = 128


def setup_inputs(seed: int = 0) -> dict:
    key = jax.random.key(seed)
    ks = jax.random.split(key, 16)
    x = jax.random.normal(ks[0], (N, D), dtype=jnp.float32)
    edge_index = jax.random.randint(ks[1], (2, E), 0, N, dtype=jnp.int32)
    s = 0.1
    W1 = jax.random.normal(ks[2], (D, H), dtype=jnp.float32) * s
    a1_src = jax.random.normal(ks[3], (H,), dtype=jnp.float32) * s
    a1_dst = jax.random.normal(ks[4], (H,), dtype=jnp.float32) * s
    b1 = jnp.zeros((H,), dtype=jnp.float32)
    W2 = jax.random.normal(ks[5], (H, H), dtype=jnp.float32) * s
    a2_src = jax.random.normal(ks[6], (H,), dtype=jnp.float32) * s
    a2_dst = jax.random.normal(ks[7], (H,), dtype=jnp.float32) * s
    b2 = jnp.zeros((H,), dtype=jnp.float32)
    W3 = jax.random.normal(ks[8], (H, 1), dtype=jnp.float32) * s
    a3_src = jax.random.normal(ks[9], (1,), dtype=jnp.float32) * s
    a3_dst = jax.random.normal(ks[10], (1,), dtype=jnp.float32) * s
    b3 = jnp.zeros((1,), dtype=jnp.float32)
    return {"x": x, "edge_index": edge_index,
            "W1": W1, "a1_src": a1_src, "a1_dst": a1_dst, "b1": b1,
            "W2": W2, "a2_src": a2_src, "a2_dst": a2_dst, "b2": b2,
            "W3": W3, "a3_src": a3_src, "a3_dst": a3_dst, "b3": b3}


def _gat_conv(x, src, dst, W, a_src, a_dst, b, n):
    # PyG GATConv (heads=1, concat=True, negative_slope=0.2, self-loops already appended)
    h = x @ W
    e_src = h @ a_src
    e_dst = h @ a_dst
    alpha = jax.nn.leaky_relu(e_src[src] + e_dst[dst], 0.2)
    # segment softmax over destination nodes
    m = jax.ops.segment_max(alpha, dst, num_segments=n)
    ex = jnp.exp(alpha - m[dst])
    denom = jax.ops.segment_sum(ex, dst, num_segments=n)
    coef = ex / denom[dst]
    out = jax.ops.segment_sum(h[src] * coef[:, None], dst, num_segments=n)
    return out + b


def reference(x, edge_index, W1, a1_src, a1_dst, b1, W2, a2_src, a2_dst, b2, W3, a3_src, a3_dst, b3):
    n = x.shape[0]
    loops = jnp.arange(n, dtype=edge_index.dtype)
    src = jnp.concatenate([edge_index[0], loops])
    dst = jnp.concatenate([edge_index[1], loops])
    h = jax.nn.relu(_gat_conv(x, src, dst, W1, a1_src, a1_dst, b1, n))
    h = jax.nn.relu(_gat_conv(h, src, dst, W2, a2_src, a2_dst, b2, n))
    return _gat_conv(h, src, dst, W3, a3_src, a3_dst, b3, n)

if __name__ == "__main__":
    import jax
    _d = setup_inputs()
    print(jax.jit(kernel)(*tuple(_d.values())))

</pallas_src>

<mosaic_0001>
#map = affine_map<(d0, d1) -> (0)>
#map1 = affine_map<(d0, d1) -> (0, 0, 0)>
module attributes {stable_mosaic.version = 14 : i64} {
  func.func @_sc_scalar_body(%arg0: i32, %arg1: i32, %arg2: memref<331776xi32, #tpu.memory_space<hbm>>, %arg3: memref<331776xi32, #tpu.memory_space<hbm>>, %arg4: memref<10240xf32, #tpu.memory_space<hbm>>, %arg5: memref<10240xf32, #tpu.memory_space<hbm>>, %arg6: memref<10240xf32, #tpu.memory_space<hbm>>, %arg7: memref<2x10240x16xf32, #tpu.memory_space<hbm>>, %arg8: memref<10008xf32, #tpu.memory_space<vmem>>, %arg9: memref<10008xf32, #tpu.memory_space<vmem>>, %arg10: memref<10008xf32, #tpu.memory_space<vmem>>, %arg11: memref<64xi32, #tpu.memory_space<vmem>>, %arg12: memref<64xi32, #tpu.memory_space<vmem>>, %arg13: memref<64x16xf32, #tpu.memory_space<vmem>>, %arg14: memref<64xi32, #tpu.memory_space<vmem>>, %arg15: memref<64xi32, #tpu.memory_space<vmem>>, %arg16: memref<64x16xf32, #tpu.memory_space<vmem>>, %arg17: memref<10240x16xf32, #tpu.memory_space<vmem_shared>>, %arg18: memref<!tpu.dma_semaphore, #tpu.memory_space<semaphore_mem>>, %arg19: memref<!tpu.dma_semaphore, #tpu.memory_space<semaphore_mem>>) attributes {dimension_semantics = [#tpu.dimension_semantics<core_parallel>, #tpu.dimension_semantics<subcore_parallel>], iteration_bounds = array<i64: 2, 16>, scalar_prefetch = 0 : i64, scratch_operands = 12 : i64, tpu.core_type = #tpu.core_type<sc_vector_subcore>, window_params = [{transform_indices = #map}, {transform_indices = #map}, {transform_indices = #map}, {transform_indices = #map}, {transform_indices = #map}, {transform_indices = #map1}]} {
    %mul3A = arith.constant 2 : i32
    %mul3A_0 = arith.muli %arg1, %mul3A : i32
    %add3A = arith.addi %mul3A_0, %arg0 : i32
    "tpu.region"() ({
      %run_scoped3A = tpu.sem_alloc : memref<!tpu.dma_semaphore, #tpu.memory_space<semaphore_mem>>
      %dma_start3A = arith.constant 0 : i32
      %dma_start3A_43 = tpu.memref_slice %arg4[%dma_start3A] : memref<10240xf32, #tpu.memory_space<hbm>> -> memref<10008xf32, #tpu.memory_space<hbm>>
      %dma_start3A_44 = arith.constant 0 : i32
      %dma_start3A_45 = tpu.memref_slice %arg4[%dma_start3A_44] : memref<10240xf32, #tpu.memory_space<hbm>> -> memref<10008xf32, #tpu.memory_space<hbm>>
      tpu.enqueue_dma source(%dma_start3A_45 : memref<10008xf32, #tpu.memory_space<hbm>>) target(%arg8 : memref<10008xf32, #tpu.memory_space<vmem>>) target_semaphore(%run_scoped3A : memref<!tpu.dma_semaphore, #tpu.memory_space<semaphore_mem>>)
      %dma_wait3A_46 = arith.constant 0 : i32
      %dma_wait3A_47 = tpu.memref_slice %arg4[%dma_wait3A_46] : memref<10240xf32, #tpu.memory_space<hbm>> -> memref<10008xf32, #tpu.memory_space<hbm>>
      %dma_wait3A_48 = arith.constant 0 : i32
      %dma_wait3A_49 = tpu.memref_slice %arg4[%dma_wait3A_48] : memref<10240xf32, #tpu.memory_space<hbm>> -> memref<10008xf32, #tpu.memory_space<hbm>>
      tpu.wait_dma2 semaphore(%run_scoped3A : memref<!tpu.dma_semaphore, #tpu.memory_space<semaphore_mem>>) src(%dma_wait3A_49 : memref<10008xf32, #tpu.memory_space<hbm>>) dst(%arg8 : memref<10008xf32, #tpu.memory_space<vmem>>)
      tpu.yield
    }) : () -> ()
    "tpu.region"() ({
      %run_scoped3A = tpu.sem_alloc : memref<!tpu.dma_semaphore, #tpu.memory_space<semaphore_mem>>
      %dma_start3A = arith.constant 0 : i32
      %dma_start3A_43 = tpu.memref_slice %arg5[%dma_start3A] : memref<10240xf32, #tpu.memory_space<hbm>> -> memref<10008xf32, #tpu.memory_space<hbm>>
      %dma_start3A_44 = arith.constant 0 : i32
      %dma_start3A_45 = tpu.memref_slice %arg5[%dma_start3A_44] : memref<10240xf32, #tpu.memory_space<hbm>> -> memref<10008xf32, #tpu.memory_space<hbm>>
      tpu.enqueue_dma source(%dma_start3A_45 : memref<10008xf32, #tpu.memory_space<hbm>>) target(%arg9 : memref<10008xf32, #tpu.memory_space<vmem>>) target_semaphore(%run_scoped3A : memref<!tpu.dma_semaphore, #tpu.memory_space<semaphore_mem>>)
      %dma_wait3A_46 = arith.constant 0 : i32
      %dma_wait3A_47 = tpu.memref_slice %arg5[%dma_wait3A_46] : memref<10240xf32, #tpu.memory_space<hbm>> -> memref<10008xf32, #tpu.memory_space<hbm>>
      %dma_wait3A_48 = arith.constant 0 : i32
      %dma_wait3A_49 = tpu.memref_slice %arg5[%dma_wait3A_48] : memref<10240xf32, #tpu.memory_space<hbm>> -> memref<10008xf32, #tpu.memory_space<hbm>>
      tpu.wait_dma2 semaphore(%run_scoped3A : memref<!tpu.dma_semaphore, #tpu.memory_space<semaphore_mem>>) src(%dma_wait3A_49 : memref<10008xf32, #tpu.memory_space<hbm>>) dst(%arg9 : memref<10008xf32, #tpu.memory_space<vmem>>)
      tpu.yield
    }) : () -> ()
    "tpu.region"() ({
      %run_scoped3A = tpu.sem_alloc : memref<!tpu.dma_semaphore, #tpu.memory_space<semaphore_mem>>
      %dma_start3A = arith.constant 0 : i32
      %dma_start3A_43 = tpu.memref_slice %arg6[%dma_start3A] : memref<10240xf32, #tpu.memory_space<hbm>> -> memref<10008xf32, #tpu.memory_space<hbm>>
      %dma_start3A_44 = arith.constant 0 : i32
      %dma_start3A_45 = tpu.memref_slice %arg6[%dma_start3A_44] : memref<10240xf32, #tpu.memory_space<hbm>> -> memref<10008xf32, #tpu.memory_space<hbm>>
      tpu.enqueue_dma source(%dma_start3A_45 : memref<10008xf32, #tpu.memory_space<hbm>>) target(%arg10 : memref<10008xf32, #tpu.memory_space<vmem>>) target_semaphore(%run_scoped3A : memref<!tpu.dma_semaphore, #tpu.memory_space<semaphore_mem>>)
      %dma_wait3A_46 = arith.constant 0 : i32
      %dma_wait3A_47 = tpu.memref_slice %arg6[%dma_wait3A_46] : memref<10240xf32, #tpu.memory_space<hbm>> -> memref<10008xf32, #tpu.memory_space<hbm>>
      %dma_wait3A_48 = arith.constant 0 : i32
      %dma_wait3A_49 = tpu.memref_slice %arg6[%dma_wait3A_48] : memref<10240xf32, #tpu.memory_space<hbm>> -> memref<10008xf32, #tpu.memory_space<hbm>>
      tpu.wait_dma2 semaphore(%run_scoped3A : memref<!tpu.dma_semaphore, #tpu.memory_space<semaphore_mem>>) src(%dma_wait3A_49 : memref<10008xf32, #tpu.memory_space<hbm>>) dst(%arg10 : memref<10008xf32, #tpu.memory_space<vmem>>)
      tpu.yield
    }) : () -> ()
    %broadcast_in_dim3A = arith.constant 0.000000e+00 : f32
    %broadcast_in_dim3A_1 = vector.broadcast %broadcast_in_dim3A : f32 to vector<16xf32>
    %parallel_loop3A = arith.constant 0 : i32
    %parallel_loop3A_2 = arith.constant 64 : i32
    %parallel_loop3A_3 = arith.constant 1 : i32
    scf.for %parallel_loop3A_43 = %parallel_loop3A to %parallel_loop3A_2 step %parallel_loop3A_3  : i32 {
      %parallel_loop3A_44 = arith.index_cast %parallel_loop3A_43 : i32 to index
      %parallel_loop3A_45 = arith.constant 0 : index
      %parallel_loop3A_46 = tpu.vector_load %arg13[%parallel_loop3A_44, %parallel_loop3A_45] {strides = array<i32>} : memref<64x16xf32, #tpu.memory_space<vmem>>, vector<16xf32>,
      tpu.vector_store %arg13[%parallel_loop3A_44, %parallel_loop3A_45], %broadcast_in_dim3A_1 {strides = array<i32>} : memref<64x16xf32, #tpu.memory_space<vmem>>, vector<16xf32>,
      %parallel_loop3A_47 = arith.index_cast %parallel_loop3A_43 : i32 to index
      %parallel_loop3A_48 = arith.constant 0 : index
      %parallel_loop3A_49 = tpu.vector_load %arg16[%parallel_loop3A_47, %parallel_loop3A_48] {strides = array<i32>} : memref<64x16xf32, #tpu.memory_space<vmem>>, vector<16xf32>,
      tpu.vector_store %arg16[%parallel_loop3A_47, %parallel_loop3A_48], %broadcast_in_dim3A_1 {strides = array<i32>} : memref<64x16xf32, #tpu.memory_space<vmem>>, vector<16xf32>,
    } {sc.loop_unroll_factor = 4 : i64, sc.parallel_access}
    %scan3A = arith.constant 0 : i32
    %scan3A_4 = arith.constant 0 : i32
    %scan3A_5 = arith.constant 10 : i32
    %scan3A_6 = arith.addi %scan3A_4, %scan3A_5 : i32
    %scan3A_7 = arith.constant 1 : i32
    scf.for %scan3A_43 = %scan3A_4 to %scan3A_6 step %scan3A_7  : i32 {
      %mul3A_44 = arith.constant 640 : i32
      %mul3A_45 = arith.muli %arg1, %mul3A_44 : i32
      %mul3A_46 = arith.constant 64 : i32
      %mul3A_47 = arith.muli %scan3A_43, %mul3A_46 : i32
      %add3A_48 = arith.addi %mul3A_45, %mul3A_47 : i32
      "tpu.region"() ({
        %run_scoped3A = tpu.sem_alloc : memref<!tpu.dma_semaphore, #tpu.memory_space<semaphore_mem>>
        %dma_start3A = arith.constant 0 : i32
        %dma_start3A_49 = tpu.memref_slice %arg17[%add3A_48, %dma_start3A] : memref<10240x16xf32, #tpu.memory_space<vmem_shared>> -> memref<64x16xf32, #tpu.memory_space<vmem_shared>>
        %dma_start3A_50 = arith.constant 0 : i32
        %dma_start3A_51 = tpu.memref_slice %arg17[%add3A_48, %dma_start3A_50] : memref<10240x16xf32, #tpu.memory_space<vmem_shared>> -> memref<64x16xf32, #tpu.memory_space<vmem_shared>>
        tpu.enqueue_dma source(%arg13 : memref<64x16xf32, #tpu.memory_space<vmem>>) target(%dma_start3A_51 : memref<64x16xf32, #tpu.memory_space<vmem_shared>>) target_semaphore(%run_scoped3A : memref<!tpu.dma_semaphore, #tpu.memory_space<semaphore_mem>>)
        %dma_wait3A_52 = arith.constant 0 : i32
        %dma_wait3A_53 = tpu.memref_slice %arg17[%add3A_48, %dma_wait3A_52] : memref<10240x16xf32, #tpu.memory_space<vmem_shared>> -> memref<64x16xf32, #tpu.memory_space<vmem_shared>>
        %dma_wait3A_54 = arith.constant 0 : i32
        %dma_wait3A_55 = tpu.memref_slice %arg17[%add3A_48, %dma_wait3A_54] : memref<10240x16xf32, #tpu.memory_space<vmem_shared>> -> memref<64x16xf32, #tpu.memory_space<vmem_shared>>
        tpu.wait_dma2 semaphore(%run_scoped3A : memref<!tpu.dma_semaphore, #tpu.memory_space<semaphore_mem>>) src(%arg13 : memref<64x16xf32, #tpu.memory_space<vmem>>) dst(%dma_wait3A_55 : memref<64x16xf32, #tpu.memory_space<vmem_shared>>)
        tpu.yield
      }) : () -> ()
    }
    %scan3A_8 = arith.constant 10 : i32
    %barrier3A = arith.constant 0 : index
    tpu.barrier barrier_id(%barrier3A)
    %iota3A = tpu.iota {dimensions = array<i32: 0>} : vector<16xi32>
    %broadcast_in_dim3A_9 = arith.constant 0 : i32
    %broadcast_in_dim3A_10 = vector.broadcast %broadcast_in_dim3A_9 : i32 to vector<16xi32>
    %broadcast_in_dim3A_11 = arith.constant 1 : i32
    %broadcast_in_dim3A_12 = vector.broadcast %broadcast_in_dim3A_11 : i32 to vector<16xi32>
    %scan3A_13 = arith.constant 0 : i32
    %scan3A_14 = arith.constant 0 : i32
    %scan3A_15 = arith.constant 81 : i32
    %scan3A_16 = arith.addi %scan3A_14, %scan3A_15 : i32
    %scan3A_17 = arith.constant 1 : i32
    scf.for %scan3A_43 = %scan3A_14 to %scan3A_16 step %scan3A_17  : i32 {
      %mul3A_44 = arith.constant 10368 : i32
      %mul3A_45 = arith.muli %add3A, %mul3A_44 : i32
      %mul3A_46 = arith.constant 2 : i32
      %mul3A_47 = arith.muli %scan3A_43, %mul3A_46 : i32
      %add3A_48 = arith.constant 0 : i32
      %add3A_49 = arith.addi %mul3A_47, %add3A_48 : i32
      %mul3A_50 = arith.constant 64 : i32
      %mul3A_51 = arith.muli %add3A_49, %mul3A_50 : i32
      %add3A_52 = arith.addi %mul3A_45, %mul3A_51 : i32
      %gt3A = arith.constant 0 : i32
      %gt3A_53 = arith.cmpi sgt, %scan3A_43, %gt3A : i32
      %convert_element_type3A = arith.extui %gt3A_53 : i1 to i32
      %cond3A = arith.constant 0 : i32
      %cond3A_54 = arith.cmpi ne, %convert_element_type3A, %cond3A : i32
      scf.if %cond3A_54 {
        %dma_wait3A_253 = arith.constant 0 : i32
        %dma_wait3A_254 = arith.constant 0 : i32
        %dma_wait3A_255 = arith.constant 0 : i32
        %dma_wait3A_256 = tpu.memref_slice %arg7[%dma_wait3A_253, %dma_wait3A_254, %dma_wait3A_255] : memref<2x10240x16xf32, #tpu.memory_space<hbm>> -> memref<1x64x16xf32, #tpu.memory_space<hbm>>
        %dma_wait3A_257 = tpu.memref_squeeze %dma_wait3A_256 : memref<1x64x16xf32, #tpu.memory_space<hbm>> -> memref<64x16xf32, #tpu.memory_space<hbm>>
        %dma_wait3A_258 = arith.constant 0 : i32
        %dma_wait3A_259 = arith.constant 0 : i32
        %dma_wait3A_260 = tpu.memref_slice %arg7[%dma_wait3A_253, %dma_wait3A_258, %dma_wait3A_259] : memref<2x10240x16xf32, #tpu.memory_space<hbm>> -> memref<1x64x16xf32, #tpu.memory_space<hbm>>
        %dma_wait3A_261 = tpu.memref_squeeze %dma_wait3A_260 : memref<1x64x16xf32, #tpu.memory_space<hbm>> -> memref<64x16xf32, #tpu.memory_space<hbm>>
        tpu.wait_dma2 semaphore(%arg18 : memref<!tpu.dma_semaphore, #tpu.memory_space<semaphore_mem>>) src(%dma_wait3A_261 : memref<64x16xf32, #tpu.memory_space<hbm>>) dst(%arg13 : memref<64x16xf32, #tpu.memory_space<vmem>>)
      } else {
      }
      "tpu.region"() ({
        %run_scoped3A = tpu.sem_alloc : memref<!tpu.dma_semaphore, #tpu.memory_space<semaphore_mem>>
        %dma_start3A_253 = tpu.memref_slice %arg2[%add3A_52] : memref<331776xi32, #tpu.memory_space<hbm>> -> memref<64xi32, #tpu.memory_space<hbm>>
        %dma_start3A_254 = tpu.memref_slice %arg2[%add3A_52] : memref<331776xi32, #tpu.memory_space<hbm>> -> memref<64xi32, #tpu.memory_space<hbm>>
        tpu.enqueue_dma source(%dma_start3A_254 : memref<64xi32, #tpu.memory_space<hbm>>) target(%arg11 : memref<64xi32, #tpu.memory_space<vmem>>) target_semaphore(%run_scoped3A : memref<!tpu.dma_semaphore, #tpu.memory_space<semaphore_mem>>)
        %dma_wait3A_255 = tpu.memref_slice %arg2[%add3A_52] : memref<331776xi32, #tpu.memory_space<hbm>> -> memref<64xi32, #tpu.memory_space<hbm>>
        %dma_wait3A_256 = tpu.memref_slice %arg2[%add3A_52] : memref<331776xi32, #tpu.memory_space<hbm>> -> memref<64xi32, #tpu.memory_space<hbm>>
        tpu.wait_dma2 semaphore(%run_scoped3A : memref<!tpu.dma_semaphore, #tpu.memory_space<semaphore_mem>>) src(%dma_wait3A_256 : memref<64xi32, #tpu.memory_space<hbm>>) dst(%arg11 : memref<64xi32, #tpu.memory_space<vmem>>)
        tpu.yield
      }) : () -> ()
      "tpu.region"() ({
        %run_scoped3A = tpu.sem_alloc : memref<!tpu.dma_semaphore, #tpu.memory_space<semaphore_mem>>
        %dma_start3A_253 = tpu.memref_slice %arg3[%add3A_52] : memref<331776xi32, #tpu.memory_space<hbm>> -> memref<64xi32, #tpu.memory_space<hbm>>
        %dma_start3A_254 = tpu.memref_slice %arg3[%add3A_52] : memref<331776xi32, #tpu.memory_space<hbm>> -> memref<64xi32, #tpu.memory_space<hbm>>
        tpu.enqueue_dma source(%dma_start3A_254 : memref<64xi32, #tpu.memory_space<hbm>>) target(%arg12 : memref<64xi32, #tpu.memory_space<vmem>>) target_semaphore(%run_scoped3A : memref<!tpu.dma_semaphore, #tpu.memory_space<semaphore_mem>>)
        %dma_wait3A_255 = tpu.memref_slice %arg3[%add3A_52] : memref<331776xi32, #tpu.memory_space<hbm>> -> memref<64xi32, #tpu.memory_space<hbm>>
        %dma_wait3A_256 = tpu.memref_slice %arg3[%add3A_52] : memref<331776xi32, #tpu.memory_space<hbm>> -> memref<64xi32, #tpu.memory_space<hbm>>
        tpu.wait_dma2 semaphore(%run_scoped3A : memref<!tpu.dma_semaphore, #tpu.memory_space<semaphore_mem>>) src(%dma_wait3A_256 : memref<64xi32, #tpu.memory_space<hbm>>) dst(%arg12 : memref<64xi32, #tpu.memory_space<vmem>>)
        tpu.yield
      }) : () -> ()
      %get3A = arith.constant 0 : index
      %get3A_55 = tpu.vector_load %arg11[%get3A] {strides = array<i32>} : memref<64xi32, #tpu.memory_space<vmem>>, vector<16xi32>,
      %get3A_56 = arith.constant 0 : index
      %get3A_57 = tpu.vector_load %arg12[%get3A_56] {strides = array<i32>} : memref<64xi32, #tpu.memory_space<vmem>>, vector<16xi32>,
      %gather3A = tpu.vector_load_idx %arg8[%get3A_55] : memref<10008xf32, #tpu.memory_space<vmem>>[vector<16xi32>], vector<16xf32>,
      %gather3A_58 = tpu.vector_load_idx %arg9[%get3A_57] : memref<10008xf32, #tpu.memory_space<vmem>>[vector<16xi32>], vector<16xf32>,
      %add3A_59 = arith.addf %gather3A, %gather3A_58 : vector<16xf32>
      %ge3A = arith.constant 0.000000e+00 : f32
      %ge3A_60 = vector.broadcast %ge3A : f32 to vector<16xf32>
      %ge3A_61 = arith.cmpf oge, %add3A_59, %ge3A_60 : vector<16xf32>
      %mul3A_62 = arith.constant 2.000000e-01 : f32
      %mul3A_63 = vector.broadcast %mul3A_62 : f32 to vector<16xf32>
      %mul3A_64 = arith.mulf %add3A_59, %mul3A_63 : vector<16xf32>
      %select_n3A = arith.select %ge3A_61, %add3A_59, %mul3A_64 : vector<16xi1>, vector<16xf32>
      %exp3A = math.exp %select_n3A : vector<16xf32>
      %gather3A_65 = tpu.vector_load_idx %arg10[%get3A_55] : memref<10008xf32, #tpu.memory_space<vmem>>[vector<16xi32>], vector<16xf32>,
      %add3A_66 = arith.constant 0 : i32
      %add3A_67 = vector.broadcast %add3A_66 : i32 to vector<16xi32>
      %add3A_68 = arith.addi %iota3A, %add3A_67 : vector<16xi32>
      %mul3A_69 = arith.mulf %exp3A, %gather3A_65 : vector<16xf32>
      tpu.vector_store_idx %arg13[%add3A_68, %broadcast_in_dim3A_10], %mul3A_69 : memref<64x16xf32, #tpu.memory_space<vmem>>[vector<16xi32>, vector<16xi32>], vector<16xf32>,
      %add3A_70 = arith.constant 0 : i32
      %add3A_71 = vector.broadcast %add3A_70 : i32 to vector<16xi32>
      %add3A_72 = arith.addi %iota3A, %add3A_71 : vector<16xi32>
      tpu.vector_store_idx %arg13[%add3A_72, %broadcast_in_dim3A_12], %exp3A : memref<64x16xf32, #tpu.memory_space<vmem>>[vector<16xi32>, vector<16xi32>], vector<16xf32>,
      %get3A_73 = arith.constant 16 : index
      %get3A_74 = tpu.vector_load %arg11[%get3A_73] {strides = array<i32>} : memref<64xi32, #tpu.memory_space<vmem>>, vector<16xi32>,
      %get3A_75 = arith.constant 16 : index
      %get3A_76 = tpu.vector_load %arg12[%get3A_75] {strides = array<i32>} : memref<64xi32, #tpu.memory_space<vmem>>, vector<16xi32>,
      %gather3A_77 = tpu.vector_load_idx %arg8[%get3A_74] : memref<10008xf32, #tpu.memory_space<vmem>>[vector<16xi32>], vector<16xf32>,
      %gather3A_78 = tpu.vector_load_idx %arg9[%get3A_76] : memref<10008xf32, #tpu.memory_space<vmem>>[vector<16xi32>], vector<16xf32>,
      %add3A_79 = arith.addf %gather3A_77, %gather3A_78 : vector<16xf32>
      %ge3A_80 = arith.constant 0.000000e+00 : f32
      %ge3A_81 = vector.broadcast %ge3A_80 : f32 to vector<16xf32>
      %ge3A_82 = arith.cmpf oge, %add3A_79, %ge3A_81 : vector<16xf32>
      %mul3A_83 = arith.constant 2.000000e-01 : f32
      %mul3A_84 = vector.broadcast %mul3A_83 : f32 to vector<16xf32>
      %mul3A_85 = arith.mulf %add3A_79, %mul3A_84 : vector<16xf32>
      %select_n3A_86 = arith.select %ge3A_82, %add3A_79, %mul3A_85 : vector<16xi1>, vector<16xf32>
      %exp3A_87 = math.exp %select_n3A_86 : vector<16xf32>
      %gather3A_88 = tpu.vector_load_idx %arg10[%get3A_74] : memref<10008xf32, #tpu.memory_space<vmem>>[vector<16xi32>], vector<16xf32>,
      %add3A_89 = arith.constant 16 : i32
      %add3A_90 = vector.broadcast %add3A_89 : i32 to vector<16xi32>
      %add3A_91 = arith.addi %iota3A, %add3A_90 : vector<16xi32>
      %mul3A_92 = arith.mulf %exp3A_87, %gather3A_88 : vector<16xf32>
      tpu.vector_store_idx %arg13[%add3A_91, %broadcast_in_dim3A_10], %mul3A_92 : memref<64x16xf32, #tpu.memory_space<vmem>>[vector<16xi32>, vector<16xi32>], vector<16xf32>,
      %add3A_93 = arith.constant 16 : i32
      %add3A_94 = vector.broadcast %add3A_93 : i32 to vector<16xi32>
      %add3A_95 = arith.addi %iota3A, %add3A_94 : vector<16xi32>
      tpu.vector_store_idx %arg13[%add3A_95, %broadcast_in_dim3A_12], %exp3A_87 : memref<64x16xf32, #tpu.memory_space<vmem>>[vector<16xi32>, vector<16xi32>], vector<16xf32>,
      %get3A_96 = arith.constant 32 : index
      %get3A_97 = tpu.vector_load %arg11[%get3A_96] {strides = array<i32>} : memref<64xi32, #tpu.memory_space<vmem>>, vector<16xi32>,
      %get3A_98 = arith.constant 32 : index
      %get3A_99 = tpu.vector_load %arg12[%get3A_98] {strides = array<i32>} : memref<64xi32, #tpu.memory_space<vmem>>, vector<16xi32>,
      %gather3A_100 = tpu.vector_load_idx %arg8[%get3A_97] : memref<10008xf32, #tpu.memory_space<vmem>>[vector<16xi32>], vector<16xf32>,
      %gather3A_101 = tpu.vector_load_idx %arg9[%get3A_99] : memref<10008xf32, #tpu.memory_space<vmem>>[vector<16xi32>], vector<16xf32>,
      %add3A_102 = arith.addf %gather3A_100, %gather3A_101 : vector<16xf32>
      %ge3A_103 = arith.constant 0.000000e+00 : f32
      %ge3A_104 = vector.broadcast %ge3A_103 : f32 to vector<16xf32>
      %ge3A_105 = arith.cmpf oge, %add3A_102, %ge3A_104 : vector<16xf32>
      %mul3A_106 = arith.constant 2.000000e-01 : f32
      %mul3A_107 = vector.broadcast %mul3A_106 : f32 to vector<16xf32>
      %mul3A_108 = arith.mulf %add3A_102, %mul3A_107 : vector<16xf32>
      %select_n3A_109 = arith.select %ge3A_105, %add3A_102, %mul3A_108 : vector<16xi1>, vector<16xf32>
      %exp3A_110 = math.exp %select_n3A_109 : vector<16xf32>
      %gather3A_111 = tpu.vector_load_idx %arg10[%get3A_97] : memref<10008xf32, #tpu.memory_space<vmem>>[vector<16xi32>], vector<16xf32>,
      %add3A_112 = arith.constant 32 : i32
      %add3A_113 = vector.broadcast %add3A_112 : i32 to vector<16xi32>
      %add3A_114 = arith.addi %iota3A, %add3A_113 : vector<16xi32>
      %mul3A_115 = arith.mulf %exp3A_110, %gather3A_111 : vector<16xf32>
      tpu.vector_store_idx %arg13[%add3A_114, %broadcast_in_dim3A_10], %mul3A_115 : memref<64x16xf32, #tpu.memory_space<vmem>>[vector<16xi32>, vector<16xi32>], vector<16xf32>,
      %add3A_116 = arith.constant 32 : i32
      %add3A_117 = vector.broadcast %add3A_116 : i32 to vector<16xi32>
      %add3A_118 = arith.addi %iota3A, %add3A_117 : vector<16xi32>
      tpu.vector_store_idx %arg13[%add3A_118, %broadcast_in_dim3A_12], %exp3A_110 : memref<64x16xf32, #tpu.memory_space<vmem>>[vector<16xi32>, vector<16xi32>], vector<16xf32>,
      %get3A_119 = arith.constant 48 : index
      %get3A_120 = tpu.vector_load %arg11[%get3A_119] {strides = array<i32>} : memref<64xi32, #tpu.memory_space<vmem>>, vector<16xi32>,
      %get3A_121 = arith.constant 48 : index
      %get3A_122 = tpu.vector_load %arg12[%get3A_121] {strides = array<i32>} : memref<64xi32, #tpu.memory_space<vmem>>, vector<16xi32>,
      %gather3A_123 = tpu.vector_load_idx %arg8[%get3A_120] : memref<10008xf32, #tpu.memory_space<vmem>>[vector<16xi32>], vector<16xf32>,
      %gather3A_124 = tpu.vector_load_idx %arg9[%get3A_122] : memref<10008xf32, #tpu.memory_space<vmem>>[vector<16xi32>], vector<16xf32>,
      %add3A_125 = arith.addf %gather3A_123, %gather3A_124 : vector<16xf32>
      %ge3A_126 = arith.constant 0.000000e+00 : f32
      %ge3A_127 = vector.broadcast %ge3A_126 : f32 to vector<16xf32>
      %ge3A_128 = arith.cmpf oge, %add3A_125, %ge3A_127 : vector<16xf32>
      %mul3A_129 = arith.constant 2.000000e-01 : f32
      %mul3A_130 = vector.broadcast %mul3A_129 : f32 to vector<16xf32>
      %mul3A_131 = arith.mulf %add3A_125, %mul3A_130 : vector<16xf32>
      %select_n3A_132 = arith.select %ge3A_128, %add3A_125, %mul3A_131 : vector<16xi1>, vector<16xf32>
      %exp3A_133 = math.exp %select_n3A_132 : vector<16xf32>
      %gather3A_134 = tpu.vector_load_idx %arg10[%get3A_120] : memref<10008xf32, #tpu.memory_space<vmem>>[vector<16xi32>], vector<16xf32>,
      %add3A_135 = arith.constant 48 : i32
      %add3A_136 = vector.broadcast %add3A_135 : i32 to vector<16xi32>
      %add3A_137 = arith.addi %iota3A, %add3A_136 : vector<16xi32>
      %mul3A_138 = arith.mulf %exp3A_133, %gather3A_134 : vector<16xf32>
      tpu.vector_store_idx %arg13[%add3A_137, %broadcast_in_dim3A_10], %mul3A_138 : memref<64x16xf32, #tpu.memory_space<vmem>>[vector<16xi32>, vector<16xi32>], vector<16xf32>,
      %add3A_139 = arith.constant 48 : i32
      %add3A_140 = vector.broadcast %add3A_139 : i32 to vector<16xi32>
      %add3A_141 = arith.addi %iota3A, %add3A_140 : vector<16xi32>
      tpu.vector_store_idx %arg13[%add3A_141, %broadcast_in_dim3A_12], %exp3A_133 : memref<64x16xf32, #tpu.memory_space<vmem>>[vector<16xi32>, vector<16xi32>], vector<16xf32>,
      %dma_start3A = arith.constant 0 : i32
      %dma_start3A_142 = arith.constant 0 : i32
      %dma_start3A_143 = tpu.memref_slice %arg17[%dma_start3A, %dma_start3A_142] : memref<10240x16xf32, #tpu.memory_space<vmem_shared>> -> memref<10240x16xf32, #tpu.memory_space<vmem_shared>>
      tpu.enqueue_indirect_dma source(%arg13 : memref<64x16xf32, #tpu.memory_space<vmem>>) target(%dma_start3A_143 : memref<10240x16xf32, #tpu.memory_space<vmem_shared>>) offsets(%arg12 : memref<64xi32, #tpu.memory_space<vmem>>) semaphore(%arg18 : memref<!tpu.dma_semaphore, #tpu.memory_space<semaphore_mem>>) {add = true}
      %mul3A_144 = arith.constant 10368 : i32
      %mul3A_145 = arith.muli %add3A, %mul3A_144 : i32
      %mul3A_146 = arith.constant 2 : i32
      %mul3A_147 = arith.muli %scan3A_43, %mul3A_146 : i32
      %add3A_148 = arith.constant 1 : i32
      %add3A_149 = arith.addi %mul3A_147, %add3A_148 : i32
      %mul3A_150 = arith.constant 64 : i32
      %mul3A_151 = arith.muli %add3A_149, %mul3A_150 : i32
      %add3A_152 = arith.addi %mul3A_145, %mul3A_151 : i32
      %gt3A_153 = arith.constant 0 : i32
      %gt3A_154 = arith.cmpi sgt, %scan3A_43, %gt3A_153 : i32
      %convert_element_type3A_155 = arith.extui %gt3A_154 : i1 to i32
      %cond3A_156 = arith.constant 0 : i32
      %cond3A_157 = arith.cmpi ne, %convert_element_type3A_155, %cond3A_156 : i32
      scf.if %cond3A_157 {
        %dma_wait3A_253 = arith.constant 0 : i32
        %dma_wait3A_254 = arith.constant 0 : i32
        %dma_wait3A_255 = arith.constant 0 : i32
        %dma_wait3A_256 = tpu.memref_slice %arg7[%dma_wait3A_253, %dma_wait3A_254, %dma_wait3A_255] : memref<2x10240x16xf32, #tpu.memory_space<hbm>> -> memref<1x64x16xf32, #tpu.memory_space<hbm>>
        %dma_wait3A_257 = tpu.memref_squeeze %dma_wait3A_256 : memref<1x64x16xf32, #tpu.memory_space<hbm>> -> memref<64x16xf32, #tpu.memory_space<hbm>>
        %dma_wait3A_258 = arith.constant 0 : i32
        %dma_wait3A_259 = arith.constant 0 : i32
        %dma_wait3A_260 = tpu.memref_slice %arg7[%dma_wait3A_253, %dma_wait3A_258, %dma_wait3A_259] : memref<2x10240x16xf32, #tpu.memory_space<hbm>> -> memref<1x64x16xf32, #tpu.memory_space<hbm>>
        %dma_wait3A_261 = tpu.memref_squeeze %dma_wait3A_260 : memref<1x64x16xf32, #tpu.memory_space<hbm>> -> memref<64x16xf32, #tpu.memory_space<hbm>>
        tpu.wait_dma2 semaphore(%arg19 : memref<!tpu.dma_semaphore, #tpu.memory_space<semaphore_mem>>) src(%dma_wait3A_261 : memref<64x16xf32, #tpu.memory_space<hbm>>) dst(%arg16 : memref<64x16xf32, #tpu.memory_space<vmem>>)
      } else {
      }
      "tpu.region"() ({
        %run_scoped3A = tpu.sem_alloc : memref<!tpu.dma_semaphore, #tpu.memory_space<semaphore_mem>>
        %dma_start3A_253 = tpu.memref_slice %arg2[%add3A_152] : memref<331776xi32, #tpu.memory_space<hbm>> -> memref<64xi32, #tpu.memory_space<hbm>>
        %dma_start3A_254 = tpu.memref_slice %arg2[%add3A_152] : memref<331776xi32, #tpu.memory_space<hbm>> -> memref<64xi32, #tpu.memory_space<hbm>>
        tpu.enqueue_dma source(%dma_start3A_254 : memref<64xi32, #tpu.memory_space<hbm>>) target(%arg14 : memref<64xi32, #tpu.memory_space<vmem>>) target_semaphore(%run_scoped3A : memref<!tpu.dma_semaphore, #tpu.memory_space<semaphore_mem>>)
        %dma_wait3A_255 = tpu.memref_slice %arg2[%add3A_152] : memref<331776xi32, #tpu.memory_space<hbm>> -> memref<64xi32, #tpu.memory_space<hbm>>
        %dma_wait3A_256 = tpu.memref_slice %arg2[%add3A_152] : memref<331776xi32, #tpu.memory_space<hbm>> -> memref<64xi32, #tpu.memory_space<hbm>>
        tpu.wait_dma2 semaphore(%run_scoped3A : memref<!tpu.dma_semaphore, #tpu.memory_space<semaphore_mem>>) src(%dma_wait3A_256 : memref<64xi32, #tpu.memory_space<hbm>>) dst(%arg14 : memref<64xi32, #tpu.memory_space<vmem>>)
        tpu.yield
      }) : () -> ()
      "tpu.region"() ({
        %run_scoped3A = tpu.sem_alloc : memref<!tpu.dma_semaphore, #tpu.memory_space<semaphore_mem>>
        %dma_start3A_253 = tpu.memref_slice %arg3[%add3A_152] : memref<331776xi32, #tpu.memory_space<hbm>> -> memref<64xi32, #tpu.memory_space<hbm>>
        %dma_start3A_254 = tpu.memref_slice %arg3[%add3A_152] : memref<331776xi32, #tpu.memory_space<hbm>> -> memref<64xi32, #tpu.memory_space<hbm>>
        tpu.enqueue_dma source(%dma_start3A_254 : memref<64xi32, #tpu.memory_space<hbm>>) target(%arg15 : memref<64xi32, #tpu.memory_space<vmem>>) target_semaphore(%run_scoped3A : memref<!tpu.dma_semaphore, #tpu.memory_space<semaphore_mem>>)
        %dma_wait3A_255 = tpu.memref_slice %arg3[%add3A_152] : memref<331776xi32, #tpu.memory_space<hbm>> -> memref<64xi32, #tpu.memory_space<hbm>>
        %dma_wait3A_256 = tpu.memref_slice %arg3[%add3A_152] : memref<331776xi32, #tpu.memory_space<hbm>> -> memref<64xi32, #tpu.memory_space<hbm>>
        tpu.wait_dma2 semaphore(%run_scoped3A : memref<!tpu.dma_semaphore, #tpu.memory_space<semaphore_mem>>) src(%dma_wait3A_256 : memref<64xi32, #tpu.memory_space<hbm>>) dst(%arg15 : memref<64xi32, #tpu.memory_space<vmem>>)
        tpu.yield
      }) : () -> ()
      %get3A_158 = arith.constant 0 : index
      %get3A_159 = tpu.vector_load %arg14[%get3A_158] {strides = array<i32>} : memref<64xi32, #tpu.memory_space<vmem>>, vector<16xi32>,
      %get3A_160 = arith.constant 0 : index
      %get3A_161 = tpu.vector_load %arg15[%get3A_160] {strides = array<i32>} : memref<64xi32, #tpu.memory_space<vmem>>, vector<16xi32>,
      %gather3A_162 = tpu.vector_load_idx %arg8[%get3A_159] : memref<10008xf32, #tpu.memory_space<vmem>>[vector<16xi32>], vector<16xf32>,
      %gather3A_163 = tpu.vector_load_idx %arg9[%get3A_161] : memref<10008xf32, #tpu.memory_space<vmem>>[vector<16xi32>], vector<16xf32>,
      %add3A_164 = arith.addf %gather3A_162, %gather3A_163 : vector<16xf32>
      %ge3A_165 = arith.constant 0.000000e+00 : f32
      %ge3A_166 = vector.broadcast %ge3A_165 : f32 to vector<16xf32>
      %ge3A_167 = arith.cmpf oge, %add3A_164, %ge3A_166 : vector<16xf32>
      %mul3A_168 = arith.constant 2.000000e-01 : f32
      %mul3A_169 = vector.broadcast %mul3A_168 : f32 to vector<16xf32>
      %mul3A_170 = arith.mulf %add3A_164, %mul3A_169 : vector<16xf32>
      %select_n3A_171 = arith.select %ge3A_167, %add3A_164, %mul3A_170 : vector<16xi1>, vector<16xf32>
      %exp3A_172 = math.exp %select_n3A_171 : vector<16xf32>
      %gather3A_173 = tpu.vector_load_idx %arg10[%get3A_159] : memref<10008xf32, #tpu.memory_space<vmem>>[vector<16xi32>], vector<16xf32>,
      %add3A_174 = arith.constant 0 : i32
      %add3A_175 = vector.broadcast %add3A_174 : i32 to vector<16xi32>
      %add3A_176 = arith.addi %iota3A, %add3A_175 : vector<16xi32>
      %mul3A_177 = arith.mulf %exp3A_172, %gather3A_173 : vector<16xf32>
      tpu.vector_store_idx %arg16[%add3A_176, %broadcast_in_dim3A_10], %mul3A_177 : memref<64x16xf32, #tpu.memory_space<vmem>>[vector<16xi32>, vector<16xi32>], vector<16xf32>,
      %add3A_178 = arith.constant 0 : i32
      %add3A_179 = vector.broadcast %add3A_178 : i32 to vector<16xi32>
      %add3A_180 = arith.addi %iota3A, %add3A_179 : vector<16xi32>
      tpu.vector_store_idx %arg16[%add3A_180, %broadcast_in_dim3A_12], %exp3A_172 : memref<64x16xf32, #tpu.memory_space<vmem>>[vector<16xi32>, vector<16xi32>], vector<16xf32>,
      %get3A_181 = arith.constant 16 : index
      %get3A_182 = tpu.vector_load %arg14[%get3A_181] {strides = array<i32>} : memref<64xi32, #tpu.memory_space<vmem>>, vector<16xi32>,
      %get3A_183 = arith.constant 16 : index
      %get3A_184 = tpu.vector_load %arg15[%get3A_183] {strides = array<i32>} : memref<64xi32, #tpu.memory_space<vmem>>, vector<16xi32>,
      %gather3A_185 = tpu.vector_load_idx %arg8[%get3A_182] : memref<10008xf32, #tpu.memory_space<vmem>>[vector<16xi32>], vector<16xf32>,
      %gather3A_186 = tpu.vector_load_idx %arg9[%get3A_184] : memref<10008xf32, #tpu.memory_space<vmem>>[vector<16xi32>], vector<16xf32>,
      %add3A_187 = arith.addf %gather3A_185, %gather3A_186 : vector<16xf32>
      %ge3A_188 = arith.constant 0.000000e+00 : f32
      %ge3A_189 = vector.broadcast %ge3A_188 : f32 to vector<16xf32>
      %ge3A_190 = arith.cmpf oge, %add3A_187, %ge3A_189 : vector<16xf32>
      %mul3A_191 = arith.constant 2.000000e-01 : f32
      %mul3A_192 = vector.broadcast %mul3A_191 : f32 to vector<16xf32>
      %mul3A_193 = arith.mulf %add3A_187, %mul3A_192 : vector<16xf32>
      %select_n3A_194 = arith.select %ge3A_190, %add3A_187, %mul3A_193 : vector<16xi1>, vector<16xf32>
      %exp3A_195 = math.exp %select_n3A_194 : vector<16xf32>
      %gather3A_196 = tpu.vector_load_idx %arg10[%get3A_182] : memref<10008xf32, #tpu.memory_space<vmem>>[vector<16xi32>], vector<16xf32>,
      %add3A_197 = arith.constant 16 : i32
      %add3A_198 = vector.broadcast %add3A_197 : i32 to vector<16xi32>
      %add3A_199 = arith.addi %iota3A, %add3A_198 : vector<16xi32>
      %mul3A_200 = arith.mulf %exp3A_195, %gather3A_196 : vector<16xf32>
      tpu.vector_store_idx %arg16[%add3A_199, %broadcast_in_dim3A_10], %mul3A_200 : memref<64x16xf32, #tpu.memory_space<vmem>>[vector<16xi32>, vector<16xi32>], vector<16xf32>,
      %add3A_201 = arith.constant 16 : i32
      %add3A_202 = vector.broadcast %add3A_201 : i32 to vector<16xi32>
      %add3A_203 = arith.addi %iota3A, %add3A_202 : vector<16xi32>
      tpu.vector_store_idx %arg16[%add3A_203, %broadcast_in_dim3A_12], %exp3A_195 : memref<64x16xf32, #tpu.memory_space<vmem>>[vector<16xi32>, vector<16xi32>], vector<16xf32>,
      %get3A_204 = arith.constant 32 : index
      %get3A_205 = tpu.vector_load %arg14[%get3A_204] {strides = array<i32>} : memref<64xi32, #tpu.memory_space<vmem>>, vector<16xi32>,
      %get3A_206 = arith.constant 32 : index
      %get3A_207 = tpu.vector_load %arg15[%get3A_206] {strides = array<i32>} : memref<64xi32, #tpu.memory_space<vmem>>, vector<16xi32>,
      %gather3A_208 = tpu.vector_load_idx %arg8[%get3A_205] : memref<10008xf32, #tpu.memory_space<vmem>>[vector<16xi32>], vector<16xf32>,
      %gather3A_209 = tpu.vector_load_idx %arg9[%get3A_207] : memref<10008xf32, #tpu.memory_space<vmem>>[vector<16xi32>], vector<16xf32>,
      %add3A_210 = arith.addf %gather3A_208, %gather3A_209 : vector<16xf32>
      %ge3A_211 = arith.constant 0.000000e+00 : f32
      %ge3A_212 = vector.broadcast %ge3A_211 : f32 to vector<16xf32>
      %ge3A_213 = arith.cmpf oge, %add3A_210, %ge3A_212 : vector<16xf32>
      %mul3A_214 = arith.constant 2.000000e-01 : f32
      %mul3A_215 = vector.broadcast %mul3A_214 : f32 to vector<16xf32>
      %mul3A_216 = arith.mulf %add3A_210, %mul3A_215 : vector<16xf32>
      %select_n3A_217 = arith.select %ge3A_213, %add3A_210, %mul3A_216 : vector<16xi1>, vector<16xf32>
      %exp3A_218 = math.exp %select_n3A_217 : vector<16xf32>
      %gather3A_219 = tpu.vector_load_idx %arg10[%get3A_205] : memref<10008xf32, #tpu.memory_space<vmem>>[vector<16xi32>], vector<16xf32>,
      %add3A_220 = arith.constant 32 : i32
      %add3A_221 = vector.broadcast %add3A_220 : i32 to vector<16xi32>
      %add3A_222 = arith.addi %iota3A, %add3A_221 : vector<16xi32>
      %mul3A_223 = arith.mulf %exp3A_218, %gather3A_219 : vector<16xf32>
      tpu.vector_store_idx %arg16[%add3A_222, %broadcast_in_dim3A_10], %mul3A_223 : memref<64x16xf32, #tpu.memory_space<vmem>>[vector<16xi32>, vector<16xi32>], vector<16xf32>,
      %add3A_224 = arith.constant 32 : i32
      %add3A_225 = vector.broadcast %add3A_224 : i32 to vector<16xi32>
      %add3A_226 = arith.addi %iota3A, %add3A_225 : vector<16xi32>
      tpu.vector_store_idx %arg16[%add3A_226, %broadcast_in_dim3A_12], %exp3A_218 : memref<64x16xf32, #tpu.memory_space<vmem>>[vector<16xi32>, vector<16xi32>], vector<16xf32>,
      %get3A_227 = arith.constant 48 : index
      %get3A_228 = tpu.vector_load %arg14[%get3A_227] {strides = array<i32>} : memref<64xi32, #tpu.memory_space<vmem>>, vector<16xi32>,
      %get3A_229 = arith.constant 48 : index
      %get3A_230 = tpu.vector_load %arg15[%get3A_229] {strides = array<i32>} : memref<64xi32, #tpu.memory_space<vmem>>, vector<16xi32>,
      %gather3A_231 = tpu.vector_load_idx %arg8[%get3A_228] : memref<10008xf32, #tpu.memory_space<vmem>>[vector<16xi32>], vector<16xf32>,
      %gather3A_232 = tpu.vector_load_idx %arg9[%get3A_230] : memref<10008xf32, #tpu.memory_space<vmem>>[vector<16xi32>], vector<16xf32>,
      %add3A_233 = arith.addf %gather3A_231, %gather3A_232 : vector<16xf32>
      %ge3A_234 = arith.constant 0.000000e+00 : f32
      %ge3A_235 = vector.broadcast %ge3A_234 : f32 to vector<16xf32>
      %ge3A_236 = arith.cmpf oge, %add3A_233, %ge3A_235 : vector<16xf32>
      %mul3A_237 = arith.constant 2.000000e-01 : f32
      %mul3A_238 = vector.broadcast %mul3A_237 : f32 to vector<16xf32>
      %mul3A_239 = arith.mulf %add3A_233, %mul3A_238 : vector<16xf32>
      %select_n3A_240 = arith.select %ge3A_236, %add3A_233, %mul3A_239 : vector<16xi1>, vector<16xf32>
      %exp3A_241 = math.exp %select_n3A_240 : vector<16xf32>
      %gather3A_242 = tpu.vector_load_idx %arg10[%get3A_228] : memref<10008xf32, #tpu.memory_space<vmem>>[vector<16xi32>], vector<16xf32>,
      %add3A_243 = arith.constant 48 : i32
      %add3A_244 = vector.broadcast %add3A_243 : i32 to vector<16xi32>
      %add3A_245 = arith.addi %iota3A, %add3A_244 : vector<16xi32>
      %mul3A_246 = arith.mulf %exp3A_241, %gather3A_242 : vector<16xf32>
      tpu.vector_store_idx %arg16[%add3A_245, %broadcast_in_dim3A_10], %mul3A_246 : memref<64x16xf32, #tpu.memory_space<vmem>>[vector<16xi32>, vector<16xi32>], vector<16xf32>,
      %add3A_247 = arith.constant 48 : i32
      %add3A_248 = vector.broadcast %add3A_247 : i32 to vector<16xi32>
      %add3A_249 = arith.addi %iota3A, %add3A_248 : vector<16xi32>
      tpu.vector_store_idx %arg16[%add3A_249, %broadcast_in_dim3A_12], %exp3A_241 : memref<64x16xf32, #tpu.memory_space<vmem>>[vector<16xi32>, vector<16xi32>], vector<16xf32>,
      %dma_start3A_250 = arith.constant 0 : i32
      %dma_start3A_251 = arith.constant 0 : i32
      %dma_start3A_252 = tpu.memref_slice %arg17[%dma_start3A_250, %dma_start3A_251] : memref<10240x16xf32, #tpu.memory_space<vmem_shared>> -> memref<10240x16xf32, #tpu.memory_space<vmem_shared>>
      tpu.enqueue_indirect_dma source(%arg16 : memref<64x16xf32, #tpu.memory_space<vmem>>) target(%dma_start3A_252 : memref<10240x16xf32, #tpu.memory_space<vmem_shared>>) offsets(%arg15 : memref<64xi32, #tpu.memory_space<vmem>>) semaphore(%arg19 : memref<!tpu.dma_semaphore, #tpu.memory_space<semaphore_mem>>) {add = true}
    }
    %scan3A_18 = arith.constant 81 : i32
    %dma_wait3A = arith.constant 0 : i32
    %dma_wait3A_19 = arith.constant 0 : i32
    %dma_wait3A_20 = arith.constant 0 : i32
    %dma_wait3A_21 = tpu.memref_slice %arg7[%dma_wait3A, %dma_wait3A_19, %dma_wait3A_20] : memref<2x10240x16xf32, #tpu.memory_space<hbm>> -> memref<1x64x16xf32, #tpu.memory_space<hbm>>
    %dma_wait3A_22 = tpu.memref_squeeze %dma_wait3A_21 : memref<1x64x16xf32, #tpu.memory_space<hbm>> -> memref<64x16xf32, #tpu.memory_space<hbm>>
    %dma_wait3A_23 = arith.constant 0 : i32
    %dma_wait3A_24 = arith.constant 0 : i32
    %dma_wait3A_25 = tpu.memref_slice %arg7[%dma_wait3A, %dma_wait3A_23, %dma_wait3A_24] : memref<2x10240x16xf32, #tpu.memory_space<hbm>> -> memref<1x64x16xf32, #tpu.memory_space<hbm>>
    %dma_wait3A_26 = tpu.memref_squeeze %dma_wait3A_25 : memref<1x64x16xf32, #tpu.memory_space<hbm>> -> memref<64x16xf32, #tpu.memory_space<hbm>>
    tpu.wait_dma2 semaphore(%arg18 : memref<!tpu.dma_semaphore, #tpu.memory_space<semaphore_mem>>) src(%dma_wait3A_26 : memref<64x16xf32, #tpu.memory_space<hbm>>) dst(%arg13 : memref<64x16xf32, #tpu.memory_space<vmem>>)
    %dma_wait3A_27 = arith.constant 0 : i32
    %dma_wait3A_28 = arith.constant 0 : i32
    %dma_wait3A_29 = arith.constant 0 : i32
    %dma_wait3A_30 = tpu.memref_slice %arg7[%dma_wait3A_27, %dma_wait3A_28, %dma_wait3A_29] : memref<2x10240x16xf32, #tpu.memory_space<hbm>> -> memref<1x64x16xf32, #tpu.memory_space<hbm>>
    %dma_wait3A_31 = tpu.memref_squeeze %dma_wait3A_30 : memref<1x64x16xf32, #tpu.memory_space<hbm>> -> memref<64x16xf32, #tpu.memory_space<hbm>>
    %dma_wait3A_32 = arith.constant 0 : i32
    %dma_wait3A_33 = arith.constant 0 : i32
    %dma_wait3A_34 = tpu.memref_slice %arg7[%dma_wait3A_27, %dma_wait3A_32, %dma_wait3A_33] : memref<2x10240x16xf32, #tpu.memory_space<hbm>> -> memref<1x64x16xf32, #tpu.memory_space<hbm>>
    %dma_wait3A_35 = tpu.memref_squeeze %dma_wait3A_34 : memref<1x64x16xf32, #tpu.memory_space<hbm>> -> memref<64x16xf32, #tpu.memory_space<hbm>>
    tpu.wait_dma2 semaphore(%arg19 : memref<!tpu.dma_semaphore, #tpu.memory_space<semaphore_mem>>) src(%dma_wait3A_35 : memref<64x16xf32, #tpu.memory_space<hbm>>) dst(%arg16 : memref<64x16xf32, #tpu.memory_space<vmem>>)
    %barrier3A_36 = arith.constant 0 : index
    tpu.barrier barrier_id(%barrier3A_36)
    %scan3A_37 = arith.constant 0 : i32
    %scan3A_38 = arith.constant 0 : i32
    %scan3A_39 = arith.constant 10 : i32
    %scan3A_40 = arith.addi %scan3A_38, %scan3A_39 : i32
    %scan3A_41 = arith.constant 1 : i32
    scf.for %scan3A_43 = %scan3A_38 to %scan3A_40 step %scan3A_41  : i32 {
      %mul3A_44 = arith.constant 640 : i32
      %mul3A_45 = arith.muli %arg1, %mul3A_44 : i32
      %mul3A_46 = arith.constant 64 : i32
      %mul3A_47 = arith.muli %scan3A_43, %mul3A_46 : i32
      %add3A_48 = arith.addi %mul3A_45, %mul3A_47 : i32
      "tpu.region"() ({
        %run_scoped3A = tpu.sem_alloc : memref<!tpu.dma_semaphore, #tpu.memory_space<semaphore_mem>>
        %dma_start3A = arith.constant 0 : i32
        %dma_start3A_49 = tpu.memref_slice %arg17[%add3A_48, %dma_start3A] : memref<10240x16xf32, #tpu.memory_space<vmem_shared>> -> memref<64x16xf32, #tpu.memory_space<vmem_shared>>
        %dma_start3A_50 = arith.constant 0 : i32
        %dma_start3A_51 = tpu.memref_slice %arg17[%add3A_48, %dma_start3A_50] : memref<10240x16xf32, #tpu.memory_space<vmem_shared>> -> memref<64x16xf32, #tpu.memory_space<vmem_shared>>
        tpu.enqueue_dma source(%dma_start3A_51 : memref<64x16xf32, #tpu.memory_space<vmem_shared>>) target(%arg13 : memref<64x16xf32, #tpu.memory_space<vmem>>) target_semaphore(%run_scoped3A : memref<!tpu.dma_semaphore, #tpu.memory_space<semaphore_mem>>)
        %dma_wait3A_52 = arith.constant 0 : i32
        %dma_wait3A_53 = tpu.memref_slice %arg17[%add3A_48, %dma_wait3A_52] : memref<10240x16xf32, #tpu.memory_space<vmem_shared>> -> memref<64x16xf32, #tpu.memory_space<vmem_shared>>
        %dma_wait3A_54 = arith.constant 0 : i32
        %dma_wait3A_55 = tpu.memref_slice %arg17[%add3A_48, %dma_wait3A_54] : memref<10240x16xf32, #tpu.memory_space<vmem_shared>> -> memref<64x16xf32, #tpu.memory_space<vmem_shared>>
        tpu.wait_dma2 semaphore(%run_scoped3A : memref<!tpu.dma_semaphore, #tpu.memory_space<semaphore_mem>>) src(%dma_wait3A_55 : memref<64x16xf32, #tpu.memory_space<vmem_shared>>) dst(%arg13 : memref<64x16xf32, #tpu.memory_space<vmem>>)
        tpu.yield
      }) : () -> ()
      "tpu.region"() ({
        %run_scoped3A = tpu.sem_alloc : memref<!tpu.dma_semaphore, #tpu.memory_space<semaphore_mem>>
        %dma_start3A = arith.constant 0 : i32
        %dma_start3A_49 = tpu.memref_slice %arg7[%arg0, %add3A_48, %dma_start3A] : memref<2x10240x16xf32, #tpu.memory_space<hbm>> -> memref<1x64x16xf32, #tpu.memory_space<hbm>>
        %dma_start3A_50 = tpu.memref_squeeze %dma_start3A_49 : memref<1x64x16xf32, #tpu.memory_space<hbm>> -> memref<64x16xf32, #tpu.memory_space<hbm>>
        %dma_start3A_51 = arith.constant 0 : i32
        %dma_start3A_52 = tpu.memref_slice %arg7[%arg0, %add3A_48, %dma_start3A_51] : memref<2x10240x16xf32, #tpu.memory_space<hbm>> -> memref<1x64x16xf32, #tpu.memory_space<hbm>>
        %dma_start3A_53 = tpu.memref_squeeze %dma_start3A_52 : memref<1x64x16xf32, #tpu.memory_space<hbm>> -> memref<64x16xf32, #tpu.memory_space<hbm>>
        tpu.enqueue_dma source(%arg13 : memref<64x16xf32, #tpu.memory_space<vmem>>) target(%dma_start3A_53 : memref<64x16xf32, #tpu.memory_space<hbm>>) target_semaphore(%run_scoped3A : memref<!tpu.dma_semaphore, #tpu.memory_space<semaphore_mem>>)
        %dma_wait3A_54 = arith.constant 0 : i32
        %dma_wait3A_55 = tpu.memref_slice %arg7[%arg0, %add3A_48, %dma_wait3A_54] : memref<2x10240x16xf32, #tpu.memory_space<hbm>> -> memref<1x64x16xf32, #tpu.memory_space<hbm>>
        %dma_wait3A_56 = tpu.memref_squeeze %dma_wait3A_55 : memref<1x64x16xf32, #tpu.memory_space<hbm>> -> memref<64x16xf32, #tpu.memory_space<hbm>>
        %dma_wait3A_57 = arith.constant 0 : i32
        %dma_wait3A_58 = tpu.memref_slice %arg7[%arg0, %add3A_48, %dma_wait3A_57] : memref<2x10240x16xf32, #tpu.memory_space<hbm>> -> memref<1x64x16xf32, #tpu.memory_space<hbm>>
        %dma_wait3A_59 = tpu.memref_squeeze %dma_wait3A_58 : memref<1x64x16xf32, #tpu.memory_space<hbm>> -> memref<64x16xf32, #tpu.memory_space<hbm>>
        tpu.wait_dma2 semaphore(%run_scoped3A : memref<!tpu.dma_semaphore, #tpu.memory_space<semaphore_mem>>) src(%arg13 : memref<64x16xf32, #tpu.memory_space<vmem>>) dst(%dma_wait3A_59 : memref<64x16xf32, #tpu.memory_space<hbm>>)
        tpu.yield
      }) : () -> ()
    }
    %scan3A_42 = arith.constant 10 : i32
    return
  }
}

#map = affine_map<(d0, d1) -> (0)>
#map1 = affine_map<(d0, d1) -> (0, 0)>
#map2 = affine_map<(d0, d1) -> (0, 0, 0)>
module attributes {stable_mosaic.version = 14 : i64} {
  func.func @_sc_row_body(%arg0: i32, %arg1: i32, %arg2: memref<331776xi32, #tpu.memory_space<hbm>>, %arg3: memref<331776xi32, #tpu.memory_space<hbm>>, %arg4: memref<10240xf32, #tpu.memory_space<hbm>>, %arg5: memref<10240xf32, #tpu.memory_space<hbm>>, %arg6: memref<10240x128xf32, #tpu.memory_space<hbm>>, %arg7: memref<2x10240x128xf32, #tpu.memory_space<hbm>>, %arg8: memref<2x10240x16xf32, #tpu.memory_space<hbm>>, %arg9: memref<10008xf32, #tpu.memory_space<vmem>>, %arg10: memref<10008xf32, #tpu.memory_space<vmem>>, %arg11: memref<64xi32, #tpu.memory_space<vmem>>, %arg12: memref<64xi32, #tpu.memory_space<vmem>>, %arg13: memref<64x128xf32, #tpu.memory_space<vmem>>, %arg14: memref<64x16xf32, #tpu.memory_space<vmem>>, %arg15: memref<64xi32, #tpu.memory_space<vmem>>, %arg16: memref<64xi32, #tpu.memory_space<vmem>>, %arg17: memref<64x128xf32, #tpu.memory_space<vmem>>, %arg18: memref<64x16xf32, #tpu.memory_space<vmem>>, %arg19: memref<64xf32, #tpu.memory_space<vmem>>, %arg20: memref<10240x128xf32, #tpu.memory_space<vmem_shared>>, %arg21: memref<10240x16xf32, #tpu.memory_space<vmem_shared>>, %arg22: memref<!tpu.dma_semaphore, #tpu.memory_space<semaphore_mem>>, %arg23: memref<!tpu.dma_semaphore, #tpu.memory_space<semaphore_mem>>, %arg24: memref<!tpu.dma_semaphore, #tpu.memory_space<semaphore_mem>>, %arg25: memref<!tpu.dma_semaphore, #tpu.memory_space<semaphore_mem>>) attributes {dimension_semantics = [#tpu.dimension_semantics<core_parallel>, #tpu.dimension_semantics<subcore_parallel>], iteration_bounds = array<i64: 2, 16>, scalar_prefetch = 0 : i64, scratch_operands = 17 : i64, tpu.core_type = #tpu.core_type<sc_vector_subcore>, window_params = [{transform_indices = #map}, {transform_indices = #map}, {transform_indices = #map}, {transform_indices = #map}, {transform_indices = #map1}, {transform_indices = #map2}, {transform_indices = #map2}]} {
    %mul3A = arith.constant 2 : i32
    %mul3A_0 = arith.muli %arg1, %mul3A : i32
    %add3A = arith.addi %mul3A_0, %arg0 : i32
    "tpu.region"() ({
      %run_scoped3A = tpu.sem_alloc : memref<!tpu.dma_semaphore, #tpu.memory_space<semaphore_mem>>
      %dma_start3A = arith.constant 0 : i32
      %dma_start3A_53 = tpu.memref_slice %arg4[%dma_start3A] : memref<10240xf32, #tpu.memory_space<hbm>> -> memref<10008xf32, #tpu.memory_space<hbm>>
      %dma_start3A_54 = arith.constant 0 : i32
      %dma_start3A_55 = tpu.memref_slice %arg4[%dma_start3A_54] : memref<10240xf32, #tpu.memory_space<hbm>> -> memref<10008xf32, #tpu.memory_space<hbm>>
      tpu.enqueue_dma source(%dma_start3A_55 : memref<10008xf32, #tpu.memory_space<hbm>>) target(%arg9 : memref<10008xf32, #tpu.memory_space<vmem>>) target_semaphore(%run_scoped3A : memref<!tpu.dma_semaphore, #tpu.memory_space<semaphore_mem>>)
      %dma_wait3A_56 = arith.constant 0 : i32
      %dma_wait3A_57 = tpu.memref_slice %arg4[%dma_wait3A_56] : memref<10240xf32, #tpu.memory_space<hbm>> -> memref<10008xf32, #tpu.memory_space<hbm>>
      %dma_wait3A_58 = arith.constant 0 : i32
      %dma_wait3A_59 = tpu.memref_slice %arg4[%dma_wait3A_58] : memref<10240xf32, #tpu.memory_space<hbm>> -> memref<10008xf32, #tpu.memory_space<hbm>>
      tpu.wait_dma2 semaphore(%run_scoped3A : memref<!tpu.dma_semaphore, #tpu.memory_space<semaphore_mem>>) src(%dma_wait3A_59 : memref<10008xf32, #tpu.memory_space<hbm>>) dst(%arg9 : memref<10008xf32, #tpu.memory_space<vmem>>)
      tpu.yield
    }) : () -> ()
    "tpu.region"() ({
      %run_scoped3A = tpu.sem_alloc : memref<!tpu.dma_semaphore, #tpu.memory_space<semaphore_mem>>
      %dma_start3A = arith.constant 0 : i32
      %dma_start3A_53 = tpu.memref_slice %arg5[%dma_start3A] : memref<10240xf32, #tpu.memory_space<hbm>> -> memref<10008xf32, #tpu.memory_space<hbm>>
      %dma_start3A_54 = arith.constant 0 : i32
      %dma_start3A_55 = tpu.memref_slice %arg5[%dma_start3A_54] : memref<10240xf32, #tpu.memory_space<hbm>> -> memref<10008xf32, #tpu.memory_space<hbm>>
      tpu.enqueue_dma source(%dma_start3A_55 : memref<10008xf32, #tpu.memory_space<hbm>>) target(%arg10 : memref<10008xf32, #tpu.memory_space<vmem>>) target_semaphore(%run_scoped3A : memref<!tpu.dma_semaphore, #tpu.memory_space<semaphore_mem>>)
      %dma_wait3A_56 = arith.constant 0 : i32
      %dma_wait3A_57 = tpu.memref_slice %arg5[%dma_wait3A_56] : memref<10240xf32, #tpu.memory_space<hbm>> -> memref<10008xf32, #tpu.memory_space<hbm>>
      %dma_wait3A_58 = arith.constant 0 : i32
      %dma_wait3A_59 = tpu.memref_slice %arg5[%dma_wait3A_58] : memref<10240xf32, #tpu.memory_space<hbm>> -> memref<10008xf32, #tpu.memory_space<hbm>>
      tpu.wait_dma2 semaphore(%run_scoped3A : memref<!tpu.dma_semaphore, #tpu.memory_space<semaphore_mem>>) src(%dma_wait3A_59 : memref<10008xf32, #tpu.memory_space<hbm>>) dst(%arg10 : memref<10008xf32, #tpu.memory_space<vmem>>)
      tpu.yield
    }) : () -> ()
    %broadcast_in_dim3A = arith.constant 0.000000e+00 : f32
    %broadcast_in_dim3A_1 = vector.broadcast %broadcast_in_dim3A : f32 to vector<16xf32>
    %parallel_loop3A = arith.constant 0 : i32
    %parallel_loop3A_2 = arith.constant 64 : i32
    %parallel_loop3A_3 = arith.constant 1 : i32
    scf.for %parallel_loop3A_53 = %parallel_loop3A to %parallel_loop3A_2 step %parallel_loop3A_3  : i32 {
      %parallel_loop3A_54 = arith.index_cast %parallel_loop3A_53 : i32 to index
      %parallel_loop3A_55 = arith.constant 0 : index
      %parallel_loop3A_56 = tpu.vector_load %arg13[%parallel_loop3A_54, %parallel_loop3A_55] {strides = array<i32>} : memref<64x128xf32, #tpu.memory_space<vmem>>, vector<16xf32>,
      tpu.vector_store %arg13[%parallel_loop3A_54, %parallel_loop3A_55], %broadcast_in_dim3A_1 {strides = array<i32>} : memref<64x128xf32, #tpu.memory_space<vmem>>, vector<16xf32>,
      %parallel_loop3A_57 = arith.index_cast %parallel_loop3A_53 : i32 to index
      %parallel_loop3A_58 = arith.constant 16 : index
      %parallel_loop3A_59 = tpu.vector_load %arg13[%parallel_loop3A_57, %parallel_loop3A_58] {strides = array<i32>} : memref<64x128xf32, #tpu.memory_space<vmem>>, vector<16xf32>,
      tpu.vector_store %arg13[%parallel_loop3A_57, %parallel_loop3A_58], %broadcast_in_dim3A_1 {strides = array<i32>} : memref<64x128xf32, #tpu.memory_space<vmem>>, vector<16xf32>,
      %parallel_loop3A_60 = arith.index_cast %parallel_loop3A_53 : i32 to index
      %parallel_loop3A_61 = arith.constant 32 : index
      %parallel_loop3A_62 = tpu.vector_load %arg13[%parallel_loop3A_60, %parallel_loop3A_61] {strides = array<i32>} : memref<64x128xf32, #tpu.memory_space<vmem>>, vector<16xf32>,
      tpu.vector_store %arg13[%parallel_loop3A_60, %parallel_loop3A_61], %broadcast_in_dim3A_1 {strides = array<i32>} : memref<64x128xf32, #tpu.memory_space<vmem>>, vector<16xf32>,
      %parallel_loop3A_63 = arith.index_cast %parallel_loop3A_53 : i32 to index
      %parallel_loop3A_64 = arith.constant 48 : index
      %parallel_loop3A_65 = tpu.vector_load %arg13[%parallel_loop3A_63, %parallel_loop3A_64] {strides = array<i32>} : memref<64x128xf32, #tpu.memory_space<vmem>>, vector<16xf32>,
      tpu.vector_store %arg13[%parallel_loop3A_63, %parallel_loop3A_64], %broadcast_in_dim3A_1 {strides = array<i32>} : memref<64x128xf32, #tpu.memory_space<vmem>>, vector<16xf32>,
      %parallel_loop3A_66 = arith.index_cast %parallel_loop3A_53 : i32 to index
      %parallel_loop3A_67 = arith.constant 64 : index
      %parallel_loop3A_68 = tpu.vector_load %arg13[%parallel_loop3A_66, %parallel_loop3A_67] {strides = array<i32>} : memref<64x128xf32, #tpu.memory_space<vmem>>, vector<16xf32>,
      tpu.vector_store %arg13[%parallel_loop3A_66, %parallel_loop3A_67], %broadcast_in_dim3A_1 {strides = array<i32>} : memref<64x128xf32, #tpu.memory_space<vmem>>, vector<16xf32>,
      %parallel_loop3A_69 = arith.index_cast %parallel_loop3A_53 : i32 to index
      %parallel_loop3A_70 = arith.constant 80 : index
      %parallel_loop3A_71 = tpu.vector_load %arg13[%parallel_loop3A_69, %parallel_loop3A_70] {strides = array<i32>} : memref<64x128xf32, #tpu.memory_space<vmem>>, vector<16xf32>,
      tpu.vector_store %arg13[%parallel_loop3A_69, %parallel_loop3A_70], %broadcast_in_dim3A_1 {strides = array<i32>} : memref<64x128xf32, #tpu.memory_space<vmem>>, vector<16xf32>,
      %parallel_loop3A_72 = arith.index_cast %parallel_loop3A_53 : i32 to index
      %parallel_loop3A_73 = arith.constant 96 : index
      %parallel_loop3A_74 = tpu.vector_load %arg13[%parallel_loop3A_72, %parallel_loop3A_73] {strides = array<i32>} : memref<64x128xf32, #tpu.memory_space<vmem>>, vector<16xf32>,
      tpu.vector_store %arg13[%parallel_loop3A_72, %parallel_loop3A_73], %broadcast_in_dim3A_1 {strides = array<i32>} : memref<64x128xf32, #tpu.memory_space<vmem>>, vector<16xf32>,
      %parallel_loop3A_75 = arith.index_cast %parallel_loop3A_53 : i32 to index
      %parallel_loop3A_76 = arith.constant 112 : index
      %parallel_loop3A_77 = tpu.vector_load %arg13[%parallel_loop3A_75, %parallel_loop3A_76] {strides = array<i32>} : memref<64x128xf32, #tpu.memory_space<vmem>>, vector<16xf32>,
      tpu.vector_store %arg13[%parallel_loop3A_75, %parallel_loop3A_76], %broadcast_in_dim3A_1 {strides = array<i32>} : memref<64x128xf32, #tpu.memory_space<vmem>>, vector<16xf32>,
      %parallel_loop3A_78 = arith.index_cast %parallel_loop3A_53 : i32 to index
      %parallel_loop3A_79 = arith.constant 0 : index
      %parallel_loop3A_80 = tpu.vector_load %arg14[%parallel_loop3A_78, %parallel_loop3A_79] {strides = array<i32>} : memref<64x16xf32, #tpu.memory_space<vmem>>, vector<16xf32>,
      tpu.vector_store %arg14[%parallel_loop3A_78, %parallel_loop3A_79], %broadcast_in_dim3A_1 {strides = array<i32>} : memref<64x16xf32, #tpu.memory_space<vmem>>, vector<16xf32>,
      %parallel_loop3A_81 = arith.index_cast %parallel_loop3A_53 : i32 to index
      %parallel_loop3A_82 = arith.constant 0 : index
      %parallel_loop3A_83 = tpu.vector_load %arg18[%parallel_loop3A_81, %parallel_loop3A_82] {strides = array<i32>} : memref<64x16xf32, #tpu.memory_space<vmem>>, vector<16xf32>,
      tpu.vector_store %arg18[%parallel_loop3A_81, %parallel_loop3A_82], %broadcast_in_dim3A_1 {strides = array<i32>} : memref<64x16xf32, #tpu.memory_space<vmem>>, vector<16xf32>,
    } {sc.loop_unroll_factor = 4 : i64, sc.parallel_access}
    %scan3A = arith.constant 0 : i32
    %scan3A_4 = arith.constant 0 : i32
    %scan3A_5 = arith.constant 10 : i32
    %scan3A_6 = arith.addi %scan3A_4, %scan3A_5 : i32
    %scan3A_7 = arith.constant 1 : i32
    scf.for %scan3A_53 = %scan3A_4 to %scan3A_6 step %scan3A_7  : i32 {
      %mul3A_54 = arith.constant 640 : i32
      %mul3A_55 = arith.muli %arg1, %mul3A_54 : i32
      %mul3A_56 = arith.constant 64 : i32
      %mul3A_57 = arith.muli %scan3A_53, %mul3A_56 : i32
      %add3A_58 = arith.addi %mul3A_55, %mul3A_57 : i32
      "tpu.region"() ({
        %run_scoped3A = tpu.sem_alloc : memref<!tpu.dma_semaphore, #tpu.memory_space<semaphore_mem>>
        %dma_start3A = arith.constant 0 : i32
        %dma_start3A_59 = tpu.memref_slice %arg20[%add3A_58, %dma_start3A] : memref<10240x128xf32, #tpu.memory_space<vmem_shared>> -> memref<64x128xf32, #tpu.memory_space<vmem_shared>>
        %dma_start3A_60 = arith.constant 0 : i32
        %dma_start3A_61 = tpu.memref_slice %arg20[%add3A_58, %dma_start3A_60] : memref<10240x128xf32, #tpu.memory_space<vmem_shared>> -> memref<64x128xf32, #tpu.memory_space<vmem_shared>>
        tpu.enqueue_dma source(%arg13 : memref<64x128xf32, #tpu.memory_space<vmem>>) target(%dma_start3A_61 : memref<64x128xf32, #tpu.memory_space<vmem_shared>>) target_semaphore(%run_scoped3A : memref<!tpu.dma_semaphore, #tpu.memory_space<semaphore_mem>>)
        %dma_wait3A_62 = arith.constant 0 : i32
        %dma_wait3A_63 = tpu.memref_slice %arg20[%add3A_58, %dma_wait3A_62] : memref<10240x128xf32, #tpu.memory_space<vmem_shared>> -> memref<64x128xf32, #tpu.memory_space<vmem_shared>>
        %dma_wait3A_64 = arith.constant 0 : i32
        %dma_wait3A_65 = tpu.memref_slice %arg20[%add3A_58, %dma_wait3A_64] : memref<10240x128xf32, #tpu.memory_space<vmem_shared>> -> memref<64x128xf32, #tpu.memory_space<vmem_shared>>
        tpu.wait_dma2 semaphore(%run_scoped3A : memref<!tpu.dma_semaphore, #tpu.memory_space<semaphore_mem>>) src(%arg13 : memref<64x128xf32, #tpu.memory_space<vmem>>) dst(%dma_wait3A_65 : memref<64x128xf32, #tpu.memory_space<vmem_shared>>)
        tpu.yield
      }) : () -> ()
      "tpu.region"() ({
        %run_scoped3A = tpu.sem_alloc : memref<!tpu.dma_semaphore, #tpu.memory_space<semaphore_mem>>
        %dma_start3A = arith.constant 0 : i32
        %dma_start3A_59 = tpu.memref_slice %arg21[%add3A_58, %dma_start3A] : memref<10240x16xf32, #tpu.memory_space<vmem_shared>> -> memref<64x16xf32, #tpu.memory_space<vmem_shared>>
        %dma_start3A_60 = arith.constant 0 : i32
        %dma_start3A_61 = tpu.memref_slice %arg21[%add3A_58, %dma_start3A_60] : memref<10240x16xf32, #tpu.memory_space<vmem_shared>> -> memref<64x16xf32, #tpu.memory_space<vmem_shared>>
        tpu.enqueue_dma source(%arg14 : memref<64x16xf32, #tpu.memory_space<vmem>>) target(%dma_start3A_61 : memref<64x16xf32, #tpu.memory_space<vmem_shared>>) target_semaphore(%run_scoped3A : memref<!tpu.dma_semaphore, #tpu.memory_space<semaphore_mem>>)
        %dma_wait3A_62 = arith.constant 0 : i32
        %dma_wait3A_63 = tpu.memref_slice %arg21[%add3A_58, %dma_wait3A_62] : memref<10240x16xf32, #tpu.memory_space<vmem_shared>> -> memref<64x16xf32, #tpu.memory_space<vmem_shared>>
        %dma_wait3A_64 = arith.constant 0 : i32
        %dma_wait3A_65 = tpu.memref_slice %arg21[%add3A_58, %dma_wait3A_64] : memref<10240x16xf32, #tpu.memory_space<vmem_shared>> -> memref<64x16xf32, #tpu.memory_space<vmem_shared>>
        tpu.wait_dma2 semaphore(%run_scoped3A : memref<!tpu.dma_semaphore, #tpu.memory_space<semaphore_mem>>) src(%arg14 : memref<64x16xf32, #tpu.memory_space<vmem>>) dst(%dma_wait3A_65 : memref<64x16xf32, #tpu.memory_space<vmem_shared>>)
        tpu.yield
      }) : () -> ()
    }
    %scan3A_8 = arith.constant 10 : i32
    %barrier3A = arith.constant 0 : index
    tpu.barrier barrier_id(%barrier3A)
    %iota3A = tpu.iota {dimensions = array<i32: 0>} : vector<16xi32>
    %broadcast_in_dim3A_9 = arith.constant 0 : i32
    %broadcast_in_dim3A_10 = vector.broadcast %broadcast_in_dim3A_9 : i32 to vector<16xi32>
    %scan3A_11 = arith.constant 0 : i32
    %scan3A_12 = arith.constant 0 : i32
    %scan3A_13 = arith.constant 81 : i32
    %scan3A_14 = arith.addi %scan3A_12, %scan3A_13 : i32
    %scan3A_15 = arith.constant 1 : i32
    scf.for %scan3A_53 = %scan3A_12 to %scan3A_14 step %scan3A_15  : i32 {
      %mul3A_54 = arith.constant 10368 : i32
      %mul3A_55 = arith.muli %add3A, %mul3A_54 : i32
      %mul3A_56 = arith.constant 2 : i32
      %mul3A_57 = arith.muli %scan3A_53, %mul3A_56 : i32
      %add3A_58 = arith.constant 0 : i32
      %add3A_59 = arith.addi %mul3A_57, %add3A_58 : i32
      %mul3A_60 = arith.constant 64 : i32
      %mul3A_61 = arith.muli %add3A_59, %mul3A_60 : i32
      %add3A_62 = arith.addi %mul3A_55, %mul3A_61 : i32
      %gt3A = arith.constant 0 : i32
      %gt3A_63 = arith.cmpi sgt, %scan3A_53, %gt3A : i32
      %convert_element_type3A = arith.extui %gt3A_63 : i1 to i32
      %cond3A = arith.constant 0 : i32
      %cond3A_64 = arith.cmpi ne, %convert_element_type3A, %cond3A : i32
      scf.if %cond3A_64 {
        %dma_wait3A_262 = arith.constant 0 : i32
        %dma_wait3A_263 = arith.constant 0 : i32
        %dma_wait3A_264 = tpu.memref_slice %arg6[%dma_wait3A_262, %dma_wait3A_263] : memref<10240x128xf32, #tpu.memory_space<hbm>> -> memref<64x128xf32, #tpu.memory_space<hbm>>
        %dma_wait3A_265 = arith.constant 0 : i32
        %dma_wait3A_266 = arith.constant 0 : i32
        %dma_wait3A_267 = tpu.memref_slice %arg6[%dma_wait3A_265, %dma_wait3A_266] : memref<10240x128xf32, #tpu.memory_space<hbm>> -> memref<64x128xf32, #tpu.memory_space<hbm>>
        tpu.wait_dma2 semaphore(%arg24 : memref<!tpu.dma_semaphore, #tpu.memory_space<semaphore_mem>>) src(%dma_wait3A_267 : memref<64x128xf32, #tpu.memory_space<hbm>>) dst(%arg13 : memref<64x128xf32, #tpu.memory_space<vmem>>)
        %dma_wait3A_268 = arith.constant 0 : i32
        %dma_wait3A_269 = arith.constant 0 : i32
        %dma_wait3A_270 = arith.constant 0 : i32
        %dma_wait3A_271 = tpu.memref_slice %arg8[%dma_wait3A_268, %dma_wait3A_269, %dma_wait3A_270] : memref<2x10240x16xf32, #tpu.memory_space<hbm>> -> memref<1x64x16xf32, #tpu.memory_space<hbm>>
        %dma_wait3A_272 = tpu.memref_squeeze %dma_wait3A_271 : memref<1x64x16xf32, #tpu.memory_space<hbm>> -> memref<64x16xf32, #tpu.memory_space<hbm>>
        %dma_wait3A_273 = arith.constant 0 : i32
        %dma_wait3A_274 = arith.constant 0 : i32
        %dma_wait3A_275 = tpu.memref_slice %arg8[%dma_wait3A_268, %dma_wait3A_273, %dma_wait3A_274] : memref<2x10240x16xf32, #tpu.memory_space<hbm>> -> memref<1x64x16xf32, #tpu.memory_space<hbm>>
        %dma_wait3A_276 = tpu.memref_squeeze %dma_wait3A_275 : memref<1x64x16xf32, #tpu.memory_space<hbm>> -> memref<64x16xf32, #tpu.memory_space<hbm>>
        tpu.wait_dma2 semaphore(%arg24 : memref<!tpu.dma_semaphore, #tpu.memory_space<semaphore_mem>>) src(%dma_wait3A_276 : memref<64x16xf32, #tpu.memory_space<hbm>>) dst(%arg14 : memref<64x16xf32, #tpu.memory_space<vmem>>)
      } else {
      }
      "tpu.region"() ({
        %run_scoped3A = tpu.sem_alloc : memref<!tpu.dma_semaphore, #tpu.memory_space<semaphore_mem>>
        %dma_start3A_262 = tpu.memref_slice %arg2[%add3A_62] : memref<331776xi32, #tpu.memory_space<hbm>> -> memref<64xi32, #tpu.memory_space<hbm>>
        %dma_start3A_263 = tpu.memref_slice %arg2[%add3A_62] : memref<331776xi32, #tpu.memory_space<hbm>> -> memref<64xi32, #tpu.memory_space<hbm>>
        tpu.enqueue_dma source(%dma_start3A_263 : memref<64xi32, #tpu.memory_space<hbm>>) target(%arg11 : memref<64xi32, #tpu.memory_space<vmem>>) target_semaphore(%run_scoped3A : memref<!tpu.dma_semaphore, #tpu.memory_space<semaphore_mem>>)
        %dma_wait3A_264 = tpu.memref_slice %arg2[%add3A_62] : memref<331776xi32, #tpu.memory_space<hbm>> -> memref<64xi32, #tpu.memory_space<hbm>>
        %dma_wait3A_265 = tpu.memref_slice %arg2[%add3A_62] : memref<331776xi32, #tpu.memory_space<hbm>> -> memref<64xi32, #tpu.memory_space<hbm>>
        tpu.wait_dma2 semaphore(%run_scoped3A : memref<!tpu.dma_semaphore, #tpu.memory_space<semaphore_mem>>) src(%dma_wait3A_265 : memref<64xi32, #tpu.memory_space<hbm>>) dst(%arg11 : memref<64xi32, #tpu.memory_space<vmem>>)
        tpu.yield
      }) : () -> ()
      "tpu.region"() ({
        %run_scoped3A = tpu.sem_alloc : memref<!tpu.dma_semaphore, #tpu.memory_space<semaphore_mem>>
        %dma_start3A_262 = tpu.memref_slice %arg3[%add3A_62] : memref<331776xi32, #tpu.memory_space<hbm>> -> memref<64xi32, #tpu.memory_space<hbm>>
        %dma_start3A_263 = tpu.memref_slice %arg3[%add3A_62] : memref<331776xi32, #tpu.memory_space<hbm>> -> memref<64xi32, #tpu.memory_space<hbm>>
        tpu.enqueue_dma source(%dma_start3A_263 : memref<64xi32, #tpu.memory_space<hbm>>) target(%arg12 : memref<64xi32, #tpu.memory_space<vmem>>) target_semaphore(%run_scoped3A : memref<!tpu.dma_semaphore, #tpu.memory_space<semaphore_mem>>)
        %dma_wait3A_264 = tpu.memref_slice %arg3[%add3A_62] : memref<331776xi32, #tpu.memory_space<hbm>> -> memref<64xi32, #tpu.memory_space<hbm>>
        %dma_wait3A_265 = tpu.memref_slice %arg3[%add3A_62] : memref<331776xi32, #tpu.memory_space<hbm>> -> memref<64xi32, #tpu.memory_space<hbm>>
        tpu.wait_dma2 semaphore(%run_scoped3A : memref<!tpu.dma_semaphore, #tpu.memory_space<semaphore_mem>>) src(%dma_wait3A_265 : memref<64xi32, #tpu.memory_space<hbm>>) dst(%arg12 : memref<64xi32, #tpu.memory_space<vmem>>)
        tpu.yield
      }) : () -> ()
      %dma_start3A = arith.constant 0 : i32
      %dma_start3A_65 = arith.constant 0 : i32
      %dma_start3A_66 = tpu.memref_slice %arg6[%dma_start3A, %dma_start3A_65] : memref<10240x128xf32, #tpu.memory_space<hbm>> -> memref<10240x128xf32, #tpu.memory_space<hbm>>
      tpu.enqueue_indirect_dma source(%dma_start3A_66 : memref<10240x128xf32, #tpu.memory_space<hbm>>) target(%arg13 : memref<64x128xf32, #tpu.memory_space<vmem>>) offsets(%arg11 : memref<64xi32, #tpu.memory_space<vmem>>) semaphore(%arg22 : memref<!tpu.dma_semaphore, #tpu.memory_space<semaphore_mem>>)
      %mul3A_67 = arith.constant 10368 : i32
      %mul3A_68 = arith.muli %add3A, %mul3A_67 : i32
      %mul3A_69 = arith.constant 2 : i32
      %mul3A_70 = arith.muli %scan3A_53, %mul3A_69 : i32
      %add3A_71 = arith.constant 1 : i32
      %add3A_72 = arith.addi %mul3A_70, %add3A_71 : i32
      %mul3A_73 = arith.constant 64 : i32
      %mul3A_74 = arith.muli %add3A_72, %mul3A_73 : i32
      %add3A_75 = arith.addi %mul3A_68, %mul3A_74 : i32
      %gt3A_76 = arith.constant 0 : i32
      %gt3A_77 = arith.cmpi sgt, %scan3A_53, %gt3A_76 : i32
      %convert_element_type3A_78 = arith.extui %gt3A_77 : i1 to i32
      %cond3A_79 = arith.constant 0 : i32
      %cond3A_80 = arith.cmpi ne, %convert_element_type3A_78, %cond3A_79 : i32
      scf.if %cond3A_80 {
        %dma_wait3A_262 = arith.constant 0 : i32
        %dma_wait3A_263 = arith.constant 0 : i32
        %dma_wait3A_264 = tpu.memref_slice %arg6[%dma_wait3A_262, %dma_wait3A_263] : memref<10240x128xf32, #tpu.memory_space<hbm>> -> memref<64x128xf32, #tpu.memory_space<hbm>>
        %dma_wait3A_265 = arith.constant 0 : i32
        %dma_wait3A_266 = arith.constant 0 : i32
        %dma_wait3A_267 = tpu.memref_slice %arg6[%dma_wait3A_265, %dma_wait3A_266] : memref<10240x128xf32, #tpu.memory_space<hbm>> -> memref<64x128xf32, #tpu.memory_space<hbm>>
        tpu.wait_dma2 semaphore(%arg25 : memref<!tpu.dma_semaphore, #tpu.memory_space<semaphore_mem>>) src(%dma_wait3A_267 : memref<64x128xf32, #tpu.memory_space<hbm>>) dst(%arg17 : memref<64x128xf32, #tpu.memory_space<vmem>>)
        %dma_wait3A_268 = arith.constant 0 : i32
        %dma_wait3A_269 = arith.constant 0 : i32
        %dma_wait3A_270 = arith.constant 0 : i32
        %dma_wait3A_271 = tpu.memref_slice %arg8[%dma_wait3A_268, %dma_wait3A_269, %dma_wait3A_270] : memref<2x10240x16xf32, #tpu.memory_space<hbm>> -> memref<1x64x16xf32, #tpu.memory_space<hbm>>
        %dma_wait3A_272 = tpu.memref_squeeze %dma_wait3A_271 : memref<1x64x16xf32, #tpu.memory_space<hbm>> -> memref<64x16xf32, #tpu.memory_space<hbm>>
        %dma_wait3A_273 = arith.constant 0 : i32
        %dma_wait3A_274 = arith.constant 0 : i32
        %dma_wait3A_275 = tpu.memref_slice %arg8[%dma_wait3A_268, %dma_wait3A_273, %dma_wait3A_274] : memref<2x10240x16xf32, #tpu.memory_space<hbm>> -> memref<1x64x16xf32, #tpu.memory_space<hbm>>
        %dma_wait3A_276 = tpu.memref_squeeze %dma_wait3A_275 : memref<1x64x16xf32, #tpu.memory_space<hbm>> -> memref<64x16xf32, #tpu.memory_space<hbm>>
        tpu.wait_dma2 semaphore(%arg25 : memref<!tpu.dma_semaphore, #tpu.memory_space<semaphore_mem>>) src(%dma_wait3A_276 : memref<64x16xf32, #tpu.memory_space<hbm>>) dst(%arg18 : memref<64x16xf32, #tpu.memory_space<vmem>>)
      } else {
      }
      "tpu.region"() ({
        %run_scoped3A = tpu.sem_alloc : memref<!tpu.dma_semaphore, #tpu.memory_space<semaphore_mem>>
        %dma_start3A_262 = tpu.memref_slice %arg2[%add3A_75] : memref<331776xi32, #tpu.memory_space<hbm>> -> memref<64xi32, #tpu.memory_space<hbm>>
        %dma_start3A_263 = tpu.memref_slice %arg2[%add3A_75] : memref<331776xi32, #tpu.memory_space<hbm>> -> memref<64xi32, #tpu.memory_space<hbm>>
        tpu.enqueue_dma source(%dma_start3A_263 : memref<64xi32, #tpu.memory_space<hbm>>) target(%arg15 : memref<64xi32, #tpu.memory_space<vmem>>) target_semaphore(%run_scoped3A : memref<!tpu.dma_semaphore, #tpu.memory_space<semaphore_mem>>)
        %dma_wait3A_264 = tpu.memref_slice %arg2[%add3A_75] : memref<331776xi32, #tpu.memory_space<hbm>> -> memref<64xi32, #tpu.memory_space<hbm>>
        %dma_wait3A_265 = tpu.memref_slice %arg2[%add3A_75] : memref<331776xi32, #tpu.memory_space<hbm>> -> memref<64xi32, #tpu.memory_space<hbm>>
        tpu.wait_dma2 semaphore(%run_scoped3A : memref<!tpu.dma_semaphore, #tpu.memory_space<semaphore_mem>>) src(%dma_wait3A_265 : memref<64xi32, #tpu.memory_space<hbm>>) dst(%arg15 : memref<64xi32, #tpu.memory_space<vmem>>)
        tpu.yield
      }) : () -> ()
      "tpu.region"() ({
        %run_scoped3A = tpu.sem_alloc : memref<!tpu.dma_semaphore, #tpu.memory_space<semaphore_mem>>
        %dma_start3A_262 = tpu.memref_slice %arg3[%add3A_75] : memref<331776xi32, #tpu.memory_space<hbm>> -> memref<64xi32, #tpu.memory_space<hbm>>
        %dma_start3A_263 = tpu.memref_slice %arg3[%add3A_75] : memref<331776xi32, #tpu.memory_space<hbm>> -> memref<64xi32, #tpu.memory_space<hbm>>
        tpu.enqueue_dma source(%dma_start3A_263 : memref<64xi32, #tpu.memory_space<hbm>>) target(%arg16 : memref<64xi32, #tpu.memory_space<vmem>>) target_semaphore(%run_scoped3A : memref<!tpu.dma_semaphore, #tpu.memory_space<semaphore_mem>>)
        %dma_wait3A_264 = tpu.memref_slice %arg3[%add3A_75] : memref<331776xi32, #tpu.memory_space<hbm>> -> memref<64xi32, #tpu.memory_space<hbm>>
        %dma_wait3A_265 = tpu.memref_slice %arg3[%add3A_75] : memref<331776xi32, #tpu.memory_space<hbm>> -> memref<64xi32, #tpu.memory_space<hbm>>
        tpu.wait_dma2 semaphore(%run_scoped3A : memref<!tpu.dma_semaphore, #tpu.memory_space<semaphore_mem>>) src(%dma_wait3A_265 : memref<64xi32, #tpu.memory_space<hbm>>) dst(%arg16 : memref<64xi32, #tpu.memory_space<vmem>>)
        tpu.yield
      }) : () -> ()
      %dma_start3A_81 = arith.constant 0 : i32
      %dma_start3A_82 = arith.constant 0 : i32
      %dma_start3A_83 = tpu.memref_slice %arg6[%dma_start3A_81, %dma_start3A_82] : memref<10240x128xf32, #tpu.memory_space<hbm>> -> memref<10240x128xf32, #tpu.memory_space<hbm>>
      tpu.enqueue_indirect_dma source(%dma_start3A_83 : memref<10240x128xf32, #tpu.memory_space<hbm>>) target(%arg17 : memref<64x128xf32, #tpu.memory_space<vmem>>) offsets(%arg15 : memref<64xi32, #tpu.memory_space<vmem>>) semaphore(%arg23 : memref<!tpu.dma_semaphore, #tpu.memory_space<semaphore_mem>>)
      %get3A = arith.constant 0 : index
      %get3A_84 = tpu.vector_load %arg11[%get3A] {strides = array<i32>} : memref<64xi32, #tpu.memory_space<vmem>>, vector<16xi32>,
      %get3A_85 = arith.constant 0 : index
      %get3A_86 = tpu.vector_load %arg12[%get3A_85] {strides = array<i32>} : memref<64xi32, #tpu.memory_space<vmem>>, vector<16xi32>,
      %gather3A = tpu.vector_load_idx %arg9[%get3A_84] : memref<10008xf32, #tpu.memory_space<vmem>>[vector<16xi32>], vector<16xf32>,
      %gather3A_87 = tpu.vector_load_idx %arg10[%get3A_86] : memref<10008xf32, #tpu.memory_space<vmem>>[vector<16xi32>], vector<16xf32>,
      %add3A_88 = arith.addf %gather3A, %gather3A_87 : vector<16xf32>
      %ge3A = arith.constant 0.000000e+00 : f32
      %ge3A_89 = vector.broadcast %ge3A : f32 to vector<16xf32>
      %ge3A_90 = arith.cmpf oge, %add3A_88, %ge3A_89 : vector<16xf32>
      %mul3A_91 = arith.constant 2.000000e-01 : f32
      %mul3A_92 = vector.broadcast %mul3A_91 : f32 to vector<16xf32>
      %mul3A_93 = arith.mulf %add3A_88, %mul3A_92 : vector<16xf32>
      %select_n3A = arith.select %ge3A_90, %add3A_88, %mul3A_93 : vector<16xi1>, vector<16xf32>
      %exp3A = math.exp %select_n3A : vector<16xf32>
      %swap3A = arith.constant 0 : index
      %swap3A_94 = tpu.vector_load %arg19[%swap3A] {strides = array<i32>} : memref<64xf32, #tpu.memory_space<vmem>>, vector<16xf32>,
      tpu.vector_store %arg19[%swap3A], %exp3A {strides = array<i32>} : memref<64xf32, #tpu.memory_space<vmem>>, vector<16xf32>,
      %add3A_95 = arith.constant 0 : i32
      %add3A_96 = vector.broadcast %add3A_95 : i32 to vector<16xi32>
      %add3A_97 = arith.addi %iota3A, %add3A_96 : vector<16xi32>
      tpu.vector_store_idx %arg14[%add3A_97, %broadcast_in_dim3A_10], %exp3A : memref<64x16xf32, #tpu.memory_space<vmem>>[vector<16xi32>, vector<16xi32>], vector<16xf32>,
      %get3A_98 = arith.constant 16 : index
      %get3A_99 = tpu.vector_load %arg11[%get3A_98] {strides = array<i32>} : memref<64xi32, #tpu.memory_space<vmem>>, vector<16xi32>,
      %get3A_100 = arith.constant 16 : index
      %get3A_101 = tpu.vector_load %arg12[%get3A_100] {strides = array<i32>} : memref<64xi32, #tpu.memory_space<vmem>>, vector<16xi32>,
      %gather3A_102 = tpu.vector_load_idx %arg9[%get3A_99] : memref<10008xf32, #tpu.memory_space<vmem>>[vector<16xi32>], vector<16xf32>,
      %gather3A_103 = tpu.vector_load_idx %arg10[%get3A_101] : memref<10008xf32, #tpu.memory_space<vmem>>[vector<16xi32>], vector<16xf32>,
      %add3A_104 = arith.addf %gather3A_102, %gather3A_103 : vector<16xf32>
      %ge3A_105 = arith.constant 0.000000e+00 : f32
      %ge3A_106 = vector.broadcast %ge3A_105 : f32 to vector<16xf32>
      %ge3A_107 = arith.cmpf oge, %add3A_104, %ge3A_106 : vector<16xf32>
      %mul3A_108 = arith.constant 2.000000e-01 : f32
      %mul3A_109 = vector.broadcast %mul3A_108 : f32 to vector<16xf32>
      %mul3A_110 = arith.mulf %add3A_104, %mul3A_109 : vector<16xf32>
      %select_n3A_111 = arith.select %ge3A_107, %add3A_104, %mul3A_110 : vector<16xi1>, vector<16xf32>
      %exp3A_112 = math.exp %select_n3A_111 : vector<16xf32>
      %swap3A_113 = arith.constant 16 : index
      %swap3A_114 = tpu.vector_load %arg19[%swap3A_113] {strides = array<i32>} : memref<64xf32, #tpu.memory_space<vmem>>, vector<16xf32>,
      tpu.vector_store %arg19[%swap3A_113], %exp3A_112 {strides = array<i32>} : memref<64xf32, #tpu.memory_space<vmem>>, vector<16xf32>,
      %add3A_115 = arith.constant 16 : i32
      %add3A_116 = vector.broadcast %add3A_115 : i32 to vector<16xi32>
      %add3A_117 = arith.addi %iota3A, %add3A_116 : vector<16xi32>
      tpu.vector_store_idx %arg14[%add3A_117, %broadcast_in_dim3A_10], %exp3A_112 : memref<64x16xf32, #tpu.memory_space<vmem>>[vector<16xi32>, vector<16xi32>], vector<16xf32>,
      %get3A_118 = arith.constant 32 : index
      %get3A_119 = tpu.vector_load %arg11[%get3A_118] {strides = array<i32>} : memref<64xi32, #tpu.memory_space<vmem>>, vector<16xi32>,
      %get3A_120 = arith.constant 32 : index
      %get3A_121 = tpu.vector_load %arg12[%get3A_120] {strides = array<i32>} : memref<64xi32, #tpu.memory_space<vmem>>, vector<16xi32>,
      %gather3A_122 = tpu.vector_load_idx %arg9[%get3A_119] : memref<10008xf32, #tpu.memory_space<vmem>>[vector<16xi32>], vector<16xf32>,
      %gather3A_123 = tpu.vector_load_idx %arg10[%get3A_121] : memref<10008xf32, #tpu.memory_space<vmem>>[vector<16xi32>], vector<16xf32>,
      %add3A_124 = arith.addf %gather3A_122, %gather3A_123 : vector<16xf32>
      %ge3A_125 = arith.constant 0.000000e+00 : f32
      %ge3A_126 = vector.broadcast %ge3A_125 : f32 to vector<16xf32>
      %ge3A_127 = arith.cmpf oge, %add3A_124, %ge3A_126 : vector<16xf32>
      %mul3A_128 = arith.constant 2.000000e-01 : f32
      %mul3A_129 = vector.broadcast %mul3A_128 : f32 to vector<16xf32>
      %mul3A_130 = arith.mulf %add3A_124, %mul3A_129 : vector<16xf32>
      %select_n3A_131 = arith.select %ge3A_127, %add3A_124, %mul3A_130 : vector<16xi1>, vector<16xf32>
      %exp3A_132 = math.exp %select_n3A_131 : vector<16xf32>
      %swap3A_133 = arith.constant 32 : index
      %swap3A_134 = tpu.vector_load %arg19[%swap3A_133] {strides = array<i32>} : memref<64xf32, #tpu.memory_space<vmem>>, vector<16xf32>,
      tpu.vector_store %arg19[%swap3A_133], %exp3A_132 {strides = array<i32>} : memref<64xf32, #tpu.memory_space<vmem>>, vector<16xf32>,
      %add3A_135 = arith.constant 32 : i32
      %add3A_136 = vector.broadcast %add3A_135 : i32 to vector<16xi32>
      %add3A_137 = arith.addi %iota3A, %add3A_136 : vector<16xi32>
      tpu.vector_store_idx %arg14[%add3A_137, %broadcast_in_dim3A_10], %exp3A_132 : memref<64x16xf32, #tpu.memory_space<vmem>>[vector<16xi32>, vector<16xi32>], vector<16xf32>,
      %get3A_138 = arith.constant 48 : index
      %get3A_139 = tpu.vector_load %arg11[%get3A_138] {strides = array<i32>} : memref<64xi32, #tpu.memory_space<vmem>>, vector<16xi32>,
      %get3A_140 = arith.constant 48 : index
      %get3A_141 = tpu.vector_load %arg12[%get3A_140] {strides = array<i32>} : memref<64xi32, #tpu.memory_space<vmem>>, vector<16xi32>,
      %gather3A_142 = tpu.vector_load_idx %arg9[%get3A_139] : memref<10008xf32, #tpu.memory_space<vmem>>[vector<16xi32>], vector<16xf32>,
      %gather3A_143 = tpu.vector_load_idx %arg10[%get3A_141] : memref<10008xf32, #tpu.memory_space<vmem>>[vector<16xi32>], vector<16xf32>,
      %add3A_144 = arith.addf %gather3A_142, %gather3A_143 : vector<16xf32>
      %ge3A_145 = arith.constant 0.000000e+00 : f32
      %ge3A_146 = vector.broadcast %ge3A_145 : f32 to vector<16xf32>
      %ge3A_147 = arith.cmpf oge, %add3A_144, %ge3A_146 : vector<16xf32>
      %mul3A_148 = arith.constant 2.000000e-01 : f32
      %mul3A_149 = vector.broadcast %mul3A_148 : f32 to vector<16xf32>
      %mul3A_150 = arith.mulf %add3A_144, %mul3A_149 : vector<16xf32>
      %select_n3A_151 = arith.select %ge3A_147, %add3A_144, %mul3A_150 : vector<16xi1>, vector<16xf32>
      %exp3A_152 = math.exp %select_n3A_151 : vector<16xf32>
      %swap3A_153 = arith.constant 48 : index
      %swap3A_154 = tpu.vector_load %arg19[%swap3A_153] {strides = array<i32>} : memref<64xf32, #tpu.memory_space<vmem>>, vector<16xf32>,
      tpu.vector_store %arg19[%swap3A_153], %exp3A_152 {strides = array<i32>} : memref<64xf32, #tpu.memory_space<vmem>>, vector<16xf32>,
      %add3A_155 = arith.constant 48 : i32
      %add3A_156 = vector.broadcast %add3A_155 : i32 to vector<16xi32>
      %add3A_157 = arith.addi %iota3A, %add3A_156 : vector<16xi32>
      tpu.vector_store_idx %arg14[%add3A_157, %broadcast_in_dim3A_10], %exp3A_152 : memref<64x16xf32, #tpu.memory_space<vmem>>[vector<16xi32>, vector<16xi32>], vector<16xf32>,
      %dma_wait3A_158 = arith.constant 0 : i32
      %dma_wait3A_159 = arith.constant 0 : i32
      %dma_wait3A_160 = tpu.memref_slice %arg6[%dma_wait3A_158, %dma_wait3A_159] : memref<10240x128xf32, #tpu.memory_space<hbm>> -> memref<10240x128xf32, #tpu.memory_space<hbm>>
      tpu.wait_indirect_dma semaphore(%arg22 : memref<!tpu.dma_semaphore, #tpu.memory_space<semaphore_mem>>) src(%dma_wait3A_160 : memref<10240x128xf32, #tpu.memory_space<hbm>>) dst(%arg13 : memref<64x128xf32, #tpu.memory_space<vmem>>)
      %parallel_loop3A_161 = arith.constant 0 : i32
      %parallel_loop3A_162 = arith.constant 64 : i32
      %parallel_loop3A_163 = arith.constant 1 : i32
      scf.for %parallel_loop3A_262 = %parallel_loop3A_161 to %parallel_loop3A_162 step %parallel_loop3A_163  : i32 {
        %parallel_loop3A_263 = vector.broadcast %parallel_loop3A_262 : i32 to vector<16xi32>
        %parallel_loop3A_264 = tpu.vector_load_idx %arg19[%parallel_loop3A_263] : memref<64xf32, #tpu.memory_space<vmem>>[vector<16xi32>], vector<16xf32>,
        %parallel_loop3A_265 = arith.index_cast %parallel_loop3A_262 : i32 to index
        %parallel_loop3A_266 = arith.constant 0 : index
        %parallel_loop3A_267 = tpu.vector_load %arg13[%parallel_loop3A_265, %parallel_loop3A_266] {strides = array<i32>} : memref<64x128xf32, #tpu.memory_space<vmem>>, vector<16xf32>,
        %parallel_loop3A_268 = arith.mulf %parallel_loop3A_267, %parallel_loop3A_264 : vector<16xf32>
        %parallel_loop3A_269 = arith.index_cast %parallel_loop3A_262 : i32 to index
        %parallel_loop3A_270 = arith.constant 0 : index
        %parallel_loop3A_271 = tpu.vector_load %arg13[%parallel_loop3A_269, %parallel_loop3A_270] {strides = array<i32>} : memref<64x128xf32, #tpu.memory_space<vmem>>, vector<16xf32>,
        tpu.vector_store %arg13[%parallel_loop3A_269, %parallel_loop3A_270], %parallel_loop3A_268 {strides = array<i32>} : memref<64x128xf32, #tpu.memory_space<vmem>>, vector<16xf32>,
        %parallel_loop3A_272 = arith.index_cast %parallel_loop3A_262 : i32 to index
        %parallel_loop3A_273 = arith.constant 16 : index
        %parallel_loop3A_274 = tpu.vector_load %arg13[%parallel_loop3A_272, %parallel_loop3A_273] {strides = array<i32>} : memref<64x128xf32, #tpu.memory_space<vmem>>, vector<16xf32>,
        %parallel_loop3A_275 = arith.mulf %parallel_loop3A_274, %parallel_loop3A_264 : vector<16xf32>
        %parallel_loop3A_276 = arith.index_cast %parallel_loop3A_262 : i32 to index
        %parallel_loop3A_277 = arith.constant 16 : index
        %parallel_loop3A_278 = tpu.vector_load %arg13[%parallel_loop3A_276, %parallel_loop3A_277] {strides = array<i32>} : memref<64x128xf32, #tpu.memory_space<vmem>>, vector<16xf32>,
        tpu.vector_store %arg13[%parallel_loop3A_276, %parallel_loop3A_277], %parallel_loop3A_275 {strides = array<i32>} : memref<64x128xf32, #tpu.memory_space<vmem>>, vector<16xf32>,
        %parallel_loop3A_279 = arith.index_cast %parallel_loop3A_262 : i32 to index
        %parallel_loop3A_280 = arith.constant 32 : index
        %parallel_loop3A_281 = tpu.vector_load %arg13[%parallel_loop3A_279, %parallel_loop3A_280] {strides = array<i32>} : memref<64x128xf32, #tpu.memory_space<vmem>>, vector<16xf32>,
        %parallel_loop3A_282 = arith.mulf %parallel_loop3A_281, %parallel_loop3A_264 : vector<16xf32>
        %parallel_loop3A_283 = arith.index_cast %parallel_loop3A_262 : i32 to index
        %parallel_loop3A_284 = arith.constant 32 : index
        %parallel_loop3A_285 = tpu.vector_load %arg13[%parallel_loop3A_283, %parallel_loop3A_284] {strides = array<i32>} : memref<64x128xf32, #tpu.memory_space<vmem>>, vector<16xf32>,
        tpu.vector_store %arg13[%parallel_loop3A_283, %parallel_loop3A_284], %parallel_loop3A_282 {strides = array<i32>} : memref<64x128xf32, #tpu.memory_space<vmem>>, vector<16xf32>,
        %parallel_loop3A_286 = arith.index_cast %parallel_loop3A_262 : i32 to index
        %parallel_loop3A_287 = arith.constant 48 : index
        %parallel_loop3A_288 = tpu.vector_load %arg13[%parallel_loop3A_286, %parallel_loop3A_287] {strides = array<i32>} : memref<64x128xf32, #tpu.memory_space<vmem>>, vector<16xf32>,
        %parallel_loop3A_289 = arith.mulf %parallel_loop3A_288, %parallel_loop3A_264 : vector<16xf32>
        %parallel_loop3A_290 = arith.index_cast %parallel_loop3A_262 : i32 to index
        %parallel_loop3A_291 = arith.constant 48 : index
        %parallel_loop3A_292 = tpu.vector_load %arg13[%parallel_loop3A_290, %parallel_loop3A_291] {strides = array<i32>} : memref<64x128xf32, #tpu.memory_space<vmem>>, vector<16xf32>,
        tpu.vector_store %arg13[%parallel_loop3A_290, %parallel_loop3A_291], %parallel_loop3A_289 {strides = array<i32>} : memref<64x128xf32, #tpu.memory_space<vmem>>, vector<16xf32>,
        %parallel_loop3A_293 = arith.index_cast %parallel_loop3A_262 : i32 to index
        %parallel_loop3A_294 = arith.constant 64 : index
        %parallel_loop3A_295 = tpu.vector_load %arg13[%parallel_loop3A_293, %parallel_loop3A_294] {strides = array<i32>} : memref<64x128xf32, #tpu.memory_space<vmem>>, vector<16xf32>,
        %parallel_loop3A_296 = arith.mulf %parallel_loop3A_295, %parallel_loop3A_264 : vector<16xf32>
        %parallel_loop3A_297 = arith.index_cast %parallel_loop3A_262 : i32 to index
        %parallel_loop3A_298 = arith.constant 64 : index
        %parallel_loop3A_299 = tpu.vector_load %arg13[%parallel_loop3A_297, %parallel_loop3A_298] {strides = array<i32>} : memref<64x128xf32, #tpu.memory_space<vmem>>, vector<16xf32>,
        tpu.vector_store %arg13[%parallel_loop3A_297, %parallel_loop3A_298], %parallel_loop3A_296 {strides = array<i32>} : memref<64x128xf32, #tpu.memory_space<vmem>>, vector<16xf32>,
        %parallel_loop3A_300 = arith.index_cast %parallel_loop3A_262 : i32 to index
        %parallel_loop3A_301 = arith.constant 80 : index
        %parallel_loop3A_302 = tpu.vector_load %arg13[%parallel_loop3A_300, %parallel_loop3A_301] {strides = array<i32>} : memref<64x128xf32, #tpu.memory_space<vmem>>, vector<16xf32>,
        %parallel_loop3A_303 = arith.mulf %parallel_loop3A_302, %parallel_loop3A_264 : vector<16xf32>
        %parallel_loop3A_304 = arith.index_cast %parallel_loop3A_262 : i32 to index
        %parallel_loop3A_305 = arith.constant 80 : index
        %parallel_loop3A_306 = tpu.vector_load %arg13[%parallel_loop3A_304, %parallel_loop3A_305] {strides = array<i32>} : memref<64x128xf32, #tpu.memory_space<vmem>>, vector<16xf32>,
        tpu.vector_store %arg13[%parallel_loop3A_304, %parallel_loop3A_305], %parallel_loop3A_303 {strides = array<i32>} : memref<64x128xf32, #tpu.memory_space<vmem>>, vector<16xf32>,
        %parallel_loop3A_307 = arith.index_cast %parallel_loop3A_262 : i32 to index
        %parallel_loop3A_308 = arith.constant 96 : index
        %parallel_loop3A_309 = tpu.vector_load %arg13[%parallel_loop3A_307, %parallel_loop3A_308] {strides = array<i32>} : memref<64x128xf32, #tpu.memory_space<vmem>>, vector<16xf32>,
        %parallel_loop3A_310 = arith.mulf %parallel_loop3A_309, %parallel_loop3A_264 : vector<16xf32>
        %parallel_loop3A_311 = arith.index_cast %parallel_loop3A_262 : i32 to index
        %parallel_loop3A_312 = arith.constant 96 : index
        %parallel_loop3A_313 = tpu.vector_load %arg13[%parallel_loop3A_311, %parallel_loop3A_312] {strides = array<i32>} : memref<64x128xf32, #tpu.memory_space<vmem>>, vector<16xf32>,
        tpu.vector_store %arg13[%parallel_loop3A_311, %parallel_loop3A_312], %parallel_loop3A_310 {strides = array<i32>} : memref<64x128xf32, #tpu.memory_space<vmem>>, vector<16xf32>,
        %parallel_loop3A_314 = arith.index_cast %parallel_loop3A_262 : i32 to index
        %parallel_loop3A_315 = arith.constant 112 : index
        %parallel_loop3A_316 = tpu.vector_load %arg13[%parallel_loop3A_314, %parallel_loop3A_315] {strides = array<i32>} : memref<64x128xf32, #tpu.memory_space<vmem>>, vector<16xf32>,
        %parallel_loop3A_317 = arith.mulf %parallel_loop3A_316, %parallel_loop3A_264 : vector<16xf32>
        %parallel_loop3A_318 = arith.index_cast %parallel_loop3A_262 : i32 to index
        %parallel_loop3A_319 = arith.constant 112 : index
        %parallel_loop3A_320 = tpu.vector_load %arg13[%parallel_loop3A_318, %parallel_loop3A_319] {strides = array<i32>} : memref<64x128xf32, #tpu.memory_space<vmem>>, vector<16xf32>,
        tpu.vector_store %arg13[%parallel_loop3A_318, %parallel_loop3A_319], %parallel_loop3A_317 {strides = array<i32>} : memref<64x128xf32, #tpu.memory_space<vmem>>, vector<16xf32>,
      } {sc.loop_unroll_factor = 4 : i64, sc.parallel_access}
      %dma_start3A_164 = arith.constant 0 : i32
      %dma_start3A_165 = arith.constant 0 : i32
      %dma_start3A_166 = tpu.memref_slice %arg20[%dma_start3A_164, %dma_start3A_165] : memref<10240x128xf32, #tpu.memory_space<vmem_shared>> -> memref<10240x128xf32, #tpu.memory_space<vmem_shared>>
      tpu.enqueue_indirect_dma source(%arg13 : memref<64x128xf32, #tpu.memory_space<vmem>>) target(%dma_start3A_166 : memref<10240x128xf32, #tpu.memory_space<vmem_shared>>) offsets(%arg12 : memref<64xi32, #tpu.memory_space<vmem>>) semaphore(%arg24 : memref<!tpu.dma_semaphore, #tpu.memory_space<semaphore_mem>>) {add = true}
      %dma_start3A_167 = arith.constant 0 : i32
      %dma_start3A_168 = arith.constant 0 : i32
      %dma_start3A_169 = tpu.memref_slice %arg21[%dma_start3A_167, %dma_start3A_168] : memref<10240x16xf32, #tpu.memory_space<vmem_shared>> -> memref<10240x16xf32, #tpu.memory_space<vmem_shared>>
      tpu.enqueue_indirect_dma source(%arg14 : memref<64x16xf32, #tpu.memory_space<vmem>>) target(%dma_start3A_169 : memref<10240x16xf32, #tpu.memory_space<vmem_shared>>) offsets(%arg12 : memref<64xi32, #tpu.memory_space<vmem>>) semaphore(%arg24 : memref<!tpu.dma_semaphore, #tpu.memory_space<semaphore_mem>>) {add = true}
      %get3A_170 = arith.constant 0 : index
      %get3A_171 = tpu.vector_load %arg15[%get3A_170] {strides = array<i32>} : memref<64xi32, #tpu.memory_space<vmem>>, vector<16xi32>,
      %get3A_172 = arith.constant 0 : index
      %get3A_173 = tpu.vector_load %arg16[%get3A_172] {strides = array<i32>} : memref<64xi32, #tpu.memory_space<vmem>>, vector<16xi32>,
      %gather3A_174 = tpu.vector_load_idx %arg9[%get3A_171] : memref<10008xf32, #tpu.memory_space<vmem>>[vector<16xi32>], vector<16xf32>,
      %gather3A_175 = tpu.vector_load_idx %arg10[%get3A_173] : memref<10008xf32, #tpu.memory_space<vmem>>[vector<16xi32>], vector<16xf32>,
      %add3A_176 = arith.addf %gather3A_174, %gather3A_175 : vector<16xf32>
      %ge3A_177 = arith.constant 0.000000e+00 : f32
      %ge3A_178 = vector.broadcast %ge3A_177 : f32 to vector<16xf32>
      %ge3A_179 = arith.cmpf oge, %add3A_176, %ge3A_178 : vector<16xf32>
      %mul3A_180 = arith.constant 2.000000e-01 : f32
      %mul3A_181 = vector.broadcast %mul3A_180 : f32 to vector<16xf32>
      %mul3A_182 = arith.mulf %add3A_176, %mul3A_181 : vector<16xf32>
      %select_n3A_183 = arith.select %ge3A_179, %add3A_176, %mul3A_182 : vector<16xi1>, vector<16xf32>
      %exp3A_184 = math.exp %select_n3A_183 : vector<16xf32>
      %swap3A_185 = arith.constant 0 : index
      %swap3A_186 = tpu.vector_load %arg19[%swap3A_185] {strides = array<i32>} : memref<64xf32, #tpu.memory_space<vmem>>, vector<16xf32>,
      tpu.vector_store %arg19[%swap3A_185], %exp3A_184 {strides = array<i32>} : memref<64xf32, #tpu.memory_space<vmem>>, vector<16xf32>,
      %add3A_187 = arith.constant 0 : i32
      %add3A_188 = vector.broadcast %add3A_187 : i32 to vector<16xi32>
      %add3A_189 = arith.addi %iota3A, %add3A_188 : vector<16xi32>
      tpu.vector_store_idx %arg18[%add3A_189, %broadcast_in_dim3A_10], %exp3A_184 : memref<64x16xf32, #tpu.memory_space<vmem>>[vector<16xi32>, vector<16xi32>], vector<16xf32>,
      %get3A_190 = arith.constant 16 : index
      %get3A_191 = tpu.vector_load %arg15[%get3A_190] {strides = array<i32>} : memref<64xi32, #tpu.memory_space<vmem>>, vector<16xi32>,
      %get3A_192 = arith.constant 16 : index
      %get3A_193 = tpu.vector_load %arg16[%get3A_192] {strides = array<i32>} : memref<64xi32, #tpu.memory_space<vmem>>, vector<16xi32>,
      %gather3A_194 = tpu.vector_load_idx %arg9[%get3A_191] : memref<10008xf32, #tpu.memory_space<vmem>>[vector<16xi32>], vector<16xf32>,
      %gather3A_195 = tpu.vector_load_idx %arg10[%get3A_193] : memref<10008xf32, #tpu.memory_space<vmem>>[vector<16xi32>], vector<16xf32>,
      %add3A_196 = arith.addf %gather3A_194, %gather3A_195 : vector<16xf32>
      %ge3A_197 = arith.constant 0.000000e+00 : f32
      %ge3A_198 = vector.broadcast %ge3A_197 : f32 to vector<16xf32>
      %ge3A_199 = arith.cmpf oge, %add3A_196, %ge3A_198 : vector<16xf32>
      %mul3A_200 = arith.constant 2.000000e-01 : f32
      %mul3A_201 = vector.broadcast %mul3A_200 : f32 to vector<16xf32>
      %mul3A_202 = arith.mulf %add3A_196, %mul3A_201 : vector<16xf32>
      %select_n3A_203 = arith.select %ge3A_199, %add3A_196, %mul3A_202 : vector<16xi1>, vector<16xf32>
      %exp3A_204 = math.exp %select_n3A_203 : vector<16xf32>
      %swap3A_205 = arith.constant 16 : index
      %swap3A_206 = tpu.vector_load %arg19[%swap3A_205] {strides = array<i32>} : memref<64xf32, #tpu.memory_space<vmem>>, vector<16xf32>,
      tpu.vector_store %arg19[%swap3A_205], %exp3A_204 {strides = array<i32>} : memref<64xf32, #tpu.memory_space<vmem>>, vector<16xf32>,
      %add3A_207 = arith.constant 16 : i32
      %add3A_208 = vector.broadcast %add3A_207 : i32 to vector<16xi32>
      %add3A_209 = arith.addi %iota3A, %add3A_208 : vector<16xi32>
      tpu.vector_store_idx %arg18[%add3A_209, %broadcast_in_dim3A_10], %exp3A_204 : memref<64x16xf32, #tpu.memory_space<vmem>>[vector<16xi32>, vector<16xi32>], vector<16xf32>,
      %get3A_210 = arith.constant 32 : index
      %get3A_211 = tpu.vector_load %arg15[%get3A_210] {strides = array<i32>} : memref<64xi32, #tpu.memory_space<vmem>>, vector<16xi32>,
      %get3A_212 = arith.constant 32 : index
      %get3A_213 = tpu.vector_load %arg16[%get3A_212] {strides = array<i32>} : memref<64xi32, #tpu.memory_space<vmem>>, vector<16xi32>,
      %gather3A_214 = tpu.vector_load_idx %arg9[%get3A_211] : memref<10008xf32, #tpu.memory_space<vmem>>[vector<16xi32>], vector<16xf32>,
      %gather3A_215 = tpu.vector_load_idx %arg10[%get3A_213] : memref<10008xf32, #tpu.memory_space<vmem>>[vector<16xi32>], vector<16xf32>,
      %add3A_216 = arith.addf %gather3A_214, %gather3A_215 : vector<16xf32>
      %ge3A_217 = arith.constant 0.000000e+00 : f32
      %ge3A_218 = vector.broadcast %ge3A_217 : f32 to vector<16xf32>
      %ge3A_219 = arith.cmpf oge, %add3A_216, %ge3A_218 : vector<16xf32>
      %mul3A_220 = arith.constant 2.000000e-01 : f32
      %mul3A_221 = vector.broadcast %mul3A_220 : f32 to vector<16xf32>
      %mul3A_222 = arith.mulf %add3A_216, %mul3A_221 : vector<16xf32>
      %select_n3A_223 = arith.select %ge3A_219, %add3A_216, %mul3A_222 : vector<16xi1>, vector<16xf32>
      %exp3A_224 = math.exp %select_n3A_223 : vector<16xf32>
      %swap3A_225 = arith.constant 32 : index
      %swap3A_226 = tpu.vector_load %arg19[%swap3A_225] {strides = array<i32>} : memref<64xf32, #tpu.memory_space<vmem>>, vector<16xf32>,
      tpu.vector_store %arg19[%swap3A_225], %exp3A_224 {strides = array<i32>} : memref<64xf32, #tpu.memory_space<vmem>>, vector<16xf32>,
      %add3A_227 = arith.constant 32 : i32
      %add3A_228 = vector.broadcast %add3A_227 : i32 to vector<16xi32>
      %add3A_229 = arith.addi %iota3A, %add3A_228 : vector<16xi32>
      tpu.vector_store_idx %arg18[%add3A_229, %broadcast_in_dim3A_10], %exp3A_224 : memref<64x16xf32, #tpu.memory_space<vmem>>[vector<16xi32>, vector<16xi32>], vector<16xf32>,
      %get3A_230 = arith.constant 48 : index
      %get3A_231 = tpu.vector_load %arg15[%get3A_230] {strides = array<i32>} : memref<64xi32, #tpu.memory_space<vmem>>, vector<16xi32>,
      %get3A_232 = arith.constant 48 : index
      %get3A_233 = tpu.vector_load %arg16[%get3A_232] {strides = array<i32>} : memref<64xi32, #tpu.memory_space<vmem>>, vector<16xi32>,
      %gather3A_234 = tpu.vector_load_idx %arg9[%get3A_231] : memref<10008xf32, #tpu.memory_space<vmem>>[vector<16xi32>], vector<16xf32>,
      %gather3A_235 = tpu.vector_load_idx %arg10[%get3A_233] : memref<10008xf32, #tpu.memory_space<vmem>>[vector<16xi32>], vector<16xf32>,
      %add3A_236 = arith.addf %gather3A_234, %gather3A_235 : vector<16xf32>
      %ge3A_237 = arith.constant 0.000000e+00 : f32
      %ge3A_238 = vector.broadcast %ge3A_237 : f32 to vector<16xf32>
      %ge3A_239 = arith.cmpf oge, %add3A_236, %ge3A_238 : vector<16xf32>
      %mul3A_240 = arith.constant 2.000000e-01 : f32
      %mul3A_241 = vector.broadcast %mul3A_240 : f32 to vector<16xf32>
      %mul3A_242 = arith.mulf %add3A_236, %mul3A_241 : vector<16xf32>
      %select_n3A_243 = arith.select %ge3A_239, %add3A_236, %mul3A_242 : vector<16xi1>, vector<16xf32>
      %exp3A_244 = math.exp %select_n3A_243 : vector<16xf32>
      %swap3A_245 = arith.constant 48 : index
      %swap3A_246 = tpu.vector_load %arg19[%swap3A_245] {strides = array<i32>} : memref<64xf32, #tpu.memory_space<vmem>>, vector<16xf32>,
      tpu.vector_store %arg19[%swap3A_245], %exp3A_244 {strides = array<i32>} : memref<64xf32, #tpu.memory_space<vmem>>, vector<16xf32>,
      %add3A_247 = arith.constant 48 : i32
      %add3A_248 = vector.broadcast %add3A_247 : i32 to vector<16xi32>
      %add3A_249 = arith.addi %iota3A, %add3A_248 : vector<16xi32>
      tpu.vector_store_idx %arg18[%add3A_249, %broadcast_in_dim3A_10], %exp3A_244 : memref<64x16xf32, #tpu.memory_space<vmem>>[vector<16xi32>, vector<16xi32>], vector<16xf32>,
      %dma_wait3A_250 = arith.constant 0 : i32
      %dma_wait3A_251 = arith.constant 0 : i32
      %dma_wait3A_252 = tpu.memref_slice %arg6[%dma_wait3A_250, %dma_wait3A_251] : memref<10240x128xf32, #tpu.memory_space<hbm>> -> memref<10240x128xf32, #tpu.memory_space<hbm>>
      tpu.wait_indirect_dma semaphore(%arg23 : memref<!tpu.dma_semaphore, #tpu.memory_space<semaphore_mem>>) src(%dma_wait3A_252 : memref<10240x128xf32, #tpu.memory_space<hbm>>) dst(%arg17 : memref<64x128xf32, #tpu.memory_space<vmem>>)
      %parallel_loop3A_253 = arith.constant 0 : i32
      %parallel_loop3A_254 = arith.constant 64 : i32
      %parallel_loop3A_255 = arith.constant 1 : i32
      scf.for %parallel_loop3A_262 = %parallel_loop3A_253 to %parallel_loop3A_254 step %parallel_loop3A_255  : i32 {
        %parallel_loop3A_263 = vector.broadcast %parallel_loop3A_262 : i32 to vector<16xi32>
        %parallel_loop3A_264 = tpu.vector_load_idx %arg19[%parallel_loop3A_263] : memref<64xf32, #tpu.memory_space<vmem>>[vector<16xi32>], vector<16xf32>,
        %parallel_loop3A_265 = arith.index_cast %parallel_loop3A_262 : i32 to index
        %parallel_loop3A_266 = arith.constant 0 : index
        %parallel_loop3A_267 = tpu.vector_load %arg17[%parallel_loop3A_265, %parallel_loop3A_266] {strides = array<i32>} : memref<64x128xf32, #tpu.memory_space<vmem>>, vector<16xf32>,
        %parallel_loop3A_268 = arith.mulf %parallel_loop3A_267, %parallel_loop3A_264 : vector<16xf32>
        %parallel_loop3A_269 = arith.index_cast %parallel_loop3A_262 : i32 to index
        %parallel_loop3A_270 = arith.constant 0 : index
        %parallel_loop3A_271 = tpu.vector_load %arg17[%parallel_loop3A_269, %parallel_loop3A_270] {strides = array<i32>} : memref<64x128xf32, #tpu.memory_space<vmem>>, vector<16xf32>,
        tpu.vector_store %arg17[%parallel_loop3A_269, %parallel_loop3A_270], %parallel_loop3A_268 {strides = array<i32>} : memref<64x128xf32, #tpu.memory_space<vmem>>, vector<16xf32>,
        %parallel_loop3A_272 = arith.index_cast %parallel_loop3A_262 : i32 to index
        %parallel_loop3A_273 = arith.constant 16 : index
        %parallel_loop3A_274 = tpu.vector_load %arg17[%parallel_loop3A_272, %parallel_loop3A_273] {strides = array<i32>} : memref<64x128xf32, #tpu.memory_space<vmem>>, vector<16xf32>,
        %parallel_loop3A_275 = arith.mulf %parallel_loop3A_274, %parallel_loop3A_264 : vector<16xf32>
        %parallel_loop3A_276 = arith.index_cast %parallel_loop3A_262 : i32 to index
        %parallel_loop3A_277 = arith.constant 16 : index
        %parallel_loop3A_278 = tpu.vector_load %arg17[%parallel_loop3A_276, %parallel_loop3A_277] {strides = array<i32>} : memref<64x128xf32, #tpu.memory_space<vmem>>, vector<16xf32>,
        tpu.vector_store %arg17[%parallel_loop3A_276, %parallel_loop3A_277], %parallel_loop3A_275 {strides = array<i32>} : memref<64x128xf32, #tpu.memory_space<vmem>>, vector<16xf32>,
        %parallel_loop3A_279 = arith.index_cast %parallel_loop3A_262 : i32 to index
        %parallel_loop3A_280 = arith.constant 32 : index
        %parallel_loop3A_281 = tpu.vector_load %arg17[%parallel_loop3A_279, %parallel_loop3A_280] {strides = array<i32>} : memref<64x128xf32, #tpu.memory_space<vmem>>, vector<16xf32>,
        %parallel_loop3A_282 = arith.mulf %parallel_loop3A_281, %parallel_loop3A_264 : vector<16xf32>
        %parallel_loop3A_283 = arith.index_cast %parallel_loop3A_262 : i32 to index
        %parallel_loop3A_284 = arith.constant 32 : index
        %parallel_loop3A_285 = tpu.vector_load %arg17[%parallel_loop3A_283, %parallel_loop3A_284] {strides = array<i32>} : memref<64x128xf32, #tpu.memory_space<vmem>>, vector<16xf32>,
        tpu.vector_store %arg17[%parallel_loop3A_283, %parallel_loop3A_284], %parallel_loop3A_282 {strides = array<i32>} : memref<64x128xf32, #tpu.memory_space<vmem>>, vector<16xf32>,
        %parallel_loop3A_286 = arith.index_cast %parallel_loop3A_262 : i32 to index
        %parallel_loop3A_287 = arith.constant 48 : index
        %parallel_loop3A_288 = tpu.vector_load %arg17[%parallel_loop3A_286, %parallel_loop3A_287] {strides = array<i32>} : memref<64x128xf32, #tpu.memory_space<vmem>>, vector<16xf32>,
        %parallel_loop3A_289 = arith.mulf %parallel_loop3A_288, %parallel_loop3A_264 : vector<16xf32>
        %parallel_loop3A_290 = arith.index_cast %parallel_loop3A_262 : i32 to index
        %parallel_loop3A_291 = arith.constant 48 : index
        %parallel_loop3A_292 = tpu.vector_load %arg17[%parallel_loop3A_290, %parallel_loop3A_291] {strides = array<i32>} : memref<64x128xf32, #tpu.memory_space<vmem>>, vector<16xf32>,
        tpu.vector_store %arg17[%parallel_loop3A_290, %parallel_loop3A_291], %parallel_loop3A_289 {strides = array<i32>} : memref<64x128xf32, #tpu.memory_space<vmem>>, vector<16xf32>,
        %parallel_loop3A_293 = arith.index_cast %parallel_loop3A_262 : i32 to index
        %parallel_loop3A_294 = arith.constant 64 : index
        %parallel_loop3A_295 = tpu.vector_load %arg17[%parallel_loop3A_293, %parallel_loop3A_294] {strides = array<i32>} : memref<64x128xf32, #tpu.memory_space<vmem>>, vector<16xf32>,
        %parallel_loop3A_296 = arith.mulf %parallel_loop3A_295, %parallel_loop3A_264 : vector<16xf32>
        %parallel_loop3A_297 = arith.index_cast %parallel_loop3A_262 : i32 to index
        %parallel_loop3A_298 = arith.constant 64 : index
        %parallel_loop3A_299 = tpu.vector_load %arg17[%parallel_loop3A_297, %parallel_loop3A_298] {strides = array<i32>} : memref<64x128xf32, #tpu.memory_space<vmem>>, vector<16xf32>,
        tpu.vector_store %arg17[%parallel_loop3A_297, %parallel_loop3A_298], %parallel_loop3A_296 {strides = array<i32>} : memref<64x128xf32, #tpu.memory_space<vmem>>, vector<16xf32>,
        %parallel_loop3A_300 = arith.index_cast %parallel_loop3A_262 : i32 to index
        %parallel_loop3A_301 = arith.constant 80 : index
        %parallel_loop3A_302 = tpu.vector_load %arg17[%parallel_loop3A_300, %parallel_loop3A_301] {strides = array<i32>} : memref<64x128xf32, #tpu.memory_space<vmem>>, vector<16xf32>,
        %parallel_loop3A_303 = arith.mulf %parallel_loop3A_302, %parallel_loop3A_264 : vector<16xf32>
        %parallel_loop3A_304 = arith.index_cast %parallel_loop3A_262 : i32 to index
        %parallel_loop3A_305 = arith.constant 80 : index
        %parallel_loop3A_306 = tpu.vector_load %arg17[%parallel_loop3A_304, %parallel_loop3A_305] {strides = array<i32>} : memref<64x128xf32, #tpu.memory_space<vmem>>, vector<16xf32>,
        tpu.vector_store %arg17[%parallel_loop3A_304, %parallel_loop3A_305], %parallel_loop3A_303 {strides = array<i32>} : memref<64x128xf32, #tpu.memory_space<vmem>>, vector<16xf32>,
        %parallel_loop3A_307 = arith.index_cast %parallel_loop3A_262 : i32 to index
        %parallel_loop3A_308 = arith.constant 96 : index
        %parallel_loop3A_309 = tpu.vector_load %arg17[%parallel_loop3A_307, %parallel_loop3A_308] {strides = array<i32>} : memref<64x128xf32, #tpu.memory_space<vmem>>, vector<16xf32>,
        %parallel_loop3A_310 = arith.mulf %parallel_loop3A_309, %parallel_loop3A_264 : vector<16xf32>
        %parallel_loop3A_311 = arith.index_cast %parallel_loop3A_262 : i32 to index
        %parallel_loop3A_312 = arith.constant 96 : index
        %parallel_loop3A_313 = tpu.vector_load %arg17[%parallel_loop3A_311, %parallel_loop3A_312] {strides = array<i32>} : memref<64x128xf32, #tpu.memory_space<vmem>>, vector<16xf32>,
        tpu.vector_store %arg17[%parallel_loop3A_311, %parallel_loop3A_312], %parallel_loop3A_310 {strides = array<i32>} : memref<64x128xf32, #tpu.memory_space<vmem>>, vector<16xf32>,
        %parallel_loop3A_314 = arith.index_cast %parallel_loop3A_262 : i32 to index
        %parallel_loop3A_315 = arith.constant 112 : index
        %parallel_loop3A_316 = tpu.vector_load %arg17[%parallel_loop3A_314, %parallel_loop3A_315] {strides = array<i32>} : memref<64x128xf32, #tpu.memory_space<vmem>>, vector<16xf32>,
        %parallel_loop3A_317 = arith.mulf %parallel_loop3A_316, %parallel_loop3A_264 : vector<16xf32>
        %parallel_loop3A_318 = arith.index_cast %parallel_loop3A_262 : i32 to index
        %parallel_loop3A_319 = arith.constant 112 : index
        %parallel_loop3A_320 = tpu.vector_load %arg17[%parallel_loop3A_318, %parallel_loop3A_319] {strides = array<i32>} : memref<64x128xf32, #tpu.memory_space<vmem>>, vector<16xf32>,
        tpu.vector_store %arg17[%parallel_loop3A_318, %parallel_loop3A_319], %parallel_loop3A_317 {strides = array<i32>} : memref<64x128xf32, #tpu.memory_space<vmem>>, vector<16xf32>,
      } {sc.loop_unroll_factor = 4 : i64, sc.parallel_access}
      %dma_start3A_256 = arith.constant 0 : i32
      %dma_start3A_257 = arith.constant 0 : i32
      %dma_start3A_258 = tpu.memref_slice %arg20[%dma_start3A_256, %dma_start3A_257] : memref<10240x128xf32, #tpu.memory_space<vmem_shared>> -> memref<10240x128xf32, #tpu.memory_space<vmem_shared>>
      tpu.enqueue_indirect_dma source(%arg17 : memref<64x128xf32, #tpu.memory_space<vmem>>) target(%dma_start3A_258 : memref<10240x128xf32, #tpu.memory_space<vmem_shared>>) offsets(%arg16 : memref<64xi32, #tpu.memory_space<vmem>>) semaphore(%arg25 : memref<!tpu.dma_semaphore, #tpu.memory_space<semaphore_mem>>) {add = true}
      %dma_start3A_259 = arith.constant 0 : i32
      %dma_start3A_260 = arith.constant 0 : i32
      %dma_start3A_261 = tpu.memref_slice %arg21[%dma_start3A_259, %dma_start3A_260] : memref<10240x16xf32, #tpu.memory_space<vmem_shared>> -> memref<10240x16xf32, #tpu.memory_space<vmem_shared>>
      tpu.enqueue_indirect_dma source(%arg18 : memref<64x16xf32, #tpu.memory_space<vmem>>) target(%dma_start3A_261 : memref<10240x16xf32, #tpu.memory_space<vmem_shared>>) offsets(%arg16 : memref<64xi32, #tpu.memory_space<vmem>>) semaphore(%arg25 : memref<!tpu.dma_semaphore, #tpu.memory_space<semaphore_mem>>) {add = true}
    }
    %scan3A_16 = arith.constant 81 : i32
    %dma_wait3A = arith.constant 0 : i32
    %dma_wait3A_17 = arith.constant 0 : i32
    %dma_wait3A_18 = tpu.memref_slice %arg6[%dma_wait3A, %dma_wait3A_17] : memref<10240x128xf32, #tpu.memory_space<hbm>> -> memref<64x128xf32, #tpu.memory_space<hbm>>
    %dma_wait3A_19 = arith.constant 0 : i32
    %dma_wait3A_20 = arith.constant 0 : i32
    %dma_wait3A_21 = tpu.memref_slice %arg6[%dma_wait3A_19, %dma_wait3A_20] : memref<10240x128xf32, #tpu.memory_space<hbm>> -> memref<64x128xf32, #tpu.memory_space<hbm>>
    tpu.wait_dma2 semaphore(%arg24 : memref<!tpu.dma_semaphore, #tpu.memory_space<semaphore_mem>>) src(%dma_wait3A_21 : memref<64x128xf32, #tpu.memory_space<hbm>>) dst(%arg13 : memref<64x128xf32, #tpu.memory_space<vmem>>)
    %dma_wait3A_22 = arith.constant 0 : i32
    %dma_wait3A_23 = arith.constant 0 : i32
    %dma_wait3A_24 = arith.constant 0 : i32
    %dma_wait3A_25 = tpu.memref_slice %arg8[%dma_wait3A_22, %dma_wait3A_23, %dma_wait3A_24] : memref<2x10240x16xf32, #tpu.memory_space<hbm>> -> memref<1x64x16xf32, #tpu.memory_space<hbm>>
    %dma_wait3A_26 = tpu.memref_squeeze %dma_wait3A_25 : memref<1x64x16xf32, #tpu.memory_space<hbm>> -> memref<64x16xf32, #tpu.memory_space<hbm>>
    %dma_wait3A_27 = arith.constant 0 : i32
    %dma_wait3A_28 = arith.constant 0 : i32
    %dma_wait3A_29 = tpu.memref_slice %arg8[%dma_wait3A_22, %dma_wait3A_27, %dma_wait3A_28] : memref<2x10240x16xf32, #tpu.memory_space<hbm>> -> memref<1x64x16xf32, #tpu.memory_space<hbm>>
    %dma_wait3A_30 = tpu.memref_squeeze %dma_wait3A_29 : memref<1x64x16xf32, #tpu.memory_space<hbm>> -> memref<64x16xf32, #tpu.memory_space<hbm>>
    tpu.wait_dma2 semaphore(%arg24 : memref<!tpu.dma_semaphore, #tpu.memory_space<semaphore_mem>>) src(%dma_wait3A_30 : memref<64x16xf32, #tpu.memory_space<hbm>>) dst(%arg14 : memref<64x16xf32, #tpu.memory_space<vmem>>)
    %dma_wait3A_31 = arith.constant 0 : i32
    %dma_wait3A_32 = arith.constant 0 : i32
    %dma_wait3A_33 = tpu.memref_slice %arg6[%dma_wait3A_31, %dma_wait3A_32] : memref<10240x128xf32, #tpu.memory_space<hbm>> -> memref<64x128xf32, #tpu.memory_space<hbm>>
    %dma_wait3A_34 = arith.constant 0 : i32
    %dma_wait3A_35 = arith.constant 0 : i32
    %dma_wait3A_36 = tpu.memref_slice %arg6[%dma_wait3A_34, %dma_wait3A_35] : memref<10240x128xf32, #tpu.memory_space<hbm>> -> memref<64x128xf32, #tpu.memory_space<hbm>>
    tpu.wait_dma2 semaphore(%arg25 : memref<!tpu.dma_semaphore, #tpu.memory_space<semaphore_mem>>) src(%dma_wait3A_36 : memref<64x128xf32, #tpu.memory_space<hbm>>) dst(%arg17 : memref<64x128xf32, #tpu.memory_space<vmem>>)
    %dma_wait3A_37 = arith.constant 0 : i32
    %dma_wait3A_38 = arith.constant 0 : i32
    %dma_wait3A_39 = arith.constant 0 : i32
    %dma_wait3A_40 = tpu.memref_slice %arg8[%dma_wait3A_37, %dma_wait3A_38, %dma_wait3A_39] : memref<2x10240x16xf32, #tpu.memory_space<hbm>> -> memref<1x64x16xf32, #tpu.memory_space<hbm>>
    %dma_wait3A_41 = tpu.memref_squeeze %dma_wait3A_40 : memref<1x64x16xf32, #tpu.memory_space<hbm>> -> memref<64x16xf32, #tpu.memory_space<hbm>>
    %dma_wait3A_42 = arith.constant 0 : i32
    %dma_wait3A_43 = arith.constant 0 : i32
    %dma_wait3A_44 = tpu.memref_slice %arg8[%dma_wait3A_37, %dma_wait3A_42, %dma_wait3A_43] : memref<2x10240x16xf32, #tpu.memory_space<hbm>> -> memref<1x64x16xf32, #tpu.memory_space<hbm>>
    %dma_wait3A_45 = tpu.memref_squeeze %dma_wait3A_44 : memref<1x64x16xf32, #tpu.memory_space<hbm>> -> memref<64x16xf32, #tpu.memory_space<hbm>>
    tpu.wait_dma2 semaphore(%arg25 : memref<!tpu.dma_semaphore, #tpu.memory_space<semaphore_mem>>) src(%dma_wait3A_45 : memref<64x16xf32, #tpu.memory_space<hbm>>) dst(%arg18 : memref<64x16xf32, #tpu.memory_space<vmem>>)
    %barrier3A_46 = arith.constant 0 : index
    tpu.barrier barrier_id(%barrier3A_46)
    %scan3A_47 = arith.constant 0 : i32
    %scan3A_48 = arith.constant 0 : i32
    %scan3A_49 = arith.constant 10 : i32
    %scan3A_50 = arith.addi %scan3A_48, %scan3A_49 : i32
    %scan3A_51 = arith.constant 1 : i32
    scf.for %scan3A_53 = %scan3A_48 to %scan3A_50 step %scan3A_51  : i32 {
      %mul3A_54 = arith.constant 640 : i32
      %mul3A_55 = arith.muli %arg1, %mul3A_54 : i32
      %mul3A_56 = arith.constant 64 : i32
      %mul3A_57 = arith.muli %scan3A_53, %mul3A_56 : i32
      %add3A_58 = arith.addi %mul3A_55, %mul3A_57 : i32
      "tpu.region"() ({
        %run_scoped3A = tpu.sem_alloc : memref<!tpu.dma_semaphore, #tpu.memory_space<semaphore_mem>>
        %dma_start3A = arith.constant 0 : i32
        %dma_start3A_59 = tpu.memref_slice %arg20[%add3A_58, %dma_start3A] : memref<10240x128xf32, #tpu.memory_space<vmem_shared>> -> memref<64x128xf32, #tpu.memory_space<vmem_shared>>
        %dma_start3A_60 = arith.constant 0 : i32
        %dma_start3A_61 = tpu.memref_slice %arg20[%add3A_58, %dma_start3A_60] : memref<10240x128xf32, #tpu.memory_space<vmem_shared>> -> memref<64x128xf32, #tpu.memory_space<vmem_shared>>
        tpu.enqueue_dma source(%dma_start3A_61 : memref<64x128xf32, #tpu.memory_space<vmem_shared>>) target(%arg13 : memref<64x128xf32, #tpu.memory_space<vmem>>) target_semaphore(%run_scoped3A : memref<!tpu.dma_semaphore, #tpu.memory_space<semaphore_mem>>)
        %dma_wait3A_62 = arith.constant 0 : i32
        %dma_wait3A_63 = tpu.memref_slice %arg20[%add3A_58, %dma_wait3A_62] : memref<10240x128xf32, #tpu.memory_space<vmem_shared>> -> memref<64x128xf32, #tpu.memory_space<vmem_shared>>
        %dma_wait3A_64 = arith.constant 0 : i32
        %dma_wait3A_65 = tpu.memref_slice %arg20[%add3A_58, %dma_wait3A_64] : memref<10240x128xf32, #tpu.memory_space<vmem_shared>> -> memref<64x128xf32, #tpu.memory_space<vmem_shared>>
        tpu.wait_dma2 semaphore(%run_scoped3A : memref<!tpu.dma_semaphore, #tpu.memory_space<semaphore_mem>>) src(%dma_wait3A_65 : memref<64x128xf32, #tpu.memory_space<vmem_shared>>) dst(%arg13 : memref<64x128xf32, #tpu.memory_space<vmem>>)
        tpu.yield
      }) : () -> ()
      "tpu.region"() ({
        %run_scoped3A = tpu.sem_alloc : memref<!tpu.dma_semaphore, #tpu.memory_space<semaphore_mem>>
        %dma_start3A = arith.constant 0 : i32
        %dma_start3A_59 = tpu.memref_slice %arg7[%arg0, %add3A_58, %dma_start3A] : memref<2x10240x128xf32, #tpu.memory_space<hbm>> -> memref<1x64x128xf32, #tpu.memory_space<hbm>>
        %dma_start3A_60 = tpu.memref_squeeze %dma_start3A_59 : memref<1x64x128xf32, #tpu.memory_space<hbm>> -> memref<64x128xf32, #tpu.memory_space<hbm>>
        %dma_start3A_61 = arith.constant 0 : i32
        %dma_start3A_62 = tpu.memref_slice %arg7[%arg0, %add3A_58, %dma_start3A_61] : memref<2x10240x128xf32, #tpu.memory_space<hbm>> -> memref<1x64x128xf32, #tpu.memory_space<hbm>>
        %dma_start3A_63 = tpu.memref_squeeze %dma_start3A_62 : memref<1x64x128xf32, #tpu.memory_space<hbm>> -> memref<64x128xf32, #tpu.memory_space<hbm>>
        tpu.enqueue_dma source(%arg13 : memref<64x128xf32, #tpu.memory_space<vmem>>) target(%dma_start3A_63 : memref<64x128xf32, #tpu.memory_space<hbm>>) target_semaphore(%run_scoped3A : memref<!tpu.dma_semaphore, #tpu.memory_space<semaphore_mem>>)
        %dma_wait3A_64 = arith.constant 0 : i32
        %dma_wait3A_65 = tpu.memref_slice %arg7[%arg0, %add3A_58, %dma_wait3A_64] : memref<2x10240x128xf32, #tpu.memory_space<hbm>> -> memref<1x64x128xf32, #tpu.memory_space<hbm>>
        %dma_wait3A_66 = tpu.memref_squeeze %dma_wait3A_65 : memref<1x64x128xf32, #tpu.memory_space<hbm>> -> memref<64x128xf32, #tpu.memory_space<hbm>>
        %dma_wait3A_67 = arith.constant 0 : i32
        %dma_wait3A_68 = tpu.memref_slice %arg7[%arg0, %add3A_58, %dma_wait3A_67] : memref<2x10240x128xf32, #tpu.memory_space<hbm>> -> memref<1x64x128xf32, #tpu.memory_space<hbm>>
        %dma_wait3A_69 = tpu.memref_squeeze %dma_wait3A_68 : memref<1x64x128xf32, #tpu.memory_space<hbm>> -> memref<64x128xf32, #tpu.memory_space<hbm>>
        tpu.wait_dma2 semaphore(%run_scoped3A : memref<!tpu.dma_semaphore, #tpu.memory_space<semaphore_mem>>) src(%arg13 : memref<64x128xf32, #tpu.memory_space<vmem>>) dst(%dma_wait3A_69 : memref<64x128xf32, #tpu.memory_space<hbm>>)
        tpu.yield
      }) : () -> ()
      "tpu.region"() ({
        %run_scoped3A = tpu.sem_alloc : memref<!tpu.dma_semaphore, #tpu.memory_space<semaphore_mem>>
        %dma_start3A = arith.constant 0 : i32
        %dma_start3A_59 = tpu.memref_slice %arg21[%add3A_58, %dma_start3A] : memref<10240x16xf32, #tpu.memory_space<vmem_shared>> -> memref<64x16xf32, #tpu.memory_space<vmem_shared>>
        %dma_start3A_60 = arith.constant 0 : i32
        %dma_start3A_61 = tpu.memref_slice %arg21[%add3A_58, %dma_start3A_60] : memref<10240x16xf32, #tpu.memory_space<vmem_shared>> -> memref<64x16xf32, #tpu.memory_space<vmem_shared>>
        tpu.enqueue_dma source(%dma_start3A_61 : memref<64x16xf32, #tpu.memory_space<vmem_shared>>) target(%arg14 : memref<64x16xf32, #tpu.memory_space<vmem>>) target_semaphore(%run_scoped3A : memref<!tpu.dma_semaphore, #tpu.memory_space<semaphore_mem>>)
        %dma_wait3A_62 = arith.constant 0 : i32
        %dma_wait3A_63 = tpu.memref_slice %arg21[%add3A_58, %dma_wait3A_62] : memref<10240x16xf32, #tpu.memory_space<vmem_shared>> -> memref<64x16xf32, #tpu.memory_space<vmem_shared>>
        %dma_wait3A_64 = arith.constant 0 : i32
        %dma_wait3A_65 = tpu.memref_slice %arg21[%add3A_58, %dma_wait3A_64] : memref<10240x16xf32, #tpu.memory_space<vmem_shared>> -> memref<64x16xf32, #tpu.memory_space<vmem_shared>>
        tpu.wait_dma2 semaphore(%run_scoped3A : memref<!tpu.dma_semaphore, #tpu.memory_space<semaphore_mem>>) src(%dma_wait3A_65 : memref<64x16xf32, #tpu.memory_space<vmem_shared>>) dst(%arg14 : memref<64x16xf32, #tpu.memory_space<vmem>>)
        tpu.yield
      }) : () -> ()
      "tpu.region"() ({
        %run_scoped3A = tpu.sem_alloc : memref<!tpu.dma_semaphore, #tpu.memory_space<semaphore_mem>>
        %dma_start3A = arith.constant 0 : i32
        %dma_start3A_59 = tpu.memref_slice %arg8[%arg0, %add3A_58, %dma_start3A] : memref<2x10240x16xf32, #tpu.memory_space<hbm>> -> memref<1x64x16xf32, #tpu.memory_space<hbm>>
        %dma_start3A_60 = tpu.memref_squeeze %dma_start3A_59 : memref<1x64x16xf32, #tpu.memory_space<hbm>> -> memref<64x16xf32, #tpu.memory_space<hbm>>
        %dma_start3A_61 = arith.constant 0 : i32
        %dma_start3A_62 = tpu.memref_slice %arg8[%arg0, %add3A_58, %dma_start3A_61] : memref<2x10240x16xf32, #tpu.memory_space<hbm>> -> memref<1x64x16xf32, #tpu.memory_space<hbm>>
        %dma_start3A_63 = tpu.memref_squeeze %dma_start3A_62 : memref<1x64x16xf32, #tpu.memory_space<hbm>> -> memref<64x16xf32, #tpu.memory_space<hbm>>
        tpu.enqueue_dma source(%arg14 : memref<64x16xf32, #tpu.memory_space<vmem>>) target(%dma_start3A_63 : memref<64x16xf32, #tpu.memory_space<hbm>>) target_semaphore(%run_scoped3A : memref<!tpu.dma_semaphore, #tpu.memory_space<semaphore_mem>>)
        %dma_wait3A_64 = arith.constant 0 : i32
        %dma_wait3A_65 = tpu.memref_slice %arg8[%arg0, %add3A_58, %dma_wait3A_64] : memref<2x10240x16xf32, #tpu.memory_space<hbm>> -> memref<1x64x16xf32, #tpu.memory_space<hbm>>
        %dma_wait3A_66 = tpu.memref_squeeze %dma_wait3A_65 : memref<1x64x16xf32, #tpu.memory_space<hbm>> -> memref<64x16xf32, #tpu.memory_space<hbm>>
        %dma_wait3A_67 = arith.constant 0 : i32
        %dma_wait3A_68 = tpu.memref_slice %arg8[%arg0, %add3A_58, %dma_wait3A_67] : memref<2x10240x16xf32, #tpu.memory_space<hbm>> -> memref<1x64x16xf32, #tpu.memory_space<hbm>>
        %dma_wait3A_69 = tpu.memref_squeeze %dma_wait3A_68 : memref<1x64x16xf32, #tpu.memory_space<hbm>> -> memref<64x16xf32, #tpu.memory_space<hbm>>
        tpu.wait_dma2 semaphore(%run_scoped3A : memref<!tpu.dma_semaphore, #tpu.memory_space<semaphore_mem>>) src(%arg14 : memref<64x16xf32, #tpu.memory_space<vmem>>) dst(%dma_wait3A_69 : memref<64x16xf32, #tpu.memory_space<hbm>>)
        tpu.yield
      }) : () -> ()
    }
    %scan3A_52 = arith.constant 10 : i32
    return
  }
}

#map = affine_map<(d0, d1) -> (0)>
#map1 = affine_map<(d0, d1) -> (0, 0)>
#map2 = affine_map<(d0, d1) -> (0, 0, 0)>
module attributes {stable_mosaic.version = 14 : i64} {
  func.func @_sc_row_body(%arg0: i32, %arg1: i32, %arg2: memref<331776xi32, #tpu.memory_space<hbm>>, %arg3: memref<331776xi32, #tpu.memory_space<hbm>>, %arg4: memref<10240xf32, #tpu.memory_space<hbm>>, %arg5: memref<10240xf32, #tpu.memory_space<hbm>>, %arg6: memref<10240x128xf32, #tpu.memory_space<hbm>>, %arg7: memref<2x10240x128xf32, #tpu.memory_space<hbm>>, %arg8: memref<2x10240x16xf32, #tpu.memory_space<hbm>>, %arg9: memref<10008xf32, #tpu.memory_space<vmem>>, %arg10: memref<10008xf32, #tpu.memory_space<vmem>>, %arg11: memref<64xi32, #tpu.memory_space<vmem>>, %arg12: memref<64xi32, #tpu.memory_space<vmem>>, %arg13: memref<64x128xf32, #tpu.memory_space<vmem>>, %arg14: memref<64x16xf32, #tpu.memory_space<vmem>>, %arg15: memref<64xi32, #tpu.memory_space<vmem>>, %arg16: memref<64xi32, #tpu.memory_space<vmem>>, %arg17: memref<64x128xf32, #tpu.memory_space<vmem>>, %arg18: memref<64x16xf32, #tpu.memory_space<vmem>>, %arg19: memref<64xf32, #tpu.memory_space<vmem>>, %arg20: memref<10240x128xf32, #tpu.memory_space<vmem_shared>>, %arg21: memref<10240x16xf32, #tpu.memory_space<vmem_shared>>, %arg22: memref<!tpu.dma_semaphore, #tpu.memory_space<semaphore_mem>>, %arg23: memref<!tpu.dma_semaphore, #tpu.memory_space<semaphore_mem>>, %arg24: memref<!tpu.dma_semaphore, #tpu.memory_space<semaphore_mem>>, %arg25: memref<!tpu.dma_semaphore, #tpu.memory_space<semaphore_mem>>) attributes {dimension_semantics = [#tpu.dimension_semantics<core_parallel>, #tpu.dimension_semantics<subcore_parallel>], iteration_bounds = array<i64: 2, 16>, scalar_prefetch = 0 : i64, scratch_operands = 17 : i64, tpu.core_type = #tpu.core_type<sc_vector_subcore>, window_params = [{transform_indices = #map}, {transform_indices = #map}, {transform_indices = #map}, {transform_indices = #map}, {transform_indices = #map1}, {transform_indices = #map2}, {transform_indices = #map2}]} {
    %mul3A = arith.constant 2 : i32
    %mul3A_0 = arith.muli %arg1, %mul3A : i32
    %add3A = arith.addi %mul3A_0, %arg0 : i32
    "tpu.region"() ({
      %run_scoped3A = tpu.sem_alloc : memref<!tpu.dma_semaphore, #tpu.memory_space<semaphore_mem>>
      %dma_start3A = arith.constant 0 : i32
      %dma_start3A_53 = tpu.memref_slice %arg4[%dma_start3A] : memref<10240xf32, #tpu.memory_space<hbm>> -> memref<10008xf32, #tpu.memory_space<hbm>>
      %dma_start3A_54 = arith.constant 0 : i32
      %dma_start3A_55 = tpu.memref_slice %arg4[%dma_start3A_54] : memref<10240xf32, #tpu.memory_space<hbm>> -> memref<10008xf32, #tpu.memory_space<hbm>>
      tpu.enqueue_dma source(%dma_start3A_55 : memref<10008xf32, #tpu.memory_space<hbm>>) target(%arg9 : memref<10008xf32, #tpu.memory_space<vmem>>) target_semaphore(%run_scoped3A : memref<!tpu.dma_semaphore, #tpu.memory_space<semaphore_mem>>)
      %dma_wait3A_56 = arith.constant 0 : i32
      %dma_wait3A_57 = tpu.memref_slice %arg4[%dma_wait3A_56] : memref<10240xf32, #tpu.memory_space<hbm>> -> memref<10008xf32, #tpu.memory_space<hbm>>
      %dma_wait3A_58 = arith.constant 0 : i32
      %dma_wait3A_59 = tpu.memref_slice %arg4[%dma_wait3A_58] : memref<10240xf32, #tpu.memory_space<hbm>> -> memref<10008xf32, #tpu.memory_space<hbm>>
      tpu.wait_dma2 semaphore(%run_scoped3A : memref<!tpu.dma_semaphore, #tpu.memory_space<semaphore_mem>>) src(%dma_wait3A_59 : memref<10008xf32, #tpu.memory_space<hbm>>) dst(%arg9 : memref<10008xf32, #tpu.memory_space<vmem>>)
      tpu.yield
    }) : () -> ()
    "tpu.region"() ({
      %run_scoped3A = tpu.sem_alloc : memref<!tpu.dma_semaphore, #tpu.memory_space<semaphore_mem>>
      %dma_start3A = arith.constant 0 : i32
      %dma_start3A_53 = tpu.memref_slice %arg5[%dma_start3A] : memref<10240xf32, #tpu.memory_space<hbm>> -> memref<10008xf32, #tpu.memory_space<hbm>>
      %dma_start3A_54 = arith.constant 0 : i32
      %dma_start3A_55 = tpu.memref_slice %arg5[%dma_start3A_54] : memref<10240xf32, #tpu.memory_space<hbm>> -> memref<10008xf32, #tpu.memory_space<hbm>>
      tpu.enqueue_dma source(%dma_start3A_55 : memref<10008xf32, #tpu.memory_space<hbm>>) target(%arg10 : memref<10008xf32, #tpu.memory_space<vmem>>) target_semaphore(%run_scoped3A : memref<!tpu.dma_semaphore, #tpu.memory_space<semaphore_mem>>)
      %dma_wait3A_56 = arith.constant 0 : i32
      %dma_wait3A_57 = tpu.memref_slice %arg5[%dma_wait3A_56] : memref<10240xf32, #tpu.memory_space<hbm>> -> memref<10008xf32, #tpu.memory_space<hbm>>
      %dma_wait3A_58 = arith.constant 0 : i32
      %dma_wait3A_59 = tpu.memref_slice %arg5[%dma_wait3A_58] : memref<10240xf32, #tpu.memory_space<hbm>> -> memref<10008xf32, #tpu.memory_space<hbm>>
      tpu.wait_dma2 semaphore(%run_scoped3A : memref<!tpu.dma_semaphore, #tpu.memory_space<semaphore_mem>>) src(%dma_wait3A_59 : memref<10008xf32, #tpu.memory_space<hbm>>) dst(%arg10 : memref<10008xf32, #tpu.memory_space<vmem>>)
      tpu.yield
    }) : () -> ()
    %broadcast_in_dim3A = arith.constant 0.000000e+00 : f32
    %broadcast_in_dim3A_1 = vector.broadcast %broadcast_in_dim3A : f32 to vector<16xf32>
    %parallel_loop3A = arith.constant 0 : i32
    %parallel_loop3A_2 = arith.constant 64 : i32
    %parallel_loop3A_3 = arith.constant 1 : i32
    scf.for %parallel_loop3A_53 = %parallel_loop3A to %parallel_loop3A_2 step %parallel_loop3A_3  : i32 {
      %parallel_loop3A_54 = arith.index_cast %parallel_loop3A_53 : i32 to index
      %parallel_loop3A_55 = arith.constant 0 : index
      %parallel_loop3A_56 = tpu.vector_load %arg13[%parallel_loop3A_54, %parallel_loop3A_55] {strides = array<i32>} : memref<64x128xf32, #tpu.memory_space<vmem>>, vector<16xf32>,
      tpu.vector_store %arg13[%parallel_loop3A_54, %parallel_loop3A_55], %broadcast_in_dim3A_1 {strides = array<i32>} : memref<64x128xf32, #tpu.memory_space<vmem>>, vector<16xf32>,
      %parallel_loop3A_57 = arith.index_cast %parallel_loop3A_53 : i32 to index
      %parallel_loop3A_58 = arith.constant 16 : index
      %parallel_loop3A_59 = tpu.vector_load %arg13[%parallel_loop3A_57, %parallel_loop3A_58] {strides = array<i32>} : memref<64x128xf32, #tpu.memory_space<vmem>>, vector<16xf32>,
      tpu.vector_store %arg13[%parallel_loop3A_57, %parallel_loop3A_58], %broadcast_in_dim3A_1 {strides = array<i32>} : memref<64x128xf32, #tpu.memory_space<vmem>>, vector<16xf32>,
      %parallel_loop3A_60 = arith.index_cast %parallel_loop3A_53 : i32 to index
      %parallel_loop3A_61 = arith.constant 32 : index
      %parallel_loop3A_62 = tpu.vector_load %arg13[%parallel_loop3A_60, %parallel_loop3A_61] {strides = array<i32>} : memref<64x128xf32, #tpu.memory_space<vmem>>, vector<16xf32>,
      tpu.vector_store %arg13[%parallel_loop3A_60, %parallel_loop3A_61], %broadcast_in_dim3A_1 {strides = array<i32>} : memref<64x128xf32, #tpu.memory_space<vmem>>, vector<16xf32>,
      %parallel_loop3A_63 = arith.index_cast %parallel_loop3A_53 : i32 to index
      %parallel_loop3A_64 = arith.constant 48 : index
      %parallel_loop3A_65 = tpu.vector_load %arg13[%parallel_loop3A_63, %parallel_loop3A_64] {strides = array<i32>} : memref<64x128xf32, #tpu.memory_space<vmem>>, vector<16xf32>,
      tpu.vector_store %arg13[%parallel_loop3A_63, %parallel_loop3A_64], %broadcast_in_dim3A_1 {strides = array<i32>} : memref<64x128xf32, #tpu.memory_space<vmem>>, vector<16xf32>,
      %parallel_loop3A_66 = arith.index_cast %parallel_loop3A_53 : i32 to index
      %parallel_loop3A_67 = arith.constant 64 : index
      %parallel_loop3A_68 = tpu.vector_load %arg13[%parallel_loop3A_66, %parallel_loop3A_67] {strides = array<i32>} : memref<64x128xf32, #tpu.memory_space<vmem>>, vector<16xf32>,
      tpu.vector_store %arg13[%parallel_loop3A_66, %parallel_loop3A_67], %broadcast_in_dim3A_1 {strides = array<i32>} : memref<64x128xf32, #tpu.memory_space<vmem>>, vector<16xf32>,
      %parallel_loop3A_69 = arith.index_cast %parallel_loop3A_53 : i32 to index
      %parallel_loop3A_70 = arith.constant 80 : index
      %parallel_loop3A_71 = tpu.vector_load %arg13[%parallel_loop3A_69, %parallel_loop3A_70] {strides = array<i32>} : memref<64x128xf32, #tpu.memory_space<vmem>>, vector<16xf32>,
      tpu.vector_store %arg13[%parallel_loop3A_69, %parallel_loop3A_70], %broadcast_in_dim3A_1 {strides = array<i32>} : memref<64x128xf32, #tpu.memory_space<vmem>>, vector<16xf32>,
      %parallel_loop3A_72 = arith.index_cast %parallel_loop3A_53 : i32 to index
      %parallel_loop3A_73 = arith.constant 96 : index
      %parallel_loop3A_74 = tpu.vector_load %arg13[%parallel_loop3A_72, %parallel_loop3A_73] {strides = array<i32>} : memref<64x128xf32, #tpu.memory_space<vmem>>, vector<16xf32>,
      tpu.vector_store %arg13[%parallel_loop3A_72, %parallel_loop3A_73], %broadcast_in_dim3A_1 {strides = array<i32>} : memref<64x128xf32, #tpu.memory_space<vmem>>, vector<16xf32>,
      %parallel_loop3A_75 = arith.index_cast %parallel_loop3A_53 : i32 to index
      %parallel_loop3A_76 = arith.constant 112 : index
      %parallel_loop3A_77 = tpu.vector_load %arg13[%parallel_loop3A_75, %parallel_loop3A_76] {strides = array<i32>} : memref<64x128xf32, #tpu.memory_space<vmem>>, vector<16xf32>,
      tpu.vector_store %arg13[%parallel_loop3A_75, %parallel_loop3A_76], %broadcast_in_dim3A_1 {strides = array<i32>} : memref<64x128xf32, #tpu.memory_space<vmem>>, vector<16xf32>,
      %parallel_loop3A_78 = arith.index_cast %parallel_loop3A_53 : i32 to index
      %parallel_loop3A_79 = arith.constant 0 : index
      %parallel_loop3A_80 = tpu.vector_load %arg14[%parallel_loop3A_78, %parallel_loop3A_79] {strides = array<i32>} : memref<64x16xf32, #tpu.memory_space<vmem>>, vector<16xf32>,
      tpu.vector_store %arg14[%parallel_loop3A_78, %parallel_loop3A_79], %broadcast_in_dim3A_1 {strides = array<i32>} : memref<64x16xf32, #tpu.memory_space<vmem>>, vector<16xf32>,
      %parallel_loop3A_81 = arith.index_cast %parallel_loop3A_53 : i32 to index
      %parallel_loop3A_82 = arith.constant 0 : index
      %parallel_loop3A_83 = tpu.vector_load %arg18[%parallel_loop3A_81, %parallel_loop3A_82] {strides = array<i32>} : memref<64x16xf32, #tpu.memory_space<vmem>>, vector<16xf32>,
      tpu.vector_store %arg18[%parallel_loop3A_81, %parallel_loop3A_82], %broadcast_in_dim3A_1 {strides = array<i32>} : memref<64x16xf32, #tpu.memory_space<vmem>>, vector<16xf32>,
    } {sc.loop_unroll_factor = 4 : i64, sc.parallel_access}
    %scan3A = arith.constant 0 : i32
    %scan3A_4 = arith.constant 0 : i32
    %scan3A_5 = arith.constant 10 : i32
    %scan3A_6 = arith.addi %scan3A_4, %scan3A_5 : i32
    %scan3A_7 = arith.constant 1 : i32
    scf.for %scan3A_53 = %scan3A_4 to %scan3A_6 step %scan3A_7  : i32 {
      %mul3A_54 = arith.constant 640 : i32
      %mul3A_55 = arith.muli %arg1, %mul3A_54 : i32
      %mul3A_56 = arith.constant 64 : i32
      %mul3A_57 = arith.muli %scan3A_53, %mul3A_56 : i32
      %add3A_58 = arith.addi %mul3A_55, %mul3A_57 : i32
      "tpu.region"() ({
        %run_scoped3A = tpu.sem_alloc : memref<!tpu.dma_semaphore, #tpu.memory_space<semaphore_mem>>
        %dma_start3A = arith.constant 0 : i32
        %dma_start3A_59 = tpu.memref_slice %arg20[%add3A_58, %dma_start3A] : memref<10240x128xf32, #tpu.memory_space<vmem_shared>> -> memref<64x128xf32, #tpu.memory_space<vmem_shared>>
        %dma_start3A_60 = arith.constant 0 : i32
        %dma_start3A_61 = tpu.memref_slice %arg20[%add3A_58, %dma_start3A_60] : memref<10240x128xf32, #tpu.memory_space<vmem_shared>> -> memref<64x128xf32, #tpu.memory_space<vmem_shared>>
        tpu.enqueue_dma source(%arg13 : memref<64x128xf32, #tpu.memory_space<vmem>>) target(%dma_start3A_61 : memref<64x128xf32, #tpu.memory_space<vmem_shared>>) target_semaphore(%run_scoped3A : memref<!tpu.dma_semaphore, #tpu.memory_space<semaphore_mem>>)
        %dma_wait3A_62 = arith.constant 0 : i32
        %dma_wait3A_63 = tpu.memref_slice %arg20[%add3A_58, %dma_wait3A_62] : memref<10240x128xf32, #tpu.memory_space<vmem_shared>> -> memref<64x128xf32, #tpu.memory_space<vmem_shared>>
        %dma_wait3A_64 = arith.constant 0 : i32
        %dma_wait3A_65 = tpu.memref_slice %arg20[%add3A_58, %dma_wait3A_64] : memref<10240x128xf32, #tpu.memory_space<vmem_shared>> -> memref<64x128xf32, #tpu.memory_space<vmem_shared>>
        tpu.wait_dma2 semaphore(%run_scoped3A : memref<!tpu.dma_semaphore, #tpu.memory_space<semaphore_mem>>) src(%arg13 : memref<64x128xf32, #tpu.memory_space<vmem>>) dst(%dma_wait3A_65 : memref<64x128xf32, #tpu.memory_space<vmem_shared>>)
        tpu.yield
      }) : () -> ()
      "tpu.region"() ({
        %run_scoped3A = tpu.sem_alloc : memref<!tpu.dma_semaphore, #tpu.memory_space<semaphore_mem>>
        %dma_start3A = arith.constant 0 : i32
        %dma_start3A_59 = tpu.memref_slice %arg21[%add3A_58, %dma_start3A] : memref<10240x16xf32, #tpu.memory_space<vmem_shared>> -> memref<64x16xf32, #tpu.memory_space<vmem_shared>>
        %dma_start3A_60 = arith.constant 0 : i32
        %dma_start3A_61 = tpu.memref_slice %arg21[%add3A_58, %dma_start3A_60] : memref<10240x16xf32, #tpu.memory_space<vmem_shared>> -> memref<64x16xf32, #tpu.memory_space<vmem_shared>>
        tpu.enqueue_dma source(%arg14 : memref<64x16xf32, #tpu.memory_space<vmem>>) target(%dma_start3A_61 : memref<64x16xf32, #tpu.memory_space<vmem_shared>>) target_semaphore(%run_scoped3A : memref<!tpu.dma_semaphore, #tpu.memory_space<semaphore_mem>>)
        %dma_wait3A_62 = arith.constant 0 : i32
        %dma_wait3A_63 = tpu.memref_slice %arg21[%add3A_58, %dma_wait3A_62] : memref<10240x16xf32, #tpu.memory_space<vmem_shared>> -> memref<64x16xf32, #tpu.memory_space<vmem_shared>>
        %dma_wait3A_64 = arith.constant 0 : i32
        %dma_wait3A_65 = tpu.memref_slice %arg21[%add3A_58, %dma_wait3A_64] : memref<10240x16xf32, #tpu.memory_space<vmem_shared>> -> memref<64x16xf32, #tpu.memory_space<vmem_shared>>
        tpu.wait_dma2 semaphore(%run_scoped3A : memref<!tpu.dma_semaphore, #tpu.memory_space<semaphore_mem>>) src(%arg14 : memref<64x16xf32, #tpu.memory_space<vmem>>) dst(%dma_wait3A_65 : memref<64x16xf32, #tpu.memory_space<vmem_shared>>)
        tpu.yield
      }) : () -> ()
    }
    %scan3A_8 = arith.constant 10 : i32
    %barrier3A = arith.constant 0 : index
    tpu.barrier barrier_id(%barrier3A)
    %iota3A = tpu.iota {dimensions = array<i32: 0>} : vector<16xi32>
    %broadcast_in_dim3A_9 = arith.constant 0 : i32
    %broadcast_in_dim3A_10 = vector.broadcast %broadcast_in_dim3A_9 : i32 to vector<16xi32>
    %scan3A_11 = arith.constant 0 : i32
    %scan3A_12 = arith.constant 0 : i32
    %scan3A_13 = arith.constant 81 : i32
    %scan3A_14 = arith.addi %scan3A_12, %scan3A_13 : i32
    %scan3A_15 = arith.constant 1 : i32
    scf.for %scan3A_53 = %scan3A_12 to %scan3A_14 step %scan3A_15  : i32 {
      %mul3A_54 = arith.constant 10368 : i32
      %mul3A_55 = arith.muli %add3A, %mul3A_54 : i32
      %mul3A_56 = arith.constant 2 : i32
      %mul3A_57 = arith.muli %scan3A_53, %mul3A_56 : i32
      %add3A_58 = arith.constant 0 : i32
      %add3A_59 = arith.addi %mul3A_57, %add3A_58 : i32
      %mul3A_60 = arith.constant 64 : i32
      %mul3A_61 = arith.muli %add3A_59, %mul3A_60 : i32
      %add3A_62 = arith.addi %mul3A_55, %mul3A_61 : i32
      %gt3A = arith.constant 0 : i32
      %gt3A_63 = arith.cmpi sgt, %scan3A_53, %gt3A : i32
      %convert_element_type3A = arith.extui %gt3A_63 : i1 to i32
      %cond3A = arith.constant 0 : i32
      %cond3A_64 = arith.cmpi ne, %convert_element_type3A, %cond3A : i32
      scf.if %cond3A_64 {
        %dma_wait3A_262 = arith.constant 0 : i32
        %dma_wait3A_263 = arith.constant 0 : i32
        %dma_wait3A_264 = tpu.memref_slice %arg6[%dma_wait3A_262, %dma_wait3A_263] : memref<10240x128xf32, #tpu.memory_space<hbm>> -> memref<64x128xf32, #tpu.memory_space<hbm>>
        %dma_wait3A_265 = arith.constant 0 : i32
        %dma_wait3A_266 = arith.constant 0 : i32
        %dma_wait3A_267 = tpu.memref_slice %arg6[%dma_wait3A_265, %dma_wait3A_266] : memref<10240x128xf32, #tpu.memory_space<hbm>> -> memref<64x128xf32, #tpu.memory_space<hbm>>
        tpu.wait_dma2 semaphore(%arg24 : memref<!tpu.dma_semaphore, #tpu.memory_space<semaphore_mem>>) src(%dma_wait3A_267 : memref<64x128xf32, #tpu.memory_space<hbm>>) dst(%arg13 : memref<64x128xf32, #tpu.memory_space<vmem>>)
        %dma_wait3A_268 = arith.constant 0 : i32
        %dma_wait3A_269 = arith.constant 0 : i32
        %dma_wait3A_270 = arith.constant 0 : i32
        %dma_wait3A_271 = tpu.memref_slice %arg8[%dma_wait3A_268, %dma_wait3A_269, %dma_wait3A_270] : memref<2x10240x16xf32, #tpu.memory_space<hbm>> -> memref<1x64x16xf32, #tpu.memory_space<hbm>>
        %dma_wait3A_272 = tpu.memref_squeeze %dma_wait3A_271 : memref<1x64x16xf32, #tpu.memory_space<hbm>> -> memref<64x16xf32, #tpu.memory_space<hbm>>
        %dma_wait3A_273 = arith.constant 0 : i32
        %dma_wait3A_274 = arith.constant 0 : i32
        %dma_wait3A_275 = tpu.memref_slice %arg8[%dma_wait3A_268, %dma_wait3A_273, %dma_wait3A_274] : memref<2x10240x16xf32, #tpu.memory_space<hbm>> -> memref<1x64x16xf32, #tpu.memory_space<hbm>>
        %dma_wait3A_276 = tpu.memref_squeeze %dma_wait3A_275 : memref<1x64x16xf32, #tpu.memory_space<hbm>> -> memref<64x16xf32, #tpu.memory_space<hbm>>
        tpu.wait_dma2 semaphore(%arg24 : memref<!tpu.dma_semaphore, #tpu.memory_space<semaphore_mem>>) src(%dma_wait3A_276 : memref<64x16xf32, #tpu.memory_space<hbm>>) dst(%arg14 : memref<64x16xf32, #tpu.memory_space<vmem>>)
      } else {
      }
      "tpu.region"() ({
        %run_scoped3A = tpu.sem_alloc : memref<!tpu.dma_semaphore, #tpu.memory_space<semaphore_mem>>
        %dma_start3A_262 = tpu.memref_slice %arg2[%add3A_62] : memref<331776xi32, #tpu.memory_space<hbm>> -> memref<64xi32, #tpu.memory_space<hbm>>
        %dma_start3A_263 = tpu.memref_slice %arg2[%add3A_62] : memref<331776xi32, #tpu.memory_space<hbm>> -> memref<64xi32, #tpu.memory_space<hbm>>
        tpu.enqueue_dma source(%dma_start3A_263 : memref<64xi32, #tpu.memory_space<hbm>>) target(%arg11 : memref<64xi32, #tpu.memory_space<vmem>>) target_semaphore(%run_scoped3A : memref<!tpu.dma_semaphore, #tpu.memory_space<semaphore_mem>>)
        %dma_wait3A_264 = tpu.memref_slice %arg2[%add3A_62] : memref<331776xi32, #tpu.memory_space<hbm>> -> memref<64xi32, #tpu.memory_space<hbm>>
        %dma_wait3A_265 = tpu.memref_slice %arg2[%add3A_62] : memref<331776xi32, #tpu.memory_space<hbm>> -> memref<64xi32, #tpu.memory_space<hbm>>
        tpu.wait_dma2 semaphore(%run_scoped3A : memref<!tpu.dma_semaphore, #tpu.memory_space<semaphore_mem>>) src(%dma_wait3A_265 : memref<64xi32, #tpu.memory_space<hbm>>) dst(%arg11 : memref<64xi32, #tpu.memory_space<vmem>>)
        tpu.yield
      }) : () -> ()
      "tpu.region"() ({
        %run_scoped3A = tpu.sem_alloc : memref<!tpu.dma_semaphore, #tpu.memory_space<semaphore_mem>>
        %dma_start3A_262 = tpu.memref_slice %arg3[%add3A_62] : memref<331776xi32, #tpu.memory_space<hbm>> -> memref<64xi32, #tpu.memory_space<hbm>>
        %dma_start3A_263 = tpu.memref_slice %arg3[%add3A_62] : memref<331776xi32, #tpu.memory_space<hbm>> -> memref<64xi32, #tpu.memory_space<hbm>>
        tpu.enqueue_dma source(%dma_start3A_263 : memref<64xi32, #tpu.memory_space<hbm>>) target(%arg12 : memref<64xi32, #tpu.memory_space<vmem>>) target_semaphore(%run_scoped3A : memref<!tpu.dma_semaphore, #tpu.memory_space<semaphore_mem>>)
        %dma_wait3A_264 = tpu.memref_slice %arg3[%add3A_62] : memref<331776xi32, #tpu.memory_space<hbm>> -> memref<64xi32, #tpu.memory_space<hbm>>
        %dma_wait3A_265 = tpu.memref_slice %arg3[%add3A_62] : memref<331776xi32, #tpu.memory_space<hbm>> -> memref<64xi32, #tpu.memory_space<hbm>>
        tpu.wait_dma2 semaphore(%run_scoped3A : memref<!tpu.dma_semaphore, #tpu.memory_space<semaphore_mem>>) src(%dma_wait3A_265 : memref<64xi32, #tpu.memory_space<hbm>>) dst(%arg12 : memref<64xi32, #tpu.memory_space<vmem>>)
        tpu.yield
      }) : () -> ()
      %dma_start3A = arith.constant 0 : i32
      %dma_start3A_65 = arith.constant 0 : i32
      %dma_start3A_66 = tpu.memref_slice %arg6[%dma_start3A, %dma_start3A_65] : memref<10240x128xf32, #tpu.memory_space<hbm>> -> memref<10240x128xf32, #tpu.memory_space<hbm>>
      tpu.enqueue_indirect_dma source(%dma_start3A_66 : memref<10240x128xf32, #tpu.memory_space<hbm>>) target(%arg13 : memref<64x128xf32, #tpu.memory_space<vmem>>) offsets(%arg11 : memref<64xi32, #tpu.memory_space<vmem>>) semaphore(%arg22 : memref<!tpu.dma_semaphore, #tpu.memory_space<semaphore_mem>>)
      %mul3A_67 = arith.constant 10368 : i32
      %mul3A_68 = arith.muli %add3A, %mul3A_67 : i32
      %mul3A_69 = arith.constant 2 : i32
      %mul3A_70 = arith.muli %scan3A_53, %mul3A_69 : i32
      %add3A_71 = arith.constant 1 : i32
      %add3A_72 = arith.addi %mul3A_70, %add3A_71 : i32
      %mul3A_73 = arith.constant 64 : i32
      %mul3A_74 = arith.muli %add3A_72, %mul3A_73 : i32
      %add3A_75 = arith.addi %mul3A_68, %mul3A_74 : i32
      %gt3A_76 = arith.constant 0 : i32
      %gt3A_77 = arith.cmpi sgt, %scan3A_53, %gt3A_76 : i32
      %convert_element_type3A_78 = arith.extui %gt3A_77 : i1 to i32
      %cond3A_79 = arith.constant 0 : i32
      %cond3A_80 = arith.cmpi ne, %convert_element_type3A_78, %cond3A_79 : i32
      scf.if %cond3A_80 {
        %dma_wait3A_262 = arith.constant 0 : i32
        %dma_wait3A_263 = arith.constant 0 : i32
        %dma_wait3A_264 = tpu.memref_slice %arg6[%dma_wait3A_262, %dma_wait3A_263] : memref<10240x128xf32, #tpu.memory_space<hbm>> -> memref<64x128xf32, #tpu.memory_space<hbm>>
        %dma_wait3A_265 = arith.constant 0 : i32
        %dma_wait3A_266 = arith.constant 0 : i32
        %dma_wait3A_267 = tpu.memref_slice %arg6[%dma_wait3A_265, %dma_wait3A_266] : memref<10240x128xf32, #tpu.memory_space<hbm>> -> memref<64x128xf32, #tpu.memory_space<hbm>>
        tpu.wait_dma2 semaphore(%arg25 : memref<!tpu.dma_semaphore, #tpu.memory_space<semaphore_mem>>) src(%dma_wait3A_267 : memref<64x128xf32, #tpu.memory_space<hbm>>) dst(%arg17 : memref<64x128xf32, #tpu.memory_space<vmem>>)
        %dma_wait3A_268 = arith.constant 0 : i32
        %dma_wait3A_269 = arith.constant 0 : i32
        %dma_wait3A_270 = arith.constant 0 : i32
        %dma_wait3A_271 = tpu.memref_slice %arg8[%dma_wait3A_268, %dma_wait3A_269, %dma_wait3A_270] : memref<2x10240x16xf32, #tpu.memory_space<hbm>> -> memref<1x64x16xf32, #tpu.memory_space<hbm>>
        %dma_wait3A_272 = tpu.memref_squeeze %dma_wait3A_271 : memref<1x64x16xf32, #tpu.memory_space<hbm>> -> memref<64x16xf32, #tpu.memory_space<hbm>>
        %dma_wait3A_273 = arith.constant 0 : i32
        %dma_wait3A_274 = arith.constant 0 : i32
        %dma_wait3A_275 = tpu.memref_slice %arg8[%dma_wait3A_268, %dma_wait3A_273, %dma_wait3A_274] : memref<2x10240x16xf32, #tpu.memory_space<hbm>> -> memref<1x64x16xf32, #tpu.memory_space<hbm>>
        %dma_wait3A_276 = tpu.memref_squeeze %dma_wait3A_275 : memref<1x64x16xf32, #tpu.memory_space<hbm>> -> memref<64x16xf32, #tpu.memory_space<hbm>>
        tpu.wait_dma2 semaphore(%arg25 : memref<!tpu.dma_semaphore, #tpu.memory_space<semaphore_mem>>) src(%dma_wait3A_276 : memref<64x16xf32, #tpu.memory_space<hbm>>) dst(%arg18 : memref<64x16xf32, #tpu.memory_space<vmem>>)
      } else {
      }
      "tpu.region"() ({
        %run_scoped3A = tpu.sem_alloc : memref<!tpu.dma_semaphore, #tpu.memory_space<semaphore_mem>>
        %dma_start3A_262 = tpu.memref_slice %arg2[%add3A_75] : memref<331776xi32, #tpu.memory_space<hbm>> -> memref<64xi32, #tpu.memory_space<hbm>>
        %dma_start3A_263 = tpu.memref_slice %arg2[%add3A_75] : memref<331776xi32, #tpu.memory_space<hbm>> -> memref<64xi32, #tpu.memory_space<hbm>>
        tpu.enqueue_dma source(%dma_start3A_263 : memref<64xi32, #tpu.memory_space<hbm>>) target(%arg15 : memref<64xi32, #tpu.memory_space<vmem>>) target_semaphore(%run_scoped3A : memref<!tpu.dma_semaphore, #tpu.memory_space<semaphore_mem>>)
        %dma_wait3A_264 = tpu.memref_slice %arg2[%add3A_75] : memref<331776xi32, #tpu.memory_space<hbm>> -> memref<64xi32, #tpu.memory_space<hbm>>
        %dma_wait3A_265 = tpu.memref_slice %arg2[%add3A_75] : memref<331776xi32, #tpu.memory_space<hbm>> -> memref<64xi32, #tpu.memory_space<hbm>>
        tpu.wait_dma2 semaphore(%run_scoped3A : memref<!tpu.dma_semaphore, #tpu.memory_space<semaphore_mem>>) src(%dma_wait3A_265 : memref<64xi32, #tpu.memory_space<hbm>>) dst(%arg15 : memref<64xi32, #tpu.memory_space<vmem>>)
        tpu.yield
      }) : () -> ()
      "tpu.region"() ({
        %run_scoped3A = tpu.sem_alloc : memref<!tpu.dma_semaphore, #tpu.memory_space<semaphore_mem>>
        %dma_start3A_262 = tpu.memref_slice %arg3[%add3A_75] : memref<331776xi32, #tpu.memory_space<hbm>> -> memref<64xi32, #tpu.memory_space<hbm>>
        %dma_start3A_263 = tpu.memref_slice %arg3[%add3A_75] : memref<331776xi32, #tpu.memory_space<hbm>> -> memref<64xi32, #tpu.memory_space<hbm>>
        tpu.enqueue_dma source(%dma_start3A_263 : memref<64xi32, #tpu.memory_space<hbm>>) target(%arg16 : memref<64xi32, #tpu.memory_space<vmem>>) target_semaphore(%run_scoped3A : memref<!tpu.dma_semaphore, #tpu.memory_space<semaphore_mem>>)
        %dma_wait3A_264 = tpu.memref_slice %arg3[%add3A_75] : memref<331776xi32, #tpu.memory_space<hbm>> -> memref<64xi32, #tpu.memory_space<hbm>>
        %dma_wait3A_265 = tpu.memref_slice %arg3[%add3A_75] : memref<331776xi32, #tpu.memory_space<hbm>> -> memref<64xi32, #tpu.memory_space<hbm>>
        tpu.wait_dma2 semaphore(%run_scoped3A : memref<!tpu.dma_semaphore, #tpu.memory_space<semaphore_mem>>) src(%dma_wait3A_265 : memref<64xi32, #tpu.memory_space<hbm>>) dst(%arg16 : memref<64xi32, #tpu.memory_space<vmem>>)
        tpu.yield
      }) : () -> ()
      %dma_start3A_81 = arith.constant 0 : i32
      %dma_start3A_82 = arith.constant 0 : i32
      %dma_start3A_83 = tpu.memref_slice %arg6[%dma_start3A_81, %dma_start3A_82] : memref<10240x128xf32, #tpu.memory_space<hbm>> -> memref<10240x128xf32, #tpu.memory_space<hbm>>
      tpu.enqueue_indirect_dma source(%dma_start3A_83 : memref<10240x128xf32, #tpu.memory_space<hbm>>) target(%arg17 : memref<64x128xf32, #tpu.memory_space<vmem>>) offsets(%arg15 : memref<64xi32, #tpu.memory_space<vmem>>) semaphore(%arg23 : memref<!tpu.dma_semaphore, #tpu.memory_space<semaphore_mem>>)
      %get3A = arith.constant 0 : index
      %get3A_84 = tpu.vector_load %arg11[%get3A] {strides = array<i32>} : memref<64xi32, #tpu.memory_space<vmem>>, vector<16xi32>,
      %get3A_85 = arith.constant 0 : index
      %get3A_86 = tpu.vector_load %arg12[%get3A_85] {strides = array<i32>} : memref<64xi32, #tpu.memory_space<vmem>>, vector<16xi32>,
      %gather3A = tpu.vector_load_idx %arg9[%get3A_84] : memref<10008xf32, #tpu.memory_space<vmem>>[vector<16xi32>], vector<16xf32>,
      %gather3A_87 = tpu.vector_load_idx %arg10[%get3A_86] : memref<10008xf32, #tpu.memory_space<vmem>>[vector<16xi32>], vector<16xf32>,
      %add3A_88 = arith.addf %gather3A, %gather3A_87 : vector<16xf32>
      %ge3A = arith.constant 0.000000e+00 : f32
      %ge3A_89 = vector.broadcast %ge3A : f32 to vector<16xf32>
      %ge3A_90 = arith.cmpf oge, %add3A_88, %ge3A_89 : vector<16xf32>
      %mul3A_91 = arith.constant 2.000000e-01 : f32
      %mul3A_92 = vector.broadcast %mul3A_91 : f32 to vector<16xf32>
      %mul3A_93 = arith.mulf %add3A_88, %mul3A_92 : vector<16xf32>
      %select_n3A = arith.select %ge3A_90, %add3A_88, %mul3A_93 : vector<16xi1>, vector<16xf32>
      %exp3A = math.exp %select_n3A : vector<16xf32>
      %swap3A = arith.constant 0 : index
      %swap3A_94 = tpu.vector_load %arg19[%swap3A] {strides = array<i32>} : memref<64xf32, #tpu.memory_space<vmem>>, vector<16xf32>,
      tpu.vector_store %arg19[%swap3A], %exp3A {strides = array<i32>} : memref<64xf32, #tpu.memory_space<vmem>>, vector<16xf32>,
      %add3A_95 = arith.constant 0 : i32
      %add3A_96 = vector.broadcast %add3A_95 : i32 to vector<16xi32>
      %add3A_97 = arith.addi %iota3A, %add3A_96 : vector<16xi32>
      tpu.vector_store_idx %arg14[%add3A_97, %broadcast_in_dim3A_10], %exp3A : memref<64x16xf32, #tpu.memory_space<vmem>>[vector<16xi32>, vector<16xi32>], vector<16xf32>,
      %get3A_98 = arith.constant 16 : index
      %get3A_99 = tpu.vector_load %arg11[%get3A_98] {strides = array<i32>} : memref<64xi32, #tpu.memory_space<vmem>>, vector<16xi32>,
      %get3A_100 = arith.constant 16 : index
      %get3A_101 = tpu.vector_load %arg12[%get3A_100] {strides = array<i32>} : memref<64xi32, #tpu.memory_space<vmem>>, vector<16xi32>,
      %gather3A_102 = tpu.vector_load_idx %arg9[%get3A_99] : memref<10008xf32, #tpu.memory_space<vmem>>[vector<16xi32>], vector<16xf32>,
      %gather3A_103 = tpu.vector_load_idx %arg10[%get3A_101] : memref<10008xf32, #tpu.memory_space<vmem>>[vector<16xi32>], vector<16xf32>,
      %add3A_104 = arith.addf %gather3A_102, %gather3A_103 : vector<16xf32>
      %ge3A_105 = arith.constant 0.000000e+00 : f32
      %ge3A_106 = vector.broadcast %ge3A_105 : f32 to vector<16xf32>
      %ge3A_107 = arith.cmpf oge, %add3A_104, %ge3A_106 : vector<16xf32>
      %mul3A_108 = arith.constant 2.000000e-01 : f32
      %mul3A_109 = vector.broadcast %mul3A_108 : f32 to vector<16xf32>
      %mul3A_110 = arith.mulf %add3A_104, %mul3A_109 : vector<16xf32>
      %select_n3A_111 = arith.select %ge3A_107, %add3A_104, %mul3A_110 : vector<16xi1>, vector<16xf32>
      %exp3A_112 = math.exp %select_n3A_111 : vector<16xf32>
      %swap3A_113 = arith.constant 16 : index
      %swap3A_114 = tpu.vector_load %arg19[%swap3A_113] {strides = array<i32>} : memref<64xf32, #tpu.memory_space<vmem>>, vector<16xf32>,
      tpu.vector_store %arg19[%swap3A_113], %exp3A_112 {strides = array<i32>} : memref<64xf32, #tpu.memory_space<vmem>>, vector<16xf32>,
      %add3A_115 = arith.constant 16 : i32
      %add3A_116 = vector.broadcast %add3A_115 : i32 to vector<16xi32>
      %add3A_117 = arith.addi %iota3A, %add3A_116 : vector<16xi32>
      tpu.vector_store_idx %arg14[%add3A_117, %broadcast_in_dim3A_10], %exp3A_112 : memref<64x16xf32, #tpu.memory_space<vmem>>[vector<16xi32>, vector<16xi32>], vector<16xf32>,
      %get3A_118 = arith.constant 32 : index
      %get3A_119 = tpu.vector_load %arg11[%get3A_118] {strides = array<i32>} : memref<64xi32, #tpu.memory_space<vmem>>, vector<16xi32>,
      %get3A_120 = arith.constant 32 : index
      %get3A_121 = tpu.vector_load %arg12[%get3A_120] {strides = array<i32>} : memref<64xi32, #tpu.memory_space<vmem>>, vector<16xi32>,
      %gather3A_122 = tpu.vector_load_idx %arg9[%get3A_119] : memref<10008xf32, #tpu.memory_space<vmem>>[vector<16xi32>], vector<16xf32>,
      %gather3A_123 = tpu.vector_load_idx %arg10[%get3A_121] : memref<10008xf32, #tpu.memory_space<vmem>>[vector<16xi32>], vector<16xf32>,
      %add3A_124 = arith.addf %gather3A_122, %gather3A_123 : vector<16xf32>
      %ge3A_125 = arith.constant 0.000000e+00 : f32
      %ge3A_126 = vector.broadcast %ge3A_125 : f32 to vector<16xf32>
      %ge3A_127 = arith.cmpf oge, %add3A_124, %ge3A_126 : vector<16xf32>
      %mul3A_128 = arith.constant 2.000000e-01 : f32
      %mul3A_129 = vector.broadcast %mul3A_128 : f32 to vector<16xf32>
      %mul3A_130 = arith.mulf %add3A_124, %mul3A_129 : vector<16xf32>
      %select_n3A_131 = arith.select %ge3A_127, %add3A_124, %mul3A_130 : vector<16xi1>, vector<16xf32>
      %exp3A_132 = math.exp %select_n3A_131 : vector<16xf32>
      %swap3A_133 = arith.constant 32 : index
      %swap3A_134 = tpu.vector_load %arg19[%swap3A_133] {strides = array<i32>} : memref<64xf32, #tpu.memory_space<vmem>>, vector<16xf32>,
      tpu.vector_store %arg19[%swap3A_133], %exp3A_132 {strides = array<i32>} : memref<64xf32, #tpu.memory_space<vmem>>, vector<16xf32>,
      %add3A_135 = arith.constant 32 : i32
      %add3A_136 = vector.broadcast %add3A_135 : i32 to vector<16xi32>
      %add3A_137 = arith.addi %iota3A, %add3A_136 : vector<16xi32>
      tpu.vector_store_idx %arg14[%add3A_137, %broadcast_in_dim3A_10], %exp3A_132 : memref<64x16xf32, #tpu.memory_space<vmem>>[vector<16xi32>, vector<16xi32>], vector<16xf32>,
      %get3A_138 = arith.constant 48 : index
      %get3A_139 = tpu.vector_load %arg11[%get3A_138] {strides = array<i32>} : memref<64xi32, #tpu.memory_space<vmem>>, vector<16xi32>,
      %get3A_140 = arith.constant 48 : index
      %get3A_141 = tpu.vector_load %arg12[%get3A_140] {strides = array<i32>} : memref<64xi32, #tpu.memory_space<vmem>>, vector<16xi32>,
      %gather3A_142 = tpu.vector_load_idx %arg9[%get3A_139] : memref<10008xf32, #tpu.memory_space<vmem>>[vector<16xi32>], vector<16xf32>,
      %gather3A_143 = tpu.vector_load_idx %arg10[%get3A_141] : memref<10008xf32, #tpu.memory_space<vmem>>[vector<16xi32>], vector<16xf32>,
      %add3A_144 = arith.addf %gather3A_142, %gather3A_143 : vector<16xf32>
      %ge3A_145 = arith.constant 0.000000e+00 : f32
      %ge3A_146 = vector.broadcast %ge3A_145 : f32 to vector<16xf32>
      %ge3A_147 = arith.cmpf oge, %add3A_144, %ge3A_146 : vector<16xf32>
      %mul3A_148 = arith.constant 2.000000e-01 : f32
      %mul3A_149 = vector.broadcast %mul3A_148 : f32 to vector<16xf32>
      %mul3A_150 = arith.mulf %add3A_144, %mul3A_149 : vector<16xf32>
      %select_n3A_151 = arith.select %ge3A_147, %add3A_144, %mul3A_150 : vector<16xi1>, vector<16xf32>
      %exp3A_152 = math.exp %select_n3A_151 : vector<16xf32>
      %swap3A_153 = arith.constant 48 : index
      %swap3A_154 = tpu.vector_load %arg19[%swap3A_153] {strides = array<i32>} : memref<64xf32, #tpu.memory_space<vmem>>, vector<16xf32>,
      tpu.vector_store %arg19[%swap3A_153], %exp3A_152 {strides = array<i32>} : memref<64xf32, #tpu.memory_space<vmem>>, vector<16xf32>,
      %add3A_155 = arith.constant 48 : i32
      %add3A_156 = vector.broadcast %add3A_155 : i32 to vector<16xi32>
      %add3A_157 = arith.addi %iota3A, %add3A_156 : vector<16xi32>
      tpu.vector_store_idx %arg14[%add3A_157, %broadcast_in_dim3A_10], %exp3A_152 : memref<64x16xf32, #tpu.memory_space<vmem>>[vector<16xi32>, vector<16xi32>], vector<16xf32>,
      %dma_wait3A_158 = arith.constant 0 : i32
      %dma_wait3A_159 = arith.constant 0 : i32
      %dma_wait3A_160 = tpu.memref_slice %arg6[%dma_wait3A_158, %dma_wait3A_159] : memref<10240x128xf32, #tpu.memory_space<hbm>> -> memref<10240x128xf32, #tpu.memory_space<hbm>>
      tpu.wait_indirect_dma semaphore(%arg22 : memref<!tpu.dma_semaphore, #tpu.memory_space<semaphore_mem>>) src(%dma_wait3A_160 : memref<10240x128xf32, #tpu.memory_space<hbm>>) dst(%arg13 : memref<64x128xf32, #tpu.memory_space<vmem>>)
      %parallel_loop3A_161 = arith.constant 0 : i32
      %parallel_loop3A_162 = arith.constant 64 : i32
      %parallel_loop3A_163 = arith.constant 1 : i32
      scf.for %parallel_loop3A_262 = %parallel_loop3A_161 to %parallel_loop3A_162 step %parallel_loop3A_163  : i32 {
        %parallel_loop3A_263 = vector.broadcast %parallel_loop3A_262 : i32 to vector<16xi32>
        %parallel_loop3A_264 = tpu.vector_load_idx %arg19[%parallel_loop3A_263] : memref<64xf32, #tpu.memory_space<vmem>>[vector<16xi32>], vector<16xf32>,
        %parallel_loop3A_265 = arith.index_cast %parallel_loop3A_262 : i32 to index
        %parallel_loop3A_266 = arith.constant 0 : index
        %parallel_loop3A_267 = tpu.vector_load %arg13[%parallel_loop3A_265, %parallel_loop3A_266] {strides = array<i32>} : memref<64x128xf32, #tpu.memory_space<vmem>>, vector<16xf32>,
        %parallel_loop3A_268 = arith.mulf %parallel_loop3A_267, %parallel_loop3A_264 : vector<16xf32>
        %parallel_loop3A_269 = arith.index_cast %parallel_loop3A_262 : i32 to index
        %parallel_loop3A_270 = arith.constant 0 : index
        %parallel_loop3A_271 = tpu.vector_load %arg13[%parallel_loop3A_269, %parallel_loop3A_270] {strides = array<i32>} : memref<64x128xf32, #tpu.memory_space<vmem>>, vector<16xf32>,
        tpu.vector_store %arg13[%parallel_loop3A_269, %parallel_loop3A_270], %parallel_loop3A_268 {strides = array<i32>} : memref<64x128xf32, #tpu.memory_space<vmem>>, vector<16xf32>,
        %parallel_loop3A_272 = arith.index_cast %parallel_loop3A_262 : i32 to index
        %parallel_loop3A_273 = arith.constant 16 : index
        %parallel_loop3A_274 = tpu.vector_load %arg13[%parallel_loop3A_272, %parallel_loop3A_273] {strides = array<i32>} : memref<64x128xf32, #tpu.memory_space<vmem>>, vector<16xf32>,
        %parallel_loop3A_275 = arith.mulf %parallel_loop3A_274, %parallel_loop3A_264 : vector<16xf32>
        %parallel_loop3A_276 = arith.index_cast %parallel_loop3A_262 : i32 to index
        %parallel_loop3A_277 = arith.constant 16 : index
        %parallel_loop3A_278 = tpu.vector_load %arg13[%parallel_loop3A_276, %parallel_loop3A_277] {strides = array<i32>} : memref<64x128xf32, #tpu.memory_space<vmem>>, vector<16xf32>,
        tpu.vector_store %arg13[%parallel_loop3A_276, %parallel_loop3A_277], %parallel_loop3A_275 {strides = array<i32>} : memref<64x128xf32, #tpu.memory_space<vmem>>, vector<16xf32>,
        %parallel_loop3A_279 = arith.index_cast %parallel_loop3A_262 : i32 to index
        %parallel_loop3A_280 = arith.constant 32 : index
        %parallel_loop3A_281 = tpu.vector_load %arg13[%parallel_loop3A_279, %parallel_loop3A_280] {strides = array<i32>} : memref<64x128xf32, #tpu.memory_space<vmem>>, vector<16xf32>,
        %parallel_loop3A_282 = arith.mulf %parallel_loop3A_281, %parallel_loop3A_264 : vector<16xf32>
        %parallel_loop3A_283 = arith.index_cast %parallel_loop3A_262 : i32 to index
        %parallel_loop3A_284 = arith.constant 32 : index
        %parallel_loop3A_285 = tpu.vector_load %arg13[%parallel_loop3A_283, %parallel_loop3A_284] {strides = array<i32>} : memref<64x128xf32, #tpu.memory_space<vmem>>, vector<16xf32>,
        tpu.vector_store %arg13[%parallel_loop3A_283, %parallel_loop3A_284], %parallel_loop3A_282 {strides = array<i32>} : memref<64x128xf32, #tpu.memory_space<vmem>>, vector<16xf32>,
        %parallel_loop3A_286 = arith.index_cast %parallel_loop3A_262 : i32 to index
        %parallel_loop3A_287 = arith.constant 48 : index
        %parallel_loop3A_288 = tpu.vector_load %arg13[%parallel_loop3A_286, %parallel_loop3A_287] {strides = array<i32>} : memref<64x128xf32, #tpu.memory_space<vmem>>, vector<16xf32>,
        %parallel_loop3A_289 = arith.mulf %parallel_loop3A_288, %parallel_loop3A_264 : vector<16xf32>
        %parallel_loop3A_290 = arith.index_cast %parallel_loop3A_262 : i32 to index
        %parallel_loop3A_291 = arith.constant 48 : index
        %parallel_loop3A_292 = tpu.vector_load %arg13[%parallel_loop3A_290, %parallel_loop3A_291] {strides = array<i32>} : memref<64x128xf32, #tpu.memory_space<vmem>>, vector<16xf32>,
        tpu.vector_store %arg13[%parallel_loop3A_290, %parallel_loop3A_291], %parallel_loop3A_289 {strides = array<i32>} : memref<64x128xf32, #tpu.memory_space<vmem>>, vector<16xf32>,
        %parallel_loop3A_293 = arith.index_cast %parallel_loop3A_262 : i32 to index
        %parallel_loop3A_294 = arith.constant 64 : index
        %parallel_loop3A_295 = tpu.vector_load %arg13[%parallel_loop3A_293, %parallel_loop3A_294] {strides = array<i32>} : memref<64x128xf32, #tpu.memory_space<vmem>>, vector<16xf32>,
        %parallel_loop3A_296 = arith.mulf %parallel_loop3A_295, %parallel_loop3A_264 : vector<16xf32>
        %parallel_loop3A_297 = arith.index_cast %parallel_loop3A_262 : i32 to index
        %parallel_loop3A_298 = arith.constant 64 : index
        %parallel_loop3A_299 = tpu.vector_load %arg13[%parallel_loop3A_297, %parallel_loop3A_298] {strides = array<i32>} : memref<64x128xf32, #tpu.memory_space<vmem>>, vector<16xf32>,
        tpu.vector_store %arg13[%parallel_loop3A_297, %parallel_loop3A_298], %parallel_loop3A_296 {strides = array<i32>} : memref<64x128xf32, #tpu.memory_space<vmem>>, vector<16xf32>,
        %parallel_loop3A_300 = arith.index_cast %parallel_loop3A_262 : i32 to index
        %parallel_loop3A_301 = arith.constant 80 : index
        %parallel_loop3A_302 = tpu.vector_load %arg13[%parallel_loop3A_300, %parallel_loop3A_301] {strides = array<i32>} : memref<64x128xf32, #tpu.memory_space<vmem>>, vector<16xf32>,
        %parallel_loop3A_303 = arith.mulf %parallel_loop3A_302, %parallel_loop3A_264 : vector<16xf32>
        %parallel_loop3A_304 = arith.index_cast %parallel_loop3A_262 : i32 to index
        %parallel_loop3A_305 = arith.constant 80 : index
        %parallel_loop3A_306 = tpu.vector_load %arg13[%parallel_loop3A_304, %parallel_loop3A_305] {strides = array<i32>} : memref<64x128xf32, #tpu.memory_space<vmem>>, vector<16xf32>,
        tpu.vector_store %arg13[%parallel_loop3A_304, %parallel_loop3A_305], %parallel_loop3A_303 {strides = array<i32>} : memref<64x128xf32, #tpu.memory_space<vmem>>, vector<16xf32>,
        %parallel_loop3A_307 = arith.index_cast %parallel_loop3A_262 : i32 to index
        %parallel_loop3A_308 = arith.constant 96 : index
        %parallel_loop3A_309 = tpu.vector_load %arg13[%parallel_loop3A_307, %parallel_loop3A_308] {strides = array<i32>} : memref<64x128xf32, #tpu.memory_space<vmem>>, vector<16xf32>,
        %parallel_loop3A_310 = arith.mulf %parallel_loop3A_309, %parallel_loop3A_264 : vector<16xf32>
        %parallel_loop3A_311 = arith.index_cast %parallel_loop3A_262 : i32 to index
        %parallel_loop3A_312 = arith.constant 96 : index
        %parallel_loop3A_313 = tpu.vector_load %arg13[%parallel_loop3A_311, %parallel_loop3A_312] {strides = array<i32>} : memref<64x128xf32, #tpu.memory_space<vmem>>, vector<16xf32>,
        tpu.vector_store %arg13[%parallel_loop3A_311, %parallel_loop3A_312], %parallel_loop3A_310 {strides = array<i32>} : memref<64x128xf32, #tpu.memory_space<vmem>>, vector<16xf32>,
        %parallel_loop3A_314 = arith.index_cast %parallel_loop3A_262 : i32 to index
        %parallel_loop3A_315 = arith.constant 112 : index
        %parallel_loop3A_316 = tpu.vector_load %arg13[%parallel_loop3A_314, %parallel_loop3A_315] {strides = array<i32>} : memref<64x128xf32, #tpu.memory_space<vmem>>, vector<16xf32>,
        %parallel_loop3A_317 = arith.mulf %parallel_loop3A_316, %parallel_loop3A_264 : vector<16xf32>
        %parallel_loop3A_318 = arith.index_cast %parallel_loop3A_262 : i32 to index
        %parallel_loop3A_319 = arith.constant 112 : index
        %parallel_loop3A_320 = tpu.vector_load %arg13[%parallel_loop3A_318, %parallel_loop3A_319] {strides = array<i32>} : memref<64x128xf32, #tpu.memory_space<vmem>>, vector<16xf32>,
        tpu.vector_store %arg13[%parallel_loop3A_318, %parallel_loop3A_319], %parallel_loop3A_317 {strides = array<i32>} : memref<64x128xf32, #tpu.memory_space<vmem>>, vector<16xf32>,
      } {sc.loop_unroll_factor = 4 : i64, sc.parallel_access}
      %dma_start3A_164 = arith.constant 0 : i32
      %dma_start3A_165 = arith.constant 0 : i32
      %dma_start3A_166 = tpu.memref_slice %arg20[%dma_start3A_164, %dma_start3A_165] : memref<10240x128xf32, #tpu.memory_space<vmem_shared>> -> memref<10240x128xf32, #tpu.memory_space<vmem_shared>>
      tpu.enqueue_indirect_dma source(%arg13 : memref<64x128xf32, #tpu.memory_space<vmem>>) target(%dma_start3A_166 : memref<10240x128xf32, #tpu.memory_space<vmem_shared>>) offsets(%arg12 : memref<64xi32, #tpu.memory_space<vmem>>) semaphore(%arg24 : memref<!tpu.dma_semaphore, #tpu.memory_space<semaphore_mem>>) {add = true}
      %dma_start3A_167 = arith.constant 0 : i32
      %dma_start3A_168 = arith.constant 0 : i32
      %dma_start3A_169 = tpu.memref_slice %arg21[%dma_start3A_167, %dma_start3A_168] : memref<10240x16xf32, #tpu.memory_space<vmem_shared>> -> memref<10240x16xf32, #tpu.memory_space<vmem_shared>>
      tpu.enqueue_indirect_dma source(%arg14 : memref<64x16xf32, #tpu.memory_space<vmem>>) target(%dma_start3A_169 : memref<10240x16xf32, #tpu.memory_space<vmem_shared>>) offsets(%arg12 : memref<64xi32, #tpu.memory_space<vmem>>) semaphore(%arg24 : memref<!tpu.dma_semaphore, #tpu.memory_space<semaphore_mem>>) {add = true}
      %get3A_170 = arith.constant 0 : index
      %get3A_171 = tpu.vector_load %arg15[%get3A_170] {strides = array<i32>} : memref<64xi32, #tpu.memory_space<vmem>>, vector<16xi32>,
      %get3A_172 = arith.constant 0 : index
      %get3A_173 = tpu.vector_load %arg16[%get3A_172] {strides = array<i32>} : memref<64xi32, #tpu.memory_space<vmem>>, vector<16xi32>,
      %gather3A_174 = tpu.vector_load_idx %arg9[%get3A_171] : memref<10008xf32, #tpu.memory_space<vmem>>[vector<16xi32>], vector<16xf32>,
      %gather3A_175 = tpu.vector_load_idx %arg10[%get3A_173] : memref<10008xf32, #tpu.memory_space<vmem>>[vector<16xi32>], vector<16xf32>,
      %add3A_176 = arith.addf %gather3A_174, %gather3A_175 : vector<16xf32>
      %ge3A_177 = arith.constant 0.000000e+00 : f32
      %ge3A_178 = vector.broadcast %ge3A_177 : f32 to vector<16xf32>
      %ge3A_179 = arith.cmpf oge, %add3A_176, %ge3A_178 : vector<16xf32>
      %mul3A_180 = arith.constant 2.000000e-01 : f32
      %mul3A_181 = vector.broadcast %mul3A_180 : f32 to vector<16xf32>
      %mul3A_182 = arith.mulf %add3A_176, %mul3A_181 : vector<16xf32>
      %select_n3A_183 = arith.select %ge3A_179, %add3A_176, %mul3A_182 : vector<16xi1>, vector<16xf32>
      %exp3A_184 = math.exp %select_n3A_183 : vector<16xf32>
      %swap3A_185 = arith.constant 0 : index
      %swap3A_186 = tpu.vector_load %arg19[%swap3A_185] {strides = array<i32>} : memref<64xf32, #tpu.memory_space<vmem>>, vector<16xf32>,
      tpu.vector_store %arg19[%swap3A_185], %exp3A_184 {strides = array<i32>} : memref<64xf32, #tpu.memory_space<vmem>>, vector<16xf32>,
      %add3A_187 = arith.constant 0 : i32
      %add3A_188 = vector.broadcast %add3A_187 : i32 to vector<16xi32>
      %add3A_189 = arith.addi %iota3A, %add3A_188 : vector<16xi32>
      tpu.vector_store_idx %arg18[%add3A_189, %broadcast_in_dim3A_10], %exp3A_184 : memref<64x16xf32, #tpu.memory_space<vmem>>[vector<16xi32>, vector<16xi32>], vector<16xf32>,
      %get3A_190 = arith.constant 16 : index
      %get3A_191 = tpu.vector_load %arg15[%get3A_190] {strides = array<i32>} : memref<64xi32, #tpu.memory_space<vmem>>, vector<16xi32>,
      %get3A_192 = arith.constant 16 : index
      %get3A_193 = tpu.vector_load %arg16[%get3A_192] {strides = array<i32>} : memref<64xi32, #tpu.memory_space<vmem>>, vector<16xi32>,
      %gather3A_194 = tpu.vector_load_idx %arg9[%get3A_191] : memref<10008xf32, #tpu.memory_space<vmem>>[vector<16xi32>], vector<16xf32>,
      %gather3A_195 = tpu.vector_load_idx %arg10[%get3A_193] : memref<10008xf32, #tpu.memory_space<vmem>>[vector<16xi32>], vector<16xf32>,
      %add3A_196 = arith.addf %gather3A_194, %gather3A_195 : vector<16xf32>
      %ge3A_197 = arith.constant 0.000000e+00 : f32
      %ge3A_198 = vector.broadcast %ge3A_197 : f32 to vector<16xf32>
      %ge3A_199 = arith.cmpf oge, %add3A_196, %ge3A_198 : vector<16xf32>
      %mul3A_200 = arith.constant 2.000000e-01 : f32
      %mul3A_201 = vector.broadcast %mul3A_200 : f32 to vector<16xf32>
      %mul3A_202 = arith.mulf %add3A_196, %mul3A_201 : vector<16xf32>
      %select_n3A_203 = arith.select %ge3A_199, %add3A_196, %mul3A_202 : vector<16xi1>, vector<16xf32>
      %exp3A_204 = math.exp %select_n3A_203 : vector<16xf32>
      %swap3A_205 = arith.constant 16 : index
      %swap3A_206 = tpu.vector_load %arg19[%swap3A_205] {strides = array<i32>} : memref<64xf32, #tpu.memory_space<vmem>>, vector<16xf32>,
      tpu.vector_store %arg19[%swap3A_205], %exp3A_204 {strides = array<i32>} : memref<64xf32, #tpu.memory_space<vmem>>, vector<16xf32>,
      %add3A_207 = arith.constant 16 : i32
      %add3A_208 = vector.broadcast %add3A_207 : i32 to vector<16xi32>
      %add3A_209 = arith.addi %iota3A, %add3A_208 : vector<16xi32>
      tpu.vector_store_idx %arg18[%add3A_209, %broadcast_in_dim3A_10], %exp3A_204 : memref<64x16xf32, #tpu.memory_space<vmem>>[vector<16xi32>, vector<16xi32>], vector<16xf32>,
      %get3A_210 = arith.constant 32 : index
      %get3A_211 = tpu.vector_load %arg15[%get3A_210] {strides = array<i32>} : memref<64xi32, #tpu.memory_space<vmem>>, vector<16xi32>,
      %get3A_212 = arith.constant 32 : index
      %get3A_213 = tpu.vector_load %arg16[%get3A_212] {strides = array<i32>} : memref<64xi32, #tpu.memory_space<vmem>>, vector<16xi32>,
      %gather3A_214 = tpu.vector_load_idx %arg9[%get3A_211] : memref<10008xf32, #tpu.memory_space<vmem>>[vector<16xi32>], vector<16xf32>,
      %gather3A_215 = tpu.vector_load_idx %arg10[%get3A_213] : memref<10008xf32, #tpu.memory_space<vmem>>[vector<16xi32>], vector<16xf32>,
      %add3A_216 = arith.addf %gather3A_214, %gather3A_215 : vector<16xf32>
      %ge3A_217 = arith.constant 0.000000e+00 : f32
      %ge3A_218 = vector.broadcast %ge3A_217 : f32 to vector<16xf32>
      %ge3A_219 = arith.cmpf oge, %add3A_216, %ge3A_218 : vector<16xf32>
      %mul3A_220 = arith.constant 2.000000e-01 : f32
      %mul3A_221 = vector.broadcast %mul3A_220 : f32 to vector<16xf32>
      %mul3A_222 = arith.mulf %add3A_216, %mul3A_221 : vector<16xf32>
      %select_n3A_223 = arith.select %ge3A_219, %add3A_216, %mul3A_222 : vector<16xi1>, vector<16xf32>
      %exp3A_224 = math.exp %select_n3A_223 : vector<16xf32>
      %swap3A_225 = arith.constant 32 : index
      %swap3A_226 = tpu.vector_load %arg19[%swap3A_225] {strides = array<i32>} : memref<64xf32, #tpu.memory_space<vmem>>, vector<16xf32>,
      tpu.vector_store %arg19[%swap3A_225], %exp3A_224 {strides = array<i32>} : memref<64xf32, #tpu.memory_space<vmem>>, vector<16xf32>,
      %add3A_227 = arith.constant 32 : i32
      %add3A_228 = vector.broadcast %add3A_227 : i32 to vector<16xi32>
      %add3A_229 = arith.addi %iota3A, %add3A_228 : vector<16xi32>
      tpu.vector_store_idx %arg18[%add3A_229, %broadcast_in_dim3A_10], %exp3A_224 : memref<64x16xf32, #tpu.memory_space<vmem>>[vector<16xi32>, vector<16xi32>], vector<16xf32>,
      %get3A_230 = arith.constant 48 : index
      %get3A_231 = tpu.vector_load %arg15[%get3A_230] {strides = array<i32>} : memref<64xi32, #tpu.memory_space<vmem>>, vector<16xi32>,
      %get3A_232 = arith.constant 48 : index
      %get3A_233 = tpu.vector_load %arg16[%get3A_232] {strides = array<i32>} : memref<64xi32, #tpu.memory_space<vmem>>, vector<16xi32>,
      %gather3A_234 = tpu.vector_load_idx %arg9[%get3A_231] : memref<10008xf32, #tpu.memory_space<vmem>>[vector<16xi32>], vector<16xf32>,
      %gather3A_235 = tpu.vector_load_idx %arg10[%get3A_233] : memref<10008xf32, #tpu.memory_space<vmem>>[vector<16xi32>], vector<16xf32>,
      %add3A_236 = arith.addf %gather3A_234, %gather3A_235 : vector<16xf32>
      %ge3A_237 = arith.constant 0.000000e+00 : f32
      %ge3A_238 = vector.broadcast %ge3A_237 : f32 to vector<16xf32>
      %ge3A_239 = arith.cmpf oge, %add3A_236, %ge3A_238 : vector<16xf32>
      %mul3A_240 = arith.constant 2.000000e-01 : f32
      %mul3A_241 = vector.broadcast %mul3A_240 : f32 to vector<16xf32>
      %mul3A_242 = arith.mulf %add3A_236, %mul3A_241 : vector<16xf32>
      %select_n3A_243 = arith.select %ge3A_239, %add3A_236, %mul3A_242 : vector<16xi1>, vector<16xf32>
      %exp3A_244 = math.exp %select_n3A_243 : vector<16xf32>
      %swap3A_245 = arith.constant 48 : index
      %swap3A_246 = tpu.vector_load %arg19[%swap3A_245] {strides = array<i32>} : memref<64xf32, #tpu.memory_space<vmem>>, vector<16xf32>,
      tpu.vector_store %arg19[%swap3A_245], %exp3A_244 {strides = array<i32>} : memref<64xf32, #tpu.memory_space<vmem>>, vector<16xf32>,
      %add3A_247 = arith.constant 48 : i32
      %add3A_248 = vector.broadcast %add3A_247 : i32 to vector<16xi32>
      %add3A_249 = arith.addi %iota3A, %add3A_248 : vector<16xi32>
      tpu.vector_store_idx %arg18[%add3A_249, %broadcast_in_dim3A_10], %exp3A_244 : memref<64x16xf32, #tpu.memory_space<vmem>>[vector<16xi32>, vector<16xi32>], vector<16xf32>,
      %dma_wait3A_250 = arith.constant 0 : i32
      %dma_wait3A_251 = arith.constant 0 : i32
      %dma_wait3A_252 = tpu.memref_slice %arg6[%dma_wait3A_250, %dma_wait3A_251] : memref<10240x128xf32, #tpu.memory_space<hbm>> -> memref<10240x128xf32, #tpu.memory_space<hbm>>
      tpu.wait_indirect_dma semaphore(%arg23 : memref<!tpu.dma_semaphore, #tpu.memory_space<semaphore_mem>>) src(%dma_wait3A_252 : memref<10240x128xf32, #tpu.memory_space<hbm>>) dst(%arg17 : memref<64x128xf32, #tpu.memory_space<vmem>>)
      %parallel_loop3A_253 = arith.constant 0 : i32
      %parallel_loop3A_254 = arith.constant 64 : i32
      %parallel_loop3A_255 = arith.constant 1 : i32
      scf.for %parallel_loop3A_262 = %parallel_loop3A_253 to %parallel_loop3A_254 step %parallel_loop3A_255  : i32 {
        %parallel_loop3A_263 = vector.broadcast %parallel_loop3A_262 : i32 to vector<16xi32>
        %parallel_loop3A_264 = tpu.vector_load_idx %arg19[%parallel_loop3A_263] : memref<64xf32, #tpu.memory_space<vmem>>[vector<16xi32>], vector<16xf32>,
        %parallel_loop3A_265 = arith.index_cast %parallel_loop3A_262 : i32 to index
        %parallel_loop3A_266 = arith.constant 0 : index
        %parallel_loop3A_267 = tpu.vector_load %arg17[%parallel_loop3A_265, %parallel_loop3A_266] {strides = array<i32>} : memref<64x128xf32, #tpu.memory_space<vmem>>, vector<16xf32>,
        %parallel_loop3A_268 = arith.mulf %parallel_loop3A_267, %parallel_loop3A_264 : vector<16xf32>
        %parallel_loop3A_269 = arith.index_cast %parallel_loop3A_262 : i32 to index
        %parallel_loop3A_270 = arith.constant 0 : index
        %parallel_loop3A_271 = tpu.vector_load %arg17[%parallel_loop3A_269, %parallel_loop3A_270] {strides = array<i32>} : memref<64x128xf32, #tpu.memory_space<vmem>>, vector<16xf32>,
        tpu.vector_store %arg17[%parallel_loop3A_269, %parallel_loop3A_270], %parallel_loop3A_268 {strides = array<i32>} : memref<64x128xf32, #tpu.memory_space<vmem>>, vector<16xf32>,
        %parallel_loop3A_272 = arith.index_cast %parallel_loop3A_262 : i32 to index
        %parallel_loop3A_273 = arith.constant 16 : index
        %parallel_loop3A_274 = tpu.vector_load %arg17[%parallel_loop3A_272, %parallel_loop3A_273] {strides = array<i32>} : memref<64x128xf32, #tpu.memory_space<vmem>>, vector<16xf32>,
        %parallel_loop3A_275 = arith.mulf %parallel_loop3A_274, %parallel_loop3A_264 : vector<16xf32>
        %parallel_loop3A_276 = arith.index_cast %parallel_loop3A_262 : i32 to index
        %parallel_loop3A_277 = arith.constant 16 : index
        %parallel_loop3A_278 = tpu.vector_load %arg17[%parallel_loop3A_276, %parallel_loop3A_277] {strides = array<i32>} : memref<64x128xf32, #tpu.memory_space<vmem>>, vector<16xf32>,
        tpu.vector_store %arg17[%parallel_loop3A_276, %parallel_loop3A_277], %parallel_loop3A_275 {strides = array<i32>} : memref<64x128xf32, #tpu.memory_space<vmem>>, vector<16xf32>,
        %parallel_loop3A_279 = arith.index_cast %parallel_loop3A_262 : i32 to index
        %parallel_loop3A_280 = arith.constant 32 : index
        %parallel_loop3A_281 = tpu.vector_load %arg17[%parallel_loop3A_279, %parallel_loop3A_280] {strides = array<i32>} : memref<64x128xf32, #tpu.memory_space<vmem>>, vector<16xf32>,
        %parallel_loop3A_282 = arith.mulf %parallel_loop3A_281, %parallel_loop3A_264 : vector<16xf32>
        %parallel_loop3A_283 = arith.index_cast %parallel_loop3A_262 : i32 to index
        %parallel_loop3A_284 = arith.constant 32 : index
        %parallel_loop3A_285 = tpu.vector_load %arg17[%parallel_loop3A_283, %parallel_loop3A_284] {strides = array<i32>} : memref<64x128xf32, #tpu.memory_space<vmem>>, vector<16xf32>,
        tpu.vector_store %arg17[%parallel_loop3A_283, %parallel_loop3A_284], %parallel_loop3A_282 {strides = array<i32>} : memref<64x128xf32, #tpu.memory_space<vmem>>, vector<16xf32>,
        %parallel_loop3A_286 = arith.index_cast %parallel_loop3A_262 : i32 to index
        %parallel_loop3A_287 = arith.constant 48 : index
        %parallel_loop3A_288 = tpu.vector_load %arg17[%parallel_loop3A_286, %parallel_loop3A_287] {strides = array<i32>} : memref<64x128xf32, #tpu.memory_space<vmem>>, vector<16xf32>,
        %parallel_loop3A_289 = arith.mulf %parallel_loop3A_288, %parallel_loop3A_264 : vector<16xf32>
        %parallel_loop3A_290 = arith.index_cast %parallel_loop3A_262 : i32 to index
        %parallel_loop3A_291 = arith.constant 48 : index
        %parallel_loop3A_292 = tpu.vector_load %arg17[%parallel_loop3A_290, %parallel_loop3A_291] {strides = array<i32>} : memref<64x128xf32, #tpu.memory_space<vmem>>, vector<16xf32>,
        tpu.vector_store %arg17[%parallel_loop3A_290, %parallel_loop3A_291], %parallel_loop3A_289 {strides = array<i32>} : memref<64x128xf32, #tpu.memory_space<vmem>>, vector<16xf32>,
        %parallel_loop3A_293 = arith.index_cast %parallel_loop3A_262 : i32 to index
        %parallel_loop3A_294 = arith.constant 64 : index
        %parallel_loop3A_295 = tpu.vector_load %arg17[%parallel_loop3A_293, %parallel_loop3A_294] {strides = array<i32>} : memref<64x128xf32, #tpu.memory_space<vmem>>, vector<16xf32>,
        %parallel_loop3A_296 = arith.mulf %parallel_loop3A_295, %parallel_loop3A_264 : vector<16xf32>
        %parallel_loop3A_297 = arith.index_cast %parallel_loop3A_262 : i32 to index
        %parallel_loop3A_298 = arith.constant 64 : index
        %parallel_loop3A_299 = tpu.vector_load %arg17[%parallel_loop3A_297, %parallel_loop3A_298] {strides = array<i32>} : memref<64x128xf32, #tpu.memory_space<vmem>>, vector<16xf32>,
        tpu.vector_store %arg17[%parallel_loop3A_297, %parallel_loop3A_298], %parallel_loop3A_296 {strides = array<i32>} : memref<64x128xf32, #tpu.memory_space<vmem>>, vector<16xf32>,
        %parallel_loop3A_300 = arith.index_cast %parallel_loop3A_262 : i32 to index
        %parallel_loop3A_301 = arith.constant 80 : index
        %parallel_loop3A_302 = tpu.vector_load %arg17[%parallel_loop3A_300, %parallel_loop3A_301] {strides = array<i32>} : memref<64x128xf32, #tpu.memory_space<vmem>>, vector<16xf32>,
        %parallel_loop3A_303 = arith.mulf %parallel_loop3A_302, %parallel_loop3A_264 : vector<16xf32>
        %parallel_loop3A_304 = arith.index_cast %parallel_loop3A_262 : i32 to index
        %parallel_loop3A_305 = arith.constant 80 : index
        %parallel_loop3A_306 = tpu.vector_load %arg17[%parallel_loop3A_304, %parallel_loop3A_305] {strides = array<i32>} : memref<64x128xf32, #tpu.memory_space<vmem>>, vector<16xf32>,
        tpu.vector_store %arg17[%parallel_loop3A_304, %parallel_loop3A_305], %parallel_loop3A_303 {strides = array<i32>} : memref<64x128xf32, #tpu.memory_space<vmem>>, vector<16xf32>,
        %parallel_loop3A_307 = arith.index_cast %parallel_loop3A_262 : i32 to index
        %parallel_loop3A_308 = arith.constant 96 : index
        %parallel_loop3A_309 = tpu.vector_load %arg17[%parallel_loop3A_307, %parallel_loop3A_308] {strides = array<i32>} : memref<64x128xf32, #tpu.memory_space<vmem>>, vector<16xf32>,
        %parallel_loop3A_310 = arith.mulf %parallel_loop3A_309, %parallel_loop3A_264 : vector<16xf32>
        %parallel_loop3A_311 = arith.index_cast %parallel_loop3A_262 : i32 to index
        %parallel_loop3A_312 = arith.constant 96 : index
        %parallel_loop3A_313 = tpu.vector_load %arg17[%parallel_loop3A_311, %parallel_loop3A_312] {strides = array<i32>} : memref<64x128xf32, #tpu.memory_space<vmem>>, vector<16xf32>,
        tpu.vector_store %arg17[%parallel_loop3A_311, %parallel_loop3A_312], %parallel_loop3A_310 {strides = array<i32>} : memref<64x128xf32, #tpu.memory_space<vmem>>, vector<16xf32>,
        %parallel_loop3A_314 = arith.index_cast %parallel_loop3A_262 : i32 to index
        %parallel_loop3A_315 = arith.constant 112 : index
        %parallel_loop3A_316 = tpu.vector_load %arg17[%parallel_loop3A_314, %parallel_loop3A_315] {strides = array<i32>} : memref<64x128xf32, #tpu.memory_space<vmem>>, vector<16xf32>,
        %parallel_loop3A_317 = arith.mulf %parallel_loop3A_316, %parallel_loop3A_264 : vector<16xf32>
        %parallel_loop3A_318 = arith.index_cast %parallel_loop3A_262 : i32 to index
        %parallel_loop3A_319 = arith.constant 112 : index
        %parallel_loop3A_320 = tpu.vector_load %arg17[%parallel_loop3A_318, %parallel_loop3A_319] {strides = array<i32>} : memref<64x128xf32, #tpu.memory_space<vmem>>, vector<16xf32>,
        tpu.vector_store %arg17[%parallel_loop3A_318, %parallel_loop3A_319], %parallel_loop3A_317 {strides = array<i32>} : memref<64x128xf32, #tpu.memory_space<vmem>>, vector<16xf32>,
      } {sc.loop_unroll_factor = 4 : i64, sc.parallel_access}
      %dma_start3A_256 = arith.constant 0 : i32
      %dma_start3A_257 = arith.constant 0 : i32
      %dma_start3A_258 = tpu.memref_slice %arg20[%dma_start3A_256, %dma_start3A_257] : memref<10240x128xf32, #tpu.memory_space<vmem_shared>> -> memref<10240x128xf32, #tpu.memory_space<vmem_shared>>
      tpu.enqueue_indirect_dma source(%arg17 : memref<64x128xf32, #tpu.memory_space<vmem>>) target(%dma_start3A_258 : memref<10240x128xf32, #tpu.memory_space<vmem_shared>>) offsets(%arg16 : memref<64xi32, #tpu.memory_space<vmem>>) semaphore(%arg25 : memref<!tpu.dma_semaphore, #tpu.memory_space<semaphore_mem>>) {add = true}
      %dma_start3A_259 = arith.constant 0 : i32
      %dma_start3A_260 = arith.constant 0 : i32
      %dma_start3A_261 = tpu.memref_slice %arg21[%dma_start3A_259, %dma_start3A_260] : memref<10240x16xf32, #tpu.memory_space<vmem_shared>> -> memref<10240x16xf32, #tpu.memory_space<vmem_shared>>
      tpu.enqueue_indirect_dma source(%arg18 : memref<64x16xf32, #tpu.memory_space<vmem>>) target(%dma_start3A_261 : memref<10240x16xf32, #tpu.memory_space<vmem_shared>>) offsets(%arg16 : memref<64xi32, #tpu.memory_space<vmem>>) semaphore(%arg25 : memref<!tpu.dma_semaphore, #tpu.memory_space<semaphore_mem>>) {add = true}
    }
    %scan3A_16 = arith.constant 81 : i32
    %dma_wait3A = arith.constant 0 : i32
    %dma_wait3A_17 = arith.constant 0 : i32
    %dma_wait3A_18 = tpu.memref_slice %arg6[%dma_wait3A, %dma_wait3A_17] : memref<10240x128xf32, #tpu.memory_space<hbm>> -> memref<64x128xf32, #tpu.memory_space<hbm>>
    %dma_wait3A_19 = arith.constant 0 : i32
    %dma_wait3A_20 = arith.constant 0 : i32
    %dma_wait3A_21 = tpu.memref_slice %arg6[%dma_wait3A_19, %dma_wait3A_20] : memref<10240x128xf32, #tpu.memory_space<hbm>> -> memref<64x128xf32, #tpu.memory_space<hbm>>
    tpu.wait_dma2 semaphore(%arg24 : memref<!tpu.dma_semaphore, #tpu.memory_space<semaphore_mem>>) src(%dma_wait3A_21 : memref<64x128xf32, #tpu.memory_space<hbm>>) dst(%arg13 : memref<64x128xf32, #tpu.memory_space<vmem>>)
    %dma_wait3A_22 = arith.constant 0 : i32
    %dma_wait3A_23 = arith.constant 0 : i32
    %dma_wait3A_24 = arith.constant 0 : i32
    %dma_wait3A_25 = tpu.memref_slice %arg8[%dma_wait3A_22, %dma_wait3A_23, %dma_wait3A_24] : memref<2x10240x16xf32, #tpu.memory_space<hbm>> -> memref<1x64x16xf32, #tpu.memory_space<hbm>>
    %dma_wait3A_26 = tpu.memref_squeeze %dma_wait3A_25 : memref<1x64x16xf32, #tpu.memory_space<hbm>> -> memref<64x16xf32, #tpu.memory_space<hbm>>
    %dma_wait3A_27 = arith.constant 0 : i32
    %dma_wait3A_28 = arith.constant 0 : i32
    %dma_wait3A_29 = tpu.memref_slice %arg8[%dma_wait3A_22, %dma_wait3A_27, %dma_wait3A_28] : memref<2x10240x16xf32, #tpu.memory_space<hbm>> -> memref<1x64x16xf32, #tpu.memory_space<hbm>>
    %dma_wait3A_30 = tpu.memref_squeeze %dma_wait3A_29 : memref<1x64x16xf32, #tpu.memory_space<hbm>> -> memref<64x16xf32, #tpu.memory_space<hbm>>
    tpu.wait_dma2 semaphore(%arg24 : memref<!tpu.dma_semaphore, #tpu.memory_space<semaphore_mem>>) src(%dma_wait3A_30 : memref<64x16xf32, #tpu.memory_space<hbm>>) dst(%arg14 : memref<64x16xf32, #tpu.memory_space<vmem>>)
    %dma_wait3A_31 = arith.constant 0 : i32
    %dma_wait3A_32 = arith.constant 0 : i32
    %dma_wait3A_33 = tpu.memref_slice %arg6[%dma_wait3A_31, %dma_wait3A_32] : memref<10240x128xf32, #tpu.memory_space<hbm>> -> memref<64x128xf32, #tpu.memory_space<hbm>>
    %dma_wait3A_34 = arith.constant 0 : i32
    %dma_wait3A_35 = arith.constant 0 : i32
    %dma_wait3A_36 = tpu.memref_slice %arg6[%dma_wait3A_34, %dma_wait3A_35] : memref<10240x128xf32, #tpu.memory_space<hbm>> -> memref<64x128xf32, #tpu.memory_space<hbm>>
    tpu.wait_dma2 semaphore(%arg25 : memref<!tpu.dma_semaphore, #tpu.memory_space<semaphore_mem>>) src(%dma_wait3A_36 : memref<64x128xf32, #tpu.memory_space<hbm>>) dst(%arg17 : memref<64x128xf32, #tpu.memory_space<vmem>>)
    %dma_wait3A_37 = arith.constant 0 : i32
    %dma_wait3A_38 = arith.constant 0 : i32
    %dma_wait3A_39 = arith.constant 0 : i32
    %dma_wait3A_40 = tpu.memref_slice %arg8[%dma_wait3A_37, %dma_wait3A_38, %dma_wait3A_39] : memref<2x10240x16xf32, #tpu.memory_space<hbm>> -> memref<1x64x16xf32, #tpu.memory_space<hbm>>
    %dma_wait3A_41 = tpu.memref_squeeze %dma_wait3A_40 : memref<1x64x16xf32, #tpu.memory_space<hbm>> -> memref<64x16xf32, #tpu.memory_space<hbm>>
    %dma_wait3A_42 = arith.constant 0 : i32
    %dma_wait3A_43 = arith.constant 0 : i32
    %dma_wait3A_44 = tpu.memref_slice %arg8[%dma_wait3A_37, %dma_wait3A_42, %dma_wait3A_43] : memref<2x10240x16xf32, #tpu.memory_space<hbm>> -> memref<1x64x16xf32, #tpu.memory_space<hbm>>
    %dma_wait3A_45 = tpu.memref_squeeze %dma_wait3A_44 : memref<1x64x16xf32, #tpu.memory_space<hbm>> -> memref<64x16xf32, #tpu.memory_space<hbm>>
    tpu.wait_dma2 semaphore(%arg25 : memref<!tpu.dma_semaphore, #tpu.memory_space<semaphore_mem>>) src(%dma_wait3A_45 : memref<64x16xf32, #tpu.memory_space<hbm>>) dst(%arg18 : memref<64x16xf32, #tpu.memory_space<vmem>>)
    %barrier3A_46 = arith.constant 0 : index
    tpu.barrier barrier_id(%barrier3A_46)
    %scan3A_47 = arith.constant 0 : i32
    %scan3A_48 = arith.constant 0 : i32
    %scan3A_49 = arith.constant 10 : i32
    %scan3A_50 = arith.addi %scan3A_48, %scan3A_49 : i32
    %scan3A_51 = arith.constant 1 : i32
    scf.for %scan3A_53 = %scan3A_48 to %scan3A_50 step %scan3A_51  : i32 {
      %mul3A_54 = arith.constant 640 : i32
      %mul3A_55 = arith.muli %arg1, %mul3A_54 : i32
      %mul3A_56 = arith.constant 64 : i32
      %mul3A_57 = arith.muli %scan3A_53, %mul3A_56 : i32
      %add3A_58 = arith.addi %mul3A_55, %mul3A_57 : i32
      "tpu.region"() ({
        %run_scoped3A = tpu.sem_alloc : memref<!tpu.dma_semaphore, #tpu.memory_space<semaphore_mem>>
        %dma_start3A = arith.constant 0 : i32
        %dma_start3A_59 = tpu.memref_slice %arg20[%add3A_58, %dma_start3A] : memref<10240x128xf32, #tpu.memory_space<vmem_shared>> -> memref<64x128xf32, #tpu.memory_space<vmem_shared>>
        %dma_start3A_60 = arith.constant 0 : i32
        %dma_start3A_61 = tpu.memref_slice %arg20[%add3A_58, %dma_start3A_60] : memref<10240x128xf32, #tpu.memory_space<vmem_shared>> -> memref<64x128xf32, #tpu.memory_space<vmem_shared>>
        tpu.enqueue_dma source(%dma_start3A_61 : memref<64x128xf32, #tpu.memory_space<vmem_shared>>) target(%arg13 : memref<64x128xf32, #tpu.memory_space<vmem>>) target_semaphore(%run_scoped3A : memref<!tpu.dma_semaphore, #tpu.memory_space<semaphore_mem>>)
        %dma_wait3A_62 = arith.constant 0 : i32
        %dma_wait3A_63 = tpu.memref_slice %arg20[%add3A_58, %dma_wait3A_62] : memref<10240x128xf32, #tpu.memory_space<vmem_shared>> -> memref<64x128xf32, #tpu.memory_space<vmem_shared>>
        %dma_wait3A_64 = arith.constant 0 : i32
        %dma_wait3A_65 = tpu.memref_slice %arg20[%add3A_58, %dma_wait3A_64] : memref<10240x128xf32, #tpu.memory_space<vmem_shared>> -> memref<64x128xf32, #tpu.memory_space<vmem_shared>>
        tpu.wait_dma2 semaphore(%run_scoped3A : memref<!tpu.dma_semaphore, #tpu.memory_space<semaphore_mem>>) src(%dma_wait3A_65 : memref<64x128xf32, #tpu.memory_space<vmem_shared>>) dst(%arg13 : memref<64x128xf32, #tpu.memory_space<vmem>>)
        tpu.yield
      }) : () -> ()
      "tpu.region"() ({
        %run_scoped3A = tpu.sem_alloc : memref<!tpu.dma_semaphore, #tpu.memory_space<semaphore_mem>>
        %dma_start3A = arith.constant 0 : i32
        %dma_start3A_59 = tpu.memref_slice %arg7[%arg0, %add3A_58, %dma_start3A] : memref<2x10240x128xf32, #tpu.memory_space<hbm>> -> memref<1x64x128xf32, #tpu.memory_space<hbm>>
        %dma_start3A_60 = tpu.memref_squeeze %dma_start3A_59 : memref<1x64x128xf32, #tpu.memory_space<hbm>> -> memref<64x128xf32, #tpu.memory_space<hbm>>
        %dma_start3A_61 = arith.constant 0 : i32
        %dma_start3A_62 = tpu.memref_slice %arg7[%arg0, %add3A_58, %dma_start3A_61] : memref<2x10240x128xf32, #tpu.memory_space<hbm>> -> memref<1x64x128xf32, #tpu.memory_space<hbm>>
        %dma_start3A_63 = tpu.memref_squeeze %dma_start3A_62 : memref<1x64x128xf32, #tpu.memory_space<hbm>> -> memref<64x128xf32, #tpu.memory_space<hbm>>
        tpu.enqueue_dma source(%arg13 : memref<64x128xf32, #tpu.memory_space<vmem>>) target(%dma_start3A_63 : memref<64x128xf32, #tpu.memory_space<hbm>>) target_semaphore(%run_scoped3A : memref<!tpu.dma_semaphore, #tpu.memory_space<semaphore_mem>>)
        %dma_wait3A_64 = arith.constant 0 : i32
        %dma_wait3A_65 = tpu.memref_slice %arg7[%arg0, %add3A_58, %dma_wait3A_64] : memref<2x10240x128xf32, #tpu.memory_space<hbm>> -> memref<1x64x128xf32, #tpu.memory_space<hbm>>
        %dma_wait3A_66 = tpu.memref_squeeze %dma_wait3A_65 : memref<1x64x128xf32, #tpu.memory_space<hbm>> -> memref<64x128xf32, #tpu.memory_space<hbm>>
        %dma_wait3A_67 = arith.constant 0 : i32
        %dma_wait3A_68 = tpu.memref_slice %arg7[%arg0, %add3A_58, %dma_wait3A_67] : memref<2x10240x128xf32, #tpu.memory_space<hbm>> -> memref<1x64x128xf32, #tpu.memory_space<hbm>>
        %dma_wait3A_69 = tpu.memref_squeeze %dma_wait3A_68 : memref<1x64x128xf32, #tpu.memory_space<hbm>> -> memref<64x128xf32, #tpu.memory_space<hbm>>
        tpu.wait_dma2 semaphore(%run_scoped3A : memref<!tpu.dma_semaphore, #tpu.memory_space<semaphore_mem>>) src(%arg13 : memref<64x128xf32, #tpu.memory_space<vmem>>) dst(%dma_wait3A_69 : memref<64x128xf32, #tpu.memory_space<hbm>>)
        tpu.yield
      }) : () -> ()
      "tpu.region"() ({
        %run_scoped3A = tpu.sem_alloc : memref<!tpu.dma_semaphore, #tpu.memory_space<semaphore_mem>>
        %dma_start3A = arith.constant 0 : i32
        %dma_start3A_59 = tpu.memref_slice %arg21[%add3A_58, %dma_start3A] : memref<10240x16xf32, #tpu.memory_space<vmem_shared>> -> memref<64x16xf32, #tpu.memory_space<vmem_shared>>
        %dma_start3A_60 = arith.constant 0 : i32
        %dma_start3A_61 = tpu.memref_slice %arg21[%add3A_58, %dma_start3A_60] : memref<10240x16xf32, #tpu.memory_space<vmem_shared>> -> memref<64x16xf32, #tpu.memory_space<vmem_shared>>
        tpu.enqueue_dma source(%dma_start3A_61 : memref<64x16xf32, #tpu.memory_space<vmem_shared>>) target(%arg14 : memref<64x16xf32, #tpu.memory_space<vmem>>) target_semaphore(%run_scoped3A : memref<!tpu.dma_semaphore, #tpu.memory_space<semaphore_mem>>)
        %dma_wait3A_62 = arith.constant 0 : i32
        %dma_wait3A_63 = tpu.memref_slice %arg21[%add3A_58, %dma_wait3A_62] : memref<10240x16xf32, #tpu.memory_space<vmem_shared>> -> memref<64x16xf32, #tpu.memory_space<vmem_shared>>
        %dma_wait3A_64 = arith.constant 0 : i32
        %dma_wait3A_65 = tpu.memref_slice %arg21[%add3A_58, %dma_wait3A_64] : memref<10240x16xf32, #tpu.memory_space<vmem_shared>> -> memref<64x16xf32, #tpu.memory_space<vmem_shared>>
        tpu.wait_dma2 semaphore(%run_scoped3A : memref<!tpu.dma_semaphore, #tpu.memory_space<semaphore_mem>>) src(%dma_wait3A_65 : memref<64x16xf32, #tpu.memory_space<vmem_shared>>) dst(%arg14 : memref<64x16xf32, #tpu.memory_space<vmem>>)
        tpu.yield
      }) : () -> ()
      "tpu.region"() ({
        %run_scoped3A = tpu.sem_alloc : memref<!tpu.dma_semaphore, #tpu.memory_space<semaphore_mem>>
        %dma_start3A = arith.constant 0 : i32
        %dma_start3A_59 = tpu.memref_slice %arg8[%arg0, %add3A_58, %dma_start3A] : memref<2x10240x16xf32, #tpu.memory_space<hbm>> -> memref<1x64x16xf32, #tpu.memory_space<hbm>>
        %dma_start3A_60 = tpu.memref_squeeze %dma_start3A_59 : memref<1x64x16xf32, #tpu.memory_space<hbm>> -> memref<64x16xf32, #tpu.memory_space<hbm>>
        %dma_start3A_61 = arith.constant 0 : i32
        %dma_start3A_62 = tpu.memref_slice %arg8[%arg0, %add3A_58, %dma_start3A_61] : memref<2x10240x16xf32, #tpu.memory_space<hbm>> -> memref<1x64x16xf32, #tpu.memory_space<hbm>>
        %dma_start3A_63 = tpu.memref_squeeze %dma_start3A_62 : memref<1x64x16xf32, #tpu.memory_space<hbm>> -> memref<64x16xf32, #tpu.memory_space<hbm>>
        tpu.enqueue_dma source(%arg14 : memref<64x16xf32, #tpu.memory_space<vmem>>) target(%dma_start3A_63 : memref<64x16xf32, #tpu.memory_space<hbm>>) target_semaphore(%run_scoped3A : memref<!tpu.dma_semaphore, #tpu.memory_space<semaphore_mem>>)
        %dma_wait3A_64 = arith.constant 0 : i32
        %dma_wait3A_65 = tpu.memref_slice %arg8[%arg0, %add3A_58, %dma_wait3A_64] : memref<2x10240x16xf32, #tpu.memory_space<hbm>> -> memref<1x64x16xf32, #tpu.memory_space<hbm>>
        %dma_wait3A_66 = tpu.memref_squeeze %dma_wait3A_65 : memref<1x64x16xf32, #tpu.memory_space<hbm>> -> memref<64x16xf32, #tpu.memory_space<hbm>>
        %dma_wait3A_67 = arith.constant 0 : i32
        %dma_wait3A_68 = tpu.memref_slice %arg8[%arg0, %add3A_58, %dma_wait3A_67] : memref<2x10240x16xf32, #tpu.memory_space<hbm>> -> memref<1x64x16xf32, #tpu.memory_space<hbm>>
        %dma_wait3A_69 = tpu.memref_squeeze %dma_wait3A_68 : memref<1x64x16xf32, #tpu.memory_space<hbm>> -> memref<64x16xf32, #tpu.memory_space<hbm>>
        tpu.wait_dma2 semaphore(%run_scoped3A : memref<!tpu.dma_semaphore, #tpu.memory_space<semaphore_mem>>) src(%arg14 : memref<64x16xf32, #tpu.memory_space<vmem>>) dst(%dma_wait3A_69 : memref<64x16xf32, #tpu.memory_space<hbm>>)
        tpu.yield
      }) : () -> ()
    }
    %scan3A_52 = arith.constant 10 : i32
    return
  }
}

module attributes {stable_mosaic.version = 14 : i64} {
  func.func @_tc1_body(%arg0: i32, %arg1: memref<256x128xf32, #tpu.memory_space<vmem>>, %arg2: memref<128x128xf32, #tpu.memory_space<vmem>>, %arg3: memref<1x128xf32, #tpu.memory_space<vmem>>, %arg4: memref<1x128xf32, #tpu.memory_space<vmem>>, %arg5: memref<256x128xf32, #tpu.memory_space<vmem>>, %arg6: memref<256x1xf32, #tpu.memory_space<vmem>>, %arg7: memref<256x1xf32, #tpu.memory_space<vmem>>) attributes {dimension_semantics = [#tpu.dimension_semantics<arbitrary>], iteration_bounds = array<i64: 40>, scalar_prefetch = 0 : i64, scratch_operands = 0 : i64, tpu.core_type = #tpu.core_type<tc>, window_params = [{transform_indices = @transform_0, window_bounds = array<i64: 256, 128>}, {pipeline_mode = #tpu.pipeline_mode<synchronous>, transform_indices = @transform_1, window_bounds = array<i64: 128, 128>}, {pipeline_mode = #tpu.pipeline_mode<synchronous>, transform_indices = @transform_2, window_bounds = array<i64: 1, 128>}, {pipeline_mode = #tpu.pipeline_mode<synchronous>, transform_indices = @transform_3, window_bounds = array<i64: 1, 128>}, {transform_indices = @transform_4, window_bounds = array<i64: 256, 128>}, {transform_indices = @transform_5, window_bounds = array<i64: 256, 1>}, {transform_indices = @transform_6, window_bounds = array<i64: 256, 1>}]} {
    %get3A = arith.constant 0 : index
    %get3A_0 = arith.constant 0 : index
    %get3A_1 = vector.load %arg1[%get3A, %get3A_0] : memref<256x128xf32, #tpu.memory_space<vmem>>, vector<256x128xf32>
    %get3A_2 = arith.constant 0 : index
    %get3A_3 = arith.constant 0 : index
    %get3A_4 = vector.load %arg2[%get3A_2, %get3A_3] : memref<128x128xf32, #tpu.memory_space<vmem>>, vector<128x128xf32>
    %dot_general3A = arith.constant dense<0.000000e+00> : vector<256x128xf32>
    %dot_general3A_5 = tpu.matmul %get3A_1, %get3A_4, %dot_general3A {dimension_numbers = #tpu.dot_dimension_numbers<[1], [0], [0], [1], [0, 0, 1, 1], [], []>, precision = #tpu.contract_precision<fp32>, transpose_lhs_hint = false} : vector<256x128xf32>, vector<128x128xf32>, vector<256x128xf32> -> vector<256x128xf32>
    %swap3A = arith.constant 0 : index
    %swap3A_6 = arith.constant 0 : index
    %swap3A_7 = vector.load %arg5[%swap3A, %swap3A_6] : memref<256x128xf32, #tpu.memory_space<vmem>>, vector<256x128xf32>
    tpu.vector_store %arg5[%swap3A, %swap3A_6], %dot_general3A_5 {strides = array<i32>} : memref<256x128xf32, #tpu.memory_space<vmem>>, vector<256x128xf32>,
    %get3A_8 = arith.constant 0 : index
    %get3A_9 = arith.constant 0 : index
    %get3A_10 = vector.load %arg3[%get3A_8, %get3A_9] : memref<1x128xf32, #tpu.memory_space<vmem>>, vector<1x128xf32>
    %mul3A = vector.broadcast %get3A_10 : vector<1x128xf32> to vector<256x128xf32>
    %mul3A_11 = arith.mulf %dot_general3A_5, %mul3A : vector<256x128xf32>
    %reduce_sum3A = arith.constant dense<0.000000e+00> : vector<256xf32>
    %reduce_sum3A_12 = vector.multi_reduction <add>, %mul3A_11, %reduce_sum3A [1] : vector<256x128xf32> to vector<256xf32>
    %broadcast_in_dim3A = vector.shape_cast %reduce_sum3A_12 : vector<256xf32> to vector<256x1xf32>
    %swap3A_13 = arith.constant 0 : index
    %swap3A_14 = arith.constant 0 : index
    %swap3A_15 = vector.load %arg6[%swap3A_13, %swap3A_14] : memref<256x1xf32, #tpu.memory_space<vmem>>, vector<256x1xf32>
    tpu.vector_store %arg6[%swap3A_13, %swap3A_14], %broadcast_in_dim3A {strides = array<i32>} : memref<256x1xf32, #tpu.memory_space<vmem>>, vector<256x1xf32>,
    %get3A_16 = arith.constant 0 : index
    %get3A_17 = arith.constant 0 : index
    %get3A_18 = vector.load %arg4[%get3A_16, %get3A_17] : memref<1x128xf32, #tpu.memory_space<vmem>>, vector<1x128xf32>
    %mul3A_19 = vector.broadcast %get3A_18 : vector<1x128xf32> to vector<256x128xf32>
    %mul3A_20 = arith.mulf %dot_general3A_5, %mul3A_19 : vector<256x128xf32>
    %reduce_sum3A_21 = arith.constant dense<0.000000e+00> : vector<256xf32>
    %reduce_sum3A_22 = vector.multi_reduction <add>, %mul3A_20, %reduce_sum3A_21 [1] : vector<256x128xf32> to vector<256xf32>
    %broadcast_in_dim3A_23 = vector.shape_cast %reduce_sum3A_22 : vector<256xf32> to vector<256x1xf32>
    %swap3A_24 = arith.constant 0 : index
    %swap3A_25 = arith.constant 0 : index
    %swap3A_26 = vector.load %arg7[%swap3A_24, %swap3A_25] : memref<256x1xf32, #tpu.memory_space<vmem>>, vector<256x1xf32>
    tpu.vector_store %arg7[%swap3A_24, %swap3A_25], %broadcast_in_dim3A_23 {strides = array<i32>} : memref<256x1xf32, #tpu.memory_space<vmem>>, vector<256x1xf32>,
    return
  }
  func.func @transform_0(%arg0: i32) -> (i32, i32) {
    %c0_i32 = arith.constant 0 : i32
    %c0_i32_0 = arith.constant 0 : i32
    return %arg0, %c0_i32 : i32, i32
  }
  func.func @transform_1(%arg0: i32) -> (i32, i32) {
    %c0_i32 = arith.constant 0 : i32
    %c0_i32_0 = arith.constant 0 : i32
    %c0_i32_1 = arith.constant 0 : i32
    return %c0_i32, %c0_i32_0 : i32, i32
  }
  func.func @transform_2(%arg0: i32) -> (i32, i32) {
    %c0_i32 = arith.constant 0 : i32
    %c0_i32_0 = arith.constant 0 : i32
    %c0_i32_1 = arith.constant 0 : i32
    return %c0_i32, %c0_i32_0 : i32, i32
  }
  func.func @transform_3(%arg0: i32) -> (i32, i32) {
    %c0_i32 = arith.constant 0 : i32
    %c0_i32_0 = arith.constant 0 : i32
    %c0_i32_1 = arith.constant 0 : i32
    return %c0_i32, %c0_i32_0 : i32, i32
  }
  func.func @transform_4(%arg0: i32) -> (i32, i32) {
    %c0_i32 = arith.constant 0 : i32
    %c0_i32_0 = arith.constant 0 : i32
    return %arg0, %c0_i32 : i32, i32
  }
  func.func @transform_5(%arg0: i32) -> (i32, i32) {
    %c0_i32 = arith.constant 0 : i32
    %c0_i32_0 = arith.constant 0 : i32
    return %arg0, %c0_i32 : i32, i32
  }
  func.func @transform_6(%arg0: i32) -> (i32, i32) {
    %c0_i32 = arith.constant 0 : i32
    %c0_i32_0 = arith.constant 0 : i32
    return %arg0, %c0_i32 : i32, i32
  }
}

module attributes {stable_mosaic.version = 14 : i64} {
  func.func @_tc2_body(%arg0: i32, %arg1: memref<256x128xf32, #tpu.memory_space<vmem>>, %arg2: memref<256x128xf32, #tpu.memory_space<vmem>>, %arg3: memref<256x16xf32, #tpu.memory_space<vmem>>, %arg4: memref<256x16xf32, #tpu.memory_space<vmem>>, %arg5: memref<1x128xf32, #tpu.memory_space<vmem>>, %arg6: memref<128x128xf32, #tpu.memory_space<vmem>>, %arg7: memref<1x128xf32, #tpu.memory_space<vmem>>, %arg8: memref<1x128xf32, #tpu.memory_space<vmem>>, %arg9: memref<256x128xf32, #tpu.memory_space<vmem>>, %arg10: memref<256x1xf32, #tpu.memory_space<vmem>>, %arg11: memref<256x1xf32, #tpu.memory_space<vmem>>) attributes {dimension_semantics = [#tpu.dimension_semantics<arbitrary>], iteration_bounds = array<i64: 40>, scalar_prefetch = 0 : i64, scratch_operands = 0 : i64, tpu.core_type = #tpu.core_type<tc>, window_params = [{transform_indices = @transform_0, window_bounds = array<i64: 256, 128>}, {transform_indices = @transform_1, window_bounds = array<i64: 256, 128>}, {transform_indices = @transform_2, window_bounds = array<i64: 256, 16>}, {transform_indices = @transform_3, window_bounds = array<i64: 256, 16>}, {pipeline_mode = #tpu.pipeline_mode<synchronous>, transform_indices = @transform_4, window_bounds = array<i64: 1, 128>}, {pipeline_mode = #tpu.pipeline_mode<synchronous>, transform_indices = @transform_5, window_bounds = array<i64: 128, 128>}, {pipeline_mode = #tpu.pipeline_mode<synchronous>, transform_indices = @transform_6, window_bounds = array<i64: 1, 128>}, {pipeline_mode = #tpu.pipeline_mode<synchronous>, transform_indices = @transform_7, window_bounds = array<i64: 1, 128>}, {transform_indices = @transform_8, window_bounds = array<i64: 256, 128>}, {transform_indices = @transform_9, window_bounds = array<i64: 256, 1>}, {transform_indices = @transform_10, window_bounds = array<i64: 256, 1>}]} {
    %get3A = arith.constant 0 : index
    %get3A_0 = arith.constant 0 : index
    %get3A_1 = vector.load %arg3[%get3A, %get3A_0] : memref<256x16xf32, #tpu.memory_space<vmem>>, vector<256x1xf32>
    %get3A_2 = arith.constant 0 : index
    %get3A_3 = arith.constant 0 : index
    %get3A_4 = vector.load %arg4[%get3A_2, %get3A_3] : memref<256x16xf32, #tpu.memory_space<vmem>>, vector<256x1xf32>
    %add3A = arith.addf %get3A_1, %get3A_4 : vector<256x1xf32>
    %get3A_5 = arith.constant 0 : index
    %get3A_6 = arith.constant 0 : index
    %get3A_7 = vector.load %arg1[%get3A_5, %get3A_6] : memref<256x128xf32, #tpu.memory_space<vmem>>, vector<256x128xf32>
    %get3A_8 = arith.constant 0 : index
    %get3A_9 = arith.constant 0 : index
    %get3A_10 = vector.load %arg2[%get3A_8, %get3A_9] : memref<256x128xf32, #tpu.memory_space<vmem>>, vector<256x128xf32>
    %add3A_11 = arith.addf %get3A_7, %get3A_10 : vector<256x128xf32>
    %div3A = vector.broadcast %add3A : vector<256x1xf32> to vector<256x128xf32>
    %div3A_12 = arith.divf %add3A_11, %div3A : vector<256x128xf32>
    %get3A_13 = arith.constant 0 : index
    %get3A_14 = arith.constant 0 : index
    %get3A_15 = vector.load %arg5[%get3A_13, %get3A_14] : memref<1x128xf32, #tpu.memory_space<vmem>>, vector<1x128xf32>
    %add3A_16 = vector.broadcast %get3A_15 : vector<1x128xf32> to vector<256x128xf32>
    %add3A_17 = arith.addf %div3A_12, %add3A_16 : vector<256x128xf32>
    %max3A = arith.constant 0.000000e+00 : f32
    %max3A_18 = vector.broadcast %max3A : f32 to vector<256x128xf32>
    %max3A_19 = arith.maximumf %add3A_17, %max3A_18 : vector<256x128xf32>
    %get3A_20 = arith.constant 0 : index
    %get3A_21 = arith.constant 0 : index
    %get3A_22 = vector.load %arg6[%get3A_20, %get3A_21] : memref<128x128xf32, #tpu.memory_space<vmem>>, vector<128x128xf32>
    %dot_general3A = arith.constant dense<0.000000e+00> : vector<256x128xf32>
    %dot_general3A_23 = tpu.matmul %max3A_19, %get3A_22, %dot_general3A {dimension_numbers = #tpu.dot_dimension_numbers<[1], [0], [0], [1], [0, 0, 1, 1], [], []>, precision = #tpu.contract_precision<fp32>, transpose_lhs_hint = false} : vector<256x128xf32>, vector<128x128xf32>, vector<256x128xf32> -> vector<256x128xf32>
    %swap3A = arith.constant 0 : index
    %swap3A_24 = arith.constant 0 : index
    %swap3A_25 = vector.load %arg9[%swap3A, %swap3A_24] : memref<256x128xf32, #tpu.memory_space<vmem>>, vector<256x128xf32>
    tpu.vector_store %arg9[%swap3A, %swap3A_24], %dot_general3A_23 {strides = array<i32>} : memref<256x128xf32, #tpu.memory_space<vmem>>, vector<256x128xf32>,
    %get3A_26 = arith.constant 0 : index
    %get3A_27 = arith.constant 0 : index
    %get3A_28 = vector.load %arg7[%get3A_26, %get3A_27] : memref<1x128xf32, #tpu.memory_space<vmem>>, vector<1x128xf32>
    %mul3A = vector.broadcast %get3A_28 : vector<1x128xf32> to vector<256x128xf32>
    %mul3A_29 = arith.mulf %dot_general3A_23, %mul3A : vector<256x128xf32>
    %reduce_sum3A = arith.constant dense<0.000000e+00> : vector<256xf32>
    %reduce_sum3A_30 = vector.multi_reduction <add>, %mul3A_29, %reduce_sum3A [1] : vector<256x128xf32> to vector<256xf32>
    %broadcast_in_dim3A = vector.shape_cast %reduce_sum3A_30 : vector<256xf32> to vector<256x1xf32>
    %swap3A_31 = arith.constant 0 : index
    %swap3A_32 = arith.constant 0 : index
    %swap3A_33 = vector.load %arg10[%swap3A_31, %swap3A_32] : memref<256x1xf32, #tpu.memory_space<vmem>>, vector<256x1xf32>
    tpu.vector_store %arg10[%swap3A_31, %swap3A_32], %broadcast_in_dim3A {strides = array<i32>} : memref<256x1xf32, #tpu.memory_space<vmem>>, vector<256x1xf32>,
    %get3A_34 = arith.constant 0 : index
    %get3A_35 = arith.constant 0 : index
    %get3A_36 = vector.load %arg8[%get3A_34, %get3A_35] : memref<1x128xf32, #tpu.memory_space<vmem>>, vector<1x128xf32>
    %mul3A_37 = vector.broadcast %get3A_36 : vector<1x128xf32> to vector<256x128xf32>
    %mul3A_38 = arith.mulf %dot_general3A_23, %mul3A_37 : vector<256x128xf32>
    %reduce_sum3A_39 = arith.constant dense<0.000000e+00> : vector<256xf32>
    %reduce_sum3A_40 = vector.multi_reduction <add>, %mul3A_38, %reduce_sum3A_39 [1] : vector<256x128xf32> to vector<256xf32>
    %broadcast_in_dim3A_41 = vector.shape_cast %reduce_sum3A_40 : vector<256xf32> to vector<256x1xf32>
    %swap3A_42 = arith.constant 0 : index
    %swap3A_43 = arith.constant 0 : index
    %swap3A_44 = vector.load %arg11[%swap3A_42, %swap3A_43] : memref<256x1xf32, #tpu.memory_space<vmem>>, vector<256x1xf32>
    tpu.vector_store %arg11[%swap3A_42, %swap3A_43], %broadcast_in_dim3A_41 {strides = array<i32>} : memref<256x1xf32, #tpu.memory_space<vmem>>, vector<256x1xf32>,
    return
  }
  func.func @transform_0(%arg0: i32) -> (i32, i32) {
    %c0_i32 = arith.constant 0 : i32
    %c0_i32_0 = arith.constant 0 : i32
    return %arg0, %c0_i32 : i32, i32
  }
  func.func @transform_1(%arg0: i32) -> (i32, i32) {
    %c0_i32 = arith.constant 0 : i32
    %c0_i32_0 = arith.constant 0 : i32
    return %arg0, %c0_i32 : i32, i32
  }
  func.func @transform_2(%arg0: i32) -> (i32, i32) {
    %c0_i32 = arith.constant 0 : i32
    %c0_i32_0 = arith.constant 0 : i32
    return %arg0, %c0_i32 : i32, i32
  }
  func.func @transform_3(%arg0: i32) -> (i32, i32) {
    %c0_i32 = arith.constant 0 : i32
    %c0_i32_0 = arith.constant 0 : i32
    return %arg0, %c0_i32 : i32, i32
  }
  func.func @transform_4(%arg0: i32) -> (i32, i32) {
    %c0_i32 = arith.constant 0 : i32
    %c0_i32_0 = arith.constant 0 : i32
    %c0_i32_1 = arith.constant 0 : i32
    return %c0_i32, %c0_i32_0 : i32, i32
  }
  func.func @transform_5(%arg0: i32) -> (i32, i32) {
    %c0_i32 = arith.constant 0 : i32
    %c0_i32_0 = arith.constant 0 : i32
    %c0_i32_1 = arith.constant 0 : i32
    return %c0_i32, %c0_i32_0 : i32, i32
  }
  func.func @transform_6(%arg0: i32) -> (i32, i32) {
    %c0_i32 = arith.constant 0 : i32
    %c0_i32_0 = arith.constant 0 : i32
    %c0_i32_1 = arith.constant 0 : i32
    return %c0_i32, %c0_i32_0 : i32, i32
  }
  func.func @transform_7(%arg0: i32) -> (i32, i32) {
    %c0_i32 = arith.constant 0 : i32
    %c0_i32_0 = arith.constant 0 : i32
    %c0_i32_1 = arith.constant 0 : i32
    return %c0_i32, %c0_i32_0 : i32, i32
  }
  func.func @transform_8(%arg0: i32) -> (i32, i32) {
    %c0_i32 = arith.constant 0 : i32
    %c0_i32_0 = arith.constant 0 : i32
    return %arg0, %c0_i32 : i32, i32
  }
  func.func @transform_9(%arg0: i32) -> (i32, i32) {
    %c0_i32 = arith.constant 0 : i32
    %c0_i32_0 = arith.constant 0 : i32
    return %arg0, %c0_i32 : i32, i32
  }
  func.func @transform_10(%arg0: i32) -> (i32, i32) {
    %c0_i32 = arith.constant 0 : i32
    %c0_i32_0 = arith.constant 0 : i32
    return %arg0, %c0_i32 : i32, i32
  }
}

module attributes {stable_mosaic.version = 14 : i64} {
  func.func @_tc3_body(%arg0: i32, %arg1: memref<256x128xf32, #tpu.memory_space<vmem>>, %arg2: memref<256x128xf32, #tpu.memory_space<vmem>>, %arg3: memref<256x16xf32, #tpu.memory_space<vmem>>, %arg4: memref<256x16xf32, #tpu.memory_space<vmem>>, %arg5: memref<1x128xf32, #tpu.memory_space<vmem>>, %arg6: memref<1x128xf32, #tpu.memory_space<vmem>>, %arg7: memref<1x1xf32, #tpu.memory_space<vmem>>, %arg8: memref<1x1xf32, #tpu.memory_space<vmem>>, %arg9: memref<256x1xf32, #tpu.memory_space<vmem>>, %arg10: memref<256x1xf32, #tpu.memory_space<vmem>>, %arg11: memref<256x1xf32, #tpu.memory_space<vmem>>) attributes {dimension_semantics = [#tpu.dimension_semantics<arbitrary>], iteration_bounds = array<i64: 40>, scalar_prefetch = 0 : i64, scratch_operands = 0 : i64, tpu.core_type = #tpu.core_type<tc>, window_params = [{transform_indices = @transform_0, window_bounds = array<i64: 256, 128>}, {transform_indices = @transform_1, window_bounds = array<i64: 256, 128>}, {transform_indices = @transform_2, window_bounds = array<i64: 256, 16>}, {transform_indices = @transform_3, window_bounds = array<i64: 256, 16>}, {pipeline_mode = #tpu.pipeline_mode<synchronous>, transform_indices = @transform_4, window_bounds = array<i64: 1, 128>}, {pipeline_mode = #tpu.pipeline_mode<synchronous>, transform_indices = @transform_5, window_bounds = array<i64: 1, 128>}, {pipeline_mode = #tpu.pipeline_mode<synchronous>, transform_indices = @transform_6, window_bounds = array<i64: 1, 1>}, {pipeline_mode = #tpu.pipeline_mode<synchronous>, transform_indices = @transform_7, window_bounds = array<i64: 1, 1>}, {transform_indices = @transform_8, window_bounds = array<i64: 256, 1>}, {transform_indices = @transform_9, window_bounds = array<i64: 256, 1>}, {transform_indices = @transform_10, window_bounds = array<i64: 256, 1>}]} {
    %get3A = arith.constant 0 : index
    %get3A_0 = arith.constant 0 : index
    %get3A_1 = vector.load %arg3[%get3A, %get3A_0] : memref<256x16xf32, #tpu.memory_space<vmem>>, vector<256x1xf32>
    %get3A_2 = arith.constant 0 : index
    %get3A_3 = arith.constant 0 : index
    %get3A_4 = vector.load %arg4[%get3A_2, %get3A_3] : memref<256x16xf32, #tpu.memory_space<vmem>>, vector<256x1xf32>
    %add3A = arith.addf %get3A_1, %get3A_4 : vector<256x1xf32>
    %get3A_5 = arith.constant 0 : index
    %get3A_6 = arith.constant 0 : index
    %get3A_7 = vector.load %arg1[%get3A_5, %get3A_6] : memref<256x128xf32, #tpu.memory_space<vmem>>, vector<256x128xf32>
    %get3A_8 = arith.constant 0 : index
    %get3A_9 = arith.constant 0 : index
    %get3A_10 = vector.load %arg2[%get3A_8, %get3A_9] : memref<256x128xf32, #tpu.memory_space<vmem>>, vector<256x128xf32>
    %add3A_11 = arith.addf %get3A_7, %get3A_10 : vector<256x128xf32>
    %div3A = vector.broadcast %add3A : vector<256x1xf32> to vector<256x128xf32>
    %div3A_12 = arith.divf %add3A_11, %div3A : vector<256x128xf32>
    %get3A_13 = arith.constant 0 : index
    %get3A_14 = arith.constant 0 : index
    %get3A_15 = vector.load %arg5[%get3A_13, %get3A_14] : memref<1x128xf32, #tpu.memory_space<vmem>>, vector<1x128xf32>
    %add3A_16 = vector.broadcast %get3A_15 : vector<1x128xf32> to vector<256x128xf32>
    %add3A_17 = arith.addf %div3A_12, %add3A_16 : vector<256x128xf32>
    %max3A = arith.constant 0.000000e+00 : f32
    %max3A_18 = vector.broadcast %max3A : f32 to vector<256x128xf32>
    %max3A_19 = arith.maximumf %add3A_17, %max3A_18 : vector<256x128xf32>
    %get3A_20 = arith.constant 0 : index
    %get3A_21 = arith.constant 0 : index
    %get3A_22 = vector.load %arg6[%get3A_20, %get3A_21] : memref<1x128xf32, #tpu.memory_space<vmem>>, vector<1x128xf32>
    %mul3A = vector.broadcast %get3A_22 : vector<1x128xf32> to vector<256x128xf32>
    %mul3A_23 = arith.mulf %max3A_19, %mul3A : vector<256x128xf32>
    %reduce_sum3A = arith.constant dense<0.000000e+00> : vector<256xf32>
    %reduce_sum3A_24 = vector.multi_reduction <add>, %mul3A_23, %reduce_sum3A [1] : vector<256x128xf32> to vector<256xf32>
    %broadcast_in_dim3A = vector.shape_cast %reduce_sum3A_24 : vector<256xf32> to vector<256x1xf32>
    %swap3A = arith.constant 0 : index
    %swap3A_25 = arith.constant 0 : index
    %swap3A_26 = vector.load %arg9[%swap3A, %swap3A_25] : memref<256x1xf32, #tpu.memory_space<vmem>>, vector<256x1xf32>
    tpu.vector_store %arg9[%swap3A, %swap3A_25], %broadcast_in_dim3A {strides = array<i32>} : memref<256x1xf32, #tpu.memory_space<vmem>>, vector<256x1xf32>,
    %get3A_27 = arith.constant 0 : index
    %get3A_28 = arith.constant 0 : index
    %get3A_29 = vector.load %arg7[%get3A_27, %get3A_28] : memref<1x1xf32, #tpu.memory_space<vmem>>, vector<1x1xf32>
    %get3A_30 = vector.extract %get3A_29[0, 0] : f32 from vector<1x1xf32>
    %mul3A_31 = vector.broadcast %get3A_30 : f32 to vector<256x1xf32>
    %mul3A_32 = arith.mulf %broadcast_in_dim3A, %mul3A_31 : vector<256x1xf32>
    %swap3A_33 = arith.constant 0 : index
    %swap3A_34 = arith.constant 0 : index
    %swap3A_35 = vector.load %arg10[%swap3A_33, %swap3A_34] : memref<256x1xf32, #tpu.memory_space<vmem>>, vector<256x1xf32>
    tpu.vector_store %arg10[%swap3A_33, %swap3A_34], %mul3A_32 {strides = array<i32>} : memref<256x1xf32, #tpu.memory_space<vmem>>, vector<256x1xf32>,
    %get3A_36 = arith.constant 0 : index
    %get3A_37 = arith.constant 0 : index
    %get3A_38 = vector.load %arg8[%get3A_36, %get3A_37] : memref<1x1xf32, #tpu.memory_space<vmem>>, vector<1x1xf32>
    %get3A_39 = vector.extract %get3A_38[0, 0] : f32 from vector<1x1xf32>
    %mul3A_40 = vector.broadcast %get3A_39 : f32 to vector<256x1xf32>
    %mul3A_41 = arith.mulf %broadcast_in_dim3A, %mul3A_40 : vector<256x1xf32>
    %swap3A_42 = arith.constant 0 : index
    %swap3A_43 = arith.constant 0 : index
    %swap3A_44 = vector.load %arg11[%swap3A_42, %swap3A_43] : memref<256x1xf32, #tpu.memory_space<vmem>>, vector<256x1xf32>
    tpu.vector_store %arg11[%swap3A_42, %swap3A_43], %mul3A_41 {strides = array<i32>} : memref<256x1xf32, #tpu.memory_space<vmem>>, vector<256x1xf32>,
    return
  }
  func.func @transform_0(%arg0: i32) -> (i32, i32) {
    %c0_i32 = arith.constant 0 : i32
    %c0_i32_0 = arith.constant 0 : i32
    return %arg0, %c0_i32 : i32, i32
  }
  func.func @transform_1(%arg0: i32) -> (i32, i32) {
    %c0_i32 = arith.constant 0 : i32
    %c0_i32_0 = arith.constant 0 : i32
    return %arg0, %c0_i32 : i32, i32
  }
  func.func @transform_2(%arg0: i32) -> (i32, i32) {
    %c0_i32 = arith.constant 0 : i32
    %c0_i32_0 = arith.constant 0 : i32
    return %arg0, %c0_i32 : i32, i32
  }
  func.func @transform_3(%arg0: i32) -> (i32, i32) {
    %c0_i32 = arith.constant 0 : i32
    %c0_i32_0 = arith.constant 0 : i32
    return %arg0, %c0_i32 : i32, i32
  }
  func.func @transform_4(%arg0: i32) -> (i32, i32) {
    %c0_i32 = arith.constant 0 : i32
    %c0_i32_0 = arith.constant 0 : i32
    %c0_i32_1 = arith.constant 0 : i32
    return %c0_i32, %c0_i32_0 : i32, i32
  }
  func.func @transform_5(%arg0: i32) -> (i32, i32) {
    %c0_i32 = arith.constant 0 : i32
    %c0_i32_0 = arith.constant 0 : i32
    %c0_i32_1 = arith.constant 0 : i32
    return %c0_i32, %c0_i32_0 : i32, i32
  }
  func.func @transform_6(%arg0: i32) -> (i32, i32) {
    %c0_i32 = arith.constant 0 : i32
    %c0_i32_0 = arith.constant 0 : i32
    %c0_i32_1 = arith.constant 0 : i32
    return %c0_i32, %c0_i32_0 : i32, i32
  }
  func.func @transform_7(%arg0: i32) -> (i32, i32) {
    %c0_i32 = arith.constant 0 : i32
    %c0_i32_0 = arith.constant 0 : i32
    %c0_i32_1 = arith.constant 0 : i32
    return %c0_i32, %c0_i32_0 : i32, i32
  }
  func.func @transform_8(%arg0: i32) -> (i32, i32) {
    %c0_i32 = arith.constant 0 : i32
    %c0_i32_0 = arith.constant 0 : i32
    return %arg0, %c0_i32 : i32, i32
  }
  func.func @transform_9(%arg0: i32) -> (i32, i32) {
    %c0_i32 = arith.constant 0 : i32
    %c0_i32_0 = arith.constant 0 : i32
    return %arg0, %c0_i32 : i32, i32
  }
  func.func @transform_10(%arg0: i32) -> (i32, i32) {
    %c0_i32 = arith.constant 0 : i32
    %c0_i32_0 = arith.constant 0 : i32
    return %arg0, %c0_i32 : i32, i32
  }
}

module attributes {stable_mosaic.version = 14 : i64} {
  func.func @_tc4_body(%arg0: i32, %arg1: memref<256x16xf32, #tpu.memory_space<vmem>>, %arg2: memref<256x16xf32, #tpu.memory_space<vmem>>, %arg3: memref<1x1xf32, #tpu.memory_space<vmem>>, %arg4: memref<256x1xf32, #tpu.memory_space<vmem>>) attributes {dimension_semantics = [#tpu.dimension_semantics<arbitrary>], iteration_bounds = array<i64: 40>, scalar_prefetch = 0 : i64, scratch_operands = 0 : i64, tpu.core_type = #tpu.core_type<tc>, window_params = [{transform_indices = @transform_0, window_bounds = array<i64: 256, 16>}, {transform_indices = @transform_1, window_bounds = array<i64: 256, 16>}, {pipeline_mode = #tpu.pipeline_mode<synchronous>, transform_indices = @transform_2, window_bounds = array<i64: 1, 1>}, {transform_indices = @transform_3, window_bounds = array<i64: 256, 1>}]} {
    %get3A = arith.constant 0 : index
    %get3A_0 = arith.constant 0 : index
    %get3A_1 = vector.load %arg1[%get3A, %get3A_0] : memref<256x16xf32, #tpu.memory_space<vmem>>, vector<256x1xf32>
    %get3A_2 = arith.constant 0 : index
    %get3A_3 = arith.constant 0 : index
    %get3A_4 = vector.load %arg2[%get3A_2, %get3A_3] : memref<256x16xf32, #tpu.memory_space<vmem>>, vector<256x1xf32>
    %add3A = arith.addf %get3A_1, %get3A_4 : vector<256x1xf32>
    %get3A_5 = arith.constant 0 : index
    %get3A_6 = arith.constant 1 : index
    %get3A_7 = vector.load %arg1[%get3A_5, %get3A_6] : memref<256x16xf32, #tpu.memory_space<vmem>>, vector<256x1xf32>
    %get3A_8 = arith.constant 0 : index
    %get3A_9 = arith.constant 1 : index
    %get3A_10 = vector.load %arg2[%get3A_8, %get3A_9] : memref<256x16xf32, #tpu.memory_space<vmem>>, vector<256x1xf32>
    %add3A_11 = arith.addf %get3A_7, %get3A_10 : vector<256x1xf32>
    %div3A = arith.divf %add3A, %add3A_11 : vector<256x1xf32>
    %get3A_12 = arith.constant 0 : index
    %get3A_13 = arith.constant 0 : index
    %get3A_14 = vector.load %arg3[%get3A_12, %get3A_13] : memref<1x1xf32, #tpu.memory_space<vmem>>, vector<1x1xf32>
    %get3A_15 = vector.extract %get3A_14[0, 0] : f32 from vector<1x1xf32>
    %add3A_16 = vector.broadcast %get3A_15 : f32 to vector<256x1xf32>
    %add3A_17 = arith.addf %div3A, %add3A_16 : vector<256x1xf32>
    %swap3A = arith.constant 0 : index
    %swap3A_18 = arith.constant 0 : index
    %swap3A_19 = vector.load %arg4[%swap3A, %swap3A_18] : memref<256x1xf32, #tpu.memory_space<vmem>>, vector<256x1xf32>
    tpu.vector_store %arg4[%swap3A, %swap3A_18], %add3A_17 {strides = array<i32>} : memref<256x1xf32, #tpu.memory_space<vmem>>, vector<256x1xf32>,
    return
  }
  func.func @transform_0(%arg0: i32) -> (i32, i32) {
    %c0_i32 = arith.constant 0 : i32
    %c0_i32_0 = arith.constant 0 : i32
    return %arg0, %c0_i32 : i32, i32
  }
  func.func @transform_1(%arg0: i32) -> (i32, i32) {
    %c0_i32 = arith.constant 0 : i32
    %c0_i32_0 = arith.constant 0 : i32
    return %arg0, %c0_i32 : i32, i32
  }
  func.func @transform_2(%arg0: i32) -> (i32, i32) {
    %c0_i32 = arith.constant 0 : i32
    %c0_i32_0 = arith.constant 0 : i32
    %c0_i32_1 = arith.constant 0 : i32
    return %c0_i32, %c0_i32_0 : i32, i32
  }
  func.func @transform_3(%arg0: i32) -> (i32, i32) {
    %c0_i32 = arith.constant 0 : i32
    %c0_i32_0 = arith.constant 0 : i32
    return %arg0, %c0_i32 : i32, i32
  }
}

</mosaic_0001>

<sc_bundles>
// kernel: kernel.12.cloned.1.call-start
scs
__scs_entry_jumppad:
0x0: {  	(pc) =	sbr.rel $0x88, $3  }
0x1: {  	(tag) =	ssettag $0x0;
	lr =	simm.s32 $0x1  }
0x2: {  	[smem:$0x3F93] =	sst lr;
	_ =	strace $0xD0000000  }
0x3: {  	_ = 	snop  }
0x4: {  	_ = 	snop  }
0x5: {  	_ = 	snop  }
0x6: {  	_ = 	snop  }
0x7: {  	_ = 	snop  }
__scs_overlays_trampoline_lowered:
0x8: {  	[smem:$0x3FA2] =	sst s0  }
0x9: {  	[smem:$0x3FA3] =	sst s1  }
0xa: {  	[smem:$0x3FA4] =	sst s2  }
0xb: {  	[smem:$0x3FA5] =	sst s3  }
0xc: {  	[smem:$0x3FA6] =	sst s4  }
0xd: {  	[smem:$0x3FA7] =	sst s5  }
0xe: {  	[smem:$0x3FA8] =	sst s6  }
0xf: {  	[smem:$0x3FA9] =	sst s7  }
0x10: {  	[smem:$0x3FAA] =	sst s8  }
0x11: {  	[smem:$0x3FAB] =	sst s9;
	s0 =	simm.s32 @!p0 $0x0  }
0x12: {  	s1 =	sld [smem:$0x3F91];
	s0 =	simm.s32 @p0 $0x1  }
0x13: {  	[smem:$0x3FAC] =	sst s0;
	s0 =	simm.s32 @!p1 $0x0  }
0x14: {  	s2 =	sld [smem:$0x3F90];
	s0 =	simm.s32 @p1 $0x1  }
0x15: {  	[smem:$0x3FAD] =	sst s0;
	s0 =	simm.s32 @!p2 $0x0  }
0x16: {  	s3 =	sld [smem:$0x3FDB];
	s0 =	simm.s32 @p2 $0x1  }
0x17: {  	s4 =	simm.s32 $0x1BF5;
	[smem:$0x3FAF] =	sst s0  }
0x18: {  	s0 =	sld [smem:$0x3F92];
	_ =	swait.ge [sflag:s4], $0x0  }
0x19: {  	s7 =	sld [smem:$0x3F93]  }
0x1a: {  	s8 =	sadd.s32 $0xFFFFE003, lr  }
0x1b: {  	s9 =	sadd.s32 $0xFFFFFEF7, lr;
	s5 =	simm.s32 $0xFFFFFFFF;
	p2 =	slt.u32 s8, $0xFFFFF086  }
0x1c: {  	p1 =	slt.u32 s9, $0xF7A;
	s5 =	simm.s32 @!p2 $0x0  }
0x1d: {  	s5 =	simm.s32 @p1 $0x1;
	p0 =	seq.s32 s7, s2  }
0x1e: {  	s7 =	smul.u32 @!p0 $0xF7A, s2;
	p2 =	seq.s32 @!p0 s5, $0x0  }
0x1f: {  	s9 =	smul.u32 $0xF7A, s1;
	s8 =	simm.s32 @!p0 $0x1BF5;
	p2 =	por !p2, p0  }
0x20: {  	[sflag:s8] =	ssyncset.s32 @!p0 $0xFFFFF086;
	s6 =	sadd.s32 @!p0 s3, s7;
	s7 =	simm.s32 @!p0 $0x108  }
0x21: {  	s3 =	sadd.s32 s3, s9;
	s6 =	sadd.s32 @!p0 $0x88, s6;
	s7 =	simm.s32 @p2 $0x1082  }
0x22: {  	[simem:s7], [sflag:s8] =	dma.local @!p0 [hbm:s6], $0xF7A  }
0x23: {  	s9 =	sor.u32 $0xD0000000, s2;
	s6 =	simm.s32 $0x108;
	_ =	swait.ge @!p0 [sflag:s8], $0x0  }
0x24: {  	s3 =	sadd.s32 $0x88, s3;
	s6 =	simm.s32 @!p1 $0x1082;
	[sflag:s4] =	ssyncset.s32 $0xFFFFF086  }
0x25: {  	[simem:s6], [sflag:s4] =	dma.local [hbm:s3], $0xF7A  }
0x26: {  	[smem:$0x3F93] =	sst s1;
	(tag) =	ssettag s2;
	_ =	strace s9  }
0x27: {  	s1 =	sld [smem:$0x3FA3]  }
0x28: {  	s2 =	sld [smem:$0x3FA4]  }
0x29: {  	s4 =	sld [smem:$0x3FA6]  }
0x2a: {  	p0 =	seq.s32 s5, $0x0;
	s5 =	sld [smem:$0x3FA7]  }
0x2b: {  	s6 =	sld [smem:$0x3FA8]  }
0x2c: {  	s7 =	sld [smem:$0x3FA9]  }
0x2d: {  	s3 =	simm.s32 $0x108;
	s8 =	sld [smem:$0x3FAA]  }
0x2e: {  	s3 =	simm.s32 @!p0 $0x1082;
	s9 =	sld [smem:$0x3FAB]  }
0x2f: {  	lr =	sadd.s32 s0, s3;
	s0 =	sld [smem:$0x3FA2]  }
0x30: {  	s3 =	sld [smem:$0x3FA5]  }
0x31: {  	[smem:$0x3FAE] =	sst s10  }
0x32: {  	s10 =	sld [smem:$0x3FAC];
	_ =	sdelay $0x3  }
0x33: {  	p0 =	seq.s32 s10, $0x1;
	s10 =	sld [smem:$0x3FAE];
	_ =	sdelay $0x3  }
0x34: {  	[smem:$0x3FAE] =	sst s10  }
0x35: {  	s10 =	sld [smem:$0x3FAD];
	_ =	sdelay $0x3  }
0x36: {  	p1 =	seq.s32 s10, $0x1;
	s10 =	sld [smem:$0x3FAE];
	_ =	sdelay $0x3  }
0x37: {  	[smem:$0x3FAE] =	sst s10  }
0x38: {  	s10 =	sld [smem:$0x3FAF]  }
0x39: {  	_ = 	snop;
	(pc) =	sbr.ind lr, $3  }
0x3a: {  	_ = 	snop  }
0x3b: {  	_ = 	snop  }
0x3c: {  	p2 =	seq.s32 s10, $0x1;
	s10 =	sld [smem:$0x3FAE]  }
0x3d: {  	_ =	shalt  }
0x3e: {  	_ =	shalt  }
0x3f: {  	_ =	shalt  }
0x40: {  	_ =	shalt  }
0x41: {  	_ =	shalt  }
0x42: {  	_ =	shalt  }
0x43: {  	_ =	shalt  }
0x44: {  	_ =	shalt  }
0x45: {  	_ =	shalt  }
0x46: {  	_ =	shalt  }
0x47: {  	_ =	shalt  }
0x48: {  	_ =	shalt  }
0x49: {  	_ =	shalt  }
0x4a: {  	_ =	shalt  }
0x4b: {  	_ =	shalt  }
0x4c: {  	_ =	shalt  }
0x4d: {  	_ =	shalt  }
0x4e: {  	_ =	shalt  }
0x4f: {  	_ =	shalt  }
0x50: {  	_ =	shalt  }
0x51: {  	_ =	shalt  }
0x52: {  	_ =	shalt  }
0x53: {  	_ =	shalt  }
0x54: {  	_ =	shalt  }
0x55: {  	_ =	shalt  }
0x56: {  	_ =	shalt  }
0x57: {  	_ =	shalt  }
0x58: {  	_ =	shalt  }
0x59: {  	_ =	shalt  }
0x5a: {  	_ =	shalt  }
0x5b: {  	_ =	shalt  }
0x5c: {  	_ =	shalt  }
0x5d: {  	_ =	shalt  }
0x5e: {  	_ =	shalt  }
0x5f: {  	_ =	shalt  }
0x60: {  	_ =	shalt  }
0x61: {  	_ =	shalt  }
0x62: {  	_ =	shalt  }
0x63: {  	_ =	shalt  }
0x64: {  	_ =	shalt  }
0x65: {  	_ =	shalt  }
0x66: {  	_ =	shalt  }
0x67: {  	_ =	shalt  }
0x68: {  	_ =	shalt  }
0x69: {  	_ =	shalt  }
0x6a: {  	_ =	shalt  }
0x6b: {  	_ =	shalt  }
0x6c: {  	_ =	shalt  }
0x6d: {  	_ =	shalt  }
0x6e: {  	_ =	shalt  }
0x6f: {  	_ =	shalt  }
0x70: {  	_ =	shalt  }
0x71: {  	_ =	shalt  }
0x72: {  	_ =	shalt  }
0x73: {  	_ =	shalt  }
0x74: {  	_ =	shalt  }
0x75: {  	_ =	shalt  }
0x76: {  	_ =	shalt  }
0x77: {  	_ =	shalt  }
0x78: {  	_ =	shalt  }
0x79: {  	_ =	shalt  }
0x7a: {  	_ =	shalt  }
0x7b: {  	_ =	shalt  }
0x7c: {  	_ =	shalt  }
0x7d: {  	_ =	shalt  }
0x7e: {  	_ =	shalt  }
0x7f: {  	_ =	shalt  }
0x80: {  	_ =	shalt  }
0x81: {  	_ =	shalt  }
0x82: {  	_ =	shalt  }
0x83: {  	_ =	shalt  }
0x84: {  	_ =	shalt  }
0x85: {  	_ =	shalt  }
0x86: {  	_ =	shalt  }
0x87: {  	_ =	shalt  }
.Lfunc_end0:
.L_simem_size_0:
called_computation.1_lowered:
.L_overlay_start_0:
0x88: {  	s2 =	sld [smem:$0x3FD9]  }
0x89: {  	s3 =	sld [smem:$0x3FFE];
	_ =	sdelay $0x1  }
0x8a: {  	s1 =	srdreg.scid  }
0x8b: {  	s0 =	sand.u32 $0x1, s1  }
0x8c: {  	s16 =	sshll.u32 s0, $0xA;
	s2 =	sadd.s32 s3, s2  }
0x8d: {  	s2 =	sadd.s32 s2, s16  }
0x8e: {  	[smem:$0x3FBA] =	sst s2  }
0x8f: {  	_ = 	snop  }
0x90: {  	(tm) =	ssettm $0x1  }
0x91: {  	s17 =	sld [smem:$0x3FFB];
	_ =	sdelay $0x3  }
0x92: {  	_ =	strace s17  }
0x93: {  	s2 =	sld [smem:$0x3FFC];
	_ =	sdelay $0x3  }
0x94: {  	_ =	strace s2  }
0x95: {  	s2 =	sld [smem:$0x3FFD];
	_ =	sdelay $0x3  }
0x96: {  	_ =	strace s2  }
0x97: {  	_ =	strace $0x8FFFFFFF  }
0x98: {  	s18 =	sld [smem:$0x3FDB];
	_ =	sdelay $0x1  }
0x99: {  	s19 =	simm.s32 $_scs_section_size  }
0x9a: {  	s4 =	simm.s32 $_size__tile_overlayer_lowered;
	s5 =	simm.s32 $_tile_overlayer_lowered  }
0x9b: {  	s22 =	simm.s32 $0x1BFF;
	s21 =	sshll.u32 s5, $0x1;
	s2 =	sadd.s32 s19, s18  }
0x9c: {  	s6 =	simm.s32 $0x0;
	s20 =	sshll.u32 s4, $0x1;
	s4 =	sadd.s32 s21, s2  }
0x9d: {  	[timem:s6], [sflag:s22] =	dma.local [hbm:s4], s20  }
0x9e: {  	_ =	swait.ge [sflag:s22], s20  }
0x9f: {  	s3 =	ssub.s32 $0x0, s20;
	[sflag:s22] =	ssyncset.done $0x0  }
0xa0: {  	[sflag:s22] =	ssyncadd.s32 s3;
	_ =	sdelay $0x1  }
0xa1: {  	s23 =	simm.s32 $0x1B8B  }
0xa2: {  	_ =	swait.ge [sflag:s23], $0x1  }
0xa3: {  	[sflag:s23] =	ssyncset.done $0x0  }
0xa4: {  	s25 =	simm.s32 $0x1B8E;
	s24 =	sld [smem:$0x3FFE];
	[sflag:s23] =	ssyncadd.s32 $0xFFFFFFFF  }
0xa5: {  	s26 =	simm.s32 $execute0_lowered;
	[smem:$0x3FD2] =	sst s25  }
0xa6: {  	s4 =	sshll.u32 s26, $0x1;
	_ =	strace $0x80000049;
	[dreg:$0x1] =	wrdreg $0xFFFFFFFF  }
0xa7: {  	s28 =	simm.s32 $_size_execute0_lowered;
	s2 =	sadd.s32 s2, s4;
	[dreg:$0x0] =	wrdreg $0x0  }
0xa8: {  	s4 =	sshll.u32 s28, $0x1;
	[dreg:$0x2] =	wrdreg s2  }
0xa9: {  	[dreg:$0x3] =	wrdreg s4  }
0xaa: {  	[dreg:$0x4] =	wrdreg $0xC0  }
0xab: {  	_ =	task [dreg:s6], $0x5FFFF  }
0xac: {  	[dreg:$0x1] =	wrdreg $0xFFFFFFFF  }
0xad: {  	[dreg:$0x0] =	wrdreg $0x60  }
0xae: {  	[dreg:$0x2] =	wrdreg s24  }
0xaf: {  	[dreg:$0x3] =	wrdreg $0x97700  }
0xb0: {  	[dreg:$0x4] =	wrdreg $0x1D7700  }
0xb1: {  	[dreg:$0x5] =	wrdreg $0x9  }
0xb2: {  	_ =	task.clear_ibuf [dreg:s6], $0x6FFFF;
	_ =	strace $0x90000049  }
0xb3: {  	s29 =	simm.s32 $0x9;
	_ =	strace $0x8000004B  }
0xb4: {  	_ =	swait.ge [sflag:s29], $0x1  }
0xb5: {  	[sflag:s29] =	ssyncadd.s32 $0xFFFFFFFF  }
0xb6: {  	_ =	strace $0x9000004B  }
0xb7: {  	_ =	sfence  }
0xb8: {  	s30 =	sld [smem:$0x0];
	_ =	sdelay $0x2  }
0xb9: {  	s31 =	sshll.u32 s1, $0xD;
	s1 =	sshrl.u32 s1, $0x2  }
0xba: {  	s3 =	sand.u32 $0x4000, s31;
	s1 =	sadd.s32 s1, s30  }
0xbb: {  	s0 =	sor.u32 s3, s0;
	s1 =	sshll.u32 s1, $0x11  }
0xbc: {  	s0 =	sor.u32 s1, s0  }
0xbd: {  	s0 =	sadd.s32 $0x8F2B, s0  }
0xbe: {  	[sflag:s0] =	ssyncadd.remote.s32 $0x1  }
0xbf: {  	_ =	sfence.sel $0xFFFF  }
0xc0: {  	[dreg:$0x0] =	wrdreg $0xFFFFFFFF;
	(pc) =	sbr.abs _section_cstart, $3  }
0xc1: {  	[dreg:$0x1] =	wrdreg $0xFFFFFFFF  }
0xc2: {  	_ =	task.clear_ibuf [dreg:s6], $0x2FFFF;
	_ =	strace $0x9FFFFFFF  }
0xc3: {  	(tm) =	ssettm $0x7FFFFFFF  }
tec
execute0_lowered:
.L_overlay_start_1:
0x0: {  	(tag) =	ssettag $0x1  }
0x1: {  	s3 =	rddreg [dreg:$0x0]  }
0x2: {  	s1 =	rddreg [dreg:$0x1];
	s15 =	stileid.u32  }
0x3: {  	s2 =	rddreg [dreg:$0x2];
	s8 =	smul.u32 $0x14000, s15  }
0x4: {  	s0 =	srdreg.scid;
	s4 =	simm.s32 $0x0;
	s25 =	smul.u32 $0x2800, s15  }
0x5: {  	s30 =	simm.s32 $0x0;
	s7 =	sand.u32 $0x1, s0;
	s11 =	smul.u32 $0x280, s15  }
0x6: {  	[smem:$0x7FF] =	sst s4;
	s5 =	sadd.s32 $0xB000, s3;
	s14 =	smul.u32 $0x50000, s15  }
0x7: {  	s6 =	sadd.s32 $0xE00, s3;
	s13 =	sshll.u32 s15, $0x1;
	s15 =	smul.u32 $0xA000, s15  }
0x8: {  	s9 =	sadd.s32 $0x3D800, s3;
	s26 =	sadd.s32 $0x3D200, s3;
	s0 =	smul.u32 $0x140000, s7  }
0x9: {  	_ =	strace $0x8000004A;
	s10 =	smul.u32 $0x28000, s7;
	[dreg:$0x4] =	wrdreg s9  }
0xa: {  	[dreg:$0x5] =	wrdreg s26;
	s9 =	sadd.s32 $0x15200, s3;
	s28 =	ssub.s32 $0x2, s7  }
0xb: {  	s7 =	sor.u32 s7, s13;
	s12 =	sshrl.u32 s28, $0x1;
	s17 =	sshrl.u32 s14, $0x2  }
0xc: {  	s18 =	sshrl.u32 s15, $0x2;
	s19 =	sor.u32 $0x40, s11;
	s22 =	sadd.s32 $0x80, s11  }
0xd: {  	s15 =	sadd.s32 $0x140, s11;
	s0 =	sadd.s32 s8, s0;
	s8 =	sadd.s32 s25, s10  }
0xe: {  	s12 =	ssub.s32 s28, s12;
	s10 =	smul.u32 $0x2880, s7;
	s29 =	sadd.s32 s17, s1  }
0xf: {  	s31 =	sadd.s32 s18, s2;
	s20 =	sshll.u32 s19, $0x7;
	s21 =	sshll.u32 s19, $0x4  }
0x10: {  	s23 =	sshll.u32 s22, $0x7;
	s25 =	sadd.s32 $0xC0, s11;
	s28 =	sadd.s32 $0x100, s11  }
0x11: {  	s18 =	sadd.s32 $0x180, s11;
	s0 =	sshrl.u32 s0, $0x3;
	s8 =	sshrl.u32 s8, $0x3  }
0x12: {  	s16 =	smax.u32 s12, $0x1;
	s7 =	sadd.s32 s20, s1;
	s26 =	sshll.u32 s25, $0x7  }
0x13: {  	s13 =	sshll.u32 s28, $0x7;
	s14 =	sshll.u32 s28, $0x4;
	[dreg:$0x7] =	wrdreg s29  }
0x14: {  	s19 =	sshll.u32 s18, $0x7;
	s20 =	sadd.s32 $0x1C0, s11;
	[dreg:$0x8] =	wrdreg s31  }
0x15: {  	s0 =	sadd.s32 s0, s3;
	s3 =	sadd.s32 s8, s3;
	[dreg:$0x6] =	wrdreg s16  }
0x16: {  	[dreg:$0x9] =	wrdreg s7;
	s7 =	sadd.s32 s21, s2;
	s8 =	sshll.u32 s22, $0x4  }
0x17: {  	s16 =	sshll.u32 s15, $0x7;
	s21 =	sshll.u32 s20, $0x7;
	s22 =	sshll.u32 s20, $0x4  }
0x18: {  	s20 =	simm.s32 $0x72B0;
	[dreg:$0xa] =	wrdreg s7;
	s7 =	sadd.s32 s23, s1  }
0x19: {  	s24 =	sadd.s32 s8, s2;
	s8 =	sadd.s32 s26, s1;
	[dreg:$0xb] =	wrdreg s7  }
0x1a: {  	s23 =	sadd.s32 $0x200, s11;
	s3 =	sadd.s32 $0x3DE00, s3;
	[dreg:$0xc] =	wrdreg s24  }
0x1b: {  	s0 =	sadd.s32 $0x47E00, s0;
	s7 =	sshll.u32 s25, $0x4;
	[dreg:$0xd] =	wrdreg s8  }
0x1c: {  	s8 =	sshll.u32 s15, $0x4;
	s24 =	sadd.s32 $0x240, s11;
	s25 =	sshll.u32 s23, $0x7  }
0x1d: {  	[dreg:$0x1b] =	wrdreg s0;
	s15 =	simm.s32 $0x4EB0;
	s7 =	sadd.s32 s7, s2  }
0x1e: {  	s17 =	sadd.s32 s8, s2;
	s8 =	sadd.s32 s19, s1;
	[dreg:$0xe] =	wrdreg s7  }
0x1f: {  	s11 =	sadd.s32 s25, s1;
	s26 =	sshll.u32 s24, $0x7;
	[dreg:$0x12] =	wrdreg s17  }
0x20: {  	s19 =	simm.s32 $0x40;
	s25 =	simm.s32 $0x9330;
	[dreg:$0x13] =	wrdreg s8  }
0x21: {  	s7 =	sadd.s32 s13, s1;
	[dreg:$0x17] =	wrdreg s11;
	s8 =	sshll.u32 s23, $0x4  }
0x22: {  	s28 =	sadd.s32 s26, s1;
	s11 =	simm.s32 $0x5;
	[dreg:$0xf] =	wrdreg s7  }
0x23: {  	s17 =	simm.s32 $0x4E30;
	s7 =	sadd.s32 s14, s2;
	[dreg:$0x19] =	wrdreg s28  }
0x24: {  	s23 =	simm.s32 $0x1;
	[dreg:$0x10] =	wrdreg s7;
	s7 =	sadd.s32 s16, s1  }
0x25: {  	s8 =	sadd.s32 s8, s2;
	[dreg:$0x11] =	wrdreg s7;
	s7 =	sshll.u32 s18, $0x4  }
0x26: {  	s26 =	simm.s32 $0x2;
	[dreg:$0x18] =	wrdreg s8;
	s7 =	sadd.s32 s7, s2  }
0x27: {  	s14 =	simm.s32 $0x2718;
	[dreg:$0x14] =	wrdreg s7;
	s7 =	sadd.s32 s21, s1  }
0x28: {  	v0 =	vlaneseq.u32;
	s8 =	sor.u32 $0x40, s10;
	[dreg:$0x15] =	wrdreg s7;
	s7 =	sadd.s32 s22, s2  }
0x29: {  	v0 =	vmul.u32 $0x10, v0;
	s16 =	simm.s32 $0x6EB0;
	[dreg:$0x16] =	wrdreg s7;
	s7 =	sshll.u32 s24, $0x4  }
0x2a: {  	v1 =	vimm.f32 $0.0e+00;
	s18 =	simm.s32 $0x4E70;
	s21 =	simm.s32 $0x72F0;
	s7 =	sadd.s32 s7, s2  }
0x2b: {  	v2 =	vor.u32 $0x100, v0;
	v3 =	vor.u32 $0x200, v0;
	v4 =	vor.u32 $0x300, v0;
	s22 =	simm.s32 $0x7330;
	s24 =	simm.s32 $0x9730;
	[dreg:$0x1a] =	wrdreg s7  }
.LBB2_1:
0x2c: {  	s0 =	rddreg [dreg:$0x4]  }
0x2d: {  	[tilespmem:s4], [sflag:$0x5] =	stream.linear.gather [hbm4b:s0+s4], $0x2718, $0x38;
	[tilespmem:$0x1FF70] =	vst v63  }
0x2e: {  	_ =	swait.ge [sflag:s11], $0x2718  }
0x2f: {  	[sflag:s11] =	ssyncset.done $0x0  }
0x30: {  	s28 =	rddreg [dreg:$0x5];
	[sflag:s11] =	ssyncadd.s32 $0xFFFFD8E8  }
0x31: {  	[tilespmem:s14], [sflag:$0x5] =	stream.linear.gather [hbm4b:s28+s4], $0x2718, $0x38;
	[tilespmem:$0x1FF70] =	vst v63  }
0x32: {  	_ =	swait.ge [sflag:s11], $0x2718  }
0x33: {  	[sflag:s11] =	ssyncset.done $0x0  }
0x34: {  	s12 =	simm.s32 $0x4FB0;
	[sflag:s11] =	ssyncadd.s32 $0xFFFFD8E8  }
0x35: {  	[tilespmem:s12+$0xFFFFFF00] =	vst v1  }
0x36: {  	[tilespmem:s12+$0xFFFFFF70] =	vst v1  }
0x37: {  	[tilespmem:s12+$0xFFFFFF60] =	vst v1  }
0x38: {  	[tilespmem:s12+$0xF0] =	vst v1  }
0x39: {  	[tilespmem:s12+$0xE0] =	vst v1  }
0x3a: {  	[tilespmem:s12+$0xD0] =	vst v1  }
0x3b: {  	[tilespmem:s12+$0xC0] =	vst v1  }
0x3c: {  	[tilespmem:s12+$0xB0] =	vst v1  }
0x3d: {  	[tilespmem:s12+$0xA0] =	vst v1  }
0x3e: {  	[tilespmem:s12+$0x90] =	vst v1  }
0x3f: {  	[tilespmem:s12+$0x80] =	vst v1  }
0x40: {  	[tilespmem:s12+$0x70] =	vst v1  }
0x41: {  	[tilespmem:s12+$0x60] =	vst v1  }
0x42: {  	[tilespmem:s12+$0x50] =	vst v1  }
0x43: {  	[tilespmem:s12+$0x40] =	vst v1  }
0x44: {  	[tilespmem:s12+$0x30] =	vst v1  }
0x45: {  	[tilespmem:s12+$0x20] =	vst v1  }
0x46: {  	[tilespmem:s12+$0x10] =	vst v1  }
0x47: {  	[tilespmem:s12+$0x0] =	vst v1  }
0x48: {  	[tilespmem:s12+$0xFFFFFFF0] =	vst v1  }
0x49: {  	[tilespmem:s12+$0xFFFFFFE0] =	vst v1  }
0x4a: {  	[tilespmem:s12+$0xFFFFFFD0] =	vst v1  }
0x4b: {  	[tilespmem:s12+$0xFFFFFFC0] =	vst v1  }
0x4c: {  	[tilespmem:s12+$0xFFFFFFB0] =	vst v1  }
0x4d: {  	[tilespmem:s12+$0xFFFFFFA0] =	vst v1  }
0x4e: {  	[tilespmem:s12+$0xFFFFFF90] =	vst v1  }
0x4f: {  	[tilespmem:s12+$0xFFFFFF80] =	vst v1  }
0x50: {  	[tilespmem:s12+$0xFFFFFF50] =	vst v1  }
0x51: {  	[tilespmem:s12+$0xFFFFFF40] =	vst v1  }
0x52: {  	[tilespmem:s12+$0xFFFFFF30] =	vst v1  }
0x53: {  	[tilespmem:s12+$0xFFFFFF20] =	vst v1  }
0x54: {  	s0 =	simm.s32 $0x6ED0;
	[tilespmem:s12+$0xFFFFFF10] =	vst v1  }
0x55: {  	[tilespmem:s0+$0x10] =	vst v1  }
0x56: {  	[tilespmem:s0+$0x0] =	vst v1  }
0x57: {  	[tilespmem:s0+$0xFFFFFFF0] =	vst v1  }
0x58: {  	s7 =	simm.s32 $0x9350;
	[tilespmem:s0+$0xFFFFFFE0] =	vst v1  }
0x59: {  	[tilespmem:s7+$0x10] =	vst v1  }
0x5a: {  	[tilespmem:s7+$0x0] =	vst v1  }
0x5b: {  	s13 =	simm.s32 $0x51B0;
	s12 =	simm.s32 $0x0;
	[tilespmem:s7+$0xFFFFFFF0] =	vst v1  }
.LBB2_2:
0x5c: {  	s12 =	sadd.s32 $0x4, s12;
	[tilespmem:s7+$0xFFFFFFE0] =	vst v1;
	s7 =	sadd.s32 $0x40, s7;
	s0 =	sadd.s32 $0x40, s0  }
0x5d: {  	[tilespmem:s13+$0xFFFFFF00] =	vst v1;
	p0 =	slt.u32 s12, $0x3C  }
0x5e: {  	[tilespmem:s13+$0xFFFFFF70] =	vst v1  }
0x5f: {  	[tilespmem:s13+$0xFFFFFF60] =	vst v1  }
0x60: {  	[tilespmem:s13+$0xF0] =	vst v1  }
0x61: {  	[tilespmem:s13+$0xE0] =	vst v1  }
0x62: {  	[tilespmem:s13+$0xD0] =	vst v1  }
0x63: {  	[tilespmem:s13+$0xC0] =	vst v1  }
0x64: {  	[tilespmem:s13+$0xB0] =	vst v1  }
0x65: {  	[tilespmem:s13+$0xA0] =	vst v1  }
0x66: {  	[tilespmem:s13+$0x90] =	vst v1  }
0x67: {  	[tilespmem:s13+$0x80] =	vst v1  }
0x68: {  	[tilespmem:s0+$0x10] =	vst v1  }
0x69: {  	[tilespmem:s7+$0x10] =	vst v1  }
0x6a: {  	[tilespmem:s13+$0x70] =	vst v1  }
0x6b: {  	[tilespmem:s13+$0x60] =	vst v1  }
0x6c: {  	[tilespmem:s13+$0x50] =	vst v1  }
0x6d: {  	[tilespmem:s13+$0x40] =	vst v1  }
0x6e: {  	[tilespmem:s13+$0x30] =	vst v1  }
0x6f: {  	[tilespmem:s13+$0x20] =	vst v1  }
0x70: {  	[tilespmem:s13+$0x10] =	vst v1  }
0x71: {  	[tilespmem:s13+$0x0] =	vst v1  }
0x72: {  	[tilespmem:s0+$0x0] =	vst v1  }
0x73: {  	[tilespmem:s7+$0x0] =	vst v1  }
0x74: {  	[tilespmem:s13+$0xFFFFFFF0] =	vst v1  }
0x75: {  	[tilespmem:s13+$0xFFFFFFE0] =	vst v1  }
0x76: {  	[tilespmem:s13+$0xFFFFFFD0] =	vst v1  }
0x77: {  	[tilespmem:s13+$0xFFFFFFC0] =	vst v1  }
0x78: {  	[tilespmem:s13+$0xFFFFFFB0] =	vst v1  }
0x79: {  	[tilespmem:s13+$0xFFFFFFA0] =	vst v1  }
0x7a: {  	[tilespmem:s13+$0xFFFFFF90] =	vst v1  }
0x7b: {  	[tilespmem:s13+$0xFFFFFF80] =	vst v1  }
0x7c: {  	[tilespmem:s0+$0xFFFFFFF0] =	vst v1  }
0x7d: {  	[tilespmem:s7+$0xFFFFFFF0] =	vst v1  }
0x7e: {  	[tilespmem:s13+$0xFFFFFF50] =	vst v1  }
.Ltmp0:
0x7f: {  	[tilespmem:s13+$0xFFFFFF40] =	vst v1;
	(pc) =	sbr.rel @p0 .LBB2_2-.Ltmp0, $4  }
0x80: {  	[tilespmem:s13+$0xFFFFFF30] =	vst v1  }
0x81: {  	[tilespmem:s13+$0xFFFFFF20] =	vst v1  }
0x82: {  	[tilespmem:s13+$0xFFFFFF10] =	vst v1  }
0x83: {  	s13 =	sadd.s32 $0x200, s13;
	[tilespmem:s0+$0xFFFFFFE0] =	vst v1  }
0x84: {  	[tilespmem:s7+$0xFFFFFFE0] =	vst v1  }
0x85: {  	[spmem:s29] =	stream.linear.scatter [tilespmem:s15], [sflag:$0x5], $0x2000, $0x38;
	[tilespmem:$0x1FF70] =	vst v63  }
0x86: {  	_ =	swait.ge [sflag:s11], $0x2000  }
0x87: {  	[sflag:s11] =	ssyncset.done $0x0  }
0x88: {  	[sflag:s11] =	ssyncadd.s32 $0xFFFFE000  }
0x89: {  	[spmem:s31] =	stream.linear.scatter [tilespmem:s16], [sflag:$0x5], $0x400, $0x38;
	[tilespmem:$0x1FF70] =	vst v63  }
0x8a: {  	_ =	swait.ge [sflag:s11], $0x400  }
0x8b: {  	[sflag:s11] =	ssyncset.done $0x0  }
0x8c: {  	s0 =	rddreg [dreg:$0x9];
	[sflag:s11] =	ssyncadd.s32 $0xFFFFFC00  }
0x8d: {  	[spmem:s0] =	stream.linear.scatter [tilespmem:s15], [sflag:$0x5], $0x2000, $0x38;
	[tilespmem:$0x1FF70] =	vst v63  }
0x8e: {  	_ =	swait.ge [sflag:s11], $0x2000  }
0x8f: {  	[sflag:s11] =	ssyncset.done $0x0  }
0x90: {  	s28 =	rddreg [dreg:$0xa];
	[sflag:s11] =	ssyncadd.s32 $0xFFFFE000  }
0x91: {  	[spmem:s28] =	stream.linear.scatter [tilespmem:s16], [sflag:$0x5], $0x400, $0x38;
	[tilespmem:$0x1FF70] =	vst v63  }
0x92: {  	_ =	swait.ge [sflag:s11], $0x400  }
0x93: {  	[sflag:s11] =	ssyncset.done $0x0  }
0x94: {  	s29 =	rddreg [dreg:$0xb];
	[sflag:s11] =	ssyncadd.s32 $0xFFFFFC00  }
0x95: {  	[spmem:s29] =	stream.linear.scatter [tilespmem:s15], [sflag:$0x5], $0x2000, $0x38;
	[tilespmem:$0x1FF70] =	vst v63  }
0x96: {  	_ =	swait.ge [sflag:s11], $0x2000  }
0x97: {  	[sflag:s11] =	ssyncset.done $0x0  }
0x98: {  	s7 =	rddreg [dreg:$0xc];
	[sflag:s11] =	ssyncadd.s32 $0xFFFFE000  }
0x99: {  	[spmem:s7] =	stream.linear.scatter [tilespmem:s16], [sflag:$0x5], $0x400, $0x38;
	[tilespmem:$0x1FF70] =	vst v63  }
0x9a: {  	_ =	swait.ge [sflag:s11], $0x400  }
0x9b: {  	[sflag:s11] =	ssyncset.done $0x0  }
0x9c: {  	s12 =	rddreg [dreg:$0xd];
	[sflag:s11] =	ssyncadd.s32 $0xFFFFFC00  }
0x9d: {  	[spmem:s12] =	stream.linear.scatter [tilespmem:s15], [sflag:$0x5], $0x2000, $0x38;
	[tilespmem:$0x1FF70] =	vst v63  }
0x9e: {  	_ =	swait.ge [sflag:s11], $0x2000  }
0x9f: {  	[sflag:s11] =	ssyncset.done $0x0  }
0xa0: {  	s13 =	rddreg [dreg:$0xe];
	[sflag:s11] =	ssyncadd.s32 $0xFFFFE000  }
0xa1: {  	[spmem:s13] =	stream.linear.scatter [tilespmem:s16], [sflag:$0x5], $0x400, $0x38;
	[tilespmem:$0x1FF70] =	vst v63  }
0xa2: {  	_ =	swait.ge [sflag:s11], $0x400  }
0xa3: {  	[sflag:s11] =	ssyncset.done $0x0  }
0xa4: {  	s28 =	rddreg [dreg:$0xf];
	[sflag:s11] =	ssyncadd.s32 $0xFFFFFC00  }
0xa5: {  	[spmem:s28] =	stream.linear.scatter [tilespmem:s15], [sflag:$0x5], $0x2000, $0x38;
	[tilespmem:$0x1FF70] =	vst v63  }
0xa6: {  	_ =	swait.ge [sflag:s11], $0x2000  }
0xa7: {  	[sflag:s11] =	ssyncset.done $0x0  }
0xa8: {  	s29 =	rddreg [dreg:$0x10];
	[sflag:s11] =	ssyncadd.s32 $0xFFFFE000  }
0xa9: {  	[spmem:s29] =	stream.linear.scatter [tilespmem:s16], [sflag:$0x5], $0x400, $0x38;
	[tilespmem:$0x1FF70] =	vst v63  }
0xaa: {  	_ =	swait.ge [sflag:s11], $0x400  }
0xab: {  	[sflag:s11] =	ssyncset.done $0x0  }
0xac: {  	s7 =	rddreg [dreg:$0x11];
	[sflag:s11] =	ssyncadd.s32 $0xFFFFFC00  }
0xad: {  	[spmem:s7] =	stream.linear.scatter [tilespmem:s15], [sflag:$0x5], $0x2000, $0x38;
	[tilespmem:$0x1FF70] =	vst v63  }
0xae: {  	_ =	swait.ge [sflag:s11], $0x2000  }
0xaf: {  	[sflag:s11] =	ssyncset.done $0x0  }
0xb0: {  	s12 =	rddreg [dreg:$0x12];
	[sflag:s11] =	ssyncadd.s32 $0xFFFFE000  }
0xb1: {  	[spmem:s12] =	stream.linear.scatter [tilespmem:s16], [sflag:$0x5], $0x400, $0x38;
	[tilespmem:$0x1FF70] =	vst v63  }
0xb2: {  	_ =	swait.ge [sflag:s11], $0x400  }
0xb3: {  	[sflag:s11] =	ssyncset.done $0x0  }
0xb4: {  	s13 =	rddreg [dreg:$0x13];
	[sflag:s11] =	ssyncadd.s32 $0xFFFFFC00  }
0xb5: {  	[spmem:s13] =	stream.linear.scatter [tilespmem:s15], [sflag:$0x5], $0x2000, $0x38;
	[tilespmem:$0x1FF70] =	vst v63  }
0xb6: {  	_ =	swait.ge [sflag:s11], $0x2000  }
0xb7: {  	[sflag:s11] =	ssyncset.done $0x0  }
0xb8: {  	s28 =	rddreg [dreg:$0x14];
	[sflag:s11] =	ssyncadd.s32 $0xFFFFE000  }
0xb9: {  	[spmem:s28] =	stream.linear.scatter [tilespmem:s16], [sflag:$0x5], $0x400, $0x38;
	[tilespmem:$0x1FF70] =	vst v63  }
0xba: {  	_ =	swait.ge [sflag:s11], $0x400  }
0xbb: {  	[sflag:s11] =	ssyncset.done $0x0  }
0xbc: {  	s29 =	rddreg [dreg:$0x15];
	[sflag:s11] =	ssyncadd.s32 $0xFFFFFC00  }
0xbd: {  	[spmem:s29] =	stream.linear.scatter [tilespmem:s15], [sflag:$0x5], $0x2000, $0x38;
	[tilespmem:$0x1FF70] =	vst v63  }
0xbe: {  	_ =	swait.ge [sflag:s11], $0x2000  }
0xbf: {  	[sflag:s11] =	ssyncset.done $0x0  }
0xc0: {  	s7 =	rddreg [dreg:$0x16];
	[sflag:s11] =	ssyncadd.s32 $0xFFFFE000  }
0xc1: {  	[spmem:s7] =	stream.linear.scatter [tilespmem:s16], [sflag:$0x5], $0x400, $0x38;
	[tilespmem:$0x1FF70] =	vst v63  }
0xc2: {  	_ =	swait.ge [sflag:s11], $0x400  }
0xc3: {  	[sflag:s11] =	ssyncset.done $0x0  }
0xc4: {  	s12 =	rddreg [dreg:$0x17];
	[sflag:s11] =	ssyncadd.s32 $0xFFFFFC00  }
0xc5: {  	[spmem:s12] =	stream.linear.scatter [tilespmem:s15], [sflag:$0x5], $0x2000, $0x38;
	[tilespmem:$0x1FF70] =	vst v63  }
0xc6: {  	_ =	swait.ge [sflag:s11], $0x2000  }
0xc7: {  	[sflag:s11] =	ssyncset.done $0x0  }
0xc8: {  	s13 =	rddreg [dreg:$0x18];
	[sflag:s11] =	ssyncadd.s32 $0xFFFFE000  }
0xc9: {  	[spmem:s13] =	stream.linear.scatter [tilespmem:s16], [sflag:$0x5], $0x400, $0x38;
	[tilespmem:$0x1FF70] =	vst v63  }
0xca: {  	_ =	swait.ge [sflag:s11], $0x400  }
0xcb: {  	[sflag:s11] =	ssyncset.done $0x0  }
0xcc: {  	s28 =	rddreg [dreg:$0x19];
	[sflag:s11] =	ssyncadd.s32 $0xFFFFFC00  }
0xcd: {  	[spmem:s28] =	stream.linear.scatter [tilespmem:s15], [sflag:$0x5], $0x2000, $0x38;
	[tilespmem:$0x1FF70] =	vst v63  }
0xce: {  	_ =	swait.ge [sflag:s11], $0x2000  }
0xcf: {  	[sflag:s11] =	ssyncset.done $0x0  }
0xd0: {  	s29 =	rddreg [dreg:$0x1a];
	[sflag:s11] =	ssyncadd.s32 $0xFFFFE000  }
0xd1: {  	[spmem:s29] =	stream.linear.scatter [tilespmem:s16], [sflag:$0x5], $0x400, $0x38;
	[tilespmem:$0x1FF70] =	vst v63  }
0xd2: {  	_ =	swait.ge [sflag:s11], $0x400  }
0xd3: {  	[sflag:s11] =	ssyncset.done $0x0  }
0xd4: {  	[sflag:s11] =	ssyncadd.s32 $0xFFFFFC00  }
0xd5: {  	s31 =	simm.s32 $0x0;
	s0 =	simm.s32 $0x0;
	[bflag:$0x0] =	sbarrier.arrive $0xFFFF  }
.LBB2_4:
0xd6: {  	p0 =	seq.s32 s0, $0x0  }
0xd7: {  	s7 =	simm.s32 @!p0 $0x3  }
0xd8: {  	_ =	swait.ge @!p0 [sflag:s7], $0x2000  }
0xd9: {  	[sflag:s7] =	ssyncset.done @!p0 $0x0  }
0xda: {  	s12 =	sshll.u32 s0, $0x7;
	[sflag:s7] =	ssyncadd.s32 @!p0 $0xFFFFE000  }
0xdb: {  	s13 =	sadd.s32 s10, s12;
	_ =	swait.ge @!p0 [sflag:s7], $0x400  }
0xdc: {  	s13 =	sshrl.u32 s13, $0x3;
	[sflag:s7] =	ssyncset.done @!p0 $0x0  }
0xdd: {  	s29 =	sadd.s32 s5, s13;
	[sflag:s7] =	ssyncadd.s32 @!p0 $0xFFFFFC00  }
0xde: {  	[tilespmem:s17], [sflag:$0x5] =	stream.linear.gather [hbm4b:s29+s4], $0x40, $0x38;
	[tilespmem:$0x1FF70] =	vst v63  }
0xdf: {  	_ =	swait.ge [sflag:s11], $0x40  }
0xe0: {  	[sflag:s11] =	ssyncset.done $0x0  }
0xe1: {  	s13 =	sadd.s32 s6, s13;
	[sflag:s11] =	ssyncadd.s32 $0xFFFFFFC0  }
0xe2: {  	[tilespmem:s18], [sflag:$0x5] =	stream.linear.gather [hbm4b:s13+s4], $0x40, $0x38;
	[tilespmem:$0x1FF70] =	vst v63  }
0xe3: {  	_ =	swait.ge [sflag:s11], $0x40  }
0xe4: {  	[sflag:s11] =	ssyncset.done $0x0  }
0xe5: {  	s7 =	simm.s32 @!p0 $0x4;
	[sflag:s11] =	ssyncadd.s32 $0xFFFFFFC0  }
0xe6: {  	[tilespmem:s15], [sflag:$0x1] =	stream.indirect.gather [hbm4b:s9+s19], $0x80, s17, s19, $0xb8;
	[tilespmem:$0x1FF70] =	vst v63  }
0xe7: {  	_ =	swait.ge @!p0 [sflag:s7], $0x2000  }
0xe8: {  	[sflag:s7] =	ssyncset.done @!p0 $0x0  }
0xe9: {  	[sflag:s7] =	ssyncadd.s32 @!p0 $0xFFFFE000  }
0xea: {  	s12 =	sadd.s32 s12, s8;
	_ =	swait.ge @!p0 [sflag:s7], $0x400  }
0xeb: {  	s12 =	sshrl.u32 s12, $0x3;
	[sflag:s7] =	ssyncset.done @!p0 $0x0  }
0xec: {  	s29 =	sadd.s32 s5, s12;
	[sflag:s7] =	ssyncadd.s32 @!p0 $0xFFFFFC00  }
0xed: {  	[tilespmem:s20], [sflag:$0x5] =	stream.linear.gather [hbm4b:s29+s31], $0x40, $0x38;
	[tilespmem:$0x1FF70] =	vst v63  }
0xee: {  	_ =	swait.ge [sflag:s11], $0x40  }
0xef: {  	[sflag:s11] =	ssyncset.done $0x0  }
0xf0: {  	s12 =	sadd.s32 s6, s12;
	[sflag:s11] =	ssyncadd.s32 $0xFFFFFFC0  }
0xf1: {  	[tilespmem:s21], [sflag:$0x5] =	stream.linear.gather [hbm4b:s12+s31], $0x40, $0x38;
	[tilespmem:$0x1FF70] =	vst v63  }
0xf2: {  	_ =	swait.ge [sflag:s11], $0x40  }
0xf3: {  	[sflag:s11] =	ssyncset.done $0x0  }
0xf4: {  	[sflag:s11] =	ssyncadd.s32 $0xFFFFFFC0  }
0xf5: {  	[tilespmem:s22], [sflag:$0x2] =	stream.indirect.gather [hbm4b:s9+s19], $0x80, s20, s19, $0xb8;
	[tilespmem:$0x1FF70] =	vst v63  }
0xf6: {  	v5 =	vld [tilespmem:$0x4E30]  }
0xf7: {  	v6 =	vld [tilespmem:$0x4E70];
	_ =	sdelay $0x6  }
0xf8: {  	v5 =	vld.idx.msk [tilespmem:v5+s31+$0x0], $0xffff  }
0xf9: {  	v6 =	vld.idx.msk [tilespmem:v6+s14+$0x0], $0xffff;
	_ =	sdelay $0x4  }
0xfa: {  	v5 =	vadd.f32 v6, v5;
	_ =	sdelay $0x1  }
0xfb: {  	v6 =	vmul.f32 $2.000000030e-01, v5  }
0xfc: {  	vm0 =	vge.f32 v5, $0.0e+00  }
0xfd: {  	v5 =	vsel vm0, v5, v6  }
0xfe: {  	v5 =	vmul.f32 $1.442695020e+00, v5;
	_ =	sdelay $0x1  }
0xff: {  	(erf) = vpow2.f32 v5;
	_ =	sdelay $0x8  }
0x100: {  	v5 =	vpop (erf)  }
0x101: {  	[tilespmem:$0x9730] =	vst v5  }
0x102: {  	[tilespmem:v0+s16+$0x0] =	vst.idx.msk $0xffff, v5  }
0x103: {  	v5 =	vld [tilespmem:$0x4E40]  }
0x104: {  	v6 =	vld [tilespmem:$0x4E80];
	_ =	sdelay $0x6  }
0x105: {  	v5 =	vld.idx.msk [tilespmem:v5+s31+$0x0], $0xffff  }
0x106: {  	v6 =	vld.idx.msk [tilespmem:v6+s14+$0x0], $0xffff;
	_ =	sdelay $0x4  }
0x107: {  	v5 =	vadd.f32 v6, v5;
	_ =	sdelay $0x1  }
0x108: {  	v6 =	vmul.f32 $2.000000030e-01, v5  }
0x109: {  	vm13 =	vge.f32 v5, $0.0e+00  }
0x10a: {  	v5 =	vsel vm13, v5, v6  }
0x10b: {  	v5 =	vmul.f32 $1.442695020e+00, v5;
	_ =	sdelay $0x1  }
0x10c: {  	(erf) = vpow2.f32 v5;
	_ =	sdelay $0x8  }
0x10d: {  	v5 =	vpop (erf)  }
0x10e: {  	[tilespmem:$0x9740] =	vst v5  }
0x10f: {  	[tilespmem:v2+s16+$0x0] =	vst.idx.msk $0xffff, v5  }
0x110: {  	v5 =	vld [tilespmem:$0x4E50]  }
0x111: {  	v6 =	vld [tilespmem:$0x4E90];
	_ =	sdelay $0x6  }
0x112: {  	v5 =	vld.idx.msk [tilespmem:v5+s31+$0x0], $0xffff  }
0x113: {  	v6 =	vld.idx.msk [tilespmem:v6+s14+$0x0], $0xffff;
	_ =	sdelay $0x4  }
0x114: {  	v5 =	vadd.f32 v6, v5;
	_ =	sdelay $0x1  }
0x115: {  	v6 =	vmul.f32 $2.000000030e-01, v5  }
0x116: {  	vm14 =	vge.f32 v5, $0.0e+00  }
0x117: {  	v5 =	vsel vm14, v5, v6  }
0x118: {  	v5 =	vmul.f32 $1.442695020e+00, v5;
	_ =	sdelay $0x1  }
0x119: {  	(erf) = vpow2.f32 v5;
	_ =	sdelay $0x8  }
0x11a: {  	v5 =	vpop (erf)  }
0x11b: {  	[tilespmem:$0x9750] =	vst v5  }
0x11c: {  	[tilespmem:v3+s16+$0x0] =	vst.idx.msk $0xffff, v5  }
0x11d: {  	v5 =	vld [tilespmem:$0x4E60]  }
0x11e: {  	v6 =	vld [tilespmem:$0x4EA0];
	_ =	sdelay $0x6  }
0x11f: {  	v5 =	vld.idx.msk [tilespmem:v5+s31+$0x0], $0xffff  }
0x120: {  	v6 =	vld.idx.msk [tilespmem:v6+s14+$0x0], $0xffff;
	_ =	sdelay $0x4  }
0x121: {  	v5 =	vadd.f32 v6, v5;
	_ =	sdelay $0x1  }
0x122: {  	v6 =	vmul.f32 $2.000000030e-01, v5  }
0x123: {  	vm15 =	vge.f32 v5, $0.0e+00  }
0x124: {  	v5 =	vsel vm15, v5, v6  }
0x125: {  	v5 =	vmul.f32 $1.442695020e+00, v5;
	_ =	sdelay $0x1  }
0x126: {  	(erf) = vpow2.f32 v5;
	_ =	sdelay $0x6  }
0x127: {  	s13 =	simm.s32 $0x2;
	v5 =	vmov s31  }
0x128: {  	v6 =	vmov s13;
	v5 =	vand.u32 $0xFFFFFFFC, v5  }
0x129: {  	v6 =	vand.u32 $0xFFFFFFFE, v6;
	v5 =	vbroadcast v5, $0x0;
	v7 =	vpop (erf)  }
0x12a: {  	v6 =	vbroadcast v6, $0x0;
	[tilespmem:$0x9760] =	vst v7  }
0x12b: {  	[tilespmem:v4+s16+$0x0] =	vst.idx.msk $0xffff, v7  }
0x12c: {  	_ =	swait.ge [sflag:s23], $0x2000  }
0x12d: {  	[sflag:s23] =	ssyncset.done $0x0  }
0x12e: {  	[sflag:s23] =	ssyncadd.s32 $0xFFFFE000  }
0x12f: {  	v5 =	vld.idx.msk [tilespmem:v5+s24+$0x0], $0xffff  }
0x130: {  	s7 =	simm.s32 $0x4FB0;
	v6 =	vld.idx.msk [tilespmem:v6+s24+$0x0], $0xffff  }
0x131: {  	s29 =	simm.s32 $0x1;
	v8 =	vld [tilespmem:s7+$0x70]  }
0x132: {  	v7 =	vmov s29;
	v9 =	vld [tilespmem:s7+$0xFFFFFF00]  }
0x133: {  	v7 =	vand.u32 $0xFFFFFFFD, v7;
	v10 =	vld [tilespmem:s7+$0xFFFFFF10]  }
0x134: {  	v7 =	vbroadcast v7, $0x0;
	v11 =	vld [tilespmem:s7+$0xFFFFFF20]  }
0x135: {  	v12 =	vld [tilespmem:s7+$0xFFFFFF30]  }
0x136: {  	v13 =	vld [tilespmem:s7+$0xFFFFFF40]  }
0x137: {  	v14 =	vld [tilespmem:s7+$0xFFFFFF50]  }
0x138: {  	v15 =	vld [tilespmem:s7+$0xFFFFFF60];
	v9 =	vmul.f32 v9, v5  }
0x139: {  	v17 =	vld [tilespmem:s7+$0x40];
	v8 =	vmul.f32 v8, v6  }
0x13a: {  	v7 =	vld.idx.msk [tilespmem:v7+s24+$0x0], $0xffff;
	[tilespmem:s7+$0xFFFFFF00] =	vst v9;
	v9 =	vmul.f32 v10, v5  }
0x13b: {  	v10 =	vld [tilespmem:s7+$0xFFFFFF70];
	[tilespmem:s7+$0x70] =	vst v8;
	v8 =	vmul.f32 v11, v5  }
0x13c: {  	v11 =	vld [tilespmem:s7+$0xFFFFFF80];
	[tilespmem:s7+$0xFFFFFF10] =	vst v9;
	v9 =	vmul.f32 v12, v5  }
0x13d: {  	v12 =	vld [tilespmem:s7+$0xFFFFFF90];
	[tilespmem:s7+$0xFFFFFF20] =	vst v8;
	v8 =	vmul.f32 v13, v5  }
0x13e: {  	v13 =	vld [tilespmem:s7+$0xFFFFFFA0];
	[tilespmem:s7+$0xFFFFFF30] =	vst v9;
	v9 =	vmul.f32 v14, v5  }
0x13f: {  	v14 =	vld [tilespmem:s7+$0xFFFFFFB0];
	[tilespmem:s7+$0xFFFFFF40] =	vst v8;
	v8 =	vmul.f32 v15, v5  }
0x140: {  	v15 =	vld [tilespmem:s7+$0xFFFFFFC0];
	v10 =	vmul.f32 v10, v5;
	[tilespmem:s7+$0xFFFFFF50] =	vst v9  }
0x141: {  	v9 =	vmul.f32 v11, v7;
	v11 =	vld [tilespmem:s7+$0xFFFFFFD0];
	[tilespmem:s7+$0xFFFFFF60] =	vst v8  }
0x142: {  	s13 =	simm.s32 $0x3;
	v8 =	vld [tilespmem:s7+$0xFFFFFFE0];
	v12 =	vmul.f32 v12, v7;
	[tilespmem:s7+$0xFFFFFF70] =	vst v10  }
0x143: {  	v16 =	vmov s13;
	v10 =	vld [tilespmem:s7+$0xFFFFFFF0];
	[tilespmem:s7+$0xFFFFFF80] =	vst v9;
	v9 =	vmul.f32 v13, v7  }
0x144: {  	v13 =	vld [tilespmem:s7+$0x0];
	[tilespmem:s7+$0xFFFFFF90] =	vst v12;
	v12 =	vmul.f32 v14, v7  }
0x145: {  	v14 =	vld [tilespmem:s7+$0x10];
	[tilespmem:s7+$0xFFFFFFA0] =	vst v9;
	v9 =	vmul.f32 v15, v7  }
0x146: {  	[tilespmem:s7+$0xFFFFFFB0] =	vst v12;
	v11 =	vmul.f32 v11, v7;
	v12 =	vld [tilespmem:s7+$0x20]  }
0x147: {  	v15 =	vld [tilespmem:s7+$0x30];
	v8 =	vmul.f32 v8, v7;
	[tilespmem:s7+$0xFFFFFFC0] =	vst v9  }
0x148: {  	v5 =	vld.idx.msk [tilespmem:v16+s24+$0x0], $0xffff;
	v7 =	vmul.f32 v10, v7;
	[tilespmem:s7+$0xFFFFFFD0] =	vst v11  }
0x149: {  	[tilespmem:s7+$0xFFFFFFE0] =	vst v8;
	v9 =	vmul.f32 v13, v6;
	v8 =	vld [tilespmem:s7+$0x50]  }
0x14a: {  	s29 =	simm.s32 $0x4;
	[tilespmem:s7+$0xFFFFFFF0] =	vst v7;
	v10 =	vmul.f32 v14, v6;
	v7 =	vld [tilespmem:s7+$0x60]  }
0x14b: {  	s13 =	simm.s32 $0x7;
	v11 =	vmov s29;
	[tilespmem:s7+$0x0] =	vst v9;
	v13 =	vmul.f32 v12, v6;
	v12 =	vld [tilespmem:s7+$0x80]  }
0x14c: {  	s29 =	simm.s32 $0x5;
	v16 =	vand.u32 $0xFFFFFFFC, v11;
	v11 =	vld [tilespmem:s7+$0x90];
	v9 =	vmov s13;
	v14 =	vmul.f32 v15, v6;
	[tilespmem:s7+$0x10] =	vst v10  }
0x14d: {  	s28 =	simm.s32 $0x6;
	s12 =	simm.s32 $0x4FB0;
	s13 =	simm.s32 $0x8;
	v15 =	vmul.f32 v17, v6;
	v10 =	vbroadcast v16, $0x0;
	v16 =	vmov s29;
	[tilespmem:s7+$0x20] =	vst v13;
	v13 =	vld [tilespmem:s7+$0xA0]  }
.LBB2_5:
0x14e: {  	p0 =	slt.u32 s13, $0x3C;
	v16 =	vand.u32 $0xFFFFFFFD, v16;
	v17 =	vmov s28;
	[tilespmem:s7+$0x30] =	vst v14;
	v8 =	vmul.f32 v8, v6;
	v14 =	vld [tilespmem:s7+$0xB0]  }
0x14f: {  	v16 =	vbroadcast v16, $0x0;
	v17 =	vand.u32 $0xFFFFFFFE, v17;
	[tilespmem:s7+$0x40] =	vst v15;
	v6 =	vmul.f32 v7, v6;
	v7 =	vld [tilespmem:s7+$0xC0]  }
0x150: {  	v15 =	vbroadcast v17, $0x0;
	[tilespmem:s7+$0x50] =	vst v8;
	v8 =	vmul.f32 v12, v5;
	v12 =	vld [tilespmem:s7+$0xD0]  }
0x151: {  	[tilespmem:s7+$0x60] =	vst v6;
	v6 =	vmul.f32 v11, v5;
	v11 =	vld [tilespmem:s7+$0xE0]  }
0x152: {  	[tilespmem:s7+$0x80] =	vst v8;
	v8 =	vmul.f32 v13, v5;
	v13 =	vld [tilespmem:s7+$0xF0]  }
0x153: {  	v9 =	vld.idx.msk [tilespmem:v9+s24+$0x0], $0xffff;
	[tilespmem:s7+$0x90] =	vst v6;
	v6 =	vmul.f32 v14, v5  }
0x154: {  	v10 =	vld.idx.msk [tilespmem:v10+s24+$0x0], $0xffff;
	[tilespmem:s7+$0xA0] =	vst v8;
	v7 =	vmul.f32 v7, v5  }
0x155: {  	v8 =	vld.idx.msk [tilespmem:v16+s24+$0x0], $0xffff;
	[tilespmem:s7+$0xB0] =	vst v6;
	v12 =	vmul.f32 v12, v5  }
0x156: {  	s7 =	sadd.s32 $0x200, s7;
	v6 =	vld.idx.msk [tilespmem:v15+s24+$0x0], $0xffff;
	[tilespmem:s12+$0xC0] =	vst v7;
	v7 =	vmul.f32 v11, v5  }
0x157: {  	v11 =	vld [tilespmem:s7+$0x70];
	[tilespmem:s12+$0xD0] =	vst v12;
	v13 =	vmul.f32 v13, v5  }
0x158: {  	v12 =	vld [tilespmem:s7+$0xFFFFFF00];
	[tilespmem:s12+$0xE0] =	vst v7  }
0x159: {  	v5 =	vmov v9;
	v7 =	vld [tilespmem:s7+$0xFFFFFF10];
	[tilespmem:s12+$0xF0] =	vst v13;
	s12 =	smov.u32 s7  }
0x15a: {  	v9 =	vld [tilespmem:s7+$0xFFFFFF20]  }
0x15b: {  	v13 =	vld [tilespmem:s7+$0xFFFFFF30]  }
0x15c: {  	v14 =	vld [tilespmem:s7+$0xFFFFFF40];
	v11 =	vmul.f32 v11, v6  }
0x15d: {  	v12 =	vmul.f32 v12, v10;
	v15 =	vld [tilespmem:s7+$0xFFFFFF50]  }
0x15e: {  	v7 =	vmul.f32 v7, v10;
	v16 =	vld [tilespmem:s7+$0xFFFFFF60];
	[tilespmem:s7+$0x70] =	vst v11  }
0x15f: {  	[tilespmem:s7+$0xFFFFFF00] =	vst v12;
	v9 =	vmul.f32 v9, v10;
	v11 =	vld [tilespmem:s7+$0xFFFFFF70]  }
0x160: {  	[tilespmem:s7+$0xFFFFFF10] =	vst v7;
	v7 =	vmul.f32 v13, v10;
	v12 =	vld [tilespmem:s7+$0xFFFFFF80]  }
0x161: {  	[tilespmem:s7+$0xFFFFFF20] =	vst v9;
	v9 =	vmul.f32 v14, v10;
	v13 =	vld [tilespmem:s7+$0xFFFFFF90]  }
0x162: {  	[tilespmem:s7+$0xFFFFFF30] =	vst v7;
	v7 =	vmul.f32 v15, v10;
	v14 =	vld [tilespmem:s7+$0xFFFFFFA0]  }
0x163: {  	[tilespmem:s7+$0xFFFFFF40] =	vst v9;
	v9 =	vmul.f32 v16, v10;
	v15 =	vld [tilespmem:s7+$0xFFFFFFB0]  }
0x164: {  	[tilespmem:s7+$0xFFFFFF50] =	vst v7;
	v7 =	vmul.f32 v11, v10;
	v10 =	vld [tilespmem:s7+$0xFFFFFFC0]  }
0x165: {  	[tilespmem:s7+$0xFFFFFF60] =	vst v9;
	v9 =	vmul.f32 v12, v8;
	v11 =	vld [tilespmem:s7+$0xFFFFFFD0]  }
0x166: {  	[tilespmem:s7+$0xFFFFFF70] =	vst v7;
	v7 =	vmul.f32 v13, v8;
	v12 =	vld [tilespmem:s7+$0xFFFFFFE0]  }
0x167: {  	[tilespmem:s7+$0xFFFFFF80] =	vst v9;
	v9 =	vmul.f32 v14, v8;
	v13 =	vld [tilespmem:s7+$0xFFFFFFF0]  }
0x168: {  	[tilespmem:s7+$0xFFFFFF90] =	vst v7;
	v7 =	vmul.f32 v15, v8;
	v14 =	vld [tilespmem:s7+$0x0]  }
0x169: {  	[tilespmem:s7+$0xFFFFFFA0] =	vst v9;
	v9 =	vmul.f32 v10, v8;
	v10 =	vld [tilespmem:s7+$0x10]  }
0x16a: {  	[tilespmem:s7+$0xFFFFFFB0] =	vst v7;
	v7 =	vmul.f32 v11, v8;
	v11 =	vld [tilespmem:s7+$0x20]  }
0x16b: {  	[tilespmem:s7+$0xFFFFFFC0] =	vst v9;
	v9 =	vmul.f32 v12, v8;
	v15 =	vld [tilespmem:s7+$0x30]  }
0x16c: {  	[tilespmem:s7+$0xFFFFFFD0] =	vst v7;
	v7 =	vmul.f32 v13, v8;
	v13 =	vld [tilespmem:s7+$0x40]  }
.Ltmp1:
0x16d: {  	[tilespmem:s7+$0xFFFFFFE0] =	vst v9;
	v9 =	vmul.f32 v14, v6;
	v8 =	vld [tilespmem:s7+$0x50];
	(pc) =	sbr.rel @p0 .LBB2_5-.Ltmp1, $4  }
0x16e: {  	[tilespmem:s7+$0xFFFFFFF0] =	vst v7;
	v10 =	vmul.f32 v10, v6;
	v7 =	vld [tilespmem:s7+$0x60]  }
0x16f: {  	s28 =	sadd.s32 $0x3, s13;
	v14 =	vmov s13;
	[tilespmem:s7+$0x0] =	vst v9;
	v17 =	vmul.f32 v11, v6;
	v12 =	vld [tilespmem:s7+$0x80]  }
0x170: {  	s29 =	sadd.s32 $0x1, s13;
	v16 =	vand.u32 $0xFFFFFFFC, v14;
	v9 =	vmov s28;
	[tilespmem:s7+$0x10] =	vst v10;
	v14 =	vmul.f32 v15, v6;
	v11 =	vld [tilespmem:s7+$0x90]  }
0x171: {  	s28 =	sadd.s32 $0x2, s13;
	s13 =	sadd.s32 $0x4, s13;
	v10 =	vbroadcast v16, $0x0;
	v16 =	vmov s29;
	[tilespmem:s7+$0x20] =	vst v17;
	v15 =	vmul.f32 v13, v6;
	v13 =	vld [tilespmem:s7+$0xA0]  }
0x172: {  	v17 =	vld [tilespmem:s7+$0xB0]  }
0x173: {  	v19 =	vld [tilespmem:s7+$0xC0]  }
0x174: {  	v18 =	vmov s28;
	v20 =	vld [tilespmem:s7+$0xD0]  }
0x175: {  	v21 =	vld [tilespmem:s7+$0xE0];
	[tilespmem:s7+$0x30] =	vst v14;
	v8 =	vmul.f32 v8, v6;
	v18 =	vand.u32 $0xFFFFFFFE, v18  }
0x176: {  	v16 =	vand.u32 $0xFFFFFFFD, v16;
	v9 =	vld.idx.msk [tilespmem:v9+s24+$0x0], $0xffff;
	[tilespmem:s7+$0x40] =	vst v15;
	v6 =	vmul.f32 v7, v6;
	v18 =	vbroadcast v18, $0x0  }
0x177: {  	s13 =	sadd.s32 $0x200, s7;
	v16 =	vbroadcast v16, $0x0;
	v7 =	vld.idx.msk [tilespmem:v10+s24+$0x0], $0xffff;
	v12 =	vmul.f32 v12, v5;
	[tilespmem:s7+$0x50] =	vst v8  }
0x178: {  	v14 =	vld [tilespmem:s13+$0xFFFFFF00];
	v8 =	vmul.f32 v11, v5;
	[tilespmem:s7+$0x60] =	vst v6  }
0x179: {  	[tilespmem:s7+$0x80] =	vst v12;
	v12 =	vld [tilespmem:s7+$0xF0];
	v6 =	vmul.f32 v13, v5  }
0x17a: {  	v15 =	vld [tilespmem:s13+$0xFFFFFF10];
	[tilespmem:s7+$0x90] =	vst v8;
	v8 =	vmul.f32 v17, v5  }
0x17b: {  	v13 =	vld [tilespmem:s13+$0x70];
	[tilespmem:s7+$0xA0] =	vst v6;
	v6 =	vmul.f32 v19, v5  }
0x17c: {  	[tilespmem:s7+$0xB0] =	vst v8;
	v8 =	vmul.f32 v20, v5;
	v11 =	vld.idx.msk [tilespmem:v18+s24+$0x0], $0xffff  }
0x17d: {  	v10 =	vld.idx.msk [tilespmem:v16+s24+$0x0], $0xffff;
	[tilespmem:s12+$0xC0] =	vst v6;
	v6 =	vmul.f32 v21, v5  }
0x17e: {  	v16 =	vld [tilespmem:s13+$0xFFFFFF20];
	[tilespmem:s12+$0xD0] =	vst v8;
	v5 =	vmul.f32 v12, v5  }
0x17f: {  	v8 =	vld [tilespmem:s13+$0xFFFFFF30];
	[tilespmem:s12+$0xE0] =	vst v6  }
0x180: {  	v6 =	vld [tilespmem:s13+$0xFFFFFF40];
	[tilespmem:s12+$0xF0] =	vst v5;
	v5 =	vmul.f32 v14, v7  }
0x181: {  	v12 =	vmul.f32 v13, v11;
	v13 =	vld [tilespmem:s13+$0xFFFFFF50]  }
0x182: {  	v14 =	vmul.f32 v15, v7;
	v15 =	vld [tilespmem:s13+$0xFFFFFF60];
	[tilespmem:s13+$0xFFFFFF00] =	vst v5  }
0x183: {  	v5 =	vmul.f32 v16, v7;
	[tilespmem:s13+$0x70] =	vst v12;
	v12 =	vld [tilespmem:s13+$0xFFFFFF70]  }
0x184: {  	[tilespmem:s13+$0xFFFFFF10] =	vst v14;
	v14 =	vld [tilespmem:s13+$0xFFFFFF80];
	v8 =	vmul.f32 v8, v7  }
0x185: {  	[tilespmem:s13+$0xFFFFFF20] =	vst v5;
	v5 =	vmul.f32 v6, v7;
	v6 =	vld [tilespmem:s13+$0xFFFFFF90]  }
0x186: {  	[tilespmem:s13+$0xFFFFFF30] =	vst v8;
	v8 =	vmul.f32 v13, v7;
	v13 =	vld [tilespmem:s13+$0xFFFFFFA0]  }
0x187: {  	[tilespmem:s13+$0xFFFFFF40] =	vst v5;
	v5 =	vmul.f32 v15, v7;
	v15 =	vld [tilespmem:s13+$0xFFFFFFB0]  }
0x188: {  	[tilespmem:s13+$0xFFFFFF50] =	vst v8;
	v7 =	vmul.f32 v12, v7;
	v8 =	vld [tilespmem:s13+$0xFFFFFFC0]  }
0x189: {  	[tilespmem:s13+$0xFFFFFF60] =	vst v5;
	v5 =	vmul.f32 v14, v10;
	v12 =	vld [tilespmem:s13+$0xFFFFFFD0]  }
0x18a: {  	v6 =	vmul.f32 v6, v10;
	[tilespmem:s13+$0xFFFFFF70] =	vst v7;
	v7 =	vld [tilespmem:s13+$0xFFFFFFE0]  }
0x18b: {  	[tilespmem:s13+$0xFFFFFF80] =	vst v5;
	v5 =	vmul.f32 v13, v10;
	v13 =	vld [tilespmem:s13+$0xFFFFFFF0]  }
0x18c: {  	v14 =	vld [tilespmem:s13+$0x0];
	[tilespmem:s13+$0xFFFFFF90] =	vst v6;
	v6 =	vmul.f32 v15, v10  }
0x18d: {  	[tilespmem:s13+$0xFFFFFFA0] =	vst v5;
	v5 =	vmul.f32 v8, v10;
	v8 =	vld [tilespmem:s13+$0x10]  }
0x18e: {  	[tilespmem:s13+$0xFFFFFFB0] =	vst v6;
	v6 =	vmul.f32 v12, v10;
	v12 =	vld [tilespmem:s13+$0x20]  }
0x18f: {  	[tilespmem:s13+$0xFFFFFFC0] =	vst v5;
	v5 =	vmul.f32 v7, v10;
	v7 =	vld [tilespmem:s13+$0x30]  }
0x190: {  	[tilespmem:s13+$0xFFFFFFD0] =	vst v6;
	v6 =	vmul.f32 v13, v10;
	v10 =	vld [tilespmem:s13+$0x40]  }
0x191: {  	v13 =	vld [tilespmem:s13+$0x50];
	[tilespmem:s13+$0xFFFFFFE0] =	vst v5;
	v5 =	vmul.f32 v14, v11  }
0x192: {  	[tilespmem:s13+$0xFFFFFFF0] =	vst v6;
	v6 =	vmul.f32 v8, v11;
	v8 =	vld [tilespmem:s13+$0x60]  }
0x193: {  	[tilespmem:s13+$0x0] =	vst v5;
	v5 =	vmul.f32 v12, v11;
	v12 =	vld [tilespmem:s13+$0x80]  }
0x194: {  	[tilespmem:s13+$0x10] =	vst v6;
	v6 =	vmul.f32 v7, v11;
	v7 =	vld [tilespmem:s13+$0x90]  }
0x195: {  	[tilespmem:s13+$0x20] =	vst v5;
	v5 =	vmul.f32 v10, v11;
	v10 =	vld [tilespmem:s13+$0xA0]  }
0x196: {  	[tilespmem:s13+$0x30] =	vst v6;
	v6 =	vmul.f32 v13, v11;
	v13 =	vld [tilespmem:s13+$0xB0]  }
0x197: {  	[tilespmem:s13+$0x40] =	vst v5;
	v5 =	vmul.f32 v8, v11;
	v8 =	vld [tilespmem:s13+$0xC0]  }
0x198: {  	v11 =	vld [tilespmem:s13+$0xD0];
	[tilespmem:s13+$0x50] =	vst v6;
	v6 =	vmul.f32 v12, v9  }
0x199: {  	[tilespmem:s13+$0x60] =	vst v5;
	v5 =	vmul.f32 v7, v9;
	v7 =	vld [tilespmem:s13+$0xE0]  }
0x19a: {  	[tilespmem:s13+$0x80] =	vst v6;
	v6 =	vmul.f32 v10, v9;
	v10 =	vld [tilespmem:s13+$0xF0]  }
0x19b: {  	[tilespmem:s13+$0x90] =	vst v5;
	v5 =	vmul.f32 v13, v9  }
0x19c: {  	[tilespmem:s13+$0xA0] =	vst v6;
	v6 =	vmul.f32 v8, v9  }
0x19d: {  	[tilespmem:s13+$0xB0] =	vst v5;
	v5 =	vmul.f32 v11, v9  }
0x19e: {  	[tilespmem:s13+$0xC0] =	vst v6;
	v6 =	vmul.f32 v7, v9  }
0x19f: {  	[tilespmem:s13+$0xD0] =	vst v5;
	v5 =	vmul.f32 v10, v9  }
0x1a0: {  	[tilespmem:s13+$0xE0] =	vst v6  }
0x1a1: {  	[tilespmem:s13+$0xF0] =	vst v5  }
0x1a2: {  	[spmem:s1] =	stream.indirect.scatter.add.f32 [tilespmem:s15], [sflag:$0x3], $0x80, s18, s19, $0xb8;
	[tilespmem:$0x1FF70] =	vst v63  }
0x1a3: {  	_ = 	snop  }
0x1a4: {  	[spmem:s2] =	stream.indirect.scatter.add.f32 [tilespmem:s16], [sflag:$0x3], $0x10, s18, s19, $0xb8;
	[tilespmem:$0x1FF70] =	vst v63  }
0x1a5: {  	v5 =	vld [tilespmem:$0x72B0]  }
0x1a6: {  	v6 =	vld [tilespmem:$0x72F0];
	_ =	sdelay $0x5  }
0x1a7: {  	s12 =	simm.s32 $0x0  }
0x1a8: {  	v5 =	vld.idx.msk [tilespmem:v5+s12+$0x0], $0xffff  }
0x1a9: {  	v6 =	vld.idx.msk [tilespmem:v6+s14+$0x0], $0xffff;
	_ =	sdelay $0x4  }
0x1aa: {  	v5 =	vadd.f32 v6, v5;
	_ =	sdelay $0x1  }
0x1ab: {  	v6 =	vmul.f32 $2.000000030e-01, v5  }
0x1ac: {  	vm0 =	vge.f32 v5, $0.0e+00  }
0x1ad: {  	v5 =	vsel vm0, v5, v6  }
0x1ae: {  	v5 =	vmul.f32 $1.442695020e+00, v5;
	_ =	sdelay $0x1  }
0x1af: {  	(erf) = vpow2.f32 v5;
	_ =	sdelay $0x8  }
0x1b0: {  	v5 =	vpop (erf)  }
0x1b1: {  	[tilespmem:$0x9730] =	vst v5  }
0x1b2: {  	[tilespmem:v0+s25+$0x0] =	vst.idx.msk $0xffff, v5  }
0x1b3: {  	v5 =	vld [tilespmem:$0x72C0]  }
0x1b4: {  	v6 =	vld [tilespmem:$0x7300];
	_ =	sdelay $0x6  }
0x1b5: {  	v5 =	vld.idx.msk [tilespmem:v5+s12+$0x0], $0xffff  }
0x1b6: {  	v6 =	vld.idx.msk [tilespmem:v6+s14+$0x0], $0xffff;
	_ =	sdelay $0x4  }
0x1b7: {  	v5 =	vadd.f32 v6, v5;
	_ =	sdelay $0x1  }
0x1b8: {  	v6 =	vmul.f32 $2.000000030e-01, v5  }
0x1b9: {  	vm13 =	vge.f32 v5, $0.0e+00  }
0x1ba: {  	v5 =	vsel vm13, v5, v6  }
0x1bb: {  	v5 =	vmul.f32 $1.442695020e+00, v5;
	_ =	sdelay $0x1  }
0x1bc: {  	(erf) = vpow2.f32 v5;
	_ =	sdelay $0x8  }
0x1bd: {  	v5 =	vpop (erf)  }
0x1be: {  	[tilespmem:$0x9740] =	vst v5  }
0x1bf: {  	[tilespmem:v2+s25+$0x0] =	vst.idx.msk $0xffff, v5  }
0x1c0: {  	v5 =	vld [tilespmem:$0x72D0]  }
0x1c1: {  	v6 =	vld [tilespmem:$0x7310];
	_ =	sdelay $0x6  }
0x1c2: {  	v5 =	vld.idx.msk [tilespmem:v5+s12+$0x0], $0xffff  }
0x1c3: {  	v6 =	vld.idx.msk [tilespmem:v6+s14+$0x0], $0xffff;
	_ =	sdelay $0x4  }
0x1c4: {  	v5 =	vadd.f32 v6, v5;
	_ =	sdelay $0x1  }
0x1c5: {  	v6 =	vmul.f32 $2.000000030e-01, v5  }
0x1c6: {  	vm14 =	vge.f32 v5, $0.0e+00  }
0x1c7: {  	v5 =	vsel vm14, v5, v6  }
0x1c8: {  	v5 =	vmul.f32 $1.442695020e+00, v5;
	_ =	sdelay $0x1  }
0x1c9: {  	(erf) = vpow2.f32 v5;
	_ =	sdelay $0x8  }
0x1ca: {  	v5 =	vpop (erf)  }
0x1cb: {  	[tilespmem:$0x9750] =	vst v5  }
0x1cc: {  	[tilespmem:v3+s25+$0x0] =	vst.idx.msk $0xffff, v5  }
0x1cd: {  	v5 =	vld [tilespmem:$0x72E0]  }
0x1ce: {  	v6 =	vld [tilespmem:$0x7320];
	_ =	sdelay $0x6  }
0x1cf: {  	v5 =	vld.idx.msk [tilespmem:v5+s12+$0x0], $0xffff  }
0x1d0: {  	v6 =	vld.idx.msk [tilespmem:v6+s14+$0x0], $0xffff;
	_ =	sdelay $0x4  }
0x1d1: {  	v5 =	vadd.f32 v6, v5;
	_ =	sdelay $0x1  }
0x1d2: {  	v6 =	vmul.f32 $2.000000030e-01, v5  }
0x1d3: {  	vm15 =	vge.f32 v5, $0.0e+00  }
0x1d4: {  	v5 =	vsel vm15, v5, v6  }
0x1d5: {  	v5 =	vmul.f32 $1.442695020e+00, v5;
	_ =	sdelay $0x1  }
0x1d6: {  	(erf) = vpow2.f32 v5;
	_ =	sdelay $0x6  }
0x1d7: {  	s13 =	simm.s32 $0x2;
	v5 =	vmov s12  }
0x1d8: {  	v6 =	vmov s13;
	v5 =	vand.u32 $0xFFFFFFFC, v5  }
0x1d9: {  	v6 =	vand.u32 $0xFFFFFFFE, v6;
	v5 =	vbroadcast v5, $0x0;
	v7 =	vpop (erf)  }
0x1da: {  	v6 =	vbroadcast v6, $0x0;
	[tilespmem:$0x9760] =	vst v7  }
0x1db: {  	[tilespmem:v4+s25+$0x0] =	vst.idx.msk $0xffff, v7  }
0x1dc: {  	_ =	swait.ge [sflag:s26], $0x2000  }
0x1dd: {  	[sflag:s26] =	ssyncset.done $0x0  }
0x1de: {  	[sflag:s26] =	ssyncadd.s32 $0xFFFFE000  }
0x1df: {  	v5 =	vld.idx.msk [tilespmem:v5+s24+$0x0], $0xffff  }
0x1e0: {  	s7 =	simm.s32 $0x7430;
	v6 =	vld.idx.msk [tilespmem:v6+s24+$0x0], $0xffff  }
0x1e1: {  	s29 =	simm.s32 $0x1;
	v8 =	vld [tilespmem:s7+$0x70]  }
0x1e2: {  	v7 =	vmov s29;
	v9 =	vld [tilespmem:s7+$0xFFFFFF00]  }
0x1e3: {  	v7 =	vand.u32 $0xFFFFFFFD, v7;
	v10 =	vld [tilespmem:s7+$0xFFFFFF10]  }
0x1e4: {  	v7 =	vbroadcast v7, $0x0;
	v11 =	vld [tilespmem:s7+$0xFFFFFF20]  }
0x1e5: {  	v12 =	vld [tilespmem:s7+$0xFFFFFF30]  }
0x1e6: {  	v13 =	vld [tilespmem:s7+$0xFFFFFF40]  }
0x1e7: {  	v14 =	vld [tilespmem:s7+$0xFFFFFF50]  }
0x1e8: {  	v15 =	vld [tilespmem:s7+$0xFFFFFF60];
	v9 =	vmul.f32 v9, v5  }
0x1e9: {  	v17 =	vld [tilespmem:s7+$0x40];
	v8 =	vmul.f32 v8, v6  }
0x1ea: {  	v7 =	vld.idx.msk [tilespmem:v7+s24+$0x0], $0xffff;
	[tilespmem:s7+$0xFFFFFF00] =	vst v9;
	v9 =	vmul.f32 v10, v5  }
0x1eb: {  	v10 =	vld [tilespmem:s7+$0xFFFFFF70];
	[tilespmem:s7+$0x70] =	vst v8;
	v8 =	vmul.f32 v11, v5  }
0x1ec: {  	v11 =	vld [tilespmem:s7+$0xFFFFFF80];
	[tilespmem:s7+$0xFFFFFF10] =	vst v9;
	v9 =	vmul.f32 v12, v5  }
0x1ed: {  	v12 =	vld [tilespmem:s7+$0xFFFFFF90];
	[tilespmem:s7+$0xFFFFFF20] =	vst v8;
	v8 =	vmul.f32 v13, v5  }
0x1ee: {  	v13 =	vld [tilespmem:s7+$0xFFFFFFA0];
	[tilespmem:s7+$0xFFFFFF30] =	vst v9;
	v9 =	vmul.f32 v14, v5  }
0x1ef: {  	v14 =	vld [tilespmem:s7+$0xFFFFFFB0];
	[tilespmem:s7+$0xFFFFFF40] =	vst v8;
	v8 =	vmul.f32 v15, v5  }
0x1f0: {  	v15 =	vld [tilespmem:s7+$0xFFFFFFC0];
	v10 =	vmul.f32 v10, v5;
	[tilespmem:s7+$0xFFFFFF50] =	vst v9  }
0x1f1: {  	v9 =	vmul.f32 v11, v7;
	v11 =	vld [tilespmem:s7+$0xFFFFFFD0];
	[tilespmem:s7+$0xFFFFFF60] =	vst v8  }
0x1f2: {  	s13 =	simm.s32 $0x3;
	v8 =	vld [tilespmem:s7+$0xFFFFFFE0];
	v12 =	vmul.f32 v12, v7;
	[tilespmem:s7+$0xFFFFFF70] =	vst v10  }
0x1f3: {  	v16 =	vmov s13;
	v10 =	vld [tilespmem:s7+$0xFFFFFFF0];
	[tilespmem:s7+$0xFFFFFF80] =	vst v9;
	v9 =	vmul.f32 v13, v7  }
0x1f4: {  	v13 =	vld [tilespmem:s7+$0x0];
	[tilespmem:s7+$0xFFFFFF90] =	vst v12;
	v12 =	vmul.f32 v14, v7  }
0x1f5: {  	v14 =	vld [tilespmem:s7+$0x10];
	[tilespmem:s7+$0xFFFFFFA0] =	vst v9;
	v9 =	vmul.f32 v15, v7  }
0x1f6: {  	[tilespmem:s7+$0xFFFFFFB0] =	vst v12;
	v11 =	vmul.f32 v11, v7;
	v12 =	vld [tilespmem:s7+$0x20]  }
0x1f7: {  	v15 =	vld [tilespmem:s7+$0x30];
	v8 =	vmul.f32 v8, v7;
	[tilespmem:s7+$0xFFFFFFC0] =	vst v9  }
0x1f8: {  	v5 =	vld.idx.msk [tilespmem:v16+s24+$0x0], $0xffff;
	v7 =	vmul.f32 v10, v7;
	[tilespmem:s7+$0xFFFFFFD0] =	vst v11  }
0x1f9: {  	[tilespmem:s7+$0xFFFFFFE0] =	vst v8;
	v9 =	vmul.f32 v13, v6;
	v8 =	vld [tilespmem:s7+$0x50]  }
0x1fa: {  	s29 =	simm.s32 $0x4;
	[tilespmem:s7+$0xFFFFFFF0] =	vst v7;
	v10 =	vmul.f32 v14, v6;
	v7 =	vld [tilespmem:s7+$0x60]  }
0x1fb: {  	s13 =	simm.s32 $0x7;
	v11 =	vmov s29;
	[tilespmem:s7+$0x0] =	vst v9;
	v13 =	vmul.f32 v12, v6;
	v12 =	vld [tilespmem:s7+$0x80]  }
0x1fc: {  	s29 =	simm.s32 $0x5;
	v16 =	vand.u32 $0xFFFFFFFC, v11;
	v11 =	vld [tilespmem:s7+$0x90];
	v9 =	vmov s13;
	v14 =	vmul.f32 v15, v6;
	[tilespmem:s7+$0x10] =	vst v10  }
0x1fd: {  	s28 =	simm.s32 $0x6;
	s12 =	simm.s32 $0x7430;
	s13 =	simm.s32 $0x8;
	v15 =	vmul.f32 v17, v6;
	v10 =	vbroadcast v16, $0x0;
	v16 =	vmov s29;
	[tilespmem:s7+$0x20] =	vst v13;
	v13 =	vld [tilespmem:s7+$0xA0]  }
.LBB2_7:
0x1fe: {  	p0 =	slt.u32 s13, $0x3C;
	v16 =	vand.u32 $0xFFFFFFFD, v16;
	v17 =	vmov s28;
	[tilespmem:s7+$0x30] =	vst v14;
	v8 =	vmul.f32 v8, v6;
	v14 =	vld [tilespmem:s7+$0xB0]  }
0x1ff: {  	v16 =	vbroadcast v16, $0x0;
	v17 =	vand.u32 $0xFFFFFFFE, v17;
	[tilespmem:s7+$0x40] =	vst v15;
	v6 =	vmul.f32 v7, v6;
	v7 =	vld [tilespmem:s7+$0xC0]  }
0x200: {  	v15 =	vbroadcast v17, $0x0;
	[tilespmem:s7+$0x50] =	vst v8;
	v8 =	vmul.f32 v12, v5;
	v12 =	vld [tilespmem:s7+$0xD0]  }
0x201: {  	[tilespmem:s7+$0x60] =	vst v6;
	v6 =	vmul.f32 v11, v5;
	v11 =	vld [tilespmem:s7+$0xE0]  }
0x202: {  	[tilespmem:s7+$0x80] =	vst v8;
	v8 =	vmul.f32 v13, v5;
	v13 =	vld [tilespmem:s7+$0xF0]  }
0x203: {  	v9 =	vld.idx.msk [tilespmem:v9+s24+$0x0], $0xffff;
	[tilespmem:s7+$0x90] =	vst v6;
	v6 =	vmul.f32 v14, v5  }
0x204: {  	v10 =	vld.idx.msk [tilespmem:v10+s24+$0x0], $0xffff;
	[tilespmem:s7+$0xA0] =	vst v8;
	v7 =	vmul.f32 v7, v5  }
0x205: {  	v8 =	vld.idx.msk [tilespmem:v16+s24+$0x0], $0xffff;
	[tilespmem:s7+$0xB0] =	vst v6;
	v12 =	vmul.f32 v12, v5  }
0x206: {  	s7 =	sadd.s32 $0x200, s7;
	v6 =	vld.idx.msk [tilespmem:v15+s24+$0x0], $0xffff;
	[tilespmem:s12+$0xC0] =	vst v7;
	v7 =	vmul.f32 v11, v5  }
0x207: {  	v11 =	vld [tilespmem:s7+$0x70];
	[tilespmem:s12+$0xD0] =	vst v12;
	v13 =	vmul.f32 v13, v5  }
0x208: {  	v12 =	vld [tilespmem:s7+$0xFFFFFF00];
	[tilespmem:s12+$0xE0] =	vst v7  }
0x209: {  	v5 =	vmov v9;
	v7 =	vld [tilespmem:s7+$0xFFFFFF10];
	[tilespmem:s12+$0xF0] =	vst v13;
	s12 =	smov.u32 s7  }
0x20a: {  	v9 =	vld [tilespmem:s7+$0xFFFFFF20]  }
0x20b: {  	v13 =	vld [tilespmem:s7+$0xFFFFFF30]  }
0x20c: {  	v14 =	vld [tilespmem:s7+$0xFFFFFF40];
	v11 =	vmul.f32 v11, v6  }
0x20d: {  	v12 =	vmul.f32 v12, v10;
	v15 =	vld [tilespmem:s7+$0xFFFFFF50]  }
0x20e: {  	v7 =	vmul.f32 v7, v10;
	v16 =	vld [tilespmem:s7+$0xFFFFFF60];
	[tilespmem:s7+$0x70] =	vst v11  }
0x20f: {  	[tilespmem:s7+$0xFFFFFF00] =	vst v12;
	v9 =	vmul.f32 v9, v10;
	v11 =	vld [tilespmem:s7+$0xFFFFFF70]  }
0x210: {  	[tilespmem:s7+$0xFFFFFF10] =	vst v7;
	v7 =	vmul.f32 v13, v10;
	v12 =	vld [tilespmem:s7+$0xFFFFFF80]  }
0x211: {  	[tilespmem:s7+$0xFFFFFF20] =	vst v9;
	v9 =	vmul.f32 v14, v10;
	v13 =	vld [tilespmem:s7+$0xFFFFFF90]  }
0x212: {  	[tilespmem:s7+$0xFFFFFF30] =	vst v7;
	v7 =	vmul.f32 v15, v10;
	v14 =	vld [tilespmem:s7+$0xFFFFFFA0]  }
0x213: {  	[tilespmem:s7+$0xFFFFFF40] =	vst v9;
	v9 =	vmul.f32 v16, v10;
	v15 =	vld [tilespmem:s7+$0xFFFFFFB0]  }
0x214: {  	[tilespmem:s7+$0xFFFFFF50] =	vst v7;
	v7 =	vmul.f32 v11, v10;
	v10 =	vld [tilespmem:s7+$0xFFFFFFC0]  }
0x215: {  	[tilespmem:s7+$0xFFFFFF60] =	vst v9;
	v9 =	vmul.f32 v12, v8;
	v11 =	vld [tilespmem:s7+$0xFFFFFFD0]  }
0x216: {  	[tilespmem:s7+$0xFFFFFF70] =	vst v7;
	v7 =	vmul.f32 v13, v8;
	v12 =	vld [tilespmem:s7+$0xFFFFFFE0]  }
0x217: {  	[tilespmem:s7+$0xFFFFFF80] =	vst v9;
	v9 =	vmul.f32 v14, v8;
	v13 =	vld [tilespmem:s7+$0xFFFFFFF0]  }
0x218: {  	[tilespmem:s7+$0xFFFFFF90] =	vst v7;
	v7 =	vmul.f32 v15, v8;
	v14 =	vld [tilespmem:s7+$0x0]  }
0x219: {  	[tilespmem:s7+$0xFFFFFFA0] =	vst v9;
	v9 =	vmul.f32 v10, v8;
	v10 =	vld [tilespmem:s7+$0x10]  }
0x21a: {  	[tilespmem:s7+$0xFFFFFFB0] =	vst v7;
	v7 =	vmul.f32 v11, v8;
	v11 =	vld [tilespmem:s7+$0x20]  }
0x21b: {  	[tilespmem:s7+$0xFFFFFFC0] =	vst v9;
	v9 =	vmul.f32 v12, v8;
	v15 =	vld [tilespmem:s7+$0x30]  }
0x21c: {  	[tilespmem:s7+$0xFFFFFFD0] =	vst v7;
	v7 =	vmul.f32 v13, v8;
	v13 =	vld [tilespmem:s7+$0x40]  }
.Ltmp2:
0x21d: {  	[tilespmem:s7+$0xFFFFFFE0] =	vst v9;
	v9 =	vmul.f32 v14, v6;
	v8 =	vld [tilespmem:s7+$0x50];
	(pc) =	sbr.rel @p0 .LBB2_7-.Ltmp2, $4  }
0x21e: {  	[tilespmem:s7+$0xFFFFFFF0] =	vst v7;
	v10 =	vmul.f32 v10, v6;
	v7 =	vld [tilespmem:s7+$0x60]  }
0x21f: {  	s28 =	sadd.s32 $0x3, s13;
	v14 =	vmov s13;
	[tilespmem:s7+$0x0] =	vst v9;
	v17 =	vmul.f32 v11, v6;
	v12 =	vld [tilespmem:s7+$0x80]  }
0x220: {  	s29 =	sadd.s32 $0x1, s13;
	v16 =	vand.u32 $0xFFFFFFFC, v14;
	v9 =	vmov s28;
	[tilespmem:s7+$0x10] =	vst v10;
	v14 =	vmul.f32 v15, v6;
	v11 =	vld [tilespmem:s7+$0x90]  }
0x221: {  	s28 =	sadd.s32 $0x2, s13;
	s13 =	sadd.s32 $0x4, s13;
	v10 =	vbroadcast v16, $0x0;
	v16 =	vmov s29;
	[tilespmem:s7+$0x20] =	vst v17;
	v15 =	vmul.f32 v13, v6;
	v13 =	vld [tilespmem:s7+$0xA0]  }
0x222: {  	v17 =	vld [tilespmem:s7+$0xB0]  }
0x223: {  	v19 =	vld [tilespmem:s7+$0xC0]  }
0x224: {  	v20 =	vld [tilespmem:s7+$0xD0]  }
0x225: {  	v21 =	vld [tilespmem:s7+$0xE0]  }
0x226: {  	v29 =	vld [tilespmem:s7+$0xF0];
	[tilespmem:s7+$0x30] =	vst v14;
	v8 =	vmul.f32 v8, v6  }
0x227: {  	v9 =	vld.idx.msk [tilespmem:v9+s24+$0x0], $0xffff;
	[tilespmem:s7+$0x40] =	vst v15;
	v6 =	vmul.f32 v7, v6  }
0x228: {  	s13 =	sadd.s32 $0x200, s7;
	v7 =	vld.idx.msk [tilespmem:v10+s24+$0x0], $0xffff;
	v12 =	vmul.f32 v12, v5;
	[tilespmem:s7+$0x50] =	vst v8  }
0x229: {  	v18 =	vmov s28;
	v34 =	vld [tilespmem:s13+$0x70];
	v30 =	vmul.f32 v11, v5;
	[tilespmem:s7+$0x60] =	vst v6  }
0x22a: {  	v18 =	vand.u32 $0xFFFFFFFE, v18;
	v35 =	vld [tilespmem:s13+$0xFFFFFF00];
	[tilespmem:s7+$0x80] =	vst v12;
	v6 =	vmul.f32 v13, v5  }
0x22b: {  	v37 =	vld [tilespmem:s13+$0xFFFFFF10];
	v18 =	vbroadcast v18, $0x0;
	[tilespmem:s7+$0x90] =	vst v30;
	v33 =	vmul.f32 v17, v5  }
0x22c: {  	v38 =	vld [tilespmem:s13+$0xFFFFFF20];
	[tilespmem:s7+$0xA0] =	vst v6;
	v6 =	vmul.f32 v19, v5  }
0x22d: {  	v16 =	vand.u32 $0xFFFFFFFD, v16;
	v39 =	vld [tilespmem:s13+$0xFFFFFF30];
	v36 =	vmul.f32 v20, v5;
	[tilespmem:s7+$0xB0] =	vst v33  }
0x22e: {  	v16 =	vbroadcast v16, $0x0;
	v41 =	vld [tilespmem:s13+$0xFFFFFF50];
	[tilespmem:s12+$0xC0] =	vst v6;
	v6 =	vmul.f32 v21, v5  }
0x22f: {  	v43 =	vld [tilespmem:s13+$0xFFFFFF60];
	[tilespmem:s12+$0xD0] =	vst v36;
	v5 =	vmul.f32 v29, v5  }
0x230: {  	v42 =	vmul.f32 v37, v7;
	[tilespmem:s12+$0xE0] =	vst v6;
	v6 =	vld [tilespmem:s13+$0xFFFFFF40]  }
0x231: {  	v32 =	vld.idx.msk [tilespmem:v18+s24+$0x0], $0xffff;
	[tilespmem:s12+$0xF0] =	vst v5;
	v5 =	vmul.f32 v35, v7  }
0x232: {  	v44 =	vld [tilespmem:s13+$0xFFFFFF70];
	v8 =	vmul.f32 v39, v7;
	[tilespmem:s13+$0xFFFFFF10] =	vst v42  }
0x233: {  	v45 =	vld [tilespmem:s13+$0xFFFFFF80];
	[tilespmem:s13+$0xFFFFFF00] =	vst v5;
	v5 =	vmul.f32 v38, v7  }
0x234: {  	v46 =	vmul.f32 v41, v7;
	v31 =	vld.idx.msk [tilespmem:v16+s24+$0x0], $0xffff;
	[tilespmem:s13+$0xFFFFFF30] =	vst v8  }
0x235: {  	[tilespmem:s13+$0xFFFFFF20] =	vst v5;
	v5 =	vmul.f32 v6, v7;
	v6 =	vld [tilespmem:s13+$0xFFFFFF90]  }
0x236: {  	v47 =	vld [tilespmem:s13+$0xFFFFFFA0];
	[tilespmem:s13+$0xFFFFFF50] =	vst v46;
	v40 =	vmul.f32 v34, v32  }
0x237: {  	v48 =	vld [tilespmem:s13+$0xFFFFFFB0];
	[tilespmem:s13+$0xFFFFFF40] =	vst v5;
	v5 =	vmul.f32 v43, v7  }
0x238: {  	v49 =	vld [tilespmem:s13+$0xFFFFFFC0];
	[tilespmem:s13+$0x70] =	vst v40;
	v7 =	vmul.f32 v44, v7  }
0x239: {  	v50 =	vld [tilespmem:s13+$0xFFFFFFD0];
	[tilespmem:s13+$0xFFFFFF60] =	vst v5;
	v5 =	vmul.f32 v45, v31  }
0x23a: {  	[tilespmem:s13+$0xFFFFFF70] =	vst v7;
	v7 =	vld [tilespmem:s13+$0xFFFFFFE0];
	v6 =	vmul.f32 v6, v31  }
0x23b: {  	v51 =	vld [tilespmem:s13+$0xFFFFFFF0];
	[tilespmem:s13+$0xFFFFFF80] =	vst v5;
	v5 =	vmul.f32 v47, v31  }
0x23c: {  	v52 =	vld [tilespmem:s13+$0x0];
	[tilespmem:s13+$0xFFFFFF90] =	vst v6;
	v6 =	vmul.f32 v48, v31  }
0x23d: {  	v53 =	vld [tilespmem:s13+$0x10];
	[tilespmem:s13+$0xFFFFFFA0] =	vst v5;
	v5 =	vmul.f32 v49, v31  }
0x23e: {  	v54 =	vld [tilespmem:s13+$0x20];
	[tilespmem:s13+$0xFFFFFFB0] =	vst v6;
	v6 =	vmul.f32 v50, v31  }
0x23f: {  	[tilespmem:s13+$0xFFFFFFC0] =	vst v5;
	v5 =	vmul.f32 v7, v31;
	v7 =	vld [tilespmem:s13+$0x30]  }
0x240: {  	v55 =	vld [tilespmem:s13+$0x40];
	[tilespmem:s13+$0xFFFFFFD0] =	vst v6;
	v6 =	vmul.f32 v51, v31  }
0x241: {  	v56 =	vld [tilespmem:s13+$0x50];
	[tilespmem:s13+$0xFFFFFFE0] =	vst v5;
	v5 =	vmul.f32 v52, v32  }
0x242: {  	v57 =	vld [tilespmem:s13+$0x60];
	[tilespmem:s13+$0xFFFFFFF0] =	vst v6;
	v6 =	vmul.f32 v53, v32  }
0x243: {  	v58 =	vld [tilespmem:s13+$0x80];
	[tilespmem:s13+$0x0] =	vst v5;
	v5 =	vmul.f32 v54, v32  }
0x244: {  	[tilespmem:s13+$0x10] =	vst v6;
	v6 =	vmul.f32 v7, v32;
	v7 =	vld [tilespmem:s13+$0x90]  }
0x245: {  	v59 =	vld [tilespmem:s13+$0xA0];
	[tilespmem:s13+$0x20] =	vst v5;
	v5 =	vmul.f32 v55, v32  }
0x246: {  	v60 =	vld [tilespmem:s13+$0xB0];
	[tilespmem:s13+$0x30] =	vst v6;
	v6 =	vmul.f32 v56, v32  }
0x247: {  	v61 =	vld [tilespmem:s13+$0xC0];
	[tilespmem:s13+$0x40] =	vst v5;
	v5 =	vmul.f32 v57, v32  }
0x248: {  	v62 =	vld [tilespmem:s13+$0xD0];
	[tilespmem:s13+$0x50] =	vst v6;
	v6 =	vmul.f32 v58, v9  }
0x249: {  	[tilespmem:s13+$0x60] =	vst v5;
	v5 =	vmul.f32 v7, v9;
	v7 =	vld [tilespmem:s13+$0xE0]  }
0x24a: {  	v63 =	vld [tilespmem:s13+$0xF0];
	[tilespmem:s13+$0x80] =	vst v6;
	v6 =	vmul.f32 v59, v9  }
0x24b: {  	[tilespmem:s13+$0x90] =	vst v5;
	v5 =	vmul.f32 v60, v9  }
0x24c: {  	[tilespmem:s13+$0xA0] =	vst v6;
	v6 =	vmul.f32 v61, v9  }
0x24d: {  	[tilespmem:s13+$0xB0] =	vst v5;
	v5 =	vmul.f32 v62, v9  }
0x24e: {  	s0 =	sadd.s32 $0x1, s0;
	[tilespmem:s13+$0xC0] =	vst v6;
	v6 =	vmul.f32 v7, v9  }
0x24f: {  	p0 =	sne.s32 s0, $0x51;
	[tilespmem:s13+$0xD0] =	vst v5;
	v5 =	vmul.f32 v63, v9  }
.Ltmp3:
0x250: {  	[tilespmem:s13+$0xE0] =	vst v6;
	(pc) =	sbr.rel @p0 .LBB2_4-.Ltmp3, $4  }
0x251: {  	[tilespmem:s13+$0xF0] =	vst v5  }
0x252: {  	[spmem:s1] =	stream.indirect.scatter.add.f32 [tilespmem:s22], [sflag:$0x4], $0x80, s21, s19, $0xb8;
	[tilespmem:$0x1FF70] =	vst v63  }
0x253: {  	_ = 	snop  }
0x254: {  	[spmem:s2] =	stream.indirect.scatter.add.f32 [tilespmem:s25], [sflag:$0x4], $0x10, s21, s19, $0xb8;
	[tilespmem:$0x1FF70] =	vst v63  }
0x255: {  	s0 =	simm.s32 $0x3  }
0x256: {  	_ =	swait.ge [sflag:s0], $0x2000  }
0x257: {  	[sflag:s0] =	ssyncset.done $0x0  }
0x258: {  	[sflag:s0] =	ssyncadd.s32 $0xFFFFE000  }
0x259: {  	_ =	swait.ge [sflag:s0], $0x400  }
0x25a: {  	[sflag:s0] =	ssyncset.done $0x0  }
0x25b: {  	s13 =	simm.s32 $0x4;
	[sflag:s0] =	ssyncadd.s32 $0xFFFFFC00  }
0x25c: {  	_ =	swait.ge [sflag:s13], $0x2000  }
0x25d: {  	[sflag:s13] =	ssyncset.done $0x0  }
0x25e: {  	[sflag:s13] =	ssyncadd.s32 $0xFFFFE000  }
0x25f: {  	_ =	swait.ge [sflag:s13], $0x400  }
0x260: {  	[sflag:s13] =	ssyncset.done $0x0  }
0x261: {  	[sflag:s13] =	ssyncadd.s32 $0xFFFFFC00  }
0x262: {  	[bflag:$0x0] =	sbarrier.arrive $0xFFFF  }
0x263: {  	s29 =	rddreg [dreg:$0x7]  }
0x264: {  	[tilespmem:s15], [sflag:$0x5] =	stream.linear.gather [spmem:s29], $0x2000, $0x38;
	[tilespmem:$0x1FF70] =	vst v63  }
0x265: {  	_ =	swait.ge [sflag:s11], $0x2000  }
0x266: {  	[sflag:s11] =	ssyncset.done $0x0  }
0x267: {  	s7 =	rddreg [dreg:$0x1b];
	[sflag:s11] =	ssyncadd.s32 $0xFFFFE000  }
0x268: {  	[hbm4b:s7+s4] =	stream.linear.scatter [tilespmem:s15], [sflag:$0x5], $0x2000, $0x38;
	[tilespmem:$0x1FF70] =	vst v63  }
0x269: {  	_ =	swait.ge [sflag:s11], $0x2000  }
0x26a: {  	[sflag:s11] =	ssyncset.done $0x0  }
0x26b: {  	s31 =	rddreg [dreg:$0x8];
	[sflag:s11] =	ssyncadd.s32 $0xFFFFE000  }
0x26c: {  	[tilespmem:s16], [sflag:$0x5] =	stream.linear.gather [spmem:s31], $0x400, $0x38;
	[tilespmem:$0x1FF70] =	vst v63  }
0x26d: {  	_ =	swait.ge [sflag:s11], $0x400  }
0x26e: {  	[sflag:s11] =	ssyncset.done $0x0  }
0x26f: {  	s28 =	sadd.s32 $0x0, s3;
	[sflag:s11] =	ssyncadd.s32 $0xFFFFFC00  }
0x270: {  	[hbm4b:s28+s4] =	stream.linear.scatter [tilespmem:s16], [sflag:$0x5], $0x400, $0x38;
	[tilespmem:$0x1FF70] =	vst v63  }
0x271: {  	s0 =	simm.s32 $0x80;
	s13 =	smov.u32 s29;
	_ =	swait.ge [sflag:s11], $0x400  }
0x272: {  	s7 =	sadd.s32 $0x400, s7;
	s12 =	smov.u32 s31;
	[sflag:s11] =	ssyncset.done $0x0  }
.LBB2_10:
0x273: {  	[sflag:s11] =	ssyncadd.s32 $0xFFFFFC00  }
0x274: {  	s12 =	sadd.s32 $0x400, s12;
	s13 =	sadd.s32 $0x2000, s13;
	s28 =	smov.u32 s0  }
0x275: {  	[tilespmem:s15], [sflag:$0x5] =	stream.linear.gather [spmem:s13], $0x2000, $0x38;
	[tilespmem:$0x1FF70] =	vst v63  }
0x276: {  	p0 =	sne.s32 s0, $0x480;
	s0 =	sadd.s32 $0x80, s0;
	_ =	swait.ge [sflag:s11], $0x2000  }
0x277: {  	[sflag:s11] =	ssyncset.done $0x0  }
0x278: {  	[sflag:s11] =	ssyncadd.s32 $0xFFFFE000  }
0x279: {  	[hbm4b:s7+s4] =	stream.linear.scatter [tilespmem:s15], [sflag:$0x5], $0x2000, $0x38;
	[tilespmem:$0x1FF70] =	vst v63  }
0x27a: {  	_ =	swait.ge [sflag:s11], $0x2000  }
0x27b: {  	[sflag:s11] =	ssyncset.done $0x0  }
0x27c: {  	[sflag:s11] =	ssyncadd.s32 $0xFFFFE000  }
0x27d: {  	[tilespmem:s16], [sflag:$0x5] =	stream.linear.gather [spmem:s12], $0x400, $0x38;
	[tilespmem:$0x1FF70] =	vst v63  }
0x27e: {  	_ =	swait.ge [sflag:s11], $0x400  }
.Ltmp4:
0x27f: {  	[sflag:s11] =	ssyncset.done $0x0;
	(pc) =	sbr.rel @p0 .LBB2_10-.Ltmp4, $4  }
0x280: {  	s28 =	sadd.s32 s28, s3;
	[sflag:s11] =	ssyncadd.s32 $0xFFFFFC00  }
0x281: {  	[hbm4b:s28+s4] =	stream.linear.scatter [tilespmem:s16], [sflag:$0x5], $0x400, $0x38;
	[tilespmem:$0x1FF70] =	vst v63  }
0x282: {  	_ =	swait.ge [sflag:s11], $0x400  }
0x283: {  	s7 =	sadd.s32 $0x400, s7;
	[sflag:s11] =	ssyncset.done $0x0  }
0x284: {  	s30 =	sadd.s32 $0x1, s30;
	s0 =	rddreg [dreg:$0x6]  }
0x285: {  	p0 =	sne.s32 s30, s0  }
.Ltmp5:
0x286: {  	_ = 	snop;
	(pc) =	sbr.rel @p0 .LBB2_1-.Ltmp5, $2  }
0x287: {  	_ =	sdelay $0x2  }
0x288: {  	[sflag:s11] =	ssyncadd.s32 $0xFFFFFC00  }
0x289: {  	_ =	sfence.sel $0x180000  }
0x28a: {  	[bflag:$0x0] =	sbarrier.arrive $0xFFFF  }
0x28b: {  	_ =	strace $0x9000004A  }
0x28c: {  	s0 =	stileid.u32;
	[bflag:$0x2] =	sbarrier.arrive $0xFFFF  }
0x28d: {  	p0 =	sne.s32 s0, $0x0;
	s0 =	rddreg [dreg:$0x3]  }
0x28e: {  	s0 =	sadd.s32 @!p0 $0x100000, s0  }
0x28f: {  	[sflag:s0] =	ssyncadd.tile.s32 @!p0 $0x1;
	_ =	shalt  }
.Lfunc_end2:
_tile_overlayer_lowered:
.L_overlay_start_2:
0x290: {  	(tag) =	ssettag $0x2  }
0x291: {  	s0 =	rddreg [dreg:$0x0];
	s2 =	stileid.u32  }
0x292: {  	s1 =	rddreg [dreg:$0x1];
	p0 =	sne.s32 s2, $0x0  }
0x293: {  	s3 =	rddreg [dreg:$0x2];
	[bflag:$0x3] =	sbarrier.arrive $0xFFFF;
	s2 =	simm.s32 @!p0 $0x1C05  }
0x294: {  	[timem:s3], [sflag:s2] =	dma.local @!p0 [hbm:s0], s1  }
0x295: {  	s0 =	simm.s32 @!p0 $0x5  }
0x296: {  	_ =	swait.ge @!p0 [sflag:s0], s1  }
0x297: {  	s1 =	ssub.s32 @!p0 $0x0, s1;
	[sflag:s0] =	ssyncset.done @!p0 $0x0  }
0x298: {  	[sflag:s0] =	ssyncadd.s32 @!p0 s1  }
0x299: {  	[bflag:$0x3] =	sbarrier.arrive $0xFFFF  }
0x29a: {  	_ =	shalt  }

// kernel: kernel.15.cloned.1.call-start
scs
__scs_entry_jumppad:
0x0: {  	(pc) =	sbr.rel $0x88, $3  }
0x1: {  	(tag) =	ssettag $0x0;
	lr =	simm.s32 $0x1  }
0x2: {  	[smem:$0x3F93] =	sst lr;
	_ =	strace $0xD0000000  }
0x3: {  	_ = 	snop  }
0x4: {  	_ = 	snop  }
0x5: {  	_ = 	snop  }
0x6: {  	_ = 	snop  }
0x7: {  	_ = 	snop  }
__scs_overlays_trampoline_lowered:
0x8: {  	[smem:$0x3FA2] =	sst s0  }
0x9: {  	[smem:$0x3FA3] =	sst s1  }
0xa: {  	[smem:$0x3FA4] =	sst s2  }
0xb: {  	[smem:$0x3FA5] =	sst s3  }
0xc: {  	[smem:$0x3FA6] =	sst s4  }
0xd: {  	[smem:$0x3FA7] =	sst s5  }
0xe: {  	[smem:$0x3FA8] =	sst s6  }
0xf: {  	[smem:$0x3FA9] =	sst s7  }
0x10: {  	[smem:$0x3FAA] =	sst s8  }
0x11: {  	[smem:$0x3FAB] =	sst s9;
	s0 =	simm.s32 @!p0 $0x0  }
0x12: {  	s1 =	sld [smem:$0x3F91];
	s0 =	simm.s32 @p0 $0x1  }
0x13: {  	[smem:$0x3FAC] =	sst s0;
	s0 =	simm.s32 @!p1 $0x0  }
0x14: {  	s2 =	sld [smem:$0x3F90];
	s0 =	simm.s32 @p1 $0x1  }
0x15: {  	[smem:$0x3FAD] =	sst s0;
	s0 =	simm.s32 @!p2 $0x0  }
0x16: {  	s3 =	sld [smem:$0x3FDB];
	s0 =	simm.s32 @p2 $0x1  }
0x17: {  	s4 =	simm.s32 $0x1BF5;
	[smem:$0x3FAF] =	sst s0  }
0x18: {  	s0 =	sld [smem:$0x3F92];
	_ =	swait.ge [sflag:s4], $0x0  }
0x19: {  	s7 =	sld [smem:$0x3F93]  }
0x1a: {  	s8 =	sadd.s32 $0xFFFFE003, lr  }
0x1b: {  	s9 =	sadd.s32 $0xFFFFFEF7, lr;
	s5 =	simm.s32 $0xFFFFFFFF;
	p2 =	slt.u32 s8, $0xFFFFF086  }
0x1c: {  	p1 =	slt.u32 s9, $0xF7A;
	s5 =	simm.s32 @!p2 $0x0  }
0x1d: {  	s5 =	simm.s32 @p1 $0x1;
	p0 =	seq.s32 s7, s2  }
0x1e: {  	s7 =	smul.u32 @!p0 $0xF7A, s2;
	p2 =	seq.s32 @!p0 s5, $0x0  }
0x1f: {  	s9 =	smul.u32 $0xF7A, s1;
	s8 =	simm.s32 @!p0 $0x1BF5;
	p2 =	por !p2, p0  }
0x20: {  	[sflag:s8] =	ssyncset.s32 @!p0 $0xFFFFF086;
	s6 =	sadd.s32 @!p0 s3, s7;
	s7 =	simm.s32 @!p0 $0x108  }
0x21: {  	s3 =	sadd.s32 s3, s9;
	s6 =	sadd.s32 @!p0 $0x88, s6;
	s7 =	simm.s32 @p2 $0x1082  }
0x22: {  	[simem:s7], [sflag:s8] =	dma.local @!p0 [hbm:s6], $0xF7A  }
0x23: {  	s9 =	sor.u32 $0xD0000000, s2;
	s6 =	simm.s32 $0x108;
	_ =	swait.ge @!p0 [sflag:s8], $0x0  }
0x24: {  	s3 =	sadd.s32 $0x88, s3;
	s6 =	simm.s32 @!p1 $0x1082;
	[sflag:s4] =	ssyncset.s32 $0xFFFFF086  }
0x25: {  	[simem:s6], [sflag:s4] =	dma.local [hbm:s3], $0xF7A  }
0x26: {  	[smem:$0x3F93] =	sst s1;
	(tag) =	ssettag s2;
	_ =	strace s9  }
0x27: {  	s1 =	sld [smem:$0x3FA3]  }
0x28: {  	s2 =	sld [smem:$0x3FA4]  }
0x29: {  	s4 =	sld [smem:$0x3FA6]  }
0x2a: {  	p0 =	seq.s32 s5, $0x0;
	s5 =	sld [smem:$0x3FA7]  }
0x2b: {  	s6 =	sld [smem:$0x3FA8]  }
0x2c: {  	s7 =	sld [smem:$0x3FA9]  }
0x2d: {  	s3 =	simm.s32 $0x108;
	s8 =	sld [smem:$0x3FAA]  }
0x2e: {  	s3 =	simm.s32 @!p0 $0x1082;
	s9 =	sld [smem:$0x3FAB]  }
0x2f: {  	lr =	sadd.s32 s0, s3;
	s0 =	sld [smem:$0x3FA2]  }
0x30: {  	s3 =	sld [smem:$0x3FA5]  }
0x31: {  	[smem:$0x3FAE] =	sst s10  }
0x32: {  	s10 =	sld [smem:$0x3FAC];
	_ =	sdelay $0x3  }
0x33: {  	p0 =	seq.s32 s10, $0x1;
	s10 =	sld [smem:$0x3FAE];
	_ =	sdelay $0x3  }
0x34: {  	[smem:$0x3FAE] =	sst s10  }
0x35: {  	s10 =	sld [smem:$0x3FAD];
	_ =	sdelay $0x3  }
0x36: {  	p1 =	seq.s32 s10, $0x1;
	s10 =	sld [smem:$0x3FAE];
	_ =	sdelay $0x3  }
0x37: {  	[smem:$0x3FAE] =	sst s10  }
0x38: {  	s10 =	sld [smem:$0x3FAF]  }
0x39: {  	_ = 	snop;
	(pc) =	sbr.ind lr, $3  }
0x3a: {  	_ = 	snop  }
0x3b: {  	_ = 	snop  }
0x3c: {  	p2 =	seq.s32 s10, $0x1;
	s10 =	sld [smem:$0x3FAE]  }
0x3d: {  	_ =	shalt  }
0x3e: {  	_ =	shalt  }
0x3f: {  	_ =	shalt  }
0x40: {  	_ =	shalt  }
0x41: {  	_ =	shalt  }
0x42: {  	_ =	shalt  }
0x43: {  	_ =	shalt  }
0x44: {  	_ =	shalt  }
0x45: {  	_ =	shalt  }
0x46: {  	_ =	shalt  }
0x47: {  	_ =	shalt  }
0x48: {  	_ =	shalt  }
0x49: {  	_ =	shalt  }
0x4a: {  	_ =	shalt  }
0x4b: {  	_ =	shalt  }
0x4c: {  	_ =	shalt  }
0x4d: {  	_ =	shalt  }
0x4e: {  	_ =	shalt  }
0x4f: {  	_ =	shalt  }
0x50: {  	_ =	shalt  }
0x51: {  	_ =	shalt  }
0x52: {  	_ =	shalt  }
0x53: {  	_ =	shalt  }
0x54: {  	_ =	shalt  }
0x55: {  	_ =	shalt  }
0x56: {  	_ =	shalt  }
0x57: {  	_ =	shalt  }
0x58: {  	_ =	shalt  }
0x59: {  	_ =	shalt  }
0x5a: {  	_ =	shalt  }
0x5b: {  	_ =	shalt  }
0x5c: {  	_ =	shalt  }
0x5d: {  	_ =	shalt  }
0x5e: {  	_ =	shalt  }
0x5f: {  	_ =	shalt  }
0x60: {  	_ =	shalt  }
0x61: {  	_ =	shalt  }
0x62: {  	_ =	shalt  }
0x63: {  	_ =	shalt  }
0x64: {  	_ =	shalt  }
0x65: {  	_ =	shalt  }
0x66: {  	_ =	shalt  }
0x67: {  	_ =	shalt  }
0x68: {  	_ =	shalt  }
0x69: {  	_ =	shalt  }
0x6a: {  	_ =	shalt  }
0x6b: {  	_ =	shalt  }
0x6c: {  	_ =	shalt  }
0x6d: {  	_ =	shalt  }
0x6e: {  	_ =	shalt  }
0x6f: {  	_ =	shalt  }
0x70: {  	_ =	shalt  }
0x71: {  	_ =	shalt  }
0x72: {  	_ =	shalt  }
0x73: {  	_ =	shalt  }
0x74: {  	_ =	shalt  }
0x75: {  	_ =	shalt  }
0x76: {  	_ =	shalt  }
0x77: {  	_ =	shalt  }
0x78: {  	_ =	shalt  }
0x79: {  	_ =	shalt  }
0x7a: {  	_ =	shalt  }
0x7b: {  	_ =	shalt  }
0x7c: {  	_ =	shalt  }
0x7d: {  	_ =	shalt  }
0x7e: {  	_ =	shalt  }
0x7f: {  	_ =	shalt  }
0x80: {  	_ =	shalt  }
0x81: {  	_ =	shalt  }
0x82: {  	_ =	shalt  }
0x83: {  	_ =	shalt  }
0x84: {  	_ =	shalt  }
0x85: {  	_ =	shalt  }
0x86: {  	_ =	shalt  }
0x87: {  	_ =	shalt  }
.Lfunc_end0:
.L_simem_size_0:
called_computation.2_lowered:
.L_overlay_start_0:
0x88: {  	s2 =	sld [smem:$0x3FD9]  }
0x89: {  	s3 =	sld [smem:$0x3FFE];
	_ =	sdelay $0x1  }
0x8a: {  	s1 =	srdreg.scid  }
0x8b: {  	s0 =	sand.u32 $0x1, s1  }
0x8c: {  	s16 =	sshll.u32 s0, $0xA;
	s2 =	sadd.s32 s3, s2  }
0x8d: {  	s2 =	sadd.s32 s2, s16  }
0x8e: {  	[smem:$0x3FBA] =	sst s2  }
0x8f: {  	_ = 	snop  }
0x90: {  	(tm) =	ssettm $0x1  }
0x91: {  	s17 =	sld [smem:$0x3FFB];
	_ =	sdelay $0x3  }
0x92: {  	_ =	strace s17  }
0x93: {  	s2 =	sld [smem:$0x3FFC];
	_ =	sdelay $0x3  }
0x94: {  	_ =	strace s2  }
0x95: {  	s2 =	sld [smem:$0x3FFD];
	_ =	sdelay $0x3  }
0x96: {  	_ =	strace s2  }
0x97: {  	_ =	strace $0x8FFFFFFF  }
0x98: {  	s18 =	sld [smem:$0x3FDB];
	_ =	sdelay $0x1  }
0x99: {  	s19 =	simm.s32 $_scs_section_size  }
0x9a: {  	s4 =	simm.s32 $_size__tile_overlayer_lowered;
	s5 =	simm.s32 $_tile_overlayer_lowered  }
0x9b: {  	s22 =	simm.s32 $0x1BFF;
	s21 =	sshll.u32 s5, $0x1;
	s2 =	sadd.s32 s19, s18  }
0x9c: {  	s6 =	simm.s32 $0x0;
	s20 =	sshll.u32 s4, $0x1;
	s4 =	sadd.s32 s21, s2  }
0x9d: {  	[timem:s6], [sflag:s22] =	dma.local [hbm:s4], s20  }
0x9e: {  	_ =	swait.ge [sflag:s22], s20  }
0x9f: {  	s3 =	ssub.s32 $0x0, s20;
	[sflag:s22] =	ssyncset.done $0x0  }
0xa0: {  	[sflag:s22] =	ssyncadd.s32 s3;
	_ =	sdelay $0x1  }
0xa1: {  	s23 =	simm.s32 $0x1B8B  }
0xa2: {  	_ =	swait.ge [sflag:s23], $0x1  }
0xa3: {  	[sflag:s23] =	ssyncset.done $0x0  }
0xa4: {  	s25 =	simm.s32 $0x1B8E;
	s24 =	sld [smem:$0x3FFE];
	[sflag:s23] =	ssyncadd.s32 $0xFFFFFFFF  }
0xa5: {  	s26 =	simm.s32 $execute0_lowered;
	[smem:$0x3FD2] =	sst s25  }
0xa6: {  	s4 =	sshll.u32 s26, $0x1;
	_ =	strace $0x8000004C;
	[dreg:$0x1] =	wrdreg $0xFFFFFFFF  }
0xa7: {  	s28 =	simm.s32 $_size_execute0_lowered;
	s2 =	sadd.s32 s2, s4;
	[dreg:$0x0] =	wrdreg $0x0  }
0xa8: {  	s4 =	sshll.u32 s28, $0x1;
	[dreg:$0x2] =	wrdreg s2  }
0xa9: {  	[dreg:$0x3] =	wrdreg s4  }
0xaa: {  	[dreg:$0x4] =	wrdreg $0xC0  }
0xab: {  	_ =	task [dreg:s6], $0x5FFFF  }
0xac: {  	[dreg:$0x1] =	wrdreg $0xFFFFFFFF  }
0xad: {  	[dreg:$0x0] =	wrdreg $0x60  }
0xae: {  	[dreg:$0x2] =	wrdreg s24  }
0xaf: {  	[dreg:$0x3] =	wrdreg $0x7E480  }
0xb0: {  	[dreg:$0x4] =	wrdreg $0x9  }
0xb1: {  	_ =	task.clear_ibuf [dreg:s6], $0x5FFFF;
	_ =	strace $0x9000004C  }
0xb2: {  	s29 =	simm.s32 $0x9;
	_ =	strace $0x8000004E  }
0xb3: {  	_ =	swait.ge [sflag:s29], $0x1  }
0xb4: {  	[sflag:s29] =	ssyncadd.s32 $0xFFFFFFFF  }
0xb5: {  	_ =	strace $0x9000004E  }
0xb6: {  	_ =	sfence  }
0xb7: {  	s30 =	sld [smem:$0x0];
	_ =	sdelay $0x2  }
0xb8: {  	s31 =	sshll.u32 s1, $0xD;
	s1 =	sshrl.u32 s1, $0x2  }
0xb9: {  	s3 =	sand.u32 $0x4000, s31;
	s1 =	sadd.s32 s1, s30  }
0xba: {  	s0 =	sor.u32 s3, s0;
	s1 =	sshll.u32 s1, $0x11  }
0xbb: {  	s0 =	sor.u32 s1, s0  }
0xbc: {  	s0 =	sadd.s32 $0x8F2B, s0  }
0xbd: {  	[sflag:s0] =	ssyncadd.remote.s32 $0x1  }
0xbe: {  	_ =	sfence.sel $0xFFFF  }
0xbf: {  	[dreg:$0x0] =	wrdreg $0xFFFFFFFF;
	(pc) =	sbr.abs _section_cstart, $3  }
0xc0: {  	[dreg:$0x1] =	wrdreg $0xFFFFFFFF  }
0xc1: {  	_ =	task.clear_ibuf [dreg:s6], $0x2FFFF;
	_ =	strace $0x9FFFFFFF  }
0xc2: {  	(tm) =	ssettm $0x7FFFFFFF  }
0xc3: {  	_ =	shalt  }
tec
execute0_lowered:
.L_overlay_start_1:
0x0: {  	(tag) =	ssettag $0x1  }
0x1: {  	s0 =	srdreg.scid  }
0x2: {  	s16 =	stileid.u32;
	s2 =	rddreg [dreg:$0x0]  }
0x3: {  	s1 =	simm.s32 $0x0;
	s28 =	simm.s32 $0x7A48;
	s29 =	simm.s32 $0x1  }
0x4: {  	s30 =	simm.s32 $0x2;
	s4 =	sand.u32 $0x1, s0;
	s0 =	smul.u32 $0x2800, s16  }
0x5: {  	s31 =	simm.s32 $0x0;
	s7 =	sadd.s32 $0x16400, s2;
	s24 =	smul.u32 $0x5100, s16  }
0x6: {  	[smem:$0x7FF] =	sst s1;
	s3 =	ssub.s32 $0x2, s4;
	s5 =	smul.u32 $0x28000, s4  }
0x7: {  	s4 =	smul.u32 $0x2880, s4;
	s6 =	sshrl.u32 s3, $0x1;
	s8 =	sor.u32 $0x400, s0  }
0x8: {  	s9 =	sadd.s32 $0x800, s0;
	s11 =	sadd.s32 $0xC00, s0;
	s13 =	sadd.s32 $0x1400, s0  }
0x9: {  	s3 =	ssub.s32 s3, s6;
	s17 =	sadd.s32 s5, s0;
	s18 =	sadd.s32 s5, s8  }
0xa: {  	s10 =	sadd.s32 s5, s9;
	s20 =	sadd.s32 s5, s11;
	s12 =	sadd.s32 s5, s13  }
0xb: {  	s4 =	sadd.s32 s4, s24;
	s6 =	sshrl.u32 s17, $0x3;
	s10 =	sshrl.u32 s10, $0x3  }
0xc: {  	s12 =	sshrl.u32 s12, $0x3;
	s6 =	sadd.s32 s7, s6;
	s19 =	sadd.s32 s7, s10  }
0xd: {  	s10 =	sadd.s32 $0x1000, s0;
	s22 =	sadd.s32 s7, s12;
	[dreg:$0x3] =	wrdreg s6  }
0xe: {  	s6 =	sshrl.u32 s18, $0x3;
	[dreg:$0x5] =	wrdreg s19;
	s21 =	sadd.s32 s5, s10  }
0xf: {  	s18 =	sadd.s32 $0x1800, s0;
	[dreg:$0x8] =	wrdreg s22;
	s19 =	sadd.s32 $0x1C00, s0  }
0x10: {  	s22 =	sadd.s32 $0x2400, s0;
	s6 =	sadd.s32 s7, s6;
	s23 =	sadd.s32 s5, s18  }
0x11: {  	[dreg:$0x4] =	wrdreg s6;
	s6 =	sshrl.u32 s20, $0x3;
	s20 =	sadd.s32 $0x2000, s0  }
0x12: {  	s25 =	sadd.s32 s5, s19;
	s6 =	sadd.s32 s7, s6;
	s26 =	sadd.s32 s5, s20  }
0x13: {  	s5 =	sadd.s32 s5, s22;
	[dreg:$0x6] =	wrdreg s6;
	s6 =	sshrl.u32 s21, $0x3  }
0x14: {  	s15 =	sor.u32 $0x40, s4;
	s5 =	sshrl.u32 s5, $0x3;
	s6 =	sadd.s32 s7, s6  }
0x15: {  	s5 =	sadd.s32 s7, s5;
	[dreg:$0x7] =	wrdreg s6;
	s6 =	sshrl.u32 s23, $0x3  }
0x16: {  	s17 =	sadd.s32 $0xB000, s2;
	[dreg:$0xc] =	wrdreg s5;
	s6 =	sadd.s32 s7, s6  }
0x17: {  	s14 =	sshrl.u32 s26, $0x3;
	[dreg:$0x9] =	wrdreg s6;
	s6 =	sshrl.u32 s25, $0x3  }
0x18: {  	s5 =	sshrl.u32 s15, $0x3;
	s15 =	rddreg [dreg:$0x1];
	s6 =	sadd.s32 s7, s6  }
0x19: {  	s4 =	sshrl.u32 s4, $0x3;
	[dreg:$0xa] =	wrdreg s6;
	s6 =	sadd.s32 s7, s14  }
0x1a: {  	s21 =	sadd.s32 $0xE00, s2;
	s25 =	sadd.s32 $0x15E00, s2;
	[dreg:$0xb] =	wrdreg s6  }
0x1b: {  	s26 =	sadd.s32 $0x15800, s2;
	_ =	strace $0x8000004D;
	[dreg:$0xd] =	wrdreg s25  }
0x1c: {  	s23 =	smul.u32 $0xA000, s16;
	s2 =	sadd.s32 $0x15200, s2;
	[dreg:$0xe] =	wrdreg s26  }
0x1d: {  	s16 =	sadd.s32 s4, s21;
	s0 =	sadd.s32 s0, s15;
	[dreg:$0xf] =	wrdreg s2  }
0x1e: {  	s12 =	sadd.s32 s5, s21;
	s6 =	smax.u32 s3, $0x1;
	[dreg:$0x10] =	wrdreg s0  }
0x1f: {  	s13 =	sadd.s32 s13, s15;
	s7 =	sadd.s32 s8, s15;
	[dreg:$0x11] =	wrdreg s6  }
0x20: {  	s18 =	sadd.s32 s18, s15;
	s8 =	sadd.s32 s9, s15;
	[dreg:$0x12] =	wrdreg s7  }
0x21: {  	s24 =	sshrl.u32 s23, $0x2;
	s9 =	sadd.s32 s11, s15;
	[dreg:$0x13] =	wrdreg s8  }
0x22: {  	s23 =	sadd.s32 s19, s15;
	s11 =	sadd.s32 s10, s15;
	[dreg:$0x14] =	wrdreg s9  }
0x23: {  	s19 =	simm.s32 $0x4E30;
	s21 =	sadd.s32 s24, s15;
	[dreg:$0x15] =	wrdreg s11  }
0x24: {  	s24 =	sadd.s32 s20, s15;
	s20 =	simm.s32 $0x75C8;
	[dreg:$0x16] =	wrdreg s13  }
0x25: {  	s14 =	sadd.s32 s5, s17;
	s17 =	sadd.s32 s4, s17;
	[dreg:$0x17] =	wrdreg s18  }
0x26: {  	s4 =	sadd.s32 $0xC00, s21;
	s5 =	sadd.s32 $0x1000, s21;
	[dreg:$0x18] =	wrdreg s23  }
0x27: {  	v0 =	vlaneseq.u32;
	s10 =	sadd.s32 $0x2400, s21;
	s3 =	sadd.s32 $0x800, s21;
	[dreg:$0x19] =	wrdreg s24  }
0x28: {  	v0 =	vmul.u32 $0x10, v0;
	s25 =	sadd.s32 s22, s15;
	s26 =	sadd.s32 $0x400, s21;
	s6 =	sadd.s32 $0x1400, s21  }
0x29: {  	s7 =	sadd.s32 $0x1800, s21;
	s8 =	sadd.s32 $0x1C00, s21;
	s9 =	sadd.s32 $0x2000, s21  }
0x2a: {  	v1 =	vimm.f32 $0.0e+00;
	v2 =	vor.u32 $0x1, v0;
	s11 =	simm.s32 $0x3;
	s18 =	simm.s32 $0x2718;
	s22 =	simm.s32 $0x7548  }
0x2b: {  	v3 =	vor.u32 $0x100, v0;
	v4 =	vor.u32 $0x101, v0;
	v5 =	vor.u32 $0x200, v0;
	s23 =	simm.s32 $0x7588;
	s24 =	simm.s32 $0x40;
	[dreg:$0x1a] =	wrdreg s25  }
0x2c: {  	v6 =	vor.u32 $0x201, v0;
	v7 =	vor.u32 $0x300, v0;
	v8 =	vor.u32 $0x301, v0;
	[dreg:$0x1b] =	wrdreg s26;
	s25 =	simm.s32 $0x79C8;
	s26 =	simm.s32 $0x7A08  }
.LBB2_1:
0x2d: {  	s0 =	rddreg [dreg:$0xd]  }
0x2e: {  	[tilespmem:s1], [sflag:$0x3] =	stream.linear.gather [hbm4b:s0+s1], $0x2718, $0x38;
	[tilespmem:$0xA648] =	vst v63  }
0x2f: {  	_ =	swait.ge [sflag:s11], $0x2718  }
0x30: {  	[sflag:s11] =	ssyncset.done $0x0  }
0x31: {  	s2 =	rddreg [dreg:$0xe];
	[sflag:s11] =	ssyncadd.s32 $0xFFFFD8E8  }
0x32: {  	[tilespmem:s18], [sflag:$0x3] =	stream.linear.gather [hbm4b:s2+s1], $0x2718, $0x38;
	[tilespmem:$0xA648] =	vst v63  }
0x33: {  	_ =	swait.ge [sflag:s11], $0x2718  }
0x34: {  	[sflag:s11] =	ssyncset.done $0x0  }
0x35: {  	s13 =	rddreg [dreg:$0xf];
	[sflag:s11] =	ssyncadd.s32 $0xFFFFD8E8  }
0x36: {  	[tilespmem:s19], [sflag:$0x3] =	stream.linear.gather [hbm4b:s13+s1], $0x2718, $0x38;
	[tilespmem:$0xA648] =	vst v63  }
0x37: {  	_ =	swait.ge [sflag:s11], $0x2718  }
0x38: {  	[sflag:s11] =	ssyncset.done $0x0  }
0x39: {  	s2 =	simm.s32 $0x75E8;
	[sflag:s11] =	ssyncadd.s32 $0xFFFFD8E8  }
0x3a: {  	[tilespmem:s2+$0xFFFFFFF0] =	vst v1  }
0x3b: {  	[tilespmem:s2+$0x0] =	vst v1  }
0x3c: {  	[tilespmem:s2+$0x10] =	vst v1  }
0x3d: {  	s13 =	simm.s32 $0x7A68;
	[tilespmem:s2+$0xFFFFFFE0] =	vst v1  }
0x3e: {  	[tilespmem:s13+$0xFFFFFFF0] =	vst v1  }
0x3f: {  	[tilespmem:s13+$0x0] =	vst v1  }
0x40: {  	[tilespmem:s13+$0x10] =	vst v1  }
0x41: {  	s0 =	simm.s32 $0x0;
	s2 =	simm.s32 $0x7628;
	[tilespmem:s13+$0xFFFFFFE0] =	vst v1  }
.LBB2_2:
0x42: {  	[tilespmem:s2+$0xFFFFFFF0] =	vst v1;
	s13 =	sadd.s32 $0x40, s13  }
0x43: {  	s0 =	sadd.s32 $0x4, s0;
	[tilespmem:s13+$0xFFFFFFF0] =	vst v1  }
0x44: {  	p0 =	slt.u32 s0, $0x3C;
	[tilespmem:s2+$0x0] =	vst v1  }
.Ltmp0:
0x45: {  	[tilespmem:s13+$0x0] =	vst v1;
	(pc) =	sbr.rel @p0 .LBB2_2-.Ltmp0, $4  }
0x46: {  	[tilespmem:s2+$0x10] =	vst v1  }
0x47: {  	[tilespmem:s13+$0x10] =	vst v1  }
0x48: {  	[tilespmem:s2+$0xFFFFFFE0] =	vst v1  }
0x49: {  	s2 =	sadd.s32 $0x40, s2;
	[tilespmem:s13+$0xFFFFFFE0] =	vst v1  }
0x4a: {  	[spmem:s21] =	stream.linear.scatter [tilespmem:s20], [sflag:$0x3], $0x400, $0x38;
	[tilespmem:$0xA648] =	vst v63  }
0x4b: {  	_ =	swait.ge [sflag:s11], $0x400  }
0x4c: {  	[sflag:s11] =	ssyncset.done $0x0  }
0x4d: {  	s0 =	rddreg [dreg:$0x1b];
	[sflag:s11] =	ssyncadd.s32 $0xFFFFFC00  }
0x4e: {  	[spmem:s0] =	stream.linear.scatter [tilespmem:s20], [sflag:$0x3], $0x400, $0x38;
	[tilespmem:$0xA648] =	vst v63  }
0x4f: {  	_ =	swait.ge [sflag:s11], $0x400  }
0x50: {  	[sflag:s11] =	ssyncset.done $0x0  }
0x51: {  	[sflag:s11] =	ssyncadd.s32 $0xFFFFFC00  }
0x52: {  	[spmem:s3] =	stream.linear.scatter [tilespmem:s20], [sflag:$0x3], $0x400, $0x38;
	[tilespmem:$0xA648] =	vst v63  }
0x53: {  	_ =	swait.ge [sflag:s11], $0x400  }
0x54: {  	[sflag:s11] =	ssyncset.done $0x0  }
0x55: {  	[sflag:s11] =	ssyncadd.s32 $0xFFFFFC00  }
0x56: {  	[spmem:s4] =	stream.linear.scatter [tilespmem:s20], [sflag:$0x3], $0x400, $0x38;
	[tilespmem:$0xA648] =	vst v63  }
0x57: {  	_ =	swait.ge [sflag:s11], $0x400  }
0x58: {  	[sflag:s11] =	ssyncset.done $0x0  }
0x59: {  	[sflag:s11] =	ssyncadd.s32 $0xFFFFFC00  }
0x5a: {  	[spmem:s5] =	stream.linear.scatter [tilespmem:s20], [sflag:$0x3], $0x400, $0x38;
	[tilespmem:$0xA648] =	vst v63  }
0x5b: {  	_ =	swait.ge [sflag:s11], $0x400  }
0x5c: {  	[sflag:s11] =	ssyncset.done $0x0  }
0x5d: {  	[sflag:s11] =	ssyncadd.s32 $0xFFFFFC00  }
0x5e: {  	[spmem:s6] =	stream.linear.scatter [tilespmem:s20], [sflag:$0x3], $0x400, $0x38;
	[tilespmem:$0xA648] =	vst v63  }
0x5f: {  	_ =	swait.ge [sflag:s11], $0x400  }
0x60: {  	[sflag:s11] =	ssyncset.done $0x0  }
0x61: {  	[sflag:s11] =	ssyncadd.s32 $0xFFFFFC00  }
0x62: {  	[spmem:s7] =	stream.linear.scatter [tilespmem:s20], [sflag:$0x3], $0x400, $0x38;
	[tilespmem:$0xA648] =	vst v63  }
0x63: {  	_ =	swait.ge [sflag:s11], $0x400  }
0x64: {  	[sflag:s11] =	ssyncset.done $0x0  }
0x65: {  	[sflag:s11] =	ssyncadd.s32 $0xFFFFFC00  }
0x66: {  	[spmem:s8] =	stream.linear.scatter [tilespmem:s20], [sflag:$0x3], $0x400, $0x38;
	[tilespmem:$0xA648] =	vst v63  }
0x67: {  	_ =	swait.ge [sflag:s11], $0x400  }
0x68: {  	[sflag:s11] =	ssyncset.done $0x0  }
0x69: {  	[sflag:s11] =	ssyncadd.s32 $0xFFFFFC00  }
0x6a: {  	[spmem:s9] =	stream.linear.scatter [tilespmem:s20], [sflag:$0x3], $0x400, $0x38;
	[tilespmem:$0xA648] =	vst v63  }
0x6b: {  	_ =	swait.ge [sflag:s11], $0x400  }
0x6c: {  	[sflag:s11] =	ssyncset.done $0x0  }
0x6d: {  	[sflag:s11] =	ssyncadd.s32 $0xFFFFFC00  }
0x6e: {  	[spmem:s10] =	stream.linear.scatter [tilespmem:s20], [sflag:$0x3], $0x400, $0x38;
	[tilespmem:$0xA648] =	vst v63  }
0x6f: {  	_ =	swait.ge [sflag:s11], $0x400  }
0x70: {  	[sflag:s11] =	ssyncset.done $0x0  }
0x71: {  	[sflag:s11] =	ssyncadd.s32 $0xFFFFFC00  }
0x72: {  	s13 =	simm.s32 $0x0;
	[bflag:$0x0] =	sbarrier.arrive $0xFFFF  }
.LBB2_4:
0x73: {  	p0 =	seq.s32 s13, $0x0  }
0x74: {  	s0 =	simm.s32 @!p0 $0x1  }
0x75: {  	_ =	swait.ge @!p0 [sflag:s0], $0x400  }
0x76: {  	[sflag:s0] =	ssyncset.done @!p0 $0x0  }
0x77: {  	s2 =	sadd.s32 s13, s17;
	[sflag:s0] =	ssyncadd.s32 @!p0 $0xFFFFFC00  }
0x78: {  	[tilespmem:s22], [sflag:$0x3] =	stream.linear.gather [hbm4b:s2+s1], $0x40, $0x38;
	[tilespmem:$0xA648] =	vst v63  }
0x79: {  	_ =	swait.ge [sflag:s11], $0x40  }
0x7a: {  	[sflag:s11] =	ssyncset.done $0x0  }
0x7b: {  	s2 =	sadd.s32 s13, s16;
	[sflag:s11] =	ssyncadd.s32 $0xFFFFFFC0  }
0x7c: {  	[tilespmem:s23], [sflag:$0x3] =	stream.linear.gather [hbm4b:s2+s1], $0x40, $0x38;
	[tilespmem:$0xA648] =	vst v63  }
0x7d: {  	_ =	swait.ge [sflag:s11], $0x40  }
0x7e: {  	[sflag:s11] =	ssyncset.done $0x0  }
0x7f: {  	[sflag:s11] =	ssyncadd.s32 $0xFFFFFFC0  }
0x80: {  	v9 =	vld [tilespmem:$0x7548]  }
0x81: {  	v10 =	vld [tilespmem:$0x7588];
	_ =	sdelay $0x6  }
0x82: {  	v11 =	vld.idx.msk [tilespmem:v9+s1+$0x0], $0xffff  }
0x83: {  	v10 =	vld.idx.msk [tilespmem:v10+s18+$0x0], $0xffff;
	_ =	sdelay $0x4  }
0x84: {  	v10 =	vadd.f32 v10, v11;
	_ =	sdelay $0x1  }
0x85: {  	v11 =	vmul.f32 $2.000000030e-01, v10  }
0x86: {  	vm0 =	vge.f32 v10, $0.0e+00  }
0x87: {  	v10 =	vsel vm0, v10, v11  }
0x88: {  	v10 =	vmul.f32 $1.442695020e+00, v10;
	_ =	sdelay $0x1  }
0x89: {  	(erf) = vpow2.f32 v10;
	_ =	sdelay $0x4  }
0x8a: {  	v9 =	vld.idx.msk [tilespmem:v9+s19+$0x0], $0xffff;
	_ =	sdelay $0x3  }
0x8b: {  	v10 =	vpop (erf)  }
0x8c: {  	v9 =	vmul.f32 v10, v9;
	_ =	sdelay $0x1  }
0x8d: {  	[tilespmem:v0+s20+$0x0] =	vst.idx.msk $0xffff, v9  }
0x8e: {  	[tilespmem:v2+s20+$0x0] =	vst.idx.msk $0xffff, v10  }
0x8f: {  	v9 =	vld [tilespmem:$0x7558]  }
0x90: {  	v10 =	vld [tilespmem:$0x7598];
	_ =	sdelay $0x6  }
0x91: {  	v11 =	vld.idx.msk [tilespmem:v9+s1+$0x0], $0xffff  }
0x92: {  	v10 =	vld.idx.msk [tilespmem:v10+s18+$0x0], $0xffff;
	_ =	sdelay $0x4  }
0x93: {  	v10 =	vadd.f32 v10, v11;
	_ =	sdelay $0x1  }
0x94: {  	v11 =	vmul.f32 $2.000000030e-01, v10  }
0x95: {  	vm9 =	vge.f32 v10, $0.0e+00  }
0x96: {  	v10 =	vsel vm9, v10, v11  }
0x97: {  	v10 =	vmul.f32 $1.442695020e+00, v10;
	_ =	sdelay $0x1  }
0x98: {  	(erf) = vpow2.f32 v10;
	_ =	sdelay $0x4  }
0x99: {  	v9 =	vld.idx.msk [tilespmem:v9+s19+$0x0], $0xffff;
	_ =	sdelay $0x3  }
0x9a: {  	v10 =	vpop (erf)  }
0x9b: {  	v9 =	vmul.f32 v10, v9;
	_ =	sdelay $0x1  }
0x9c: {  	[tilespmem:v3+s20+$0x0] =	vst.idx.msk $0xffff, v9  }
0x9d: {  	[tilespmem:v4+s20+$0x0] =	vst.idx.msk $0xffff, v10  }
0x9e: {  	v9 =	vld [tilespmem:$0x7568]  }
0x9f: {  	v10 =	vld [tilespmem:$0x75A8];
	_ =	sdelay $0x6  }
0xa0: {  	v11 =	vld.idx.msk [tilespmem:v9+s1+$0x0], $0xffff  }
0xa1: {  	v10 =	vld.idx.msk [tilespmem:v10+s18+$0x0], $0xffff;
	_ =	sdelay $0x4  }
0xa2: {  	v10 =	vadd.f32 v10, v11;
	_ =	sdelay $0x1  }
0xa3: {  	v11 =	vmul.f32 $2.000000030e-01, v10  }
0xa4: {  	vm10 =	vge.f32 v10, $0.0e+00  }
0xa5: {  	v10 =	vsel vm10, v10, v11  }
0xa6: {  	v10 =	vmul.f32 $1.442695020e+00, v10;
	_ =	sdelay $0x1  }
0xa7: {  	(erf) = vpow2.f32 v10;
	_ =	sdelay $0x4  }
0xa8: {  	v9 =	vld.idx.msk [tilespmem:v9+s19+$0x0], $0xffff;
	_ =	sdelay $0x3  }
0xa9: {  	v10 =	vpop (erf)  }
0xaa: {  	v9 =	vmul.f32 v10, v9;
	_ =	sdelay $0x1  }
0xab: {  	[tilespmem:v5+s20+$0x0] =	vst.idx.msk $0xffff, v9  }
0xac: {  	[tilespmem:v6+s20+$0x0] =	vst.idx.msk $0xffff, v10  }
0xad: {  	v9 =	vld [tilespmem:$0x7578]  }
0xae: {  	v10 =	vld [tilespmem:$0x75B8];
	_ =	sdelay $0x6  }
0xaf: {  	v11 =	vld.idx.msk [tilespmem:v9+s1+$0x0], $0xffff  }
0xb0: {  	v10 =	vld.idx.msk [tilespmem:v10+s18+$0x0], $0xffff;
	_ =	sdelay $0x4  }
0xb1: {  	v10 =	vadd.f32 v10, v11;
	_ =	sdelay $0x1  }
0xb2: {  	v11 =	vmul.f32 $2.000000030e-01, v10  }
0xb3: {  	vm11 =	vge.f32 v10, $0.0e+00  }
0xb4: {  	v10 =	vsel vm11, v10, v11  }
0xb5: {  	v10 =	vmul.f32 $1.442695020e+00, v10;
	_ =	sdelay $0x1  }
0xb6: {  	(erf) = vpow2.f32 v10;
	_ =	sdelay $0x4  }
0xb7: {  	v9 =	vld.idx.msk [tilespmem:v9+s19+$0x0], $0xffff;
	_ =	sdelay $0x3  }
0xb8: {  	v10 =	vpop (erf)  }
0xb9: {  	v9 =	vmul.f32 v10, v9;
	_ =	sdelay $0x1  }
0xba: {  	[tilespmem:v7+s20+$0x0] =	vst.idx.msk $0xffff, v9  }
0xbb: {  	s0 =	simm.s32 @!p0 $0x2;
	[tilespmem:v8+s20+$0x0] =	vst.idx.msk $0xffff, v10  }
0xbc: {  	[spmem:s15] =	stream.indirect.scatter.add.f32 [tilespmem:s20], [sflag:$0x1], $0x10, s23, s24, $0xb8;
	[tilespmem:$0xA648] =	vst v63  }
0xbd: {  	_ =	swait.ge @!p0 [sflag:s0], $0x400  }
0xbe: {  	[sflag:s0] =	ssyncset.done @!p0 $0x0  }
0xbf: {  	s2 =	sadd.s32 s13, s14;
	[sflag:s0] =	ssyncadd.s32 @!p0 $0xFFFFFC00  }
0xc0: {  	[tilespmem:s25], [sflag:$0x3] =	stream.linear.gather [hbm4b:s2+s1], $0x40, $0x38;
	[tilespmem:$0xA648] =	vst v63  }
0xc1: {  	_ =	swait.ge [sflag:s11], $0x40  }
0xc2: {  	[sflag:s11] =	ssyncset.done $0x0  }
0xc3: {  	s2 =	sadd.s32 s13, s12;
	[sflag:s11] =	ssyncadd.s32 $0xFFFFFFC0  }
0xc4: {  	[tilespmem:s26], [sflag:$0x3] =	stream.linear.gather [hbm4b:s2+s1], $0x40, $0x38;
	[tilespmem:$0xA648] =	vst v63  }
0xc5: {  	_ =	swait.ge [sflag:s11], $0x40  }
0xc6: {  	[sflag:s11] =	ssyncset.done $0x0  }
0xc7: {  	[sflag:s11] =	ssyncadd.s32 $0xFFFFFFC0  }
0xc8: {  	v9 =	vld [tilespmem:$0x79C8]  }
0xc9: {  	v10 =	vld [tilespmem:$0x7A08];
	_ =	sdelay $0x6  }
0xca: {  	v11 =	vld.idx.msk [tilespmem:v9+s1+$0x0], $0xffff  }
0xcb: {  	v10 =	vld.idx.msk [tilespmem:v10+s18+$0x0], $0xffff;
	_ =	sdelay $0x4  }
0xcc: {  	v10 =	vadd.f32 v10, v11;
	_ =	sdelay $0x1  }
0xcd: {  	v11 =	vmul.f32 $2.000000030e-01, v10  }
0xce: {  	vm12 =	vge.f32 v10, $0.0e+00  }
0xcf: {  	v10 =	vsel vm12, v10, v11  }
0xd0: {  	v10 =	vmul.f32 $1.442695020e+00, v10;
	_ =	sdelay $0x1  }
0xd1: {  	(erf) = vpow2.f32 v10;
	_ =	sdelay $0x4  }
0xd2: {  	v9 =	vld.idx.msk [tilespmem:v9+s19+$0x0], $0xffff;
	_ =	sdelay $0x3  }
0xd3: {  	v10 =	vpop (erf)  }
0xd4: {  	v9 =	vmul.f32 v10, v9;
	_ =	sdelay $0x1  }
0xd5: {  	[tilespmem:v0+s28+$0x0] =	vst.idx.msk $0xffff, v9  }
0xd6: {  	[tilespmem:v2+s28+$0x0] =	vst.idx.msk $0xffff, v10  }
0xd7: {  	v9 =	vld [tilespmem:$0x79D8]  }
0xd8: {  	v10 =	vld [tilespmem:$0x7A18];
	_ =	sdelay $0x6  }
0xd9: {  	v11 =	vld.idx.msk [tilespmem:v9+s1+$0x0], $0xffff  }
0xda: {  	v10 =	vld.idx.msk [tilespmem:v10+s18+$0x0], $0xffff;
	_ =	sdelay $0x4  }
0xdb: {  	v10 =	vadd.f32 v10, v11;
	_ =	sdelay $0x1  }
0xdc: {  	v11 =	vmul.f32 $2.000000030e-01, v10  }
0xdd: {  	vm13 =	vge.f32 v10, $0.0e+00  }
0xde: {  	v10 =	vsel vm13, v10, v11  }
0xdf: {  	v10 =	vmul.f32 $1.442695020e+00, v10;
	_ =	sdelay $0x1  }
0xe0: {  	(erf) = vpow2.f32 v10;
	_ =	sdelay $0x4  }
0xe1: {  	v9 =	vld.idx.msk [tilespmem:v9+s19+$0x0], $0xffff;
	_ =	sdelay $0x3  }
0xe2: {  	v10 =	vpop (erf)  }
0xe3: {  	v9 =	vmul.f32 v10, v9;
	_ =	sdelay $0x1  }
0xe4: {  	[tilespmem:v3+s28+$0x0] =	vst.idx.msk $0xffff, v9  }
0xe5: {  	[tilespmem:v4+s28+$0x0] =	vst.idx.msk $0xffff, v10  }
0xe6: {  	v9 =	vld [tilespmem:$0x79E8]  }
0xe7: {  	v10 =	vld [tilespmem:$0x7A28];
	_ =	sdelay $0x6  }
0xe8: {  	v11 =	vld.idx.msk [tilespmem:v9+s1+$0x0], $0xffff  }
0xe9: {  	v10 =	vld.idx.msk [tilespmem:v10+s18+$0x0], $0xffff;
	_ =	sdelay $0x4  }
0xea: {  	v10 =	vadd.f32 v10, v11;
	_ =	sdelay $0x1  }
0xeb: {  	v11 =	vmul.f32 $2.000000030e-01, v10  }
0xec: {  	vm14 =	vge.f32 v10, $0.0e+00  }
0xed: {  	v10 =	vsel vm14, v10, v11  }
0xee: {  	v10 =	vmul.f32 $1.442695020e+00, v10;
	_ =	sdelay $0x1  }
0xef: {  	(erf) = vpow2.f32 v10;
	_ =	sdelay $0x4  }
0xf0: {  	v9 =	vld.idx.msk [tilespmem:v9+s19+$0x0], $0xffff;
	_ =	sdelay $0x3  }
0xf1: {  	v10 =	vpop (erf)  }
0xf2: {  	v9 =	vmul.f32 v10, v9;
	_ =	sdelay $0x1  }
0xf3: {  	[tilespmem:v5+s28+$0x0] =	vst.idx.msk $0xffff, v9  }
0xf4: {  	[tilespmem:v6+s28+$0x0] =	vst.idx.msk $0xffff, v10  }
0xf5: {  	v9 =	vld [tilespmem:$0x79F8]  }
0xf6: {  	v10 =	vld [tilespmem:$0x7A38];
	_ =	sdelay $0x6  }
0xf7: {  	v11 =	vld.idx.msk [tilespmem:v9+s1+$0x0], $0xffff  }
0xf8: {  	v10 =	vld.idx.msk [tilespmem:v10+s18+$0x0], $0xffff;
	_ =	sdelay $0x4  }
0xf9: {  	v10 =	vadd.f32 v10, v11;
	_ =	sdelay $0x1  }
0xfa: {  	v11 =	vmul.f32 $2.000000030e-01, v10  }
0xfb: {  	vm15 =	vge.f32 v10, $0.0e+00  }
0xfc: {  	v10 =	vsel vm15, v10, v11  }
0xfd: {  	v10 =	vmul.f32 $1.442695020e+00, v10;
	_ =	sdelay $0x1  }
0xfe: {  	(erf) = vpow2.f32 v10;
	_ =	sdelay $0x4  }
0xff: {  	v9 =	vld.idx.msk [tilespmem:v9+s19+$0x0], $0xffff;
	_ =	sdelay $0x2  }
0x100: {  	s13 =	sadd.s32 $0x10, s13  }
0x101: {  	p0 =	sne.s32 s13, $0x510;
	v10 =	vpop (erf)  }
.Ltmp1:
0x102: {  	v9 =	vmul.f32 v10, v9;
	(pc) =	sbr.rel @p0 .LBB2_4-.Ltmp1, $4  }
0x103: {  	_ = 	snop  }
0x104: {  	[tilespmem:v7+s28+$0x0] =	vst.idx.msk $0xffff, v9  }
0x105: {  	[tilespmem:v8+s28+$0x0] =	vst.idx.msk $0xffff, v10  }
0x106: {  	[spmem:s15] =	stream.indirect.scatter.add.f32 [tilespmem:s28], [sflag:$0x2], $0x10, s26, s24, $0xb8;
	[tilespmem:$0xA648] =	vst v63  }
0x107: {  	_ =	swait.ge [sflag:s29], $0x400  }
0x108: {  	[sflag:s29] =	ssyncset.done $0x0  }
0x109: {  	[sflag:s29] =	ssyncadd.s32 $0xFFFFFC00  }
0x10a: {  	_ =	swait.ge [sflag:s30], $0x400  }
0x10b: {  	[sflag:s30] =	ssyncset.done $0x0  }
0x10c: {  	[sflag:s30] =	ssyncadd.s32 $0xFFFFFC00  }
0x10d: {  	[bflag:$0x0] =	sbarrier.arrive $0xFFFF  }
0x10e: {  	s0 =	rddreg [dreg:$0x10]  }
0x10f: {  	[tilespmem:s20], [sflag:$0x3] =	stream.linear.gather [spmem:s0], $0x400, $0x38;
	[tilespmem:$0xA648] =	vst v63  }
0x110: {  	_ =	swait.ge [sflag:s11], $0x400  }
0x111: {  	[sflag:s11] =	ssyncset.done $0x0  }
0x112: {  	s2 =	rddreg [dreg:$0x3];
	[sflag:s11] =	ssyncadd.s32 $0xFFFFFC00  }
0x113: {  	[hbm4b:s2+s1] =	stream.linear.scatter [tilespmem:s20], [sflag:$0x3], $0x400, $0x38;
	[tilespmem:$0xA648] =	vst v63  }
0x114: {  	_ =	swait.ge [sflag:s11], $0x400  }
0x115: {  	[sflag:s11] =	ssyncset.done $0x0  }
0x116: {  	s13 =	rddreg [dreg:$0x12];
	[sflag:s11] =	ssyncadd.s32 $0xFFFFFC00  }
0x117: {  	[tilespmem:s20], [sflag:$0x3] =	stream.linear.gather [spmem:s13], $0x400, $0x38;
	[tilespmem:$0xA648] =	vst v63  }
0x118: {  	_ =	swait.ge [sflag:s11], $0x400  }
0x119: {  	[sflag:s11] =	ssyncset.done $0x0  }
0x11a: {  	s2 =	rddreg [dreg:$0x4];
	[sflag:s11] =	ssyncadd.s32 $0xFFFFFC00  }
0x11b: {  	[hbm4b:s2+s1] =	stream.linear.scatter [tilespmem:s20], [sflag:$0x3], $0x400, $0x38;
	[tilespmem:$0xA648] =	vst v63  }
0x11c: {  	_ =	swait.ge [sflag:s11], $0x400  }
0x11d: {  	[sflag:s11] =	ssyncset.done $0x0  }
0x11e: {  	s13 =	rddreg [dreg:$0x13];
	[sflag:s11] =	ssyncadd.s32 $0xFFFFFC00  }
0x11f: {  	[tilespmem:s20], [sflag:$0x3] =	stream.linear.gather [spmem:s13], $0x400, $0x38;
	[tilespmem:$0xA648] =	vst v63  }
0x120: {  	_ =	swait.ge [sflag:s11], $0x400  }
0x121: {  	[sflag:s11] =	ssyncset.done $0x0  }
0x122: {  	s2 =	rddreg [dreg:$0x5];
	[sflag:s11] =	ssyncadd.s32 $0xFFFFFC00  }
0x123: {  	[hbm4b:s2+s1] =	stream.linear.scatter [tilespmem:s20], [sflag:$0x3], $0x400, $0x38;
	[tilespmem:$0xA648] =	vst v63  }
0x124: {  	_ =	swait.ge [sflag:s11], $0x400  }
0x125: {  	[sflag:s11] =	ssyncset.done $0x0  }
0x126: {  	s13 =	rddreg [dreg:$0x14];
	[sflag:s11] =	ssyncadd.s32 $0xFFFFFC00  }
0x127: {  	[tilespmem:s20], [sflag:$0x3] =	stream.linear.gather [spmem:s13], $0x400, $0x38;
	[tilespmem:$0xA648] =	vst v63  }
0x128: {  	_ =	swait.ge [sflag:s11], $0x400  }
0x129: {  	[sflag:s11] =	ssyncset.done $0x0  }
0x12a: {  	s2 =	rddreg [dreg:$0x6];
	[sflag:s11] =	ssyncadd.s32 $0xFFFFFC00  }
0x12b: {  	[hbm4b:s2+s1] =	stream.linear.scatter [tilespmem:s20], [sflag:$0x3], $0x400, $0x38;
	[tilespmem:$0xA648] =	vst v63  }
0x12c: {  	_ =	swait.ge [sflag:s11], $0x400  }
0x12d: {  	[sflag:s11] =	ssyncset.done $0x0  }
0x12e: {  	s13 =	rddreg [dreg:$0x15];
	[sflag:s11] =	ssyncadd.s32 $0xFFFFFC00  }
0x12f: {  	[tilespmem:s20], [sflag:$0x3] =	stream.linear.gather [spmem:s13], $0x400, $0x38;
	[tilespmem:$0xA648] =	vst v63  }
0x130: {  	_ =	swait.ge [sflag:s11], $0x400  }
0x131: {  	[sflag:s11] =	ssyncset.done $0x0  }
0x132: {  	s2 =	rddreg [dreg:$0x7];
	[sflag:s11] =	ssyncadd.s32 $0xFFFFFC00  }
0x133: {  	[hbm4b:s2+s1] =	stream.linear.scatter [tilespmem:s20], [sflag:$0x3], $0x400, $0x38;
	[tilespmem:$0xA648] =	vst v63  }
0x134: {  	_ =	swait.ge [sflag:s11], $0x400  }
0x135: {  	[sflag:s11] =	ssyncset.done $0x0  }
0x136: {  	s13 =	rddreg [dreg:$0x16];
	[sflag:s11] =	ssyncadd.s32 $0xFFFFFC00  }
0x137: {  	[tilespmem:s20], [sflag:$0x3] =	stream.linear.gather [spmem:s13], $0x400, $0x38;
	[tilespmem:$0xA648] =	vst v63  }
0x138: {  	_ =	swait.ge [sflag:s11], $0x400  }
0x139: {  	[sflag:s11] =	ssyncset.done $0x0  }
0x13a: {  	s2 =	rddreg [dreg:$0x8];
	[sflag:s11] =	ssyncadd.s32 $0xFFFFFC00  }
0x13b: {  	[hbm4b:s2+s1] =	stream.linear.scatter [tilespmem:s20], [sflag:$0x3], $0x400, $0x38;
	[tilespmem:$0xA648] =	vst v63  }
0x13c: {  	_ =	swait.ge [sflag:s11], $0x400  }
0x13d: {  	[sflag:s11] =	ssyncset.done $0x0  }
0x13e: {  	s13 =	rddreg [dreg:$0x17];
	[sflag:s11] =	ssyncadd.s32 $0xFFFFFC00  }
0x13f: {  	[tilespmem:s20], [sflag:$0x3] =	stream.linear.gather [spmem:s13], $0x400, $0x38;
	[tilespmem:$0xA648] =	vst v63  }
0x140: {  	_ =	swait.ge [sflag:s11], $0x400  }
0x141: {  	[sflag:s11] =	ssyncset.done $0x0  }
0x142: {  	s2 =	rddreg [dreg:$0x9];
	[sflag:s11] =	ssyncadd.s32 $0xFFFFFC00  }
0x143: {  	[hbm4b:s2+s1] =	stream.linear.scatter [tilespmem:s20], [sflag:$0x3], $0x400, $0x38;
	[tilespmem:$0xA648] =	vst v63  }
0x144: {  	_ =	swait.ge [sflag:s11], $0x400  }
0x145: {  	[sflag:s11] =	ssyncset.done $0x0  }
0x146: {  	s13 =	rddreg [dreg:$0x18];
	[sflag:s11] =	ssyncadd.s32 $0xFFFFFC00  }
0x147: {  	[tilespmem:s20], [sflag:$0x3] =	stream.linear.gather [spmem:s13], $0x400, $0x38;
	[tilespmem:$0xA648] =	vst v63  }
0x148: {  	_ =	swait.ge [sflag:s11], $0x400  }
0x149: {  	[sflag:s11] =	ssyncset.done $0x0  }
0x14a: {  	s2 =	rddreg [dreg:$0xa];
	[sflag:s11] =	ssyncadd.s32 $0xFFFFFC00  }
0x14b: {  	[hbm4b:s2+s1] =	stream.linear.scatter [tilespmem:s20], [sflag:$0x3], $0x400, $0x38;
	[tilespmem:$0xA648] =	vst v63  }
0x14c: {  	_ =	swait.ge [sflag:s11], $0x400  }
0x14d: {  	[sflag:s11] =	ssyncset.done $0x0  }
0x14e: {  	s13 =	rddreg [dreg:$0x19];
	[sflag:s11] =	ssyncadd.s32 $0xFFFFFC00  }
0x14f: {  	[tilespmem:s20], [sflag:$0x3] =	stream.linear.gather [spmem:s13], $0x400, $0x38;
	[tilespmem:$0xA648] =	vst v63  }
0x150: {  	_ =	swait.ge [sflag:s11], $0x400  }
0x151: {  	[sflag:s11] =	ssyncset.done $0x0  }
0x152: {  	s2 =	rddreg [dreg:$0xb];
	[sflag:s11] =	ssyncadd.s32 $0xFFFFFC00  }
0x153: {  	[hbm4b:s2+s1] =	stream.linear.scatter [tilespmem:s20], [sflag:$0x3], $0x400, $0x38;
	[tilespmem:$0xA648] =	vst v63  }
0x154: {  	_ =	swait.ge [sflag:s11], $0x400  }
0x155: {  	[sflag:s11] =	ssyncset.done $0x0  }
0x156: {  	s13 =	rddreg [dreg:$0x1a];
	[sflag:s11] =	ssyncadd.s32 $0xFFFFFC00  }
0x157: {  	[tilespmem:s20], [sflag:$0x3] =	stream.linear.gather [spmem:s13], $0x400, $0x38;
	[tilespmem:$0xA648] =	vst v63  }
0x158: {  	_ =	swait.ge [sflag:s11], $0x400  }
0x159: {  	[sflag:s11] =	ssyncset.done $0x0  }
0x15a: {  	s2 =	rddreg [dreg:$0xc];
	[sflag:s11] =	ssyncadd.s32 $0xFFFFFC00  }
0x15b: {  	[hbm4b:s2+s1] =	stream.linear.scatter [tilespmem:s20], [sflag:$0x3], $0x400, $0x38;
	[tilespmem:$0xA648] =	vst v63  }
0x15c: {  	_ =	swait.ge [sflag:s11], $0x400  }
0x15d: {  	s31 =	sadd.s32 $0x1, s31;
	s13 =	rddreg [dreg:$0x11]  }
0x15e: {  	p0 =	sne.s32 s31, s13  }
.Ltmp2:
0x15f: {  	_ = 	snop;
	(pc) =	sbr.rel @p0 .LBB2_1-.Ltmp2, $3  }
0x160: {  	_ =	sdelay $0x1  }
0x161: {  	[sflag:s11] =	ssyncset.done $0x0  }
0x162: {  	[sflag:s11] =	ssyncadd.s32 $0xFFFFFC00  }
0x163: {  	_ =	sfence.sel $0x180000  }
0x164: {  	[bflag:$0x0] =	sbarrier.arrive $0xFFFF  }
0x165: {  	_ =	strace $0x9000004D  }
0x166: {  	s0 =	stileid.u32;
	[bflag:$0x2] =	sbarrier.arrive $0xFFFF  }
0x167: {  	p0 =	sne.s32 s0, $0x0;
	s0 =	rddreg [dreg:$0x2]  }
0x168: {  	s0 =	sadd.s32 @!p0 $0x100000, s0  }
0x169: {  	[sflag:s0] =	ssyncadd.tile.s32 @!p0 $0x1;
	_ =	shalt  }
.Lfunc_end2:
_tile_overlayer_lowered:
.L_overlay_start_2:
0x16a: {  	(tag) =	ssettag $0x2  }
0x16b: {  	s0 =	rddreg [dreg:$0x0];
	s2 =	stileid.u32  }
0x16c: {  	s1 =	rddreg [dreg:$0x1];
	p0 =	sne.s32 s2, $0x0  }
0x16d: {  	s3 =	rddreg [dreg:$0x2];
	[bflag:$0x3] =	sbarrier.arrive $0xFFFF;
	s2 =	simm.s32 @!p0 $0x1C03  }
0x16e: {  	[timem:s3], [sflag:s2] =	dma.local @!p0 [hbm:s0], s1  }
0x16f: {  	s0 =	simm.s32 @!p0 $0x3  }
0x170: {  	_ =	swait.ge @!p0 [sflag:s0], s1  }
0x171: {  	s1 =	ssub.s32 @!p0 $0x0, s1;
	[sflag:s0] =	ssyncset.done @!p0 $0x0  }
0x172: {  	[sflag:s0] =	ssyncadd.s32 @!p0 s1  }
0x173: {  	[bflag:$0x3] =	sbarrier.arrive $0xFFFF  }
0x174: {  	_ =	shalt  }

// kernel: kernel.9.cloned.1.call-start
scs
__scs_entry_jumppad:
0x0: {  	(pc) =	sbr.rel $0x88, $3  }
0x1: {  	(tag) =	ssettag $0x0;
	lr =	simm.s32 $0x1  }
0x2: {  	[smem:$0x3F93] =	sst lr;
	_ =	strace $0xD0000000  }
0x3: {  	_ = 	snop  }
0x4: {  	_ = 	snop  }
0x5: {  	_ = 	snop  }
0x6: {  	_ = 	snop  }
0x7: {  	_ = 	snop  }
__scs_overlays_trampoline_lowered:
0x8: {  	[smem:$0x3FA2] =	sst s0  }
0x9: {  	[smem:$0x3FA3] =	sst s1  }
0xa: {  	[smem:$0x3FA4] =	sst s2  }
0xb: {  	[smem:$0x3FA5] =	sst s3  }
0xc: {  	[smem:$0x3FA6] =	sst s4  }
0xd: {  	[smem:$0x3FA7] =	sst s5  }
0xe: {  	[smem:$0x3FA8] =	sst s6  }
0xf: {  	[smem:$0x3FA9] =	sst s7  }
0x10: {  	[smem:$0x3FAA] =	sst s8  }
0x11: {  	[smem:$0x3FAB] =	sst s9;
	s0 =	simm.s32 @!p0 $0x0  }
0x12: {  	s1 =	sld [smem:$0x3F91];
	s0 =	simm.s32 @p0 $0x1  }
0x13: {  	[smem:$0x3FAC] =	sst s0;
	s0 =	simm.s32 @!p1 $0x0  }
0x14: {  	s2 =	sld [smem:$0x3F90];
	s0 =	simm.s32 @p1 $0x1  }
0x15: {  	[smem:$0x3FAD] =	sst s0;
	s0 =	simm.s32 @!p2 $0x0  }
0x16: {  	s3 =	sld [smem:$0x3FDB];
	s0 =	simm.s32 @p2 $0x1  }
0x17: {  	s4 =	simm.s32 $0x1BF5;
	[smem:$0x3FAF] =	sst s0  }
0x18: {  	s0 =	sld [smem:$0x3F92];
	_ =	swait.ge [sflag:s4], $0x0  }
0x19: {  	s7 =	sld [smem:$0x3F93]  }
0x1a: {  	s8 =	sadd.s32 $0xFFFFE003, lr  }
0x1b: {  	s9 =	sadd.s32 $0xFFFFFEF7, lr;
	s5 =	simm.s32 $0xFFFFFFFF;
	p2 =	slt.u32 s8, $0xFFFFF086  }
0x1c: {  	p1 =	slt.u32 s9, $0xF7A;
	s5 =	simm.s32 @!p2 $0x0  }
0x1d: {  	s5 =	simm.s32 @p1 $0x1;
	p0 =	seq.s32 s7, s2  }
0x1e: {  	s7 =	smul.u32 @!p0 $0xF7A, s2;
	p2 =	seq.s32 @!p0 s5, $0x0  }
0x1f: {  	s9 =	smul.u32 $0xF7A, s1;
	s8 =	simm.s32 @!p0 $0x1BF5;
	p2 =	por !p2, p0  }
0x20: {  	[sflag:s8] =	ssyncset.s32 @!p0 $0xFFFFF086;
	s6 =	sadd.s32 @!p0 s3, s7;
	s7 =	simm.s32 @!p0 $0x108  }
0x21: {  	s3 =	sadd.s32 s3, s9;
	s6 =	sadd.s32 @!p0 $0x88, s6;
	s7 =	simm.s32 @p2 $0x1082  }
0x22: {  	[simem:s7], [sflag:s8] =	dma.local @!p0 [hbm:s6], $0xF7A  }
0x23: {  	s9 =	sor.u32 $0xD0000000, s2;
	s6 =	simm.s32 $0x108;
	_ =	swait.ge @!p0 [sflag:s8], $0x0  }
0x24: {  	s3 =	sadd.s32 $0x88, s3;
	s6 =	simm.s32 @!p1 $0x1082;
	[sflag:s4] =	ssyncset.s32 $0xFFFFF086  }
0x25: {  	[simem:s6], [sflag:s4] =	dma.local [hbm:s3], $0xF7A  }
0x26: {  	[smem:$0x3F93] =	sst s1;
	(tag) =	ssettag s2;
	_ =	strace s9  }
0x27: {  	s1 =	sld [smem:$0x3FA3]  }
0x28: {  	s2 =	sld [smem:$0x3FA4]  }
0x29: {  	s4 =	sld [smem:$0x3FA6]  }
0x2a: {  	p0 =	seq.s32 s5, $0x0;
	s5 =	sld [smem:$0x3FA7]  }
0x2b: {  	s6 =	sld [smem:$0x3FA8]  }
0x2c: {  	s7 =	sld [smem:$0x3FA9]  }
0x2d: {  	s3 =	simm.s32 $0x108;
	s8 =	sld [smem:$0x3FAA]  }
0x2e: {  	s3 =	simm.s32 @!p0 $0x1082;
	s9 =	sld [smem:$0x3FAB]  }
0x2f: {  	lr =	sadd.s32 s0, s3;
	s0 =	sld [smem:$0x3FA2]  }
0x30: {  	s3 =	sld [smem:$0x3FA5]  }
0x31: {  	[smem:$0x3FAE] =	sst s10  }
0x32: {  	s10 =	sld [smem:$0x3FAC];
	_ =	sdelay $0x3  }
0x33: {  	p0 =	seq.s32 s10, $0x1;
	s10 =	sld [smem:$0x3FAE];
	_ =	sdelay $0x3  }
0x34: {  	[smem:$0x3FAE] =	sst s10  }
0x35: {  	s10 =	sld [smem:$0x3FAD];
	_ =	sdelay $0x3  }
0x36: {  	p1 =	seq.s32 s10, $0x1;
	s10 =	sld [smem:$0x3FAE];
	_ =	sdelay $0x3  }
0x37: {  	[smem:$0x3FAE] =	sst s10  }
0x38: {  	s10 =	sld [smem:$0x3FAF]  }
0x39: {  	_ = 	snop;
	(pc) =	sbr.ind lr, $3  }
0x3a: {  	_ = 	snop  }
0x3b: {  	_ = 	snop  }
0x3c: {  	p2 =	seq.s32 s10, $0x1;
	s10 =	sld [smem:$0x3FAE]  }
0x3d: {  	_ =	shalt  }
0x3e: {  	_ =	shalt  }
0x3f: {  	_ =	shalt  }
0x40: {  	_ =	shalt  }
0x41: {  	_ =	shalt  }
0x42: {  	_ =	shalt  }
0x43: {  	_ =	shalt  }
0x44: {  	_ =	shalt  }
0x45: {  	_ =	shalt  }
0x46: {  	_ =	shalt  }
0x47: {  	_ =	shalt  }
0x48: {  	_ =	shalt  }
0x49: {  	_ =	shalt  }
0x4a: {  	_ =	shalt  }
0x4b: {  	_ =	shalt  }
0x4c: {  	_ =	shalt  }
0x4d: {  	_ =	shalt  }
0x4e: {  	_ =	shalt  }
0x4f: {  	_ =	shalt  }
0x50: {  	_ =	shalt  }
0x51: {  	_ =	shalt  }
0x52: {  	_ =	shalt  }
0x53: {  	_ =	shalt  }
0x54: {  	_ =	shalt  }
0x55: {  	_ =	shalt  }
0x56: {  	_ =	shalt  }
0x57: {  	_ =	shalt  }
0x58: {  	_ =	shalt  }
0x59: {  	_ =	shalt  }
0x5a: {  	_ =	shalt  }
0x5b: {  	_ =	shalt  }
0x5c: {  	_ =	shalt  }
0x5d: {  	_ =	shalt  }
0x5e: {  	_ =	shalt  }
0x5f: {  	_ =	shalt  }
0x60: {  	_ =	shalt  }
0x61: {  	_ =	shalt  }
0x62: {  	_ =	shalt  }
0x63: {  	_ =	shalt  }
0x64: {  	_ =	shalt  }
0x65: {  	_ =	shalt  }
0x66: {  	_ =	shalt  }
0x67: {  	_ =	shalt  }
0x68: {  	_ =	shalt  }
0x69: {  	_ =	shalt  }
0x6a: {  	_ =	shalt  }
0x6b: {  	_ =	shalt  }
0x6c: {  	_ =	shalt  }
0x6d: {  	_ =	shalt  }
0x6e: {  	_ =	shalt  }
0x6f: {  	_ =	shalt  }
0x70: {  	_ =	shalt  }
0x71: {  	_ =	shalt  }
0x72: {  	_ =	shalt  }
0x73: {  	_ =	shalt  }
0x74: {  	_ =	shalt  }
0x75: {  	_ =	shalt  }
0x76: {  	_ =	shalt  }
0x77: {  	_ =	shalt  }
0x78: {  	_ =	shalt  }
0x79: {  	_ =	shalt  }
0x7a: {  	_ =	shalt  }
0x7b: {  	_ =	shalt  }
0x7c: {  	_ =	shalt  }
0x7d: {  	_ =	shalt  }
0x7e: {  	_ =	shalt  }
0x7f: {  	_ =	shalt  }
0x80: {  	_ =	shalt  }
0x81: {  	_ =	shalt  }
0x82: {  	_ =	shalt  }
0x83: {  	_ =	shalt  }
0x84: {  	_ =	shalt  }
0x85: {  	_ =	shalt  }
0x86: {  	_ =	shalt  }
0x87: {  	_ =	shalt  }
.Lfunc_end0:
.L_simem_size_0:
called_computation_lowered:
.L_overlay_start_0:
0x88: {  	s2 =	sld [smem:$0x3FD9]  }
0x89: {  	s3 =	sld [smem:$0x3FFE];
	_ =	sdelay $0x1  }
0x8a: {  	s1 =	srdreg.scid  }
0x8b: {  	s0 =	sand.u32 $0x1, s1  }
0x8c: {  	s16 =	sshll.u32 s0, $0xA;
	s2 =	sadd.s32 s3, s2  }
0x8d: {  	s2 =	sadd.s32 s2, s16  }
0x8e: {  	[smem:$0x3FBA] =	sst s2  }
0x8f: {  	_ = 	snop  }
0x90: {  	(tm) =	ssettm $0x1  }
0x91: {  	s17 =	sld [smem:$0x3FFB];
	_ =	sdelay $0x3  }
0x92: {  	_ =	strace s17  }
0x93: {  	s2 =	sld [smem:$0x3FFC];
	_ =	sdelay $0x3  }
0x94: {  	_ =	strace s2  }
0x95: {  	s2 =	sld [smem:$0x3FFD];
	_ =	sdelay $0x3  }
0x96: {  	_ =	strace s2  }
0x97: {  	_ =	strace $0x8FFFFFFF  }
0x98: {  	s18 =	sld [smem:$0x3FDB];
	_ =	sdelay $0x1  }
0x99: {  	s19 =	simm.s32 $_scs_section_size  }
0x9a: {  	s4 =	simm.s32 $_size__tile_overlayer_lowered;
	s5 =	simm.s32 $_tile_overlayer_lowered  }
0x9b: {  	s22 =	simm.s32 $0x1BFF;
	s21 =	sshll.u32 s5, $0x1;
	s2 =	sadd.s32 s19, s18  }
0x9c: {  	s6 =	simm.s32 $0x0;
	s20 =	sshll.u32 s4, $0x1;
	s4 =	sadd.s32 s21, s2  }
0x9d: {  	[timem:s6], [sflag:s22] =	dma.local [hbm:s4], s20  }
0x9e: {  	_ =	swait.ge [sflag:s22], s20  }
0x9f: {  	s3 =	ssub.s32 $0x0, s20;
	[sflag:s22] =	ssyncset.done $0x0  }
0xa0: {  	[sflag:s22] =	ssyncadd.s32 s3;
	_ =	sdelay $0x1  }
0xa1: {  	s23 =	simm.s32 $0x1B8B  }
0xa2: {  	_ =	swait.ge [sflag:s23], $0x1  }
0xa3: {  	[sflag:s23] =	ssyncset.done $0x0  }
0xa4: {  	s25 =	simm.s32 $0x1B8E;
	s24 =	sld [smem:$0x3FFE];
	[sflag:s23] =	ssyncadd.s32 $0xFFFFFFFF  }
0xa5: {  	s26 =	simm.s32 $execute0_lowered;
	[smem:$0x3FD2] =	sst s25  }
0xa6: {  	s4 =	sshll.u32 s26, $0x1;
	_ =	strace $0x80000046;
	[dreg:$0x1] =	wrdreg $0xFFFFFFFF  }
0xa7: {  	s28 =	simm.s32 $_size_execute0_lowered;
	s2 =	sadd.s32 s2, s4;
	[dreg:$0x0] =	wrdreg $0x0  }
0xa8: {  	s4 =	sshll.u32 s28, $0x1;
	[dreg:$0x2] =	wrdreg s2  }
0xa9: {  	[dreg:$0x3] =	wrdreg s4  }
0xaa: {  	[dreg:$0x4] =	wrdreg $0xC0  }
0xab: {  	_ =	task [dreg:s6], $0x5FFFF  }
0xac: {  	[dreg:$0x1] =	wrdreg $0xFFFFFFFF  }
0xad: {  	[dreg:$0x0] =	wrdreg $0x60  }
0xae: {  	[dreg:$0x2] =	wrdreg s24  }
0xaf: {  	[dreg:$0x3] =	wrdreg $0x97700  }
0xb0: {  	[dreg:$0x4] =	wrdreg $0x1D7700  }
0xb1: {  	[dreg:$0x5] =	wrdreg $0x9  }
0xb2: {  	_ =	task.clear_ibuf [dreg:s6], $0x6FFFF;
	_ =	strace $0x90000046  }
0xb3: {  	s29 =	simm.s32 $0x9;
	_ =	strace $0x80000048  }
0xb4: {  	_ =	swait.ge [sflag:s29], $0x1  }
0xb5: {  	[sflag:s29] =	ssyncadd.s32 $0xFFFFFFFF  }
0xb6: {  	_ =	strace $0x90000048  }
0xb7: {  	_ =	sfence  }
0xb8: {  	s30 =	sld [smem:$0x0];
	_ =	sdelay $0x2  }
0xb9: {  	s31 =	sshll.u32 s1, $0xD;
	s1 =	sshrl.u32 s1, $0x2  }
0xba: {  	s3 =	sand.u32 $0x4000, s31;
	s1 =	sadd.s32 s1, s30  }
0xbb: {  	s0 =	sor.u32 s3, s0;
	s1 =	sshll.u32 s1, $0x11  }
0xbc: {  	s0 =	sor.u32 s1, s0  }
0xbd: {  	s0 =	sadd.s32 $0x8F2B, s0  }
0xbe: {  	[sflag:s0] =	ssyncadd.remote.s32 $0x1  }
0xbf: {  	_ =	sfence.sel $0xFFFF  }
0xc0: {  	[dreg:$0x0] =	wrdreg $0xFFFFFFFF;
	(pc) =	sbr.abs _section_cstart, $3  }
0xc1: {  	[dreg:$0x1] =	wrdreg $0xFFFFFFFF  }
0xc2: {  	_ =	task.clear_ibuf [dreg:s6], $0x2FFFF;
	_ =	strace $0x9FFFFFFF  }
0xc3: {  	(tm) =	ssettm $0x7FFFFFFF  }
tec
execute0_lowered:
.L_overlay_start_1:
0x0: {  	(tag) =	ssettag $0x1  }
0x1: {  	s3 =	rddreg [dreg:$0x0]  }
0x2: {  	s1 =	rddreg [dreg:$0x1];
	s15 =	stileid.u32  }
0x3: {  	s2 =	rddreg [dreg:$0x2];
	s8 =	smul.u32 $0x14000, s15  }
0x4: {  	s0 =	srdreg.scid;
	s4 =	simm.s32 $0x0;
	s25 =	smul.u32 $0x2800, s15  }
0x5: {  	s30 =	simm.s32 $0x0;
	s7 =	sand.u32 $0x1, s0;
	s11 =	smul.u32 $0x280, s15  }
0x6: {  	[smem:$0x7FF] =	sst s4;
	s5 =	sadd.s32 $0xB000, s3;
	s14 =	smul.u32 $0x50000, s15  }
0x7: {  	s6 =	sadd.s32 $0xE00, s3;
	s13 =	sshll.u32 s15, $0x1;
	s15 =	smul.u32 $0xA000, s15  }
0x8: {  	s9 =	sadd.s32 $0x3D800, s3;
	s26 =	sadd.s32 $0x3D200, s3;
	s0 =	smul.u32 $0x140000, s7  }
0x9: {  	_ =	strace $0x80000047;
	s10 =	smul.u32 $0x28000, s7;
	[dreg:$0x4] =	wrdreg s9  }
0xa: {  	[dreg:$0x5] =	wrdreg s26;
	s9 =	sadd.s32 $0x15200, s3;
	s28 =	ssub.s32 $0x2, s7  }
0xb: {  	s7 =	sor.u32 s7, s13;
	s12 =	sshrl.u32 s28, $0x1;
	s17 =	sshrl.u32 s14, $0x2  }
0xc: {  	s18 =	sshrl.u32 s15, $0x2;
	s19 =	sor.u32 $0x40, s11;
	s22 =	sadd.s32 $0x80, s11  }
0xd: {  	s15 =	sadd.s32 $0x140, s11;
	s0 =	sadd.s32 s8, s0;
	s8 =	sadd.s32 s25, s10  }
0xe: {  	s12 =	ssub.s32 s28, s12;
	s10 =	smul.u32 $0x2880, s7;
	s29 =	sadd.s32 s17, s1  }
0xf: {  	s31 =	sadd.s32 s18, s2;
	s20 =	sshll.u32 s19, $0x7;
	s21 =	sshll.u32 s19, $0x4  }
0x10: {  	s23 =	sshll.u32 s22, $0x7;
	s25 =	sadd.s32 $0xC0, s11;
	s28 =	sadd.s32 $0x100, s11  }
0x11: {  	s18 =	sadd.s32 $0x180, s11;
	s0 =	sshrl.u32 s0, $0x3;
	s8 =	sshrl.u32 s8, $0x3  }
0x12: {  	s16 =	smax.u32 s12, $0x1;
	s7 =	sadd.s32 s20, s1;
	s26 =	sshll.u32 s25, $0x7  }
0x13: {  	s13 =	sshll.u32 s28, $0x7;
	s14 =	sshll.u32 s28, $0x4;
	[dreg:$0x7] =	wrdreg s29  }
0x14: {  	s19 =	sshll.u32 s18, $0x7;
	s20 =	sadd.s32 $0x1C0, s11;
	[dreg:$0x8] =	wrdreg s31  }
0x15: {  	s0 =	sadd.s32 s0, s3;
	s3 =	sadd.s32 s8, s3;
	[dreg:$0x6] =	wrdreg s16  }
0x16: {  	[dreg:$0x9] =	wrdreg s7;
	s7 =	sadd.s32 s21, s2;
	s8 =	sshll.u32 s22, $0x4  }
0x17: {  	s16 =	sshll.u32 s15, $0x7;
	s21 =	sshll.u32 s20, $0x7;
	s22 =	sshll.u32 s20, $0x4  }
0x18: {  	s20 =	simm.s32 $0x72B0;
	[dreg:$0xa] =	wrdreg s7;
	s7 =	sadd.s32 s23, s1  }
0x19: {  	s24 =	sadd.s32 s8, s2;
	s8 =	sadd.s32 s26, s1;
	[dreg:$0xb] =	wrdreg s7  }
0x1a: {  	s23 =	sadd.s32 $0x200, s11;
	s3 =	sadd.s32 $0x3DE00, s3;
	[dreg:$0xc] =	wrdreg s24  }
0x1b: {  	s0 =	sadd.s32 $0x47E00, s0;
	s7 =	sshll.u32 s25, $0x4;
	[dreg:$0xd] =	wrdreg s8  }
0x1c: {  	s8 =	sshll.u32 s15, $0x4;
	s24 =	sadd.s32 $0x240, s11;
	s25 =	sshll.u32 s23, $0x7  }
0x1d: {  	[dreg:$0x1b] =	wrdreg s0;
	s15 =	simm.s32 $0x4EB0;
	s7 =	sadd.s32 s7, s2  }
0x1e: {  	s17 =	sadd.s32 s8, s2;
	s8 =	sadd.s32 s19, s1;
	[dreg:$0xe] =	wrdreg s7  }
0x1f: {  	s11 =	sadd.s32 s25, s1;
	s26 =	sshll.u32 s24, $0x7;
	[dreg:$0x12] =	wrdreg s17  }
0x20: {  	s19 =	simm.s32 $0x40;
	s25 =	simm.s32 $0x9330;
	[dreg:$0x13] =	wrdreg s8  }
0x21: {  	s7 =	sadd.s32 s13, s1;
	[dreg:$0x17] =	wrdreg s11;
	s8 =	sshll.u32 s23, $0x4  }
0x22: {  	s28 =	sadd.s32 s26, s1;
	s11 =	simm.s32 $0x5;
	[dreg:$0xf] =	wrdreg s7  }
0x23: {  	s17 =	simm.s32 $0x4E30;
	s7 =	sadd.s32 s14, s2;
	[dreg:$0x19] =	wrdreg s28  }
0x24: {  	s23 =	simm.s32 $0x1;
	[dreg:$0x10] =	wrdreg s7;
	s7 =	sadd.s32 s16, s1  }
0x25: {  	s8 =	sadd.s32 s8, s2;
	[dreg:$0x11] =	wrdreg s7;
	s7 =	sshll.u32 s18, $0x4  }
0x26: {  	s26 =	simm.s32 $0x2;
	[dreg:$0x18] =	wrdreg s8;
	s7 =	sadd.s32 s7, s2  }
0x27: {  	s14 =	simm.s32 $0x2718;
	[dreg:$0x14] =	wrdreg s7;
	s7 =	sadd.s32 s21, s1  }
0x28: {  	v0 =	vlaneseq.u32;
	s8 =	sor.u32 $0x40, s10;
	[dreg:$0x15] =	wrdreg s7;
	s7 =	sadd.s32 s22, s2  }
0x29: {  	v0 =	vmul.u32 $0x10, v0;
	s16 =	simm.s32 $0x6EB0;
	[dreg:$0x16] =	wrdreg s7;
	s7 =	sshll.u32 s24, $0x4  }
0x2a: {  	v1 =	vimm.f32 $0.0e+00;
	s18 =	simm.s32 $0x4E70;
	s21 =	simm.s32 $0x72F0;
	s7 =	sadd.s32 s7, s2  }
0x2b: {  	v2 =	vor.u32 $0x100, v0;
	v3 =	vor.u32 $0x200, v0;
	v4 =	vor.u32 $0x300, v0;
	s22 =	simm.s32 $0x7330;
	s24 =	simm.s32 $0x9730;
	[dreg:$0x1a] =	wrdreg s7  }
.LBB2_1:
0x2c: {  	s0 =	rddreg [dreg:$0x4]  }
0x2d: {  	[tilespmem:s4], [sflag:$0x5] =	stream.linear.gather [hbm4b:s0+s4], $0x2718, $0x38;
	[tilespmem:$0x1FF70] =	vst v63  }
0x2e: {  	_ =	swait.ge [sflag:s11], $0x2718  }
0x2f: {  	[sflag:s11] =	ssyncset.done $0x0  }
0x30: {  	s28 =	rddreg [dreg:$0x5];
	[sflag:s11] =	ssyncadd.s32 $0xFFFFD8E8  }
0x31: {  	[tilespmem:s14], [sflag:$0x5] =	stream.linear.gather [hbm4b:s28+s4], $0x2718, $0x38;
	[tilespmem:$0x1FF70] =	vst v63  }
0x32: {  	_ =	swait.ge [sflag:s11], $0x2718  }
0x33: {  	[sflag:s11] =	ssyncset.done $0x0  }
0x34: {  	s12 =	simm.s32 $0x4FB0;
	[sflag:s11] =	ssyncadd.s32 $0xFFFFD8E8  }
0x35: {  	[tilespmem:s12+$0xFFFFFF00] =	vst v1  }
0x36: {  	[tilespmem:s12+$0xFFFFFF70] =	vst v1  }
0x37: {  	[tilespmem:s12+$0xFFFFFF60] =	vst v1  }
0x38: {  	[tilespmem:s12+$0xF0] =	vst v1  }
0x39: {  	[tilespmem:s12+$0xE0] =	vst v1  }
0x3a: {  	[tilespmem:s12+$0xD0] =	vst v1  }
0x3b: {  	[tilespmem:s12+$0xC0] =	vst v1  }
0x3c: {  	[tilespmem:s12+$0xB0] =	vst v1  }
0x3d: {  	[tilespmem:s12+$0xA0] =	vst v1  }
0x3e: {  	[tilespmem:s12+$0x90] =	vst v1  }
0x3f: {  	[tilespmem:s12+$0x80] =	vst v1  }
0x40: {  	[tilespmem:s12+$0x70] =	vst v1  }
0x41: {  	[tilespmem:s12+$0x60] =	vst v1  }
0x42: {  	[tilespmem:s12+$0x50] =	vst v1  }
0x43: {  	[tilespmem:s12+$0x40] =	vst v1  }
0x44: {  	[tilespmem:s12+$0x30] =	vst v1  }
0x45: {  	[tilespmem:s12+$0x20] =	vst v1  }
0x46: {  	[tilespmem:s12+$0x10] =	vst v1  }
0x47: {  	[tilespmem:s12+$0x0] =	vst v1  }
0x48: {  	[tilespmem:s12+$0xFFFFFFF0] =	vst v1  }
0x49: {  	[tilespmem:s12+$0xFFFFFFE0] =	vst v1  }
0x4a: {  	[tilespmem:s12+$0xFFFFFFD0] =	vst v1  }
0x4b: {  	[tilespmem:s12+$0xFFFFFFC0] =	vst v1  }
0x4c: {  	[tilespmem:s12+$0xFFFFFFB0] =	vst v1  }
0x4d: {  	[tilespmem:s12+$0xFFFFFFA0] =	vst v1  }
0x4e: {  	[tilespmem:s12+$0xFFFFFF90] =	vst v1  }
0x4f: {  	[tilespmem:s12+$0xFFFFFF80] =	vst v1  }
0x50: {  	[tilespmem:s12+$0xFFFFFF50] =	vst v1  }
0x51: {  	[tilespmem:s12+$0xFFFFFF40] =	vst v1  }
0x52: {  	[tilespmem:s12+$0xFFFFFF30] =	vst v1  }
0x53: {  	[tilespmem:s12+$0xFFFFFF20] =	vst v1  }
0x54: {  	s0 =	simm.s32 $0x6ED0;
	[tilespmem:s12+$0xFFFFFF10] =	vst v1  }
0x55: {  	[tilespmem:s0+$0x10] =	vst v1  }
0x56: {  	[tilespmem:s0+$0x0] =	vst v1  }
0x57: {  	[tilespmem:s0+$0xFFFFFFF0] =	vst v1  }
0x58: {  	s7 =	simm.s32 $0x9350;
	[tilespmem:s0+$0xFFFFFFE0] =	vst v1  }
0x59: {  	[tilespmem:s7+$0x10] =	vst v1  }
0x5a: {  	[tilespmem:s7+$0x0] =	vst v1  }
0x5b: {  	s13 =	simm.s32 $0x51B0;
	s12 =	simm.s32 $0x0;
	[tilespmem:s7+$0xFFFFFFF0] =	vst v1  }
.LBB2_2:
0x5c: {  	s12 =	sadd.s32 $0x4, s12;
	[tilespmem:s7+$0xFFFFFFE0] =	vst v1;
	s7 =	sadd.s32 $0x40, s7;
	s0 =	sadd.s32 $0x40, s0  }
0x5d: {  	[tilespmem:s13+$0xFFFFFF00] =	vst v1;
	p0 =	slt.u32 s12, $0x3C  }
0x5e: {  	[tilespmem:s13+$0xFFFFFF70] =	vst v1  }
0x5f: {  	[tilespmem:s13+$0xFFFFFF60] =	vst v1  }
0x60: {  	[tilespmem:s13+$0xF0] =	vst v1  }
0x61: {  	[tilespmem:s13+$0xE0] =	vst v1  }
0x62: {  	[tilespmem:s13+$0xD0] =	vst v1  }
0x63: {  	[tilespmem:s13+$0xC0] =	vst v1  }
0x64: {  	[tilespmem:s13+$0xB0] =	vst v1  }
0x65: {  	[tilespmem:s13+$0xA0] =	vst v1  }
0x66: {  	[tilespmem:s13+$0x90] =	vst v1  }
0x67: {  	[tilespmem:s13+$0x80] =	vst v1  }
0x68: {  	[tilespmem:s0+$0x10] =	vst v1  }
0x69: {  	[tilespmem:s7+$0x10] =	vst v1  }
0x6a: {  	[tilespmem:s13+$0x70] =	vst v1  }
0x6b: {  	[tilespmem:s13+$0x60] =	vst v1  }
0x6c: {  	[tilespmem:s13+$0x50] =	vst v1  }
0x6d: {  	[tilespmem:s13+$0x40] =	vst v1  }
0x6e: {  	[tilespmem:s13+$0x30] =	vst v1  }
0x6f: {  	[tilespmem:s13+$0x20] =	vst v1  }
0x70: {  	[tilespmem:s13+$0x10] =	vst v1  }
0x71: {  	[tilespmem:s13+$0x0] =	vst v1  }
0x72: {  	[tilespmem:s0+$0x0] =	vst v1  }
0x73: {  	[tilespmem:s7+$0x0] =	vst v1  }
0x74: {  	[tilespmem:s13+$0xFFFFFFF0] =	vst v1  }
0x75: {  	[tilespmem:s13+$0xFFFFFFE0] =	vst v1  }
0x76: {  	[tilespmem:s13+$0xFFFFFFD0] =	vst v1  }
0x77: {  	[tilespmem:s13+$0xFFFFFFC0] =	vst v1  }
0x78: {  	[tilespmem:s13+$0xFFFFFFB0] =	vst v1  }
0x79: {  	[tilespmem:s13+$0xFFFFFFA0] =	vst v1  }
0x7a: {  	[tilespmem:s13+$0xFFFFFF90] =	vst v1  }
0x7b: {  	[tilespmem:s13+$0xFFFFFF80] =	vst v1  }
0x7c: {  	[tilespmem:s0+$0xFFFFFFF0] =	vst v1  }
0x7d: {  	[tilespmem:s7+$0xFFFFFFF0] =	vst v1  }
0x7e: {  	[tilespmem:s13+$0xFFFFFF50] =	vst v1  }
.Ltmp0:
0x7f: {  	[tilespmem:s13+$0xFFFFFF40] =	vst v1;
	(pc) =	sbr.rel @p0 .LBB2_2-.Ltmp0, $4  }
0x80: {  	[tilespmem:s13+$0xFFFFFF30] =	vst v1  }
0x81: {  	[tilespmem:s13+$0xFFFFFF20] =	vst v1  }
0x82: {  	[tilespmem:s13+$0xFFFFFF10] =	vst v1  }
0x83: {  	s13 =	sadd.s32 $0x200, s13;
	[tilespmem:s0+$0xFFFFFFE0] =	vst v1  }
0x84: {  	[tilespmem:s7+$0xFFFFFFE0] =	vst v1  }
0x85: {  	[spmem:s29] =	stream.linear.scatter [tilespmem:s15], [sflag:$0x5], $0x2000, $0x38;
	[tilespmem:$0x1FF70] =	vst v63  }
0x86: {  	_ =	swait.ge [sflag:s11], $0x2000  }
0x87: {  	[sflag:s11] =	ssyncset.done $0x0  }
0x88: {  	[sflag:s11] =	ssyncadd.s32 $0xFFFFE000  }
0x89: {  	[spmem:s31] =	stream.linear.scatter [tilespmem:s16], [sflag:$0x5], $0x400, $0x38;
	[tilespmem:$0x1FF70] =	vst v63  }
0x8a: {  	_ =	swait.ge [sflag:s11], $0x400  }
0x8b: {  	[sflag:s11] =	ssyncset.done $0x0  }
0x8c: {  	s0 =	rddreg [dreg:$0x9];
	[sflag:s11] =	ssyncadd.s32 $0xFFFFFC00  }
0x8d: {  	[spmem:s0] =	stream.linear.scatter [tilespmem:s15], [sflag:$0x5], $0x2000, $0x38;
	[tilespmem:$0x1FF70] =	vst v63  }
0x8e: {  	_ =	swait.ge [sflag:s11], $0x2000  }
0x8f: {  	[sflag:s11] =	ssyncset.done $0x0  }
0x90: {  	s28 =	rddreg [dreg:$0xa];
	[sflag:s11] =	ssyncadd.s32 $0xFFFFE000  }
0x91: {  	[spmem:s28] =	stream.linear.scatter [tilespmem:s16], [sflag:$0x5], $0x400, $0x38;
	[tilespmem:$0x1FF70] =	vst v63  }
0x92: {  	_ =	swait.ge [sflag:s11], $0x400  }
0x93: {  	[sflag:s11] =	ssyncset.done $0x0  }
0x94: {  	s29 =	rddreg [dreg:$0xb];
	[sflag:s11] =	ssyncadd.s32 $0xFFFFFC00  }
0x95: {  	[spmem:s29] =	stream.linear.scatter [tilespmem:s15], [sflag:$0x5], $0x2000, $0x38;
	[tilespmem:$0x1FF70] =	vst v63  }
0x96: {  	_ =	swait.ge [sflag:s11], $0x2000  }
0x97: {  	[sflag:s11] =	ssyncset.done $0x0  }
0x98: {  	s7 =	rddreg [dreg:$0xc];
	[sflag:s11] =	ssyncadd.s32 $0xFFFFE000  }
0x99: {  	[spmem:s7] =	stream.linear.scatter [tilespmem:s16], [sflag:$0x5], $0x400, $0x38;
	[tilespmem:$0x1FF70] =	vst v63  }
0x9a: {  	_ =	swait.ge [sflag:s11], $0x400  }
0x9b: {  	[sflag:s11] =	ssyncset.done $0x0  }
0x9c: {  	s12 =	rddreg [dreg:$0xd];
	[sflag:s11] =	ssyncadd.s32 $0xFFFFFC00  }
0x9d: {  	[spmem:s12] =	stream.linear.scatter [tilespmem:s15], [sflag:$0x5], $0x2000, $0x38;
	[tilespmem:$0x1FF70] =	vst v63  }
0x9e: {  	_ =	swait.ge [sflag:s11], $0x2000  }
0x9f: {  	[sflag:s11] =	ssyncset.done $0x0  }
0xa0: {  	s13 =	rddreg [dreg:$0xe];
	[sflag:s11] =	ssyncadd.s32 $0xFFFFE000  }
0xa1: {  	[spmem:s13] =	stream.linear.scatter [tilespmem:s16], [sflag:$0x5], $0x400, $0x38;
	[tilespmem:$0x1FF70] =	vst v63  }
0xa2: {  	_ =	swait.ge [sflag:s11], $0x400  }
0xa3: {  	[sflag:s11] =	ssyncset.done $0x0  }
0xa4: {  	s28 =	rddreg [dreg:$0xf];
	[sflag:s11] =	ssyncadd.s32 $0xFFFFFC00  }
0xa5: {  	[spmem:s28] =	stream.linear.scatter [tilespmem:s15], [sflag:$0x5], $0x2000, $0x38;
	[tilespmem:$0x1FF70] =	vst v63  }
0xa6: {  	_ =	swait.ge [sflag:s11], $0x2000  }
0xa7: {  	[sflag:s11] =	ssyncset.done $0x0  }
0xa8: {  	s29 =	rddreg [dreg:$0x10];
	[sflag:s11] =	ssyncadd.s32 $0xFFFFE000  }
0xa9: {  	[spmem:s29] =	stream.linear.scatter [tilespmem:s16], [sflag:$0x5], $0x400, $0x38;
	[tilespmem:$0x1FF70] =	vst v63  }
0xaa: {  	_ =	swait.ge [sflag:s11], $0x400  }
0xab: {  	[sflag:s11] =	ssyncset.done $0x0  }
0xac: {  	s7 =	rddreg [dreg:$0x11];
	[sflag:s11] =	ssyncadd.s32 $0xFFFFFC00  }
0xad: {  	[spmem:s7] =	stream.linear.scatter [tilespmem:s15], [sflag:$0x5], $0x2000, $0x38;
	[tilespmem:$0x1FF70] =	vst v63  }
0xae: {  	_ =	swait.ge [sflag:s11], $0x2000  }
0xaf: {  	[sflag:s11] =	ssyncset.done $0x0  }
0xb0: {  	s12 =	rddreg [dreg:$0x12];
	[sflag:s11] =	ssyncadd.s32 $0xFFFFE000  }
0xb1: {  	[spmem:s12] =	stream.linear.scatter [tilespmem:s16], [sflag:$0x5], $0x400, $0x38;
	[tilespmem:$0x1FF70] =	vst v63  }
0xb2: {  	_ =	swait.ge [sflag:s11], $0x400  }
0xb3: {  	[sflag:s11] =	ssyncset.done $0x0  }
0xb4: {  	s13 =	rddreg [dreg:$0x13];
	[sflag:s11] =	ssyncadd.s32 $0xFFFFFC00  }
0xb5: {  	[spmem:s13] =	stream.linear.scatter [tilespmem:s15], [sflag:$0x5], $0x2000, $0x38;
	[tilespmem:$0x1FF70] =	vst v63  }
0xb6: {  	_ =	swait.ge [sflag:s11], $0x2000  }
0xb7: {  	[sflag:s11] =	ssyncset.done $0x0  }
0xb8: {  	s28 =	rddreg [dreg:$0x14];
	[sflag:s11] =	ssyncadd.s32 $0xFFFFE000  }
0xb9: {  	[spmem:s28] =	stream.linear.scatter [tilespmem:s16], [sflag:$0x5], $0x400, $0x38;
	[tilespmem:$0x1FF70] =	vst v63  }
0xba: {  	_ =	swait.ge [sflag:s11], $0x400  }
0xbb: {  	[sflag:s11] =	ssyncset.done $0x0  }
0xbc: {  	s29 =	rddreg [dreg:$0x15];
	[sflag:s11] =	ssyncadd.s32 $0xFFFFFC00  }
0xbd: {  	[spmem:s29] =	stream.linear.scatter [tilespmem:s15], [sflag:$0x5], $0x2000, $0x38;
	[tilespmem:$0x1FF70] =	vst v63  }
0xbe: {  	_ =	swait.ge [sflag:s11], $0x2000  }
0xbf: {  	[sflag:s11] =	ssyncset.done $0x0  }
0xc0: {  	s7 =	rddreg [dreg:$0x16];
	[sflag:s11] =	ssyncadd.s32 $0xFFFFE000  }
0xc1: {  	[spmem:s7] =	stream.linear.scatter [tilespmem:s16], [sflag:$0x5], $0x400, $0x38;
	[tilespmem:$0x1FF70] =	vst v63  }
0xc2: {  	_ =	swait.ge [sflag:s11], $0x400  }
0xc3: {  	[sflag:s11] =	ssyncset.done $0x0  }
0xc4: {  	s12 =	rddreg [dreg:$0x17];
	[sflag:s11] =	ssyncadd.s32 $0xFFFFFC00  }
0xc5: {  	[spmem:s12] =	stream.linear.scatter [tilespmem:s15], [sflag:$0x5], $0x2000, $0x38;
	[tilespmem:$0x1FF70] =	vst v63  }
0xc6: {  	_ =	swait.ge [sflag:s11], $0x2000  }
0xc7: {  	[sflag:s11] =	ssyncset.done $0x0  }
0xc8: {  	s13 =	rddreg [dreg:$0x18];
	[sflag:s11] =	ssyncadd.s32 $0xFFFFE000  }
0xc9: {  	[spmem:s13] =	stream.linear.scatter [tilespmem:s16], [sflag:$0x5], $0x400, $0x38;
	[tilespmem:$0x1FF70] =	vst v63  }
0xca: {  	_ =	swait.ge [sflag:s11], $0x400  }
0xcb: {  	[sflag:s11] =	ssyncset.done $0x0  }
0xcc: {  	s28 =	rddreg [dreg:$0x19];
	[sflag:s11] =	ssyncadd.s32 $0xFFFFFC00  }
0xcd: {  	[spmem:s28] =	stream.linear.scatter [tilespmem:s15], [sflag:$0x5], $0x2000, $0x38;
	[tilespmem:$0x1FF70] =	vst v63  }
0xce: {  	_ =	swait.ge [sflag:s11], $0x2000  }
0xcf: {  	[sflag:s11] =	ssyncset.done $0x0  }
0xd0: {  	s29 =	rddreg [dreg:$0x1a];
	[sflag:s11] =	ssyncadd.s32 $0xFFFFE000  }
0xd1: {  	[spmem:s29] =	stream.linear.scatter [tilespmem:s16], [sflag:$0x5], $0x400, $0x38;
	[tilespmem:$0x1FF70] =	vst v63  }
0xd2: {  	_ =	swait.ge [sflag:s11], $0x400  }
0xd3: {  	[sflag:s11] =	ssyncset.done $0x0  }
0xd4: {  	[sflag:s11] =	ssyncadd.s32 $0xFFFFFC00  }
0xd5: {  	s31 =	simm.s32 $0x0;
	s0 =	simm.s32 $0x0;
	[bflag:$0x0] =	sbarrier.arrive $0xFFFF  }
.LBB2_4:
0xd6: {  	p0 =	seq.s32 s0, $0x0  }
0xd7: {  	s7 =	simm.s32 @!p0 $0x3  }
0xd8: {  	_ =	swait.ge @!p0 [sflag:s7], $0x2000  }
0xd9: {  	[sflag:s7] =	ssyncset.done @!p0 $0x0  }
0xda: {  	s12 =	sshll.u32 s0, $0x7;
	[sflag:s7] =	ssyncadd.s32 @!p0 $0xFFFFE000  }
0xdb: {  	s13 =	sadd.s32 s10, s12;
	_ =	swait.ge @!p0 [sflag:s7], $0x400  }
0xdc: {  	s13 =	sshrl.u32 s13, $0x3;
	[sflag:s7] =	ssyncset.done @!p0 $0x0  }
0xdd: {  	s29 =	sadd.s32 s5, s13;
	[sflag:s7] =	ssyncadd.s32 @!p0 $0xFFFFFC00  }
0xde: {  	[tilespmem:s17], [sflag:$0x5] =	stream.linear.gather [hbm4b:s29+s4], $0x40, $0x38;
	[tilespmem:$0x1FF70] =	vst v63  }
0xdf: {  	_ =	swait.ge [sflag:s11], $0x40  }
0xe0: {  	[sflag:s11] =	ssyncset.done $0x0  }
0xe1: {  	s13 =	sadd.s32 s6, s13;
	[sflag:s11] =	ssyncadd.s32 $0xFFFFFFC0  }
0xe2: {  	[tilespmem:s18], [sflag:$0x5] =	stream.linear.gather [hbm4b:s13+s4], $0x40, $0x38;
	[tilespmem:$0x1FF70] =	vst v63  }
0xe3: {  	_ =	swait.ge [sflag:s11], $0x40  }
0xe4: {  	[sflag:s11] =	ssyncset.done $0x0  }
0xe5: {  	s7 =	simm.s32 @!p0 $0x4;
	[sflag:s11] =	ssyncadd.s32 $0xFFFFFFC0  }
0xe6: {  	[tilespmem:s15], [sflag:$0x1] =	stream.indirect.gather [hbm4b:s9+s19], $0x80, s17, s19, $0xb8;
	[tilespmem:$0x1FF70] =	vst v63  }
0xe7: {  	_ =	swait.ge @!p0 [sflag:s7], $0x2000  }
0xe8: {  	[sflag:s7] =	ssyncset.done @!p0 $0x0  }
0xe9: {  	[sflag:s7] =	ssyncadd.s32 @!p0 $0xFFFFE000  }
0xea: {  	s12 =	sadd.s32 s12, s8;
	_ =	swait.ge @!p0 [sflag:s7], $0x400  }
0xeb: {  	s12 =	sshrl.u32 s12, $0x3;
	[sflag:s7] =	ssyncset.done @!p0 $0x0  }
0xec: {  	s29 =	sadd.s32 s5, s12;
	[sflag:s7] =	ssyncadd.s32 @!p0 $0xFFFFFC00  }
0xed: {  	[tilespmem:s20], [sflag:$0x5] =	stream.linear.gather [hbm4b:s29+s31], $0x40, $0x38;
	[tilespmem:$0x1FF70] =	vst v63  }
0xee: {  	_ =	swait.ge [sflag:s11], $0x40  }
0xef: {  	[sflag:s11] =	ssyncset.done $0x0  }
0xf0: {  	s12 =	sadd.s32 s6, s12;
	[sflag:s11] =	ssyncadd.s32 $0xFFFFFFC0  }
0xf1: {  	[tilespmem:s21], [sflag:$0x5] =	stream.linear.gather [hbm4b:s12+s31], $0x40, $0x38;
	[tilespmem:$0x1FF70] =	vst v63  }
0xf2: {  	_ =	swait.ge [sflag:s11], $0x40  }
0xf3: {  	[sflag:s11] =	ssyncset.done $0x0  }
0xf4: {  	[sflag:s11] =	ssyncadd.s32 $0xFFFFFFC0  }
0xf5: {  	[tilespmem:s22], [sflag:$0x2] =	stream.indirect.gather [hbm4b:s9+s19], $0x80, s20, s19, $0xb8;
	[tilespmem:$0x1FF70] =	vst v63  }
0xf6: {  	v5 =	vld [tilespmem:$0x4E30]  }
0xf7: {  	v6 =	vld [tilespmem:$0x4E70];
	_ =	sdelay $0x6  }
0xf8: {  	v5 =	vld.idx.msk [tilespmem:v5+s31+$0x0], $0xffff  }
0xf9: {  	v6 =	vld.idx.msk [tilespmem:v6+s14+$0x0], $0xffff;
	_ =	sdelay $0x4  }
0xfa: {  	v5 =	vadd.f32 v6, v5;
	_ =	sdelay $0x1  }
0xfb: {  	v6 =	vmul.f32 $2.000000030e-01, v5  }
0xfc: {  	vm0 =	vge.f32 v5, $0.0e+00  }
0xfd: {  	v5 =	vsel vm0, v5, v6  }
0xfe: {  	v5 =	vmul.f32 $1.442695020e+00, v5;
	_ =	sdelay $0x1  }
0xff: {  	(erf) = vpow2.f32 v5;
	_ =	sdelay $0x8  }
0x100: {  	v5 =	vpop (erf)  }
0x101: {  	[tilespmem:$0x9730] =	vst v5  }
0x102: {  	[tilespmem:v0+s16+$0x0] =	vst.idx.msk $0xffff, v5  }
0x103: {  	v5 =	vld [tilespmem:$0x4E40]  }
0x104: {  	v6 =	vld [tilespmem:$0x4E80];
	_ =	sdelay $0x6  }
0x105: {  	v5 =	vld.idx.msk [tilespmem:v5+s31+$0x0], $0xffff  }
0x106: {  	v6 =	vld.idx.msk [tilespmem:v6+s14+$0x0], $0xffff;
	_ =	sdelay $0x4  }
0x107: {  	v5 =	vadd.f32 v6, v5;
	_ =	sdelay $0x1  }
0x108: {  	v6 =	vmul.f32 $2.000000030e-01, v5  }
0x109: {  	vm13 =	vge.f32 v5, $0.0e+00  }
0x10a: {  	v5 =	vsel vm13, v5, v6  }
0x10b: {  	v5 =	vmul.f32 $1.442695020e+00, v5;
	_ =	sdelay $0x1  }
0x10c: {  	(erf) = vpow2.f32 v5;
	_ =	sdelay $0x8  }
0x10d: {  	v5 =	vpop (erf)  }
0x10e: {  	[tilespmem:$0x9740] =	vst v5  }
0x10f: {  	[tilespmem:v2+s16+$0x0] =	vst.idx.msk $0xffff, v5  }
0x110: {  	v5 =	vld [tilespmem:$0x4E50]  }
0x111: {  	v6 =	vld [tilespmem:$0x4E90];
	_ =	sdelay $0x6  }
0x112: {  	v5 =	vld.idx.msk [tilespmem:v5+s31+$0x0], $0xffff  }
0x113: {  	v6 =	vld.idx.msk [tilespmem:v6+s14+$0x0], $0xffff;
	_ =	sdelay $0x4  }
0x114: {  	v5 =	vadd.f32 v6, v5;
	_ =	sdelay $0x1  }
0x115: {  	v6 =	vmul.f32 $2.000000030e-01, v5  }
0x116: {  	vm14 =	vge.f32 v5, $0.0e+00  }
0x117: {  	v5 =	vsel vm14, v5, v6  }
0x118: {  	v5 =	vmul.f32 $1.442695020e+00, v5;
	_ =	sdelay $0x1  }
0x119: {  	(erf) = vpow2.f32 v5;
	_ =	sdelay $0x8  }
0x11a: {  	v5 =	vpop (erf)  }
0x11b: {  	[tilespmem:$0x9750] =	vst v5  }
0x11c: {  	[tilespmem:v3+s16+$0x0] =	vst.idx.msk $0xffff, v5  }
0x11d: {  	v5 =	vld [tilespmem:$0x4E60]  }
0x11e: {  	v6 =	vld [tilespmem:$0x4EA0];
	_ =	sdelay $0x6  }
0x11f: {  	v5 =	vld.idx.msk [tilespmem:v5+s31+$0x0], $0xffff  }
0x120: {  	v6 =	vld.idx.msk [tilespmem:v6+s14+$0x0], $0xffff;
	_ =	sdelay $0x4  }
0x121: {  	v5 =	vadd.f32 v6, v5;
	_ =	sdelay $0x1  }
0x122: {  	v6 =	vmul.f32 $2.000000030e-01, v5  }
0x123: {  	vm15 =	vge.f32 v5, $0.0e+00  }
0x124: {  	v5 =	vsel vm15, v5, v6  }
0x125: {  	v5 =	vmul.f32 $1.442695020e+00, v5;
	_ =	sdelay $0x1  }
0x126: {  	(erf) = vpow2.f32 v5;
	_ =	sdelay $0x6  }
0x127: {  	s13 =	simm.s32 $0x2;
	v5 =	vmov s31  }
0x128: {  	v6 =	vmov s13;
	v5 =	vand.u32 $0xFFFFFFFC, v5  }
0x129: {  	v6 =	vand.u32 $0xFFFFFFFE, v6;
	v5 =	vbroadcast v5, $0x0;
	v7 =	vpop (erf)  }
0x12a: {  	v6 =	vbroadcast v6, $0x0;
	[tilespmem:$0x9760] =	vst v7  }
0x12b: {  	[tilespmem:v4+s16+$0x0] =	vst.idx.msk $0xffff, v7  }
0x12c: {  	_ =	swait.ge [sflag:s23], $0x2000  }
0x12d: {  	[sflag:s23] =	ssyncset.done $0x0  }
0x12e: {  	[sflag:s23] =	ssyncadd.s32 $0xFFFFE000  }
0x12f: {  	v5 =	vld.idx.msk [tilespmem:v5+s24+$0x0], $0xffff  }
0x130: {  	s7 =	simm.s32 $0x4FB0;
	v6 =	vld.idx.msk [tilespmem:v6+s24+$0x0], $0xffff  }
0x131: {  	s29 =	simm.s32 $0x1;
	v8 =	vld [tilespmem:s7+$0x70]  }
0x132: {  	v7 =	vmov s29;
	v9 =	vld [tilespmem:s7+$0xFFFFFF00]  }
0x133: {  	v7 =	vand.u32 $0xFFFFFFFD, v7;
	v10 =	vld [tilespmem:s7+$0xFFFFFF10]  }
0x134: {  	v7 =	vbroadcast v7, $0x0;
	v11 =	vld [tilespmem:s7+$0xFFFFFF20]  }
0x135: {  	v12 =	vld [tilespmem:s7+$0xFFFFFF30]  }
0x136: {  	v13 =	vld [tilespmem:s7+$0xFFFFFF40]  }
0x137: {  	v14 =	vld [tilespmem:s7+$0xFFFFFF50]  }
0x138: {  	v15 =	vld [tilespmem:s7+$0xFFFFFF60];
	v9 =	vmul.f32 v9, v5  }
0x139: {  	v17 =	vld [tilespmem:s7+$0x40];
	v8 =	vmul.f32 v8, v6  }
0x13a: {  	v7 =	vld.idx.msk [tilespmem:v7+s24+$0x0], $0xffff;
	[tilespmem:s7+$0xFFFFFF00] =	vst v9;
	v9 =	vmul.f32 v10, v5  }
0x13b: {  	v10 =	vld [tilespmem:s7+$0xFFFFFF70];
	[tilespmem:s7+$0x70] =	vst v8;
	v8 =	vmul.f32 v11, v5  }
0x13c: {  	v11 =	vld [tilespmem:s7+$0xFFFFFF80];
	[tilespmem:s7+$0xFFFFFF10] =	vst v9;
	v9 =	vmul.f32 v12, v5  }
0x13d: {  	v12 =	vld [tilespmem:s7+$0xFFFFFF90];
	[tilespmem:s7+$0xFFFFFF20] =	vst v8;
	v8 =	vmul.f32 v13, v5  }
0x13e: {  	v13 =	vld [tilespmem:s7+$0xFFFFFFA0];
	[tilespmem:s7+$0xFFFFFF30] =	vst v9;
	v9 =	vmul.f32 v14, v5  }
0x13f: {  	v14 =	vld [tilespmem:s7+$0xFFFFFFB0];
	[tilespmem:s7+$0xFFFFFF40] =	vst v8;
	v8 =	vmul.f32 v15, v5  }
0x140: {  	v15 =	vld [tilespmem:s7+$0xFFFFFFC0];
	v10 =	vmul.f32 v10, v5;
	[tilespmem:s7+$0xFFFFFF50] =	vst v9  }
0x141: {  	v9 =	vmul.f32 v11, v7;
	v11 =	vld [tilespmem:s7+$0xFFFFFFD0];
	[tilespmem:s7+$0xFFFFFF60] =	vst v8  }
0x142: {  	s13 =	simm.s32 $0x3;
	v8 =	vld [tilespmem:s7+$0xFFFFFFE0];
	v12 =	vmul.f32 v12, v7;
	[tilespmem:s7+$0xFFFFFF70] =	vst v10  }
0x143: {  	v16 =	vmov s13;
	v10 =	vld [tilespmem:s7+$0xFFFFFFF0];
	[tilespmem:s7+$0xFFFFFF80] =	vst v9;
	v9 =	vmul.f32 v13, v7  }
0x144: {  	v13 =	vld [tilespmem:s7+$0x0];
	[tilespmem:s7+$0xFFFFFF90] =	vst v12;
	v12 =	vmul.f32 v14, v7  }
0x145: {  	v14 =	vld [tilespmem:s7+$0x10];
	[tilespmem:s7+$0xFFFFFFA0] =	vst v9;
	v9 =	vmul.f32 v15, v7  }
0x146: {  	[tilespmem:s7+$0xFFFFFFB0] =	vst v12;
	v11 =	vmul.f32 v11, v7;
	v12 =	vld [tilespmem:s7+$0x20]  }
0x147: {  	v15 =	vld [tilespmem:s7+$0x30];
	v8 =	vmul.f32 v8, v7;
	[tilespmem:s7+$0xFFFFFFC0] =	vst v9  }
0x148: {  	v5 =	vld.idx.msk [tilespmem:v16+s24+$0x0], $0xffff;
	v7 =	vmul.f32 v10, v7;
	[tilespmem:s7+$0xFFFFFFD0] =	vst v11  }
0x149: {  	[tilespmem:s7+$0xFFFFFFE0] =	vst v8;
	v9 =	vmul.f32 v13, v6;
	v8 =	vld [tilespmem:s7+$0x50]  }
0x14a: {  	s29 =	simm.s32 $0x4;
	[tilespmem:s7+$0xFFFFFFF0] =	vst v7;
	v10 =	vmul.f32 v14, v6;
	v7 =	vld [tilespmem:s7+$0x60]  }
0x14b: {  	s13 =	simm.s32 $0x7;
	v11 =	vmov s29;
	[tilespmem:s7+$0x0] =	vst v9;
	v13 =	vmul.f32 v12, v6;
	v12 =	vld [tilespmem:s7+$0x80]  }
0x14c: {  	s29 =	simm.s32 $0x5;
	v16 =	vand.u32 $0xFFFFFFFC, v11;
	v11 =	vld [tilespmem:s7+$0x90];
	v9 =	vmov s13;
	v14 =	vmul.f32 v15, v6;
	[tilespmem:s7+$0x10] =	vst v10  }
0x14d: {  	s28 =	simm.s32 $0x6;
	s12 =	simm.s32 $0x4FB0;
	s13 =	simm.s32 $0x8;
	v15 =	vmul.f32 v17, v6;
	v10 =	vbroadcast v16, $0x0;
	v16 =	vmov s29;
	[tilespmem:s7+$0x20] =	vst v13;
	v13 =	vld [tilespmem:s7+$0xA0]  }
.LBB2_5:
0x14e: {  	p0 =	slt.u32 s13, $0x3C;
	v16 =	vand.u32 $0xFFFFFFFD, v16;
	v17 =	vmov s28;
	[tilespmem:s7+$0x30] =	vst v14;
	v8 =	vmul.f32 v8, v6;
	v14 =	vld [tilespmem:s7+$0xB0]  }
0x14f: {  	v16 =	vbroadcast v16, $0x0;
	v17 =	vand.u32 $0xFFFFFFFE, v17;
	[tilespmem:s7+$0x40] =	vst v15;
	v6 =	vmul.f32 v7, v6;
	v7 =	vld [tilespmem:s7+$0xC0]  }
0x150: {  	v15 =	vbroadcast v17, $0x0;
	[tilespmem:s7+$0x50] =	vst v8;
	v8 =	vmul.f32 v12, v5;
	v12 =	vld [tilespmem:s7+$0xD0]  }
0x151: {  	[tilespmem:s7+$0x60] =	vst v6;
	v6 =	vmul.f32 v11, v5;
	v11 =	vld [tilespmem:s7+$0xE0]  }
0x152: {  	[tilespmem:s7+$0x80] =	vst v8;
	v8 =	vmul.f32 v13, v5;
	v13 =	vld [tilespmem:s7+$0xF0]  }
0x153: {  	v9 =	vld.idx.msk [tilespmem:v9+s24+$0x0], $0xffff;
	[tilespmem:s7+$0x90] =	vst v6;
	v6 =	vmul.f32 v14, v5  }
0x154: {  	v10 =	vld.idx.msk [tilespmem:v10+s24+$0x0], $0xffff;
	[tilespmem:s7+$0xA0] =	vst v8;
	v7 =	vmul.f32 v7, v5  }
0x155: {  	v8 =	vld.idx.msk [tilespmem:v16+s24+$0x0], $0xffff;
	[tilespmem:s7+$0xB0] =	vst v6;
	v12 =	vmul.f32 v12, v5  }
0x156: {  	s7 =	sadd.s32 $0x200, s7;
	v6 =	vld.idx.msk [tilespmem:v15+s24+$0x0], $0xffff;
	[tilespmem:s12+$0xC0] =	vst v7;
	v7 =	vmul.f32 v11, v5  }
0x157: {  	v11 =	vld [tilespmem:s7+$0x70];
	[tilespmem:s12+$0xD0] =	vst v12;
	v13 =	vmul.f32 v13, v5  }
0x158: {  	v12 =	vld [tilespmem:s7+$0xFFFFFF00];
	[tilespmem:s12+$0xE0] =	vst v7  }
0x159: {  	v5 =	vmov v9;
	v7 =	vld [tilespmem:s7+$0xFFFFFF10];
	[tilespmem:s12+$0xF0] =	vst v13;
	s12 =	smov.u32 s7  }
0x15a: {  	v9 =	vld [tilespmem:s7+$0xFFFFFF20]  }
0x15b: {  	v13 =	vld [tilespmem:s7+$0xFFFFFF30]  }
0x15c: {  	v14 =	vld [tilespmem:s7+$0xFFFFFF40];
	v11 =	vmul.f32 v11, v6  }
0x15d: {  	v12 =	vmul.f32 v12, v10;
	v15 =	vld [tilespmem:s7+$0xFFFFFF50]  }
0x15e: {  	v7 =	vmul.f32 v7, v10;
	v16 =	vld [tilespmem:s7+$0xFFFFFF60];
	[tilespmem:s7+$0x70] =	vst v11  }
0x15f: {  	[tilespmem:s7+$0xFFFFFF00] =	vst v12;
	v9 =	vmul.f32 v9, v10;
	v11 =	vld [tilespmem:s7+$0xFFFFFF70]  }
0x160: {  	[tilespmem:s7+$0xFFFFFF10] =	vst v7;
	v7 =	vmul.f32 v13, v10;
	v12 =	vld [tilespmem:s7+$0xFFFFFF80]  }
0x161: {  	[tilespmem:s7+$0xFFFFFF20] =	vst v9;
	v9 =	vmul.f32 v14, v10;
	v13 =	vld [tilespmem:s7+$0xFFFFFF90]  }
0x162: {  	[tilespmem:s7+$0xFFFFFF30] =	vst v7;
	v7 =	vmul.f32 v15, v10;
	v14 =	vld [tilespmem:s7+$0xFFFFFFA0]  }
0x163: {  	[tilespmem:s7+$0xFFFFFF40] =	vst v9;
	v9 =	vmul.f32 v16, v10;
	v15 =	vld [tilespmem:s7+$0xFFFFFFB0]  }
0x164: {  	[tilespmem:s7+$0xFFFFFF50] =	vst v7;
	v7 =	vmul.f32 v11, v10;
	v10 =	vld [tilespmem:s7+$0xFFFFFFC0]  }
0x165: {  	[tilespmem:s7+$0xFFFFFF60] =	vst v9;
	v9 =	vmul.f32 v12, v8;
	v11 =	vld [tilespmem:s7+$0xFFFFFFD0]  }
0x166: {  	[tilespmem:s7+$0xFFFFFF70] =	vst v7;
	v7 =	vmul.f32 v13, v8;
	v12 =	vld [tilespmem:s7+$0xFFFFFFE0]  }
0x167: {  	[tilespmem:s7+$0xFFFFFF80] =	vst v9;
	v9 =	vmul.f32 v14, v8;
	v13 =	vld [tilespmem:s7+$0xFFFFFFF0]  }
0x168: {  	[tilespmem:s7+$0xFFFFFF90] =	vst v7;
	v7 =	vmul.f32 v15, v8;
	v14 =	vld [tilespmem:s7+$0x0]  }
0x169: {  	[tilespmem:s7+$0xFFFFFFA0] =	vst v9;
	v9 =	vmul.f32 v10, v8;
	v10 =	vld [tilespmem:s7+$0x10]  }
0x16a: {  	[tilespmem:s7+$0xFFFFFFB0] =	vst v7;
	v7 =	vmul.f32 v11, v8;
	v11 =	vld [tilespmem:s7+$0x20]  }
0x16b: {  	[tilespmem:s7+$0xFFFFFFC0] =	vst v9;
	v9 =	vmul.f32 v12, v8;
	v15 =	vld [tilespmem:s7+$0x30]  }
0x16c: {  	[tilespmem:s7+$0xFFFFFFD0] =	vst v7;
	v7 =	vmul.f32 v13, v8;
	v13 =	vld [tilespmem:s7+$0x40]  }
.Ltmp1:
0x16d: {  	[tilespmem:s7+$0xFFFFFFE0] =	vst v9;
	v9 =	vmul.f32 v14, v6;
	v8 =	vld [tilespmem:s7+$0x50];
	(pc) =	sbr.rel @p0 .LBB2_5-.Ltmp1, $4  }
0x16e: {  	[tilespmem:s7+$0xFFFFFFF0] =	vst v7;
	v10 =	vmul.f32 v10, v6;
	v7 =	vld [tilespmem:s7+$0x60]  }
0x16f: {  	s28 =	sadd.s32 $0x3, s13;
	v14 =	vmov s13;
	[tilespmem:s7+$0x0] =	vst v9;
	v17 =	vmul.f32 v11, v6;
	v12 =	vld [tilespmem:s7+$0x80]  }
0x170: {  	s29 =	sadd.s32 $0x1, s13;
	v16 =	vand.u32 $0xFFFFFFFC, v14;
	v9 =	vmov s28;
	[tilespmem:s7+$0x10] =	vst v10;
	v14 =	vmul.f32 v15, v6;
	v11 =	vld [tilespmem:s7+$0x90]  }
0x171: {  	s28 =	sadd.s32 $0x2, s13;
	s13 =	sadd.s32 $0x4, s13;
	v10 =	vbroadcast v16, $0x0;
	v16 =	vmov s29;
	[tilespmem:s7+$0x20] =	vst v17;
	v15 =	vmul.f32 v13, v6;
	v13 =	vld [tilespmem:s7+$0xA0]  }
0x172: {  	v17 =	vld [tilespmem:s7+$0xB0]  }
0x173: {  	v19 =	vld [tilespmem:s7+$0xC0]  }
0x174: {  	v18 =	vmov s28;
	v20 =	vld [tilespmem:s7+$0xD0]  }
0x175: {  	v21 =	vld [tilespmem:s7+$0xE0];
	[tilespmem:s7+$0x30] =	vst v14;
	v8 =	vmul.f32 v8, v6;
	v18 =	vand.u32 $0xFFFFFFFE, v18  }
0x176: {  	v16 =	vand.u32 $0xFFFFFFFD, v16;
	v9 =	vld.idx.msk [tilespmem:v9+s24+$0x0], $0xffff;
	[tilespmem:s7+$0x40] =	vst v15;
	v6 =	vmul.f32 v7, v6;
	v18 =	vbroadcast v18, $0x0  }
0x177: {  	s13 =	sadd.s32 $0x200, s7;
	v16 =	vbroadcast v16, $0x0;
	v7 =	vld.idx.msk [tilespmem:v10+s24+$0x0], $0xffff;
	v12 =	vmul.f32 v12, v5;
	[tilespmem:s7+$0x50] =	vst v8  }
0x178: {  	v14 =	vld [tilespmem:s13+$0xFFFFFF00];
	v8 =	vmul.f32 v11, v5;
	[tilespmem:s7+$0x60] =	vst v6  }
0x179: {  	[tilespmem:s7+$0x80] =	vst v12;
	v12 =	vld [tilespmem:s7+$0xF0];
	v6 =	vmul.f32 v13, v5  }
0x17a: {  	v15 =	vld [tilespmem:s13+$0xFFFFFF10];
	[tilespmem:s7+$0x90] =	vst v8;
	v8 =	vmul.f32 v17, v5  }
0x17b: {  	v13 =	vld [tilespmem:s13+$0x70];
	[tilespmem:s7+$0xA0] =	vst v6;
	v6 =	vmul.f32 v19, v5  }
0x17c: {  	[tilespmem:s7+$0xB0] =	vst v8;
	v8 =	vmul.f32 v20, v5;
	v11 =	vld.idx.msk [tilespmem:v18+s24+$0x0], $0xffff  }
0x17d: {  	v10 =	vld.idx.msk [tilespmem:v16+s24+$0x0], $0xffff;
	[tilespmem:s12+$0xC0] =	vst v6;
	v6 =	vmul.f32 v21, v5  }
0x17e: {  	v16 =	vld [tilespmem:s13+$0xFFFFFF20];
	[tilespmem:s12+$0xD0] =	vst v8;
	v5 =	vmul.f32 v12, v5  }
0x17f: {  	v8 =	vld [tilespmem:s13+$0xFFFFFF30];
	[tilespmem:s12+$0xE0] =	vst v6  }
0x180: {  	v6 =	vld [tilespmem:s13+$0xFFFFFF40];
	[tilespmem:s12+$0xF0] =	vst v5;
	v5 =	vmul.f32 v14, v7  }
0x181: {  	v12 =	vmul.f32 v13, v11;
	v13 =	vld [tilespmem:s13+$0xFFFFFF50]  }
0x182: {  	v14 =	vmul.f32 v15, v7;
	v15 =	vld [tilespmem:s13+$0xFFFFFF60];
	[tilespmem:s13+$0xFFFFFF00] =	vst v5  }
0x183: {  	v5 =	vmul.f32 v16, v7;
	[tilespmem:s13+$0x70] =	vst v12;
	v12 =	vld [tilespmem:s13+$0xFFFFFF70]  }
0x184: {  	[tilespmem:s13+$0xFFFFFF10] =	vst v14;
	v14 =	vld [tilespmem:s13+$0xFFFFFF80];
	v8 =	vmul.f32 v8, v7  }
0x185: {  	[tilespmem:s13+$0xFFFFFF20] =	vst v5;
	v5 =	vmul.f32 v6, v7;
	v6 =	vld [tilespmem:s13+$0xFFFFFF90]  }
0x186: {  	[tilespmem:s13+$0xFFFFFF30] =	vst v8;
	v8 =	vmul.f32 v13, v7;
	v13 =	vld [tilespmem:s13+$0xFFFFFFA0]  }
0x187: {  	[tilespmem:s13+$0xFFFFFF40] =	vst v5;
	v5 =	vmul.f32 v15, v7;
	v15 =	vld [tilespmem:s13+$0xFFFFFFB0]  }
0x188: {  	[tilespmem:s13+$0xFFFFFF50] =	vst v8;
	v7 =	vmul.f32 v12, v7;
	v8 =	vld [tilespmem:s13+$0xFFFFFFC0]  }
0x189: {  	[tilespmem:s13+$0xFFFFFF60] =	vst v5;
	v5 =	vmul.f32 v14, v10;
	v12 =	vld [tilespmem:s13+$0xFFFFFFD0]  }
0x18a: {  	v6 =	vmul.f32 v6, v10;
	[tilespmem:s13+$0xFFFFFF70] =	vst v7;
	v7 =	vld [tilespmem:s13+$0xFFFFFFE0]  }
0x18b: {  	[tilespmem:s13+$0xFFFFFF80] =	vst v5;
	v5 =	vmul.f32 v13, v10;
	v13 =	vld [tilespmem:s13+$0xFFFFFFF0]  }
0x18c: {  	v14 =	vld [tilespmem:s13+$0x0];
	[tilespmem:s13+$0xFFFFFF90] =	vst v6;
	v6 =	vmul.f32 v15, v10  }
0x18d: {  	[tilespmem:s13+$0xFFFFFFA0] =	vst v5;
	v5 =	vmul.f32 v8, v10;
	v8 =	vld [tilespmem:s13+$0x10]  }
0x18e: {  	[tilespmem:s13+$0xFFFFFFB0] =	vst v6;
	v6 =	vmul.f32 v12, v10;
	v12 =	vld [tilespmem:s13+$0x20]  }
0x18f: {  	[tilespmem:s13+$0xFFFFFFC0] =	vst v5;
	v5 =	vmul.f32 v7, v10;
	v7 =	vld [tilespmem:s13+$0x30]  }
0x190: {  	[tilespmem:s13+$0xFFFFFFD0] =	vst v6;
	v6 =	vmul.f32 v13, v10;
	v10 =	vld [tilespmem:s13+$0x40]  }
0x191: {  	v13 =	vld [tilespmem:s13+$0x50];
	[tilespmem:s13+$0xFFFFFFE0] =	vst v5;
	v5 =	vmul.f32 v14, v11  }
0x192: {  	[tilespmem:s13+$0xFFFFFFF0] =	vst v6;
	v6 =	vmul.f32 v8, v11;
	v8 =	vld [tilespmem:s13+$0x60]  }
0x193: {  	[tilespmem:s13+$0x0] =	vst v5;
	v5 =	vmul.f32 v12, v11;
	v12 =	vld [tilespmem:s13+$0x80]  }
0x194: {  	[tilespmem:s13+$0x10] =	vst v6;
	v6 =	vmul.f32 v7, v11;
	v7 =	vld [tilespmem:s13+$0x90]  }
0x195: {  	[tilespmem:s13+$0x20] =	vst v5;
	v5 =	vmul.f32 v10, v11;
	v10 =	vld [tilespmem:s13+$0xA0]  }
0x196: {  	[tilespmem:s13+$0x30] =	vst v6;
	v6 =	vmul.f32 v13, v11;
	v13 =	vld [tilespmem:s13+$0xB0]  }
0x197: {  	[tilespmem:s13+$0x40] =	vst v5;
	v5 =	vmul.f32 v8, v11;
	v8 =	vld [tilespmem:s13+$0xC0]  }
0x198: {  	v11 =	vld [tilespmem:s13+$0xD0];
	[tilespmem:s13+$0x50] =	vst v6;
	v6 =	vmul.f32 v12, v9  }
0x199: {  	[tilespmem:s13+$0x60] =	vst v5;
	v5 =	vmul.f32 v7, v9;
	v7 =	vld [tilespmem:s13+$0xE0]  }
0x19a: {  	[tilespmem:s13+$0x80] =	vst v6;
	v6 =	vmul.f32 v10, v9;
	v10 =	vld [tilespmem:s13+$0xF0]  }
0x19b: {  	[tilespmem:s13+$0x90] =	vst v5;
	v5 =	vmul.f32 v13, v9  }
0x19c: {  	[tilespmem:s13+$0xA0] =	vst v6;
	v6 =	vmul.f32 v8, v9  }
0x19d: {  	[tilespmem:s13+$0xB0] =	vst v5;
	v5 =	vmul.f32 v11, v9  }
0x19e: {  	[tilespmem:s13+$0xC0] =	vst v6;
	v6 =	vmul.f32 v7, v9  }
0x19f: {  	[tilespmem:s13+$0xD0] =	vst v5;
	v5 =	vmul.f32 v10, v9  }
0x1a0: {  	[tilespmem:s13+$0xE0] =	vst v6  }
0x1a1: {  	[tilespmem:s13+$0xF0] =	vst v5  }
0x1a2: {  	[spmem:s1] =	stream.indirect.scatter.add.f32 [tilespmem:s15], [sflag:$0x3], $0x80, s18, s19, $0xb8;
	[tilespmem:$0x1FF70] =	vst v63  }
0x1a3: {  	_ = 	snop  }
0x1a4: {  	[spmem:s2] =	stream.indirect.scatter.add.f32 [tilespmem:s16], [sflag:$0x3], $0x10, s18, s19, $0xb8;
	[tilespmem:$0x1FF70] =	vst v63  }
0x1a5: {  	v5 =	vld [tilespmem:$0x72B0]  }
0x1a6: {  	v6 =	vld [tilespmem:$0x72F0];
	_ =	sdelay $0x5  }
0x1a7: {  	s12 =	simm.s32 $0x0  }
0x1a8: {  	v5 =	vld.idx.msk [tilespmem:v5+s12+$0x0], $0xffff  }
0x1a9: {  	v6 =	vld.idx.msk [tilespmem:v6+s14+$0x0], $0xffff;
	_ =	sdelay $0x4  }
0x1aa: {  	v5 =	vadd.f32 v6, v5;
	_ =	sdelay $0x1  }
0x1ab: {  	v6 =	vmul.f32 $2.000000030e-01, v5  }
0x1ac: {  	vm0 =	vge.f32 v5, $0.0e+00  }
0x1ad: {  	v5 =	vsel vm0, v5, v6  }
0x1ae: {  	v5 =	vmul.f32 $1.442695020e+00, v5;
	_ =	sdelay $0x1  }
0x1af: {  	(erf) = vpow2.f32 v5;
	_ =	sdelay $0x8  }
0x1b0: {  	v5 =	vpop (erf)  }
0x1b1: {  	[tilespmem:$0x9730] =	vst v5  }
0x1b2: {  	[tilespmem:v0+s25+$0x0] =	vst.idx.msk $0xffff, v5  }
0x1b3: {  	v5 =	vld [tilespmem:$0x72C0]  }
0x1b4: {  	v6 =	vld [tilespmem:$0x7300];
	_ =	sdelay $0x6  }
0x1b5: {  	v5 =	vld.idx.msk [tilespmem:v5+s12+$0x0], $0xffff  }
0x1b6: {  	v6 =	vld.idx.msk [tilespmem:v6+s14+$0x0], $0xffff;
	_ =	sdelay $0x4  }
0x1b7: {  	v5 =	vadd.f32 v6, v5;
	_ =	sdelay $0x1  }
0x1b8: {  	v6 =	vmul.f32 $2.000000030e-01, v5  }
0x1b9: {  	vm13 =	vge.f32 v5, $0.0e+00  }
0x1ba: {  	v5 =	vsel vm13, v5, v6  }
0x1bb: {  	v5 =	vmul.f32 $1.442695020e+00, v5;
	_ =	sdelay $0x1  }
0x1bc: {  	(erf) = vpow2.f32 v5;
	_ =	sdelay $0x8  }
0x1bd: {  	v5 =	vpop (erf)  }
0x1be: {  	[tilespmem:$0x9740] =	vst v5  }
0x1bf: {  	[tilespmem:v2+s25+$0x0] =	vst.idx.msk $0xffff, v5  }
0x1c0: {  	v5 =	vld [tilespmem:$0x72D0]  }
0x1c1: {  	v6 =	vld [tilespmem:$0x7310];
	_ =	sdelay $0x6  }
0x1c2: {  	v5 =	vld.idx.msk [tilespmem:v5+s12+$0x0], $0xffff  }
0x1c3: {  	v6 =	vld.idx.msk [tilespmem:v6+s14+$0x0], $0xffff;
	_ =	sdelay $0x4  }
0x1c4: {  	v5 =	vadd.f32 v6, v5;
	_ =	sdelay $0x1  }
0x1c5: {  	v6 =	vmul.f32 $2.000000030e-01, v5  }
0x1c6: {  	vm14 =	vge.f32 v5, $0.0e+00  }
0x1c7: {  	v5 =	vsel vm14, v5, v6  }
0x1c8: {  	v5 =	vmul.f32 $1.442695020e+00, v5;
	_ =	sdelay $0x1  }
0x1c9: {  	(erf) = vpow2.f32 v5;
	_ =	sdelay $0x8  }
0x1ca: {  	v5 =	vpop (erf)  }
0x1cb: {  	[tilespmem:$0x9750] =	vst v5  }
0x1cc: {  	[tilespmem:v3+s25+$0x0] =	vst.idx.msk $0xffff, v5  }
0x1cd: {  	v5 =	vld [tilespmem:$0x72E0]  }
0x1ce: {  	v6 =	vld [tilespmem:$0x7320];
	_ =	sdelay $0x6  }
0x1cf: {  	v5 =	vld.idx.msk [tilespmem:v5+s12+$0x0], $0xffff  }
0x1d0: {  	v6 =	vld.idx.msk [tilespmem:v6+s14+$0x0], $0xffff;
	_ =	sdelay $0x4  }
0x1d1: {  	v5 =	vadd.f32 v6, v5;
	_ =	sdelay $0x1  }
0x1d2: {  	v6 =	vmul.f32 $2.000000030e-01, v5  }
0x1d3: {  	vm15 =	vge.f32 v5, $0.0e+00  }
0x1d4: {  	v5 =	vsel vm15, v5, v6  }
0x1d5: {  	v5 =	vmul.f32 $1.442695020e+00, v5;
	_ =	sdelay $0x1  }
0x1d6: {  	(erf) = vpow2.f32 v5;
	_ =	sdelay $0x6  }
0x1d7: {  	s13 =	simm.s32 $0x2;
	v5 =	vmov s12  }
0x1d8: {  	v6 =	vmov s13;
	v5 =	vand.u32 $0xFFFFFFFC, v5  }
0x1d9: {  	v6 =	vand.u32 $0xFFFFFFFE, v6;
	v5 =	vbroadcast v5, $0x0;
	v7 =	vpop (erf)  }
0x1da: {  	v6 =	vbroadcast v6, $0x0;
	[tilespmem:$0x9760] =	vst v7  }
0x1db: {  	[tilespmem:v4+s25+$0x0] =	vst.idx.msk $0xffff, v7  }
0x1dc: {  	_ =	swait.ge [sflag:s26], $0x2000  }
0x1dd: {  	[sflag:s26] =	ssyncset.done $0x0  }
0x1de: {  	[sflag:s26] =	ssyncadd.s32 $0xFFFFE000  }
0x1df: {  	v5 =	vld.idx.msk [tilespmem:v5+s24+$0x0], $0xffff  }
0x1e0: {  	s7 =	simm.s32 $0x7430;
	v6 =	vld.idx.msk [tilespmem:v6+s24+$0x0], $0xffff  }
0x1e1: {  	s29 =	simm.s32 $0x1;
	v8 =	vld [tilespmem:s7+$0x70]  }
0x1e2: {  	v7 =	vmov s29;
	v9 =	vld [tilespmem:s7+$0xFFFFFF00]  }
0x1e3: {  	v7 =	vand.u32 $0xFFFFFFFD, v7;
	v10 =	vld [tilespmem:s7+$0xFFFFFF10]  }
0x1e4: {  	v7 =	vbroadcast v7, $0x0;
	v11 =	vld [tilespmem:s7+$0xFFFFFF20]  }
0x1e5: {  	v12 =	vld [tilespmem:s7+$0xFFFFFF30]  }
0x1e6: {  	v13 =	vld [tilespmem:s7+$0xFFFFFF40]  }
0x1e7: {  	v14 =	vld [tilespmem:s7+$0xFFFFFF50]  }
0x1e8: {  	v15 =	vld [tilespmem:s7+$0xFFFFFF60];
	v9 =	vmul.f32 v9, v5  }
0x1e9: {  	v17 =	vld [tilespmem:s7+$0x40];
	v8 =	vmul.f32 v8, v6  }
0x1ea: {  	v7 =	vld.idx.msk [tilespmem:v7+s24+$0x0], $0xffff;
	[tilespmem:s7+$0xFFFFFF00] =	vst v9;
	v9 =	vmul.f32 v10, v5  }
0x1eb: {  	v10 =	vld [tilespmem:s7+$0xFFFFFF70];
	[tilespmem:s7+$0x70] =	vst v8;
	v8 =	vmul.f32 v11, v5  }
0x1ec: {  	v11 =	vld [tilespmem:s7+$0xFFFFFF80];
	[tilespmem:s7+$0xFFFFFF10] =	vst v9;
	v9 =	vmul.f32 v12, v5  }
0x1ed: {  	v12 =	vld [tilespmem:s7+$0xFFFFFF90];
	[tilespmem:s7+$0xFFFFFF20] =	vst v8;
	v8 =	vmul.f32 v13, v5  }
0x1ee: {  	v13 =	vld [tilespmem:s7+$0xFFFFFFA0];
	[tilespmem:s7+$0xFFFFFF30] =	vst v9;
	v9 =	vmul.f32 v14, v5  }
0x1ef: {  	v14 =	vld [tilespmem:s7+$0xFFFFFFB0];
	[tilespmem:s7+$0xFFFFFF40] =	vst v8;
	v8 =	vmul.f32 v15, v5  }
0x1f0: {  	v15 =	vld [tilespmem:s7+$0xFFFFFFC0];
	v10 =	vmul.f32 v10, v5;
	[tilespmem:s7+$0xFFFFFF50] =	vst v9  }
0x1f1: {  	v9 =	vmul.f32 v11, v7;
	v11 =	vld [tilespmem:s7+$0xFFFFFFD0];
	[tilespmem:s7+$0xFFFFFF60] =	vst v8  }
0x1f2: {  	s13 =	simm.s32 $0x3;
	v8 =	vld [tilespmem:s7+$0xFFFFFFE0];
	v12 =	vmul.f32 v12, v7;
	[tilespmem:s7+$0xFFFFFF70] =	vst v10  }
0x1f3: {  	v16 =	vmov s13;
	v10 =	vld [tilespmem:s7+$0xFFFFFFF0];
	[tilespmem:s7+$0xFFFFFF80] =	vst v9;
	v9 =	vmul.f32 v13, v7  }
0x1f4: {  	v13 =	vld [tilespmem:s7+$0x0];
	[tilespmem:s7+$0xFFFFFF90] =	vst v12;
	v12 =	vmul.f32 v14, v7  }
0x1f5: {  	v14 =	vld [tilespmem:s7+$0x10];
	[tilespmem:s7+$0xFFFFFFA0] =	vst v9;
	v9 =	vmul.f32 v15, v7  }
0x1f6: {  	[tilespmem:s7+$0xFFFFFFB0] =	vst v12;
	v11 =	vmul.f32 v11, v7;
	v12 =	vld [tilespmem:s7+$0x20]  }
0x1f7: {  	v15 =	vld [tilespmem:s7+$0x30];
	v8 =	vmul.f32 v8, v7;
	[tilespmem:s7+$0xFFFFFFC0] =	vst v9  }
0x1f8: {  	v5 =	vld.idx.msk [tilespmem:v16+s24+$0x0], $0xffff;
	v7 =	vmul.f32 v10, v7;
	[tilespmem:s7+$0xFFFFFFD0] =	vst v11  }
0x1f9: {  	[tilespmem:s7+$0xFFFFFFE0] =	vst v8;
	v9 =	vmul.f32 v13, v6;
	v8 =	vld [tilespmem:s7+$0x50]  }
0x1fa: {  	s29 =	simm.s32 $0x4;
	[tilespmem:s7+$0xFFFFFFF0] =	vst v7;
	v10 =	vmul.f32 v14, v6;
	v7 =	vld [tilespmem:s7+$0x60]  }
0x1fb: {  	s13 =	simm.s32 $0x7;
	v11 =	vmov s29;
	[tilespmem:s7+$0x0] =	vst v9;
	v13 =	vmul.f32 v12, v6;
	v12 =	vld [tilespmem:s7+$0x80]  }
0x1fc: {  	s29 =	simm.s32 $0x5;
	v16 =	vand.u32 $0xFFFFFFFC, v11;
	v11 =	vld [tilespmem:s7+$0x90];
	v9 =	vmov s13;
	v14 =	vmul.f32 v15, v6;
	[tilespmem:s7+$0x10] =	vst v10  }
0x1fd: {  	s28 =	simm.s32 $0x6;
	s12 =	simm.s32 $0x7430;
	s13 =	simm.s32 $0x8;
	v15 =	vmul.f32 v17, v6;
	v10 =	vbroadcast v16, $0x0;
	v16 =	vmov s29;
	[tilespmem:s7+$0x20] =	vst v13;
	v13 =	vld [tilespmem:s7+$0xA0]  }
.LBB2_7:
0x1fe: {  	p0 =	slt.u32 s13, $0x3C;
	v16 =	vand.u32 $0xFFFFFFFD, v16;
	v17 =	vmov s28;
	[tilespmem:s7+$0x30] =	vst v14;
	v8 =	vmul.f32 v8, v6;
	v14 =	vld [tilespmem:s7+$0xB0]  }
0x1ff: {  	v16 =	vbroadcast v16, $0x0;
	v17 =	vand.u32 $0xFFFFFFFE, v17;
	[tilespmem:s7+$0x40] =	vst v15;
	v6 =	vmul.f32 v7, v6;
	v7 =	vld [tilespmem:s7+$0xC0]  }
0x200: {  	v15 =	vbroadcast v17, $0x0;
	[tilespmem:s7+$0x50] =	vst v8;
	v8 =	vmul.f32 v12, v5;
	v12 =	vld [tilespmem:s7+$0xD0]  }
0x201: {  	[tilespmem:s7+$0x60] =	vst v6;
	v6 =	vmul.f32 v11, v5;
	v11 =	vld [tilespmem:s7+$0xE0]  }
0x202: {  	[tilespmem:s7+$0x80] =	vst v8;
	v8 =	vmul.f32 v13, v5;
	v13 =	vld [tilespmem:s7+$0xF0]  }
0x203: {  	v9 =	vld.idx.msk [tilespmem:v9+s24+$0x0], $0xffff;
	[tilespmem:s7+$0x90] =	vst v6;
	v6 =	vmul.f32 v14, v5  }
0x204: {  	v10 =	vld.idx.msk [tilespmem:v10+s24+$0x0], $0xffff;
	[tilespmem:s7+$0xA0] =	vst v8;
	v7 =	vmul.f32 v7, v5  }
0x205: {  	v8 =	vld.idx.msk [tilespmem:v16+s24+$0x0], $0xffff;
	[tilespmem:s7+$0xB0] =	vst v6;
	v12 =	vmul.f32 v12, v5  }
0x206: {  	s7 =	sadd.s32 $0x200, s7;
	v6 =	vld.idx.msk [tilespmem:v15+s24+$0x0], $0xffff;
	[tilespmem:s12+$0xC0] =	vst v7;
	v7 =	vmul.f32 v11, v5  }
0x207: {  	v11 =	vld [tilespmem:s7+$0x70];
	[tilespmem:s12+$0xD0] =	vst v12;
	v13 =	vmul.f32 v13, v5  }
0x208: {  	v12 =	vld [tilespmem:s7+$0xFFFFFF00];
	[tilespmem:s12+$0xE0] =	vst v7  }
0x209: {  	v5 =	vmov v9;
	v7 =	vld [tilespmem:s7+$0xFFFFFF10];
	[tilespmem:s12+$0xF0] =	vst v13;
	s12 =	smov.u32 s7  }
0x20a: {  	v9 =	vld [tilespmem:s7+$0xFFFFFF20]  }
0x20b: {  	v13 =	vld [tilespmem:s7+$0xFFFFFF30]  }
0x20c: {  	v14 =	vld [tilespmem:s7+$0xFFFFFF40];
	v11 =	vmul.f32 v11, v6  }
0x20d: {  	v12 =	vmul.f32 v12, v10;
	v15 =	vld [tilespmem:s7+$0xFFFFFF50]  }
0x20e: {  	v7 =	vmul.f32 v7, v10;
	v16 =	vld [tilespmem:s7+$0xFFFFFF60];
	[tilespmem:s7+$0x70] =	vst v11  }
0x20f: {  	[tilespmem:s7+$0xFFFFFF00] =	vst v12;
	v9 =	vmul.f32 v9, v10;
	v11 =	vld [tilespmem:s7+$0xFFFFFF70]  }
0x210: {  	[tilespmem:s7+$0xFFFFFF10] =	vst v7;
	v7 =	vmul.f32 v13, v10;
	v12 =	vld [tilespmem:s7+$0xFFFFFF80]  }
0x211: {  	[tilespmem:s7+$0xFFFFFF20] =	vst v9;
	v9 =	vmul.f32 v14, v10;
	v13 =	vld [tilespmem:s7+$0xFFFFFF90]  }
0x212: {  	[tilespmem:s7+$0xFFFFFF30] =	vst v7;
	v7 =	vmul.f32 v15, v10;
	v14 =	vld [tilespmem:s7+$0xFFFFFFA0]  }
0x213: {  	[tilespmem:s7+$0xFFFFFF40] =	vst v9;
	v9 =	vmul.f32 v16, v10;
	v15 =	vld [tilespmem:s7+$0xFFFFFFB0]  }
0x214: {  	[tilespmem:s7+$0xFFFFFF50] =	vst v7;
	v7 =	vmul.f32 v11, v10;
	v10 =	vld [tilespmem:s7+$0xFFFFFFC0]  }
0x215: {  	[tilespmem:s7+$0xFFFFFF60] =	vst v9;
	v9 =	vmul.f32 v12, v8;
	v11 =	vld [tilespmem:s7+$0xFFFFFFD0]  }
0x216: {  	[tilespmem:s7+$0xFFFFFF70] =	vst v7;
	v7 =	vmul.f32 v13, v8;
	v12 =	vld [tilespmem:s7+$0xFFFFFFE0]  }
0x217: {  	[tilespmem:s7+$0xFFFFFF80] =	vst v9;
	v9 =	vmul.f32 v14, v8;
	v13 =	vld [tilespmem:s7+$0xFFFFFFF0]  }
0x218: {  	[tilespmem:s7+$0xFFFFFF90] =	vst v7;
	v7 =	vmul.f32 v15, v8;
	v14 =	vld [tilespmem:s7+$0x0]  }
0x219: {  	[tilespmem:s7+$0xFFFFFFA0] =	vst v9;
	v9 =	vmul.f32 v10, v8;
	v10 =	vld [tilespmem:s7+$0x10]  }
0x21a: {  	[tilespmem:s7+$0xFFFFFFB0] =	vst v7;
	v7 =	vmul.f32 v11, v8;
	v11 =	vld [tilespmem:s7+$0x20]  }
0x21b: {  	[tilespmem:s7+$0xFFFFFFC0] =	vst v9;
	v9 =	vmul.f32 v12, v8;
	v15 =	vld [tilespmem:s7+$0x30]  }
0x21c: {  	[tilespmem:s7+$0xFFFFFFD0] =	vst v7;
	v7 =	vmul.f32 v13, v8;
	v13 =	vld [tilespmem:s7+$0x40]  }
.Ltmp2:
0x21d: {  	[tilespmem:s7+$0xFFFFFFE0] =	vst v9;
	v9 =	vmul.f32 v14, v6;
	v8 =	vld [tilespmem:s7+$0x50];
	(pc) =	sbr.rel @p0 .LBB2_7-.Ltmp2, $4  }
0x21e: {  	[tilespmem:s7+$0xFFFFFFF0] =	vst v7;
	v10 =	vmul.f32 v10, v6;
	v7 =	vld [tilespmem:s7+$0x60]  }
0x21f: {  	s28 =	sadd.s32 $0x3, s13;
	v14 =	vmov s13;
	[tilespmem:s7+$0x0] =	vst v9;
	v17 =	vmul.f32 v11, v6;
	v12 =	vld [tilespmem:s7+$0x80]  }
0x220: {  	s29 =	sadd.s32 $0x1, s13;
	v16 =	vand.u32 $0xFFFFFFFC, v14;
	v9 =	vmov s28;
	[tilespmem:s7+$0x10] =	vst v10;
	v14 =	vmul.f32 v15, v6;
	v11 =	vld [tilespmem:s7+$0x90]  }
0x221: {  	s28 =	sadd.s32 $0x2, s13;
	s13 =	sadd.s32 $0x4, s13;
	v10 =	vbroadcast v16, $0x0;
	v16 =	vmov s29;
	[tilespmem:s7+$0x20] =	vst v17;
	v15 =	vmul.f32 v13, v6;
	v13 =	vld [tilespmem:s7+$0xA0]  }
0x222: {  	v17 =	vld [tilespmem:s7+$0xB0]  }
0x223: {  	v19 =	vld [tilespmem:s7+$0xC0]  }
0x224: {  	v20 =	vld [tilespmem:s7+$0xD0]  }
0x225: {  	v21 =	vld [tilespmem:s7+$0xE0]  }
0x226: {  	v29 =	vld [tilespmem:s7+$0xF0];
	[tilespmem:s7+$0x30] =	vst v14;
	v8 =	vmul.f32 v8, v6  }
0x227: {  	v9 =	vld.idx.msk [tilespmem:v9+s24+$0x0], $0xffff;
	[tilespmem:s7+$0x40] =	vst v15;
	v6 =	vmul.f32 v7, v6  }
0x228: {  	s13 =	sadd.s32 $0x200, s7;
	v7 =	vld.idx.msk [tilespmem:v10+s24+$0x0], $0xffff;
	v12 =	vmul.f32 v12, v5;
	[tilespmem:s7+$0x50] =	vst v8  }
0x229: {  	v18 =	vmov s28;
	v34 =	vld [tilespmem:s13+$0x70];
	v30 =	vmul.f32 v11, v5;
	[tilespmem:s7+$0x60] =	vst v6  }
0x22a: {  	v18 =	vand.u32 $0xFFFFFFFE, v18;
	v35 =	vld [tilespmem:s13+$0xFFFFFF00];
	[tilespmem:s7+$0x80] =	vst v12;
	v6 =	vmul.f32 v13, v5  }
0x22b: {  	v37 =	vld [tilespmem:s13+$0xFFFFFF10];
	v18 =	vbroadcast v18, $0x0;
	[tilespmem:s7+$0x90] =	vst v30;
	v33 =	vmul.f32 v17, v5  }
0x22c: {  	v38 =	vld [tilespmem:s13+$0xFFFFFF20];
	[tilespmem:s7+$0xA0] =	vst v6;
	v6 =	vmul.f32 v19, v5  }
0x22d: {  	v16 =	vand.u32 $0xFFFFFFFD, v16;
	v39 =	vld [tilespmem:s13+$0xFFFFFF30];
	v36 =	vmul.f32 v20, v5;
	[tilespmem:s7+$0xB0] =	vst v33  }
0x22e: {  	v16 =	vbroadcast v16, $0x0;
	v41 =	vld [tilespmem:s13+$0xFFFFFF50];
	[tilespmem:s12+$0xC0] =	vst v6;
	v6 =	vmul.f32 v21, v5  }
0x22f: {  	v43 =	vld [tilespmem:s13+$0xFFFFFF60];
	[tilespmem:s12+$0xD0] =	vst v36;
	v5 =	vmul.f32 v29, v5  }
0x230: {  	v42 =	vmul.f32 v37, v7;
	[tilespmem:s12+$0xE0] =	vst v6;
	v6 =	vld [tilespmem:s13+$0xFFFFFF40]  }
0x231: {  	v32 =	vld.idx.msk [tilespmem:v18+s24+$0x0], $0xffff;
	[tilespmem:s12+$0xF0] =	vst v5;
	v5 =	vmul.f32 v35, v7  }
0x232: {  	v44 =	vld [tilespmem:s13+$0xFFFFFF70];
	v8 =	vmul.f32 v39, v7;
	[tilespmem:s13+$0xFFFFFF10] =	vst v42  }
0x233: {  	v45 =	vld [tilespmem:s13+$0xFFFFFF80];
	[tilespmem:s13+$0xFFFFFF00] =	vst v5;
	v5 =	vmul.f32 v38, v7  }
0x234: {  	v46 =	vmul.f32 v41, v7;
	v31 =	vld.idx.msk [tilespmem:v16+s24+$0x0], $0xffff;
	[tilespmem:s13+$0xFFFFFF30] =	vst v8  }
0x235: {  	[tilespmem:s13+$0xFFFFFF20] =	vst v5;
	v5 =	vmul.f32 v6, v7;
	v6 =	vld [tilespmem:s13+$0xFFFFFF90]  }
0x236: {  	v47 =	vld [tilespmem:s13+$0xFFFFFFA0];
	[tilespmem:s13+$0xFFFFFF50] =	vst v46;
	v40 =	vmul.f32 v34, v32  }
0x237: {  	v48 =	vld [tilespmem:s13+$0xFFFFFFB0];
	[tilespmem:s13+$0xFFFFFF40] =	vst v5;
	v5 =	vmul.f32 v43, v7  }
0x238: {  	v49 =	vld [tilespmem:s13+$0xFFFFFFC0];
	[tilespmem:s13+$0x70] =	vst v40;
	v7 =	vmul.f32 v44, v7  }
0x239: {  	v50 =	vld [tilespmem:s13+$0xFFFFFFD0];
	[tilespmem:s13+$0xFFFFFF60] =	vst v5;
	v5 =	vmul.f32 v45, v31  }
0x23a: {  	[tilespmem:s13+$0xFFFFFF70] =	vst v7;
	v7 =	vld [tilespmem:s13+$0xFFFFFFE0];
	v6 =	vmul.f32 v6, v31  }
0x23b: {  	v51 =	vld [tilespmem:s13+$0xFFFFFFF0];
	[tilespmem:s13+$0xFFFFFF80] =	vst v5;
	v5 =	vmul.f32 v47, v31  }
0x23c: {  	v52 =	vld [tilespmem:s13+$0x0];
	[tilespmem:s13+$0xFFFFFF90] =	vst v6;
	v6 =	vmul.f32 v48, v31  }
0x23d: {  	v53 =	vld [tilespmem:s13+$0x10];
	[tilespmem:s13+$0xFFFFFFA0] =	vst v5;
	v5 =	vmul.f32 v49, v31  }
0x23e: {  	v54 =	vld [tilespmem:s13+$0x20];
	[tilespmem:s13+$0xFFFFFFB0] =	vst v6;
	v6 =	vmul.f32 v50, v31  }
0x23f: {  	[tilespmem:s13+$0xFFFFFFC0] =	vst v5;
	v5 =	vmul.f32 v7, v31;
	v7 =	vld [tilespmem:s13+$0x30]  }
0x240: {  	v55 =	vld [tilespmem:s13+$0x40];
	[tilespmem:s13+$0xFFFFFFD0] =	vst v6;
	v6 =	vmul.f32 v51, v31  }
0x241: {  	v56 =	vld [tilespmem:s13+$0x50];
	[tilespmem:s13+$0xFFFFFFE0] =	vst v5;
	v5 =	vmul.f32 v52, v32  }
0x242: {  	v57 =	vld [tilespmem:s13+$0x60];
	[tilespmem:s13+$0xFFFFFFF0] =	vst v6;
	v6 =	vmul.f32 v53, v32  }
0x243: {  	v58 =	vld [tilespmem:s13+$0x80];
	[tilespmem:s13+$0x0] =	vst v5;
	v5 =	vmul.f32 v54, v32  }
0x244: {  	[tilespmem:s13+$0x10] =	vst v6;
	v6 =	vmul.f32 v7, v32;
	v7 =	vld [tilespmem:s13+$0x90]  }
0x245: {  	v59 =	vld [tilespmem:s13+$0xA0];
	[tilespmem:s13+$0x20] =	vst v5;
	v5 =	vmul.f32 v55, v32  }
0x246: {  	v60 =	vld [tilespmem:s13+$0xB0];
	[tilespmem:s13+$0x30] =	vst v6;
	v6 =	vmul.f32 v56, v32  }
0x247: {  	v61 =	vld [tilespmem:s13+$0xC0];
	[tilespmem:s13+$0x40] =	vst v5;
	v5 =	vmul.f32 v57, v32  }
0x248: {  	v62 =	vld [tilespmem:s13+$0xD0];
	[tilespmem:s13+$0x50] =	vst v6;
	v6 =	vmul.f32 v58, v9  }
0x249: {  	[tilespmem:s13+$0x60] =	vst v5;
	v5 =	vmul.f32 v7, v9;
	v7 =	vld [tilespmem:s13+$0xE0]  }
0x24a: {  	v63 =	vld [tilespmem:s13+$0xF0];
	[tilespmem:s13+$0x80] =	vst v6;
	v6 =	vmul.f32 v59, v9  }
0x24b: {  	[tilespmem:s13+$0x90] =	vst v5;
	v5 =	vmul.f32 v60, v9  }
0x24c: {  	[tilespmem:s13+$0xA0] =	vst v6;
	v6 =	vmul.f32 v61, v9  }
0x24d: {  	[tilespmem:s13+$0xB0] =	vst v5;
	v5 =	vmul.f32 v62, v9  }
0x24e: {  	s0 =	sadd.s32 $0x1, s0;
	[tilespmem:s13+$0xC0] =	vst v6;
	v6 =	vmul.f32 v7, v9  }
0x24f: {  	p0 =	sne.s32 s0, $0x51;
	[tilespmem:s13+$0xD0] =	vst v5;
	v5 =	vmul.f32 v63, v9  }
.Ltmp3:
0x250: {  	[tilespmem:s13+$0xE0] =	vst v6;
	(pc) =	sbr.rel @p0 .LBB2_4-.Ltmp3, $4  }
0x251: {  	[tilespmem:s13+$0xF0] =	vst v5  }
0x252: {  	[spmem:s1] =	stream.indirect.scatter.add.f32 [tilespmem:s22], [sflag:$0x4], $0x80, s21, s19, $0xb8;
	[tilespmem:$0x1FF70] =	vst v63  }
0x253: {  	_ = 	snop  }
0x254: {  	[spmem:s2] =	stream.indirect.scatter.add.f32 [tilespmem:s25], [sflag:$0x4], $0x10, s21, s19, $0xb8;
	[tilespmem:$0x1FF70] =	vst v63  }
0x255: {  	s0 =	simm.s32 $0x3  }
0x256: {  	_ =	swait.ge [sflag:s0], $0x2000  }
0x257: {  	[sflag:s0] =	ssyncset.done $0x0  }
0x258: {  	[sflag:s0] =	ssyncadd.s32 $0xFFFFE000  }
0x259: {  	_ =	swait.ge [sflag:s0], $0x400  }
0x25a: {  	[sflag:s0] =	ssyncset.done $0x0  }
0x25b: {  	s13 =	simm.s32 $0x4;
	[sflag:s0] =	ssyncadd.s32 $0xFFFFFC00  }
0x25c: {  	_ =	swait.ge [sflag:s13], $0x2000  }
0x25d: {  	[sflag:s13] =	ssyncset.done $0x0  }
0x25e: {  	[sflag:s13] =	ssyncadd.s32 $0xFFFFE000  }
0x25f: {  	_ =	swait.ge [sflag:s13], $0x400  }
0x260: {  	[sflag:s13] =	ssyncset.done $0x0  }
0x261: {  	[sflag:s13] =	ssyncadd.s32 $0xFFFFFC00  }
0x262: {  	[bflag:$0x0] =	sbarrier.arrive $0xFFFF  }
0x263: {  	s29 =	rddreg [dreg:$0x7]  }
0x264: {  	[tilespmem:s15], [sflag:$0x5] =	stream.linear.gather [spmem:s29], $0x2000, $0x38;
	[tilespmem:$0x1FF70] =	vst v63  }
0x265: {  	_ =	swait.ge [sflag:s11], $0x2000  }
0x266: {  	[sflag:s11] =	ssyncset.done $0x0  }
0x267: {  	s7 =	rddreg [dreg:$0x1b];
	[sflag:s11] =	ssyncadd.s32 $0xFFFFE000  }
0x268: {  	[hbm4b:s7+s4] =	stream.linear.scatter [tilespmem:s15], [sflag:$0x5], $0x2000, $0x38;
	[tilespmem:$0x1FF70] =	vst v63  }
0x269: {  	_ =	swait.ge [sflag:s11], $0x2000  }
0x26a: {  	[sflag:s11] =	ssyncset.done $0x0  }
0x26b: {  	s31 =	rddreg [dreg:$0x8];
	[sflag:s11] =	ssyncadd.s32 $0xFFFFE000  }
0x26c: {  	[tilespmem:s16], [sflag:$0x5] =	stream.linear.gather [spmem:s31], $0x400, $0x38;
	[tilespmem:$0x1FF70] =	vst v63  }
0x26d: {  	_ =	swait.ge [sflag:s11], $0x400  }
0x26e: {  	[sflag:s11] =	ssyncset.done $0x0  }
0x26f: {  	s28 =	sadd.s32 $0x0, s3;
	[sflag:s11] =	ssyncadd.s32 $0xFFFFFC00  }
0x270: {  	[hbm4b:s28+s4] =	stream.linear.scatter [tilespmem:s16], [sflag:$0x5], $0x400, $0x38;
	[tilespmem:$0x1FF70] =	vst v63  }
0x271: {  	s0 =	simm.s32 $0x80;
	s13 =	smov.u32 s29;
	_ =	swait.ge [sflag:s11], $0x400  }
0x272: {  	s7 =	sadd.s32 $0x400, s7;
	s12 =	smov.u32 s31;
	[sflag:s11] =	ssyncset.done $0x0  }
.LBB2_10:
0x273: {  	[sflag:s11] =	ssyncadd.s32 $0xFFFFFC00  }
0x274: {  	s12 =	sadd.s32 $0x400, s12;
	s13 =	sadd.s32 $0x2000, s13;
	s28 =	smov.u32 s0  }
0x275: {  	[tilespmem:s15], [sflag:$0x5] =	stream.linear.gather [spmem:s13], $0x2000, $0x38;
	[tilespmem:$0x1FF70] =	vst v63  }
0x276: {  	p0 =	sne.s32 s0, $0x480;
	s0 =	sadd.s32 $0x80, s0;
	_ =	swait.ge [sflag:s11], $0x2000  }
0x277: {  	[sflag:s11] =	ssyncset.done $0x0  }
0x278: {  	[sflag:s11] =	ssyncadd.s32 $0xFFFFE000  }
0x279: {  	[hbm4b:s7+s4] =	stream.linear.scatter [tilespmem:s15], [sflag:$0x5], $0x2000, $0x38;
	[tilespmem:$0x1FF70] =	vst v63  }
0x27a: {  	_ =	swait.ge [sflag:s11], $0x2000  }
0x27b: {  	[sflag:s11] =	ssyncset.done $0x0  }
0x27c: {  	[sflag:s11] =	ssyncadd.s32 $0xFFFFE000  }
0x27d: {  	[tilespmem:s16], [sflag:$0x5] =	stream.linear.gather [spmem:s12], $0x400, $0x38;
	[tilespmem:$0x1FF70] =	vst v63  }
0x27e: {  	_ =	swait.ge [sflag:s11], $0x400  }
.Ltmp4:
0x27f: {  	[sflag:s11] =	ssyncset.done $0x0;
	(pc) =	sbr.rel @p0 .LBB2_10-.Ltmp4, $4  }
0x280: {  	s28 =	sadd.s32 s28, s3;
	[sflag:s11] =	ssyncadd.s32 $0xFFFFFC00  }
0x281: {  	[hbm4b:s28+s4] =	stream.linear.scatter [tilespmem:s16], [sflag:$0x5], $0x400, $0x38;
	[tilespmem:$0x1FF70] =	vst v63  }
0x282: {  	_ =	swait.ge [sflag:s11], $0x400  }
0x283: {  	s7 =	sadd.s32 $0x400, s7;
	[sflag:s11] =	ssyncset.done $0x0  }
0x284: {  	s30 =	sadd.s32 $0x1, s30;
	s0 =	rddreg [dreg:$0x6]  }
0x285: {  	p0 =	sne.s32 s30, s0  }
.Ltmp5:
0x286: {  	_ = 	snop;
	(pc) =	sbr.rel @p0 .LBB2_1-.Ltmp5, $2  }
0x287: {  	_ =	sdelay $0x2  }
0x288: {  	[sflag:s11] =	ssyncadd.s32 $0xFFFFFC00  }
0x289: {  	_ =	sfence.sel $0x180000  }
0x28a: {  	[bflag:$0x0] =	sbarrier.arrive $0xFFFF  }
0x28b: {  	_ =	strace $0x90000047  }
0x28c: {  	s0 =	stileid.u32;
	[bflag:$0x2] =	sbarrier.arrive $0xFFFF  }
0x28d: {  	p0 =	sne.s32 s0, $0x0;
	s0 =	rddreg [dreg:$0x3]  }
0x28e: {  	s0 =	sadd.s32 @!p0 $0x100000, s0  }
0x28f: {  	[sflag:s0] =	ssyncadd.tile.s32 @!p0 $0x1;
	_ =	shalt  }
.Lfunc_end2:
_tile_overlayer_lowered:
.L_overlay_start_2:
0x290: {  	(tag) =	ssettag $0x2  }
0x291: {  	s0 =	rddreg [dreg:$0x0];
	s2 =	stileid.u32  }
0x292: {  	s1 =	rddreg [dreg:$0x1];
	p0 =	sne.s32 s2, $0x0  }
0x293: {  	s3 =	rddreg [dreg:$0x2];
	[bflag:$0x3] =	sbarrier.arrive $0xFFFF;
	s2 =	simm.s32 @!p0 $0x1C05  }
0x294: {  	[timem:s3], [sflag:s2] =	dma.local @!p0 [hbm:s0], s1  }
0x295: {  	s0 =	simm.s32 @!p0 $0x5  }
0x296: {  	_ =	swait.ge @!p0 [sflag:s0], s1  }
0x297: {  	s1 =	ssub.s32 @!p0 $0x0, s1;
	[sflag:s0] =	ssyncset.done @!p0 $0x0  }
0x298: {  	[sflag:s0] =	ssyncadd.s32 @!p0 s1  }
0x299: {  	[bflag:$0x3] =	sbarrier.arrive $0xFFFF  }
0x29a: {  	_ =	shalt  }

</sc_bundles>
